<compile_context>
chip_gen: v7x
topology: tpu7x:2x2x1
jax: 0.10.2.dev20260603
libtpu: 0.0.44.dev20260713+nightly
codegen_flags: <defaults>
</compile_context>

<pallas_src>
import functools

import jax
import jax.numpy as jnp
from jax import lax
from jax.experimental import pallas as pl
from jax.experimental.pallas import tpu as pltpu
from jax.experimental.pallas import tpu_sc as plsc

N = 16
N_Q = 5000
N_CLASS = 80
M = N_Q * N_CLASS
HALF = M // 2
WIN = 8000
NWIN = HALF // WIN
VPW = WIN // 16
UNR = 1
K = N_Q
KPAD = 5008
SEG = KPAD // 16
SU = 1
BUF = 5024


def _elementwise_body(logits_ref, boxes_t_ref, count_ref, ts_ref,
                      probs_ref, raw_t_ref, scaled_t_ref, eseq_ref):
    probs_ref[...] = jax.nn.sigmoid(logits_ref[...])

    c = boxes_t_ref[0, 0, :]
    l = boxes_t_ref[0, 1, :]
    lo = c - 0.5 * l
    hi = c + 0.5 * l
    raw_t_ref[0, 0, :] = lo
    raw_t_ref[0, 1, :] = hi
    ts = ts_ref[0, 0, 0]
    scaled_t_ref[0, 0, :] = jnp.clip(lo, 0.0, 1.0) * ts
    scaled_t_ref[0, 1, :] = jnp.clip(hi, 0.0, 1.0) * ts

    cnt = count_ref[0, 0, :]
    m = jnp.max(cnt)
    iota = lax.broadcasted_iota(jnp.int32, cnt.shape, 0)
    first_max = jnp.min(jnp.where(cnt == m, iota, jnp.int32(10**9)))
    eseq_ref[...] = jnp.maximum(first_max, 1).reshape(1, 1, 1)


def _sc_topk_body(probs_hbm, sbox_hbm,
                  scores_hbm, labels_hbm, qidx_hbm, tidx_hbm, boxes_hbm,
                  wbuf0, wbuf1, hist, red_own, red_par,
                  sval, sidxv, keyA, idxA, keyB, idxB, tmp1k, tmp1i,
                  offs, sbox, obox, olab, oqv, osc, sem0, sem1,
                  shist, sstat, skeys, sidxs):
    c = lax.axis_index("c")
    s = lax.axis_index("s")
    b = c * 8 + s // 2
    h = s % 2
    part = s + 1 - 2 * h
    base = b * M + h * HALF

    lane = lax.iota(jnp.int32, 16)
    ones = jnp.ones((16,), jnp.int32)
    zeros = jnp.zeros((16,), jnp.int32)

    def splat(x):
        return jnp.full((16,), x, jnp.int32)

    def win_src(w):
        return probs_hbm.at[pl.ds(base + w * WIN, WIN)]

    def windowed_scan(process, carry):
        def wloop(w, carry):
            pltpu.sync_copy(win_src(w), wbuf0)
            return process(wbuf0, w, carry)
        return lax.fori_loop(0, NWIN, wloop, carry)

    ksp = splat(K)
    psel = zeros
    a_gt = zeros
    w_gt = zeros
    dstar = zeros

    for level, shift in enumerate((20, 10, 0)):
        def zb(j, _):
            for u in range(8):
                plsc.store_scatter(hist, [(j * 8 + u) * 16 + lane], zeros)
            return 0
        lax.fori_loop(0, 128, zb, 0)

        psel_s = psel

        def hproc(buf, w, carry, shift=shift, level=level, psel_s=psel_s):
            def hb(i, _):
                for u in range(UNR):
                    k = plsc.bitcast(
                        plsc.load_gather(buf, [(i * UNR + u) * 16 + lane]),
                        jnp.int32)
                    d = (k >> shift) & 1023
                    if level == 0:
                        plsc.addupdate_scatter(hist, [d * 16 + lane], ones)
                    else:
                        msk = (k >> (shift + 10)) == psel_s
                        plsc.addupdate_scatter(hist, [d * 16 + lane], ones,
                                               mask=msk)
                return 0
            return lax.fori_loop(0, VPW // UNR, hb, carry)
        windowed_scan(hproc, 0)

        def rb(j, _):
            dvec = j * 16 + lane
            acc = zeros
            for l in range(16):
                acc = acc + plsc.load_gather(hist, [dvec * 16 + l])
            plsc.store_scatter(red_own, [dvec], acc)
            return 0
        lax.fori_loop(0, 64, rb, 0)

        pltpu.sync_copy(red_own, shist.at[s])
        plsc.subcore_barrier()
        pltpu.sync_copy(shist.at[part], red_par)

        def db(t, carry):
            r, rown, dst, found = carry
            d = splat(1023 - t)
            mo = plsc.load_gather(red_own, [d])
            mm = mo + plsc.load_gather(red_par, [d])
            hit = jnp.logical_and(jnp.logical_not(found),
                                  a_gt + r + mm >= ksp)
            dst = jnp.where(hit, d, dst)
            nf = jnp.logical_or(found, hit)
            r = r + jnp.where(nf, 0, mm)
            rown = rown + jnp.where(nf, 0, mo)
            return r, rown, dst, nf
        r, rown, dstar, _ = lax.fori_loop(
            0, 1024, db, (zeros, zeros, zeros, lane < 0))
        a_gt = a_gt + r
        w_gt = w_gt + rown
        psel = psel * 1024 + dstar
        plsc.subcore_barrier()

    thresh = psel
    eq_own = plsc.load_gather(red_own, [dstar])

    stat = jnp.where(lane == 0, w_gt, jnp.where(lane == 1, eq_own, zeros))
    plsc.store_scatter(red_own, [lane], stat)
    pltpu.sync_copy(red_own.at[pl.ds(0, 16)], sstat.at[s])
    plsc.subcore_barrier()
    pltpu.sync_copy(sstat.at[part], red_par.at[pl.ds(0, 16)])
    rp = red_par[pl.ds(0, 16)]
    gt_p = splat(rp[0])
    eq_p = splat(rp[1])

    gt0 = jnp.where(h == 0, w_gt, gt_p)
    gt1 = jnp.where(h == 0, gt_p, w_gt)
    eq0 = jnp.where(h == 0, eq_own, eq_p)
    need = ksp - gt0 - gt1
    quota0 = jnp.minimum(eq0, need)
    quota1 = need - quota0
    myquota = jnp.where(h == 0, quota0, quota1)
    n0 = gt0 + quota0

    tsp = thresh
    qsp = myquota

    def cproc(buf, w, carry):
        gb = splat(h * HALF) + w * WIN + lane

        def cb(i, carry):
            off, eqseen = carry
            for u in range(UNR):
                k = plsc.bitcast(
                    plsc.load_gather(buf, [(i * UNR + u) * 16 + lane]),
                    jnp.int32)
                gt = k > tsp
                eq = k == tsp
                eqcum = plsc.cumsum(eq.astype(jnp.int32))
                sel = jnp.logical_or(gt, jnp.logical_and(
                    eq, eqseen + eqcum <= qsp))
                mc = plsc.cumsum(sel.astype(jnp.int32))
                addr = off + mc - 1
                plsc.store_scatter(sval, [addr], k, mask=sel)
                plsc.store_scatter(sidxv, [addr], gb + (i * UNR + u) * 16,
                                   mask=sel)
                off = off + plsc.all_reduce_population_count(sel)
                eqseen = eqseen + plsc.all_reduce_population_count(eq)
            return off, eqseen
        return lax.fori_loop(0, VPW // UNR, cb, carry)
    windowed_scan(cproc, (zeros, zeros))

    pltpu.sync_copy(sval, skeys.at[s])
    pltpu.sync_copy(sidxv, sidxs.at[s])
    plsc.subcore_barrier()

    @pl.when(h == 0)
    def _sorter():
        pltpu.sync_copy(skeys.at[s], keyB)
        pltpu.sync_copy(sidxs.at[s], idxB)
        pltpu.sync_copy(skeys.at[s + 1], tmp1k)
        pltpu.sync_copy(sidxs.at[s + 1], tmp1i)
        pltpu.sync_copy(sbox_hbm.at[pl.ds(b * 2 * N_Q, 2 * N_Q)], sbox)

        n0s = n0

        def mb(i, _):
            for u in range(SU):
                j = (i * SU + u) * 16 + lane
                inb = j < n0s
                j2 = jnp.maximum(j - n0s, 0)
                k0 = plsc.load_gather(keyB, [j])
                k1 = plsc.load_gather(tmp1k, [j2])
                v0 = plsc.load_gather(idxB, [j])
                v1 = plsc.load_gather(tmp1i, [j2])
                live = j < K
                k = jnp.where(jnp.logical_and(inb, live), k0,
                              jnp.where(live, k1, 0))
                v = jnp.where(jnp.logical_and(inb, live), v0,
                              jnp.where(live, v1, 0))
                plsc.store_scatter(keyA, [j], k)
                plsc.store_scatter(idxA, [j], v)
            return 0
        lax.fori_loop(0, SEG // SU, mb, 0)

        bufs = [(keyA, idxA, keyB, idxB), (keyB, idxB, keyA, idxA)]
        for p in range(5):
            srck, srcv, dstk, dstv = bufs[p % 2]
            shift = 6 * p

            def zb2(j, _):
                plsc.store_scatter(hist, [j * 16 + lane], zeros)
                return 0
            lax.fori_loop(0, 64, zb2, 0)

            def hb2(i, _, srck=srck, shift=shift):
                for u in range(SU):
                    k = plsc.load_gather(srck, [lane * SEG + i * SU + u])
                    d = 63 - ((k >> shift) & 63)
                    plsc.addupdate_scatter(hist, [d * 16 + lane], ones)
                return 0
            lax.fori_loop(0, SEG // SU, hb2, 0)

            def ob(d, run):
                hv = plsc.load_gather(hist, [d * 16 + lane])
                cum = plsc.cumsum(hv)
                plsc.store_scatter(offs, [d * 16 + lane], run + cum - hv)
                return run + splat(jnp.sum(hv))
            lax.fori_loop(0, 64, ob, zeros)

            def pb(i, _, srck=srck, srcv=srcv, dstk=dstk, dstv=dstv,
                   shift=shift):
                for u in range(SU):
                    ad = lane * SEG + i * SU + u
                    k = plsc.load_gather(srck, [ad])
                    v = plsc.load_gather(srcv, [ad])
                    d = 63 - ((k >> shift) & 63)
                    ha = d * 16 + lane
                    o = plsc.load_gather(offs, [ha])
                    plsc.store_scatter(dstk, [o], k)
                    plsc.store_scatter(dstv, [o], v)
                    plsc.addupdate_scatter(offs, [ha], ones)
                return 0
            lax.fori_loop(0, SEG // SU, pb, 0)

        def xb(i, _):
            for u in range(SU):
                j = (i * SU + u) * 16 + lane
                k = plsc.load_gather(keyB, [j])
                v = plsc.load_gather(idxB, [j])
                q = v // N_CLASS
                lb = v - q * N_CLASS
                qc = jnp.minimum(q, N_Q - 1)
                lo = plsc.load_gather(sbox, [qc])
                hi = plsc.load_gather(sbox, [qc + N_Q])
                plsc.store_scatter(osc, [j], plsc.bitcast(k, jnp.float32))
                plsc.store_scatter(olab, [j], lb)
                plsc.store_scatter(oqv, [j], q)
                plsc.store_scatter(obox, [2 * j], lo)
                plsc.store_scatter(obox, [2 * j + 1], hi)
            return 0
        lax.fori_loop(0, SEG // SU, xb, 0)

        pltpu.sync_copy(osc.at[pl.ds(0, K)], scores_hbm.at[pl.ds(b * K, K)])
        pltpu.sync_copy(olab.at[pl.ds(0, K)], labels_hbm.at[pl.ds(b * K, K)])
        pltpu.sync_copy(oqv.at[pl.ds(0, K)], qidx_hbm.at[pl.ds(b * K, K)])
        pltpu.sync_copy(idxB.at[pl.ds(0, K)], tidx_hbm.at[pl.ds(b * K, K)])
        pltpu.sync_copy(obox.at[pl.ds(0, 2 * K)],
                        boxes_hbm.at[pl.ds(b * 2 * K, 2 * K)])


@functools.partial(
    pl.kernel,
    out_type=[
        jax.ShapeDtypeStruct((N * K,), jnp.float32),
        jax.ShapeDtypeStruct((N * K,), jnp.int32),
        jax.ShapeDtypeStruct((N * K,), jnp.int32),
        jax.ShapeDtypeStruct((N * K,), jnp.int32),
        jax.ShapeDtypeStruct((N * 2 * K,), jnp.float32),
    ],
    mesh=plsc.VectorSubcoreMesh(core_axis_name="c", subcore_axis_name="s", num_cores=2, num_subcores=16),
    compiler_params=pltpu.CompilerParams(needs_layout_passes=False),
    scratch_types=[
        pltpu.VMEM((WIN,), jnp.float32),
        pltpu.VMEM((WIN,), jnp.float32),
        pltpu.VMEM((16384,), jnp.int32),
        pltpu.VMEM((1024,), jnp.int32),
        pltpu.VMEM((1024,), jnp.int32),
        pltpu.VMEM((BUF,), jnp.int32),
        pltpu.VMEM((BUF,), jnp.int32),
        pltpu.VMEM((BUF,), jnp.int32),
        pltpu.VMEM((BUF,), jnp.int32),
        pltpu.VMEM((BUF,), jnp.int32),
        pltpu.VMEM((BUF,), jnp.int32),
        pltpu.VMEM((BUF,), jnp.int32),
        pltpu.VMEM((BUF,), jnp.int32),
        pltpu.VMEM((1024,), jnp.int32),
        pltpu.VMEM((2 * N_Q,), jnp.float32),
        pltpu.VMEM((2 * KPAD,), jnp.float32),
        pltpu.VMEM((KPAD,), jnp.int32),
        pltpu.VMEM((KPAD,), jnp.int32),
        pltpu.VMEM((KPAD,), jnp.float32),
        pltpu.SemaphoreType.DMA,
        pltpu.SemaphoreType.DMA,
        pltpu.VMEM_SHARED((16, 1024), jnp.int32),
        pltpu.VMEM_SHARED((16, 16), jnp.int32),
        pltpu.VMEM_SHARED((16, BUF), jnp.int32),
        pltpu.VMEM_SHARED((16, BUF), jnp.int32),
    ],
)
def _sc_topk(*refs):
    _sc_topk_body(*refs)


def kernel(pred_logits, pred_boxes, pred_count, target_sizes):
    n, n_q, n_class = pred_logits.shape
    R = M // 128
    logits3d = pred_logits.reshape(n, R, 128)
    boxes_t = pred_boxes.transpose(0, 2, 1)
    count3 = pred_count.reshape(n, 1, pred_count.shape[1])
    ts3 = target_sizes.reshape(n, 1, 1)

    probs, raw_t, scaled_t, eseq3 = pl.pallas_call(
        _elementwise_body,
        grid=(n,),
        in_specs=[
            pl.BlockSpec((1, R, 128), lambda i: (i, 0, 0)),
            pl.BlockSpec((1, 2, n_q), lambda i: (i, 0, 0)),
            pl.BlockSpec((1, 1, pred_count.shape[1]), lambda i: (i, 0, 0)),
            pl.BlockSpec((1, 1, 1), lambda i: (i, 0, 0)),
        ],
        out_specs=[
            pl.BlockSpec((1, R, 128), lambda i: (i, 0, 0)),
            pl.BlockSpec((1, 2, n_q), lambda i: (i, 0, 0)),
            pl.BlockSpec((1, 2, n_q), lambda i: (i, 0, 0)),
            pl.BlockSpec((1, 1, 1), lambda i: (i, 0, 0)),
        ],
        out_shape=[
            jax.ShapeDtypeStruct((n, R, 128), jnp.float32),
            jax.ShapeDtypeStruct((n, 2, n_q), jnp.float32),
            jax.ShapeDtypeStruct((n, 2, n_q), jnp.float32),
            jax.ShapeDtypeStruct((n, 1, 1), jnp.int32),
        ],
    )(logits3d, boxes_t, count3, ts3)

    probs_flat = probs.reshape(n * M)
    scaled_flat = scaled_t.reshape(n * 2 * n_q)

    scores, labels, topk_boxes, topk_indexes, boxes_il = _sc_topk(
        probs_flat, scaled_flat)

    scores = scores.reshape(n, n_q)
    labels = labels.reshape(n, n_q)
    topk_boxes = topk_boxes.reshape(n, n_q)
    topk_indexes = topk_indexes.reshape(n, n_q)
    boxes = boxes_il.reshape(n, n_q, 2)
    raw_boxes = raw_t.transpose(0, 2, 1)
    eseq_lens = eseq3.reshape(n)
    return scores, labels, boxes, raw_boxes, topk_boxes, eseq_lens, topk_indexes

# --- scband reference (transcript-rebuilt; emitter-appended) ---
"""Pipeline reference for scband-post-process-48893907697853 (READ-ONLY COPY).

The authoritative reference and input builder live on the scoring server;
editing this copy changes nothing except your own understanding.
"""

import jax, jax.numpy as jnp
import numpy as np


def box_cl_to_xy(x):
    c = x[..., 0]
    l = x[..., 1]
    return jnp.stack([c - 0.5 * l, c + 0.5 * l], axis=-1)


def setup_inputs(seed: int = 0) -> dict:
    key = jax.random.key(seed)
    k1, k2, k3, k4 = jax.random.split(key, 4)
    N, N_q, N_class = 16, 5000, 80
    pred_logits = jax.random.normal(k1, (N, N_q, N_class), dtype=jnp.float32)
    pred_boxes = jax.random.uniform(k2, (N, N_q, 2), dtype=jnp.float32)
    pred_count = jax.random.normal(k3, (N, 101), dtype=jnp.float32)
    target_sizes = jax.random.uniform(k4, (N,), dtype=jnp.float32) * 120.0
    return {"pred_logits": pred_logits, "pred_boxes": pred_boxes, "pred_count": pred_count, "target_sizes": target_sizes}


def reference(pred_logits, pred_boxes, pred_count, target_sizes):
    N, N_q, N_class = pred_logits.shape
    prob = jax.nn.sigmoid(pred_logits)
    # enable_ranking_by_logit=True path: top-k over flattened (query, class) scores
    topk_values, topk_indexes = jax.lax.top_k(prob.reshape(N, -1), N_q)
    scores = topk_values
    topk_boxes = topk_indexes // N_class
    labels = topk_indexes % N_class
    boxes_xy = box_cl_to_xy(pred_boxes)
    raw_boxes = boxes_xy
    boxes = jnp.clip(boxes_xy, 0.0, 1.0)
    gather_idx = jnp.repeat(topk_boxes[..., None], 2, axis=-1)
    boxes = jnp.take_along_axis(boxes, gather_idx, axis=1)
    scale_fct = jnp.stack([target_sizes, target_sizes], axis=1)
    boxes = boxes * scale_fct[:, None, :]
    eseq_lens = jnp.clip(jnp.argmax(pred_count, axis=-1), 1, None)
    return scores, labels, boxes, raw_boxes, topk_boxes, eseq_lens, topk_indexes

if __name__ == "__main__":
    import jax
    _d = setup_inputs()
    print(jax.jit(kernel)(*tuple(_d.values())))

</pallas_src>

<mosaic_0001>
#map = affine_map<(d0, d1) -> (0)>
module attributes {stable_mosaic.version = 14 : i64} {
  func.func @_sc_topk(%arg0: i32, %arg1: i32, %arg2: memref<6400000xf32, #tpu.memory_space<hbm>>, %arg3: memref<160000xf32, #tpu.memory_space<hbm>>, %arg4: memref<80000xf32, #tpu.memory_space<hbm>>, %arg5: memref<80000xi32, #tpu.memory_space<hbm>>, %arg6: memref<80000xi32, #tpu.memory_space<hbm>>, %arg7: memref<80000xi32, #tpu.memory_space<hbm>>, %arg8: memref<160000xf32, #tpu.memory_space<hbm>>, %arg9: memref<8000xf32, #tpu.memory_space<vmem>>, %arg10: memref<8000xf32, #tpu.memory_space<vmem>>, %arg11: memref<16384xi32, #tpu.memory_space<vmem>>, %arg12: memref<1024xi32, #tpu.memory_space<vmem>>, %arg13: memref<1024xi32, #tpu.memory_space<vmem>>, %arg14: memref<5024xi32, #tpu.memory_space<vmem>>, %arg15: memref<5024xi32, #tpu.memory_space<vmem>>, %arg16: memref<5024xi32, #tpu.memory_space<vmem>>, %arg17: memref<5024xi32, #tpu.memory_space<vmem>>, %arg18: memref<5024xi32, #tpu.memory_space<vmem>>, %arg19: memref<5024xi32, #tpu.memory_space<vmem>>, %arg20: memref<5024xi32, #tpu.memory_space<vmem>>, %arg21: memref<5024xi32, #tpu.memory_space<vmem>>, %arg22: memref<1024xi32, #tpu.memory_space<vmem>>, %arg23: memref<10000xf32, #tpu.memory_space<vmem>>, %arg24: memref<10016xf32, #tpu.memory_space<vmem>>, %arg25: memref<5008xi32, #tpu.memory_space<vmem>>, %arg26: memref<5008xi32, #tpu.memory_space<vmem>>, %arg27: memref<5008xf32, #tpu.memory_space<vmem>>, %arg28: memref<!tpu.dma_semaphore, #tpu.memory_space<semaphore_mem>>, %arg29: memref<!tpu.dma_semaphore, #tpu.memory_space<semaphore_mem>>, %arg30: memref<16x1024xi32, #tpu.memory_space<vmem_shared>>, %arg31: memref<16x16xi32, #tpu.memory_space<vmem_shared>>, %arg32: memref<16x5024xi32, #tpu.memory_space<vmem_shared>>, %arg33: memref<16x5024xi32, #tpu.memory_space<vmem_shared>>) attributes {dimension_semantics = [#tpu.dimension_semantics<core_parallel>, #tpu.dimension_semantics<subcore_parallel>], iteration_bounds = array<i64: 2, 16>, scalar_prefetch = 0 : i64, scratch_operands = 25 : i64, tpu.core_type = #tpu.core_type<sc_vector_subcore>, window_params = [{transform_indices = #map}, {transform_indices = #map}, {transform_indices = #map}, {transform_indices = #map}, {transform_indices = #map}, {transform_indices = #map}, {transform_indices = #map}]} {
    %mul3A = arith.constant 8 : i32
    %mul3A_0 = arith.muli %arg0, %mul3A : i32
    %jit3A = arith.constant 2 : i32
    %div3A = arith.divsi %arg1, %jit3A : i32
    %sign3A = arith.constant 0 : i32
    %sign3A_1 = arith.cmpi sgt, %arg1, %sign3A : i32
    %sign3A_2 = arith.extui %sign3A_1 : i1 to i32
    %sign3A_3 = arith.constant 0 : i32
    %sign3A_4 = arith.cmpi slt, %arg1, %sign3A_3 : i32
    %sign3A_5 = arith.extui %sign3A_4 : i1 to i32
    %sign3A_6 = arith.subi %sign3A_2, %sign3A_5 : i32
    %sign3A_7 = arith.constant 0 : i32
    %sign3A_8 = arith.cmpi sgt, %jit3A, %sign3A_7 : i32
    %sign3A_9 = arith.extui %sign3A_8 : i1 to i32
    %sign3A_10 = arith.constant 0 : i32
    %sign3A_11 = arith.cmpi slt, %jit3A, %sign3A_10 : i32
    %sign3A_12 = arith.extui %sign3A_11 : i1 to i32
    %sign3A_13 = arith.subi %sign3A_9, %sign3A_12 : i32
    %ne3A = arith.cmpi ne, %sign3A_6, %sign3A_13 : i32
    %rem3A = arith.remsi %arg1, %jit3A : i32
    %ne3A_14 = arith.constant 0 : i32
    %ne3A_15 = arith.cmpi ne, %rem3A, %ne3A_14 : i32
    %and3A = arith.andi %ne3A, %ne3A_15 : i1
    %sub3A = arith.constant 1 : i32
    %sub3A_16 = arith.subi %div3A, %sub3A : i32
    %select_n3A = arith.select %and3A, %sub3A_16, %div3A : i32
    %add3A = arith.addi %mul3A_0, %select_n3A : i32
    %jit3A_17 = arith.constant 2 : i32
    %eq3A = arith.constant 0 : i32
    %eq3A_18 = arith.cmpi eq, %jit3A_17, %eq3A : i32
    %jit3A_19 = arith.constant 1 : i32
    %select_n3A_20 = arith.select %eq3A_18, %jit3A_19, %jit3A_17 : i32
    %rem3A_21 = arith.remsi %arg1, %select_n3A_20 : i32
    %ne3A_22 = arith.constant 0 : i32
    %ne3A_23 = arith.cmpi ne, %rem3A_21, %ne3A_22 : i32
    %lt3A = arith.constant 0 : i32
    %lt3A_24 = arith.cmpi slt, %rem3A_21, %lt3A : i32
    %lt3A_25 = arith.constant 0 : i32
    %lt3A_26 = arith.cmpi slt, %select_n3A_20, %lt3A_25 : i32
    %ne3A_27 = arith.xori %lt3A_24, %lt3A_26 : i1
    %and3A_28 = arith.andi %ne3A_27, %ne3A_23 : i1
    %add3A_29 = arith.addi %rem3A_21, %select_n3A_20 : i32
    %select_n3A_30 = arith.select %and3A_28, %add3A_29, %rem3A_21 : i32
    %add3A_31 = arith.constant 1 : i32
    %add3A_32 = arith.addi %arg1, %add3A_31 : i32
    %mul3A_33 = arith.constant 2 : i32
    %mul3A_34 = arith.muli %mul3A_33, %select_n3A_30 : i32
    %sub3A_35 = arith.subi %add3A_32, %mul3A_34 : i32
    %mul3A_36 = arith.constant 400000 : i32
    %mul3A_37 = arith.muli %add3A, %mul3A_36 : i32
    %mul3A_38 = arith.constant 200000 : i32
    %mul3A_39 = arith.muli %select_n3A_30, %mul3A_38 : i32
    %add3A_40 = arith.addi %mul3A_37, %mul3A_39 : i32
    %iota3A = tpu.iota {dimensions = array<i32: 0>} : vector<16xi32>
    %broadcast_in_dim3A = arith.constant 1 : i32
    %broadcast_in_dim3A_41 = vector.broadcast %broadcast_in_dim3A : i32 to vector<16xi32>
    %broadcast_in_dim3A_42 = arith.constant 0 : i32
    %broadcast_in_dim3A_43 = vector.broadcast %broadcast_in_dim3A_42 : i32 to vector<16xi32>
    %broadcast_in_dim3A_44 = arith.constant 5000 : i32
    %broadcast_in_dim3A_45 = vector.broadcast %broadcast_in_dim3A_44 : i32 to vector<16xi32>
    %scan3A = arith.constant 0 : i32
    %scan3A_46 = arith.constant 0 : i32
    %scan3A_47 = arith.constant 128 : i32
    %scan3A_48 = arith.addi %scan3A_46, %scan3A_47 : i32
    %scan3A_49 = arith.constant 1 : i32
    %scan3A_50 = scf.for %scan3A_198 = %scan3A_46 to %scan3A_48 step %scan3A_49 iter_args(%scan3A_199 = %scan3A) -> (i32)  : i32 {
      %mul3A_200 = arith.constant 8 : i32
      %mul3A_201 = arith.muli %scan3A_198, %mul3A_200 : i32
      %add3A_202 = arith.constant 0 : i32
      %add3A_203 = arith.addi %mul3A_201, %add3A_202 : i32
      %mul3A_204 = arith.constant 16 : i32
      %mul3A_205 = arith.muli %add3A_203, %mul3A_204 : i32
      %add3A_206 = vector.broadcast %mul3A_205 : i32 to vector<16xi32>
      %add3A_207 = arith.addi %add3A_206, %iota3A : vector<16xi32>
      tpu.vector_store_idx %arg11[%add3A_207], %broadcast_in_dim3A_43 : memref<16384xi32, #tpu.memory_space<vmem>>[vector<16xi32>], vector<16xi32>,
      %mul3A_208 = arith.constant 8 : i32
      %mul3A_209 = arith.muli %scan3A_198, %mul3A_208 : i32
      %add3A_210 = arith.constant 1 : i32
      %add3A_211 = arith.addi %mul3A_209, %add3A_210 : i32
      %mul3A_212 = arith.constant 16 : i32
      %mul3A_213 = arith.muli %add3A_211, %mul3A_212 : i32
      %add3A_214 = vector.broadcast %mul3A_213 : i32 to vector<16xi32>
      %add3A_215 = arith.addi %add3A_214, %iota3A : vector<16xi32>
      tpu.vector_store_idx %arg11[%add3A_215], %broadcast_in_dim3A_43 : memref<16384xi32, #tpu.memory_space<vmem>>[vector<16xi32>], vector<16xi32>,
      %mul3A_216 = arith.constant 8 : i32
      %mul3A_217 = arith.muli %scan3A_198, %mul3A_216 : i32
      %add3A_218 = arith.constant 2 : i32
      %add3A_219 = arith.addi %mul3A_217, %add3A_218 : i32
      %mul3A_220 = arith.constant 16 : i32
      %mul3A_221 = arith.muli %add3A_219, %mul3A_220 : i32
      %add3A_222 = vector.broadcast %mul3A_221 : i32 to vector<16xi32>
      %add3A_223 = arith.addi %add3A_222, %iota3A : vector<16xi32>
      tpu.vector_store_idx %arg11[%add3A_223], %broadcast_in_dim3A_43 : memref<16384xi32, #tpu.memory_space<vmem>>[vector<16xi32>], vector<16xi32>,
      %mul3A_224 = arith.constant 8 : i32
      %mul3A_225 = arith.muli %scan3A_198, %mul3A_224 : i32
      %add3A_226 = arith.constant 3 : i32
      %add3A_227 = arith.addi %mul3A_225, %add3A_226 : i32
      %mul3A_228 = arith.constant 16 : i32
      %mul3A_229 = arith.muli %add3A_227, %mul3A_228 : i32
      %add3A_230 = vector.broadcast %mul3A_229 : i32 to vector<16xi32>
      %add3A_231 = arith.addi %add3A_230, %iota3A : vector<16xi32>
      tpu.vector_store_idx %arg11[%add3A_231], %broadcast_in_dim3A_43 : memref<16384xi32, #tpu.memory_space<vmem>>[vector<16xi32>], vector<16xi32>,
      %mul3A_232 = arith.constant 8 : i32
      %mul3A_233 = arith.muli %scan3A_198, %mul3A_232 : i32
      %add3A_234 = arith.constant 4 : i32
      %add3A_235 = arith.addi %mul3A_233, %add3A_234 : i32
      %mul3A_236 = arith.constant 16 : i32
      %mul3A_237 = arith.muli %add3A_235, %mul3A_236 : i32
      %add3A_238 = vector.broadcast %mul3A_237 : i32 to vector<16xi32>
      %add3A_239 = arith.addi %add3A_238, %iota3A : vector<16xi32>
      tpu.vector_store_idx %arg11[%add3A_239], %broadcast_in_dim3A_43 : memref<16384xi32, #tpu.memory_space<vmem>>[vector<16xi32>], vector<16xi32>,
      %mul3A_240 = arith.constant 8 : i32
      %mul3A_241 = arith.muli %scan3A_198, %mul3A_240 : i32
      %add3A_242 = arith.constant 5 : i32
      %add3A_243 = arith.addi %mul3A_241, %add3A_242 : i32
      %mul3A_244 = arith.constant 16 : i32
      %mul3A_245 = arith.muli %add3A_243, %mul3A_244 : i32
      %add3A_246 = vector.broadcast %mul3A_245 : i32 to vector<16xi32>
      %add3A_247 = arith.addi %add3A_246, %iota3A : vector<16xi32>
      tpu.vector_store_idx %arg11[%add3A_247], %broadcast_in_dim3A_43 : memref<16384xi32, #tpu.memory_space<vmem>>[vector<16xi32>], vector<16xi32>,
      %mul3A_248 = arith.constant 8 : i32
      %mul3A_249 = arith.muli %scan3A_198, %mul3A_248 : i32
      %add3A_250 = arith.constant 6 : i32
      %add3A_251 = arith.addi %mul3A_249, %add3A_250 : i32
      %mul3A_252 = arith.constant 16 : i32
      %mul3A_253 = arith.muli %add3A_251, %mul3A_252 : i32
      %add3A_254 = vector.broadcast %mul3A_253 : i32 to vector<16xi32>
      %add3A_255 = arith.addi %add3A_254, %iota3A : vector<16xi32>
      tpu.vector_store_idx %arg11[%add3A_255], %broadcast_in_dim3A_43 : memref<16384xi32, #tpu.memory_space<vmem>>[vector<16xi32>], vector<16xi32>,
      %mul3A_256 = arith.constant 8 : i32
      %mul3A_257 = arith.muli %scan3A_198, %mul3A_256 : i32
      %add3A_258 = arith.constant 7 : i32
      %add3A_259 = arith.addi %mul3A_257, %add3A_258 : i32
      %mul3A_260 = arith.constant 16 : i32
      %mul3A_261 = arith.muli %add3A_259, %mul3A_260 : i32
      %add3A_262 = vector.broadcast %mul3A_261 : i32 to vector<16xi32>
      %add3A_263 = arith.addi %add3A_262, %iota3A : vector<16xi32>
      tpu.vector_store_idx %arg11[%add3A_263], %broadcast_in_dim3A_43 : memref<16384xi32, #tpu.memory_space<vmem>>[vector<16xi32>], vector<16xi32>,
      %scan3A_264 = arith.constant 0 : i32
      scf.yield %scan3A_264 : i32
    }
    %scan3A_51 = arith.constant 128 : i32
    %scan3A_52 = arith.constant 0 : i32
    %scan3A_53 = arith.constant 0 : i32
    %scan3A_54 = arith.constant 25 : i32
    %scan3A_55 = arith.addi %scan3A_53, %scan3A_54 : i32
    %scan3A_56 = arith.constant 1 : i32
    %scan3A_57 = scf.for %scan3A_198 = %scan3A_53 to %scan3A_55 step %scan3A_56 iter_args(%scan3A_199 = %scan3A_52) -> (i32)  : i32 {
      %mul3A_200 = arith.constant 8000 : i32
      %mul3A_201 = arith.muli %scan3A_198, %mul3A_200 : i32
      %add3A_202 = arith.addi %add3A_40, %mul3A_201 : i32
      "tpu.region"() ({
        %run_scoped3A = tpu.sem_alloc : memref<!tpu.dma_semaphore, #tpu.memory_space<semaphore_mem>>
        %dma_start3A = tpu.memref_slice %arg2[%add3A_202] : memref<6400000xf32, #tpu.memory_space<hbm>> -> memref<8000xf32, #tpu.memory_space<hbm>>
        %dma_start3A_209 = tpu.memref_slice %arg2[%add3A_202] : memref<6400000xf32, #tpu.memory_space<hbm>> -> memref<8000xf32, #tpu.memory_space<hbm>>
        tpu.enqueue_dma source(%dma_start3A_209 : memref<8000xf32, #tpu.memory_space<hbm>>) target(%arg9 : memref<8000xf32, #tpu.memory_space<vmem>>) target_semaphore(%run_scoped3A : memref<!tpu.dma_semaphore, #tpu.memory_space<semaphore_mem>>)
        %dma_wait3A = tpu.memref_slice %arg2[%add3A_202] : memref<6400000xf32, #tpu.memory_space<hbm>> -> memref<8000xf32, #tpu.memory_space<hbm>>
        %dma_wait3A_210 = tpu.memref_slice %arg2[%add3A_202] : memref<6400000xf32, #tpu.memory_space<hbm>> -> memref<8000xf32, #tpu.memory_space<hbm>>
        tpu.wait_dma2 semaphore(%run_scoped3A : memref<!tpu.dma_semaphore, #tpu.memory_space<semaphore_mem>>) src(%dma_wait3A_210 : memref<8000xf32, #tpu.memory_space<hbm>>) dst(%arg9 : memref<8000xf32, #tpu.memory_space<vmem>>)
        tpu.yield
      }) : () -> ()
      %scan3A_203 = arith.constant 0 : i32
      %scan3A_204 = arith.constant 500 : i32
      %scan3A_205 = arith.addi %scan3A_203, %scan3A_204 : i32
      %scan3A_206 = arith.constant 1 : i32
      %scan3A_207 = scf.for %scan3A_209 = %scan3A_203 to %scan3A_205 step %scan3A_206 iter_args(%scan3A_210 = %scan3A_199) -> (i32)  : i32 {
        %mul3A_211 = arith.constant 1 : i32
        %mul3A_212 = arith.muli %scan3A_209, %mul3A_211 : i32
        %add3A_213 = arith.constant 0 : i32
        %add3A_214 = arith.addi %mul3A_212, %add3A_213 : i32
        %mul3A_215 = arith.constant 16 : i32
        %mul3A_216 = arith.muli %add3A_214, %mul3A_215 : i32
        %add3A_217 = vector.broadcast %mul3A_216 : i32 to vector<16xi32>
        %add3A_218 = arith.addi %add3A_217, %iota3A : vector<16xi32>
        %gather3A_219 = tpu.vector_load_idx %arg9[%add3A_218] : memref<8000xf32, #tpu.memory_space<vmem>>[vector<16xi32>], vector<16xf32>,
        %bitcast3A = vector.bitcast %gather3A_219 : vector<16xf32> to vector<16xi32>
        %shift_right_arithmetic3A = arith.constant 20 : i32
        %shift_right_arithmetic3A_220 = vector.broadcast %shift_right_arithmetic3A : i32 to vector<16xi32>
        %shift_right_arithmetic3A_221 = arith.shrsi %bitcast3A, %shift_right_arithmetic3A_220 : vector<16xi32>
        %and3A_222 = arith.constant 1023 : i32
        %and3A_223 = vector.broadcast %and3A_222 : i32 to vector<16xi32>
        %and3A_224 = arith.andi %shift_right_arithmetic3A_221, %and3A_223 : vector<16xi32>
        %mul3A_225 = arith.constant 16 : i32
        %mul3A_226 = vector.broadcast %mul3A_225 : i32 to vector<16xi32>
        %mul3A_227 = arith.muli %and3A_224, %mul3A_226 : vector<16xi32>
        %add3A_228 = arith.addi %mul3A_227, %iota3A : vector<16xi32>
        tpu.vector_store_idx %arg11[%add3A_228], %broadcast_in_dim3A_41 {add = true} : memref<16384xi32, #tpu.memory_space<vmem>>[vector<16xi32>], vector<16xi32>,
        %scan3A_229 = arith.constant 0 : i32
        scf.yield %scan3A_229 : i32
      }
      %scan3A_208 = arith.constant 500 : i32
      scf.yield %scan3A_207 : i32
    }
    %scan3A_58 = arith.constant 25 : i32
    %scan3A_59 = arith.constant 0 : i32
    %scan3A_60 = arith.constant 0 : i32
    %scan3A_61 = arith.constant 64 : i32
    %scan3A_62 = arith.addi %scan3A_60, %scan3A_61 : i32
    %scan3A_63 = arith.constant 1 : i32
    %scan3A_64 = scf.for %scan3A_198 = %scan3A_60 to %scan3A_62 step %scan3A_63 iter_args(%scan3A_199 = %scan3A_59) -> (i32)  : i32 {
      %mul3A_200 = arith.constant 16 : i32
      %mul3A_201 = arith.muli %scan3A_198, %mul3A_200 : i32
      %add3A_202 = vector.broadcast %mul3A_201 : i32 to vector<16xi32>
      %add3A_203 = arith.addi %add3A_202, %iota3A : vector<16xi32>
      %mul3A_204 = arith.constant 16 : i32
      %mul3A_205 = vector.broadcast %mul3A_204 : i32 to vector<16xi32>
      %mul3A_206 = arith.muli %add3A_203, %mul3A_205 : vector<16xi32>
      %add3A_207 = arith.constant 0 : i32
      %add3A_208 = vector.broadcast %add3A_207 : i32 to vector<16xi32>
      %add3A_209 = arith.addi %mul3A_206, %add3A_208 : vector<16xi32>
      %gather3A_210 = tpu.vector_load_idx %arg11[%add3A_209] : memref<16384xi32, #tpu.memory_space<vmem>>[vector<16xi32>], vector<16xi32>,
      %add3A_211 = arith.addi %broadcast_in_dim3A_43, %gather3A_210 : vector<16xi32>
      %mul3A_212 = arith.constant 16 : i32
      %mul3A_213 = vector.broadcast %mul3A_212 : i32 to vector<16xi32>
      %mul3A_214 = arith.muli %add3A_203, %mul3A_213 : vector<16xi32>
      %add3A_215 = arith.constant 1 : i32
      %add3A_216 = vector.broadcast %add3A_215 : i32 to vector<16xi32>
      %add3A_217 = arith.addi %mul3A_214, %add3A_216 : vector<16xi32>
      %gather3A_218 = tpu.vector_load_idx %arg11[%add3A_217] : memref<16384xi32, #tpu.memory_space<vmem>>[vector<16xi32>], vector<16xi32>,
      %add3A_219 = arith.addi %add3A_211, %gather3A_218 : vector<16xi32>
      %mul3A_220 = arith.constant 16 : i32
      %mul3A_221 = vector.broadcast %mul3A_220 : i32 to vector<16xi32>
      %mul3A_222 = arith.muli %add3A_203, %mul3A_221 : vector<16xi32>
      %add3A_223 = arith.constant 2 : i32
      %add3A_224 = vector.broadcast %add3A_223 : i32 to vector<16xi32>
      %add3A_225 = arith.addi %mul3A_222, %add3A_224 : vector<16xi32>
      %gather3A_226 = tpu.vector_load_idx %arg11[%add3A_225] : memref<16384xi32, #tpu.memory_space<vmem>>[vector<16xi32>], vector<16xi32>,
      %add3A_227 = arith.addi %add3A_219, %gather3A_226 : vector<16xi32>
      %mul3A_228 = arith.constant 16 : i32
      %mul3A_229 = vector.broadcast %mul3A_228 : i32 to vector<16xi32>
      %mul3A_230 = arith.muli %add3A_203, %mul3A_229 : vector<16xi32>
      %add3A_231 = arith.constant 3 : i32
      %add3A_232 = vector.broadcast %add3A_231 : i32 to vector<16xi32>
      %add3A_233 = arith.addi %mul3A_230, %add3A_232 : vector<16xi32>
      %gather3A_234 = tpu.vector_load_idx %arg11[%add3A_233] : memref<16384xi32, #tpu.memory_space<vmem>>[vector<16xi32>], vector<16xi32>,
      %add3A_235 = arith.addi %add3A_227, %gather3A_234 : vector<16xi32>
      %mul3A_236 = arith.constant 16 : i32
      %mul3A_237 = vector.broadcast %mul3A_236 : i32 to vector<16xi32>
      %mul3A_238 = arith.muli %add3A_203, %mul3A_237 : vector<16xi32>
      %add3A_239 = arith.constant 4 : i32
      %add3A_240 = vector.broadcast %add3A_239 : i32 to vector<16xi32>
      %add3A_241 = arith.addi %mul3A_238, %add3A_240 : vector<16xi32>
      %gather3A_242 = tpu.vector_load_idx %arg11[%add3A_241] : memref<16384xi32, #tpu.memory_space<vmem>>[vector<16xi32>], vector<16xi32>,
      %add3A_243 = arith.addi %add3A_235, %gather3A_242 : vector<16xi32>
      %mul3A_244 = arith.constant 16 : i32
      %mul3A_245 = vector.broadcast %mul3A_244 : i32 to vector<16xi32>
      %mul3A_246 = arith.muli %add3A_203, %mul3A_245 : vector<16xi32>
      %add3A_247 = arith.constant 5 : i32
      %add3A_248 = vector.broadcast %add3A_247 : i32 to vector<16xi32>
      %add3A_249 = arith.addi %mul3A_246, %add3A_248 : vector<16xi32>
      %gather3A_250 = tpu.vector_load_idx %arg11[%add3A_249] : memref<16384xi32, #tpu.memory_space<vmem>>[vector<16xi32>], vector<16xi32>,
      %add3A_251 = arith.addi %add3A_243, %gather3A_250 : vector<16xi32>
      %mul3A_252 = arith.constant 16 : i32
      %mul3A_253 = vector.broadcast %mul3A_252 : i32 to vector<16xi32>
      %mul3A_254 = arith.muli %add3A_203, %mul3A_253 : vector<16xi32>
      %add3A_255 = arith.constant 6 : i32
      %add3A_256 = vector.broadcast %add3A_255 : i32 to vector<16xi32>
      %add3A_257 = arith.addi %mul3A_254, %add3A_256 : vector<16xi32>
      %gather3A_258 = tpu.vector_load_idx %arg11[%add3A_257] : memref<16384xi32, #tpu.memory_space<vmem>>[vector<16xi32>], vector<16xi32>,
      %add3A_259 = arith.addi %add3A_251, %gather3A_258 : vector<16xi32>
      %mul3A_260 = arith.constant 16 : i32
      %mul3A_261 = vector.broadcast %mul3A_260 : i32 to vector<16xi32>
      %mul3A_262 = arith.muli %add3A_203, %mul3A_261 : vector<16xi32>
      %add3A_263 = arith.constant 7 : i32
      %add3A_264 = vector.broadcast %add3A_263 : i32 to vector<16xi32>
      %add3A_265 = arith.addi %mul3A_262, %add3A_264 : vector<16xi32>
      %gather3A_266 = tpu.vector_load_idx %arg11[%add3A_265] : memref<16384xi32, #tpu.memory_space<vmem>>[vector<16xi32>], vector<16xi32>,
      %add3A_267 = arith.addi %add3A_259, %gather3A_266 : vector<16xi32>
      %mul3A_268 = arith.constant 16 : i32
      %mul3A_269 = vector.broadcast %mul3A_268 : i32 to vector<16xi32>
      %mul3A_270 = arith.muli %add3A_203, %mul3A_269 : vector<16xi32>
      %add3A_271 = arith.constant 8 : i32
      %add3A_272 = vector.broadcast %add3A_271 : i32 to vector<16xi32>
      %add3A_273 = arith.addi %mul3A_270, %add3A_272 : vector<16xi32>
      %gather3A_274 = tpu.vector_load_idx %arg11[%add3A_273] : memref<16384xi32, #tpu.memory_space<vmem>>[vector<16xi32>], vector<16xi32>,
      %add3A_275 = arith.addi %add3A_267, %gather3A_274 : vector<16xi32>
      %mul3A_276 = arith.constant 16 : i32
      %mul3A_277 = vector.broadcast %mul3A_276 : i32 to vector<16xi32>
      %mul3A_278 = arith.muli %add3A_203, %mul3A_277 : vector<16xi32>
      %add3A_279 = arith.constant 9 : i32
      %add3A_280 = vector.broadcast %add3A_279 : i32 to vector<16xi32>
      %add3A_281 = arith.addi %mul3A_278, %add3A_280 : vector<16xi32>
      %gather3A_282 = tpu.vector_load_idx %arg11[%add3A_281] : memref<16384xi32, #tpu.memory_space<vmem>>[vector<16xi32>], vector<16xi32>,
      %add3A_283 = arith.addi %add3A_275, %gather3A_282 : vector<16xi32>
      %mul3A_284 = arith.constant 16 : i32
      %mul3A_285 = vector.broadcast %mul3A_284 : i32 to vector<16xi32>
      %mul3A_286 = arith.muli %add3A_203, %mul3A_285 : vector<16xi32>
      %add3A_287 = arith.constant 10 : i32
      %add3A_288 = vector.broadcast %add3A_287 : i32 to vector<16xi32>
      %add3A_289 = arith.addi %mul3A_286, %add3A_288 : vector<16xi32>
      %gather3A_290 = tpu.vector_load_idx %arg11[%add3A_289] : memref<16384xi32, #tpu.memory_space<vmem>>[vector<16xi32>], vector<16xi32>,
      %add3A_291 = arith.addi %add3A_283, %gather3A_290 : vector<16xi32>
      %mul3A_292 = arith.constant 16 : i32
      %mul3A_293 = vector.broadcast %mul3A_292 : i32 to vector<16xi32>
      %mul3A_294 = arith.muli %add3A_203, %mul3A_293 : vector<16xi32>
      %add3A_295 = arith.constant 11 : i32
      %add3A_296 = vector.broadcast %add3A_295 : i32 to vector<16xi32>
      %add3A_297 = arith.addi %mul3A_294, %add3A_296 : vector<16xi32>
      %gather3A_298 = tpu.vector_load_idx %arg11[%add3A_297] : memref<16384xi32, #tpu.memory_space<vmem>>[vector<16xi32>], vector<16xi32>,
      %add3A_299 = arith.addi %add3A_291, %gather3A_298 : vector<16xi32>
      %mul3A_300 = arith.constant 16 : i32
      %mul3A_301 = vector.broadcast %mul3A_300 : i32 to vector<16xi32>
      %mul3A_302 = arith.muli %add3A_203, %mul3A_301 : vector<16xi32>
      %add3A_303 = arith.constant 12 : i32
      %add3A_304 = vector.broadcast %add3A_303 : i32 to vector<16xi32>
      %add3A_305 = arith.addi %mul3A_302, %add3A_304 : vector<16xi32>
      %gather3A_306 = tpu.vector_load_idx %arg11[%add3A_305] : memref<16384xi32, #tpu.memory_space<vmem>>[vector<16xi32>], vector<16xi32>,
      %add3A_307 = arith.addi %add3A_299, %gather3A_306 : vector<16xi32>
      %mul3A_308 = arith.constant 16 : i32
      %mul3A_309 = vector.broadcast %mul3A_308 : i32 to vector<16xi32>
      %mul3A_310 = arith.muli %add3A_203, %mul3A_309 : vector<16xi32>
      %add3A_311 = arith.constant 13 : i32
      %add3A_312 = vector.broadcast %add3A_311 : i32 to vector<16xi32>
      %add3A_313 = arith.addi %mul3A_310, %add3A_312 : vector<16xi32>
      %gather3A_314 = tpu.vector_load_idx %arg11[%add3A_313] : memref<16384xi32, #tpu.memory_space<vmem>>[vector<16xi32>], vector<16xi32>,
      %add3A_315 = arith.addi %add3A_307, %gather3A_314 : vector<16xi32>
      %mul3A_316 = arith.constant 16 : i32
      %mul3A_317 = vector.broadcast %mul3A_316 : i32 to vector<16xi32>
      %mul3A_318 = arith.muli %add3A_203, %mul3A_317 : vector<16xi32>
      %add3A_319 = arith.constant 14 : i32
      %add3A_320 = vector.broadcast %add3A_319 : i32 to vector<16xi32>
      %add3A_321 = arith.addi %mul3A_318, %add3A_320 : vector<16xi32>
      %gather3A_322 = tpu.vector_load_idx %arg11[%add3A_321] : memref<16384xi32, #tpu.memory_space<vmem>>[vector<16xi32>], vector<16xi32>,
      %add3A_323 = arith.addi %add3A_315, %gather3A_322 : vector<16xi32>
      %mul3A_324 = arith.constant 16 : i32
      %mul3A_325 = vector.broadcast %mul3A_324 : i32 to vector<16xi32>
      %mul3A_326 = arith.muli %add3A_203, %mul3A_325 : vector<16xi32>
      %add3A_327 = arith.constant 15 : i32
      %add3A_328 = vector.broadcast %add3A_327 : i32 to vector<16xi32>
      %add3A_329 = arith.addi %mul3A_326, %add3A_328 : vector<16xi32>
      %gather3A_330 = tpu.vector_load_idx %arg11[%add3A_329] : memref<16384xi32, #tpu.memory_space<vmem>>[vector<16xi32>], vector<16xi32>,
      %add3A_331 = arith.addi %add3A_323, %gather3A_330 : vector<16xi32>
      tpu.vector_store_idx %arg12[%add3A_203], %add3A_331 : memref<1024xi32, #tpu.memory_space<vmem>>[vector<16xi32>], vector<16xi32>,
      %scan3A_332 = arith.constant 0 : i32
      scf.yield %scan3A_332 : i32
    }
    %scan3A_65 = arith.constant 64 : i32
    "tpu.region"() ({
      %run_scoped3A = tpu.sem_alloc : memref<!tpu.dma_semaphore, #tpu.memory_space<semaphore_mem>>
      %dma_start3A = arith.constant 0 : i32
      %dma_start3A_198 = tpu.memref_slice %arg30[%arg1, %dma_start3A] : memref<16x1024xi32, #tpu.memory_space<vmem_shared>> -> memref<1x1024xi32, #tpu.memory_space<vmem_shared>>
      %dma_start3A_199 = tpu.memref_squeeze %dma_start3A_198 : memref<1x1024xi32, #tpu.memory_space<vmem_shared>> -> memref<1024xi32, #tpu.memory_space<vmem_shared>>
      %dma_start3A_200 = arith.constant 0 : i32
      %dma_start3A_201 = tpu.memref_slice %arg30[%arg1, %dma_start3A_200] : memref<16x1024xi32, #tpu.memory_space<vmem_shared>> -> memref<1x1024xi32, #tpu.memory_space<vmem_shared>>
      %dma_start3A_202 = tpu.memref_squeeze %dma_start3A_201 : memref<1x1024xi32, #tpu.memory_space<vmem_shared>> -> memref<1024xi32, #tpu.memory_space<vmem_shared>>
      tpu.enqueue_dma source(%arg12 : memref<1024xi32, #tpu.memory_space<vmem>>) target(%dma_start3A_202 : memref<1024xi32, #tpu.memory_space<vmem_shared>>) target_semaphore(%run_scoped3A : memref<!tpu.dma_semaphore, #tpu.memory_space<semaphore_mem>>)
      %dma_wait3A = arith.constant 0 : i32
      %dma_wait3A_203 = tpu.memref_slice %arg30[%arg1, %dma_wait3A] : memref<16x1024xi32, #tpu.memory_space<vmem_shared>> -> memref<1x1024xi32, #tpu.memory_space<vmem_shared>>
      %dma_wait3A_204 = tpu.memref_squeeze %dma_wait3A_203 : memref<1x1024xi32, #tpu.memory_space<vmem_shared>> -> memref<1024xi32, #tpu.memory_space<vmem_shared>>
      %dma_wait3A_205 = arith.constant 0 : i32
      %dma_wait3A_206 = tpu.memref_slice %arg30[%arg1, %dma_wait3A_205] : memref<16x1024xi32, #tpu.memory_space<vmem_shared>> -> memref<1x1024xi32, #tpu.memory_space<vmem_shared>>
      %dma_wait3A_207 = tpu.memref_squeeze %dma_wait3A_206 : memref<1x1024xi32, #tpu.memory_space<vmem_shared>> -> memref<1024xi32, #tpu.memory_space<vmem_shared>>
      tpu.wait_dma2 semaphore(%run_scoped3A : memref<!tpu.dma_semaphore, #tpu.memory_space<semaphore_mem>>) src(%arg12 : memref<1024xi32, #tpu.memory_space<vmem>>) dst(%dma_wait3A_207 : memref<1024xi32, #tpu.memory_space<vmem_shared>>)
      tpu.yield
    }) : () -> ()
    %barrier3A = arith.constant 0 : index
    tpu.barrier barrier_id(%barrier3A)
    "tpu.region"() ({
      %run_scoped3A = tpu.sem_alloc : memref<!tpu.dma_semaphore, #tpu.memory_space<semaphore_mem>>
      %dma_start3A = arith.constant 0 : i32
      %dma_start3A_198 = tpu.memref_slice %arg30[%sub3A_35, %dma_start3A] : memref<16x1024xi32, #tpu.memory_space<vmem_shared>> -> memref<1x1024xi32, #tpu.memory_space<vmem_shared>>
      %dma_start3A_199 = tpu.memref_squeeze %dma_start3A_198 : memref<1x1024xi32, #tpu.memory_space<vmem_shared>> -> memref<1024xi32, #tpu.memory_space<vmem_shared>>
      %dma_start3A_200 = arith.constant 0 : i32
      %dma_start3A_201 = tpu.memref_slice %arg30[%sub3A_35, %dma_start3A_200] : memref<16x1024xi32, #tpu.memory_space<vmem_shared>> -> memref<1x1024xi32, #tpu.memory_space<vmem_shared>>
      %dma_start3A_202 = tpu.memref_squeeze %dma_start3A_201 : memref<1x1024xi32, #tpu.memory_space<vmem_shared>> -> memref<1024xi32, #tpu.memory_space<vmem_shared>>
      tpu.enqueue_dma source(%dma_start3A_202 : memref<1024xi32, #tpu.memory_space<vmem_shared>>) target(%arg13 : memref<1024xi32, #tpu.memory_space<vmem>>) target_semaphore(%run_scoped3A : memref<!tpu.dma_semaphore, #tpu.memory_space<semaphore_mem>>)
      %dma_wait3A = arith.constant 0 : i32
      %dma_wait3A_203 = tpu.memref_slice %arg30[%sub3A_35, %dma_wait3A] : memref<16x1024xi32, #tpu.memory_space<vmem_shared>> -> memref<1x1024xi32, #tpu.memory_space<vmem_shared>>
      %dma_wait3A_204 = tpu.memref_squeeze %dma_wait3A_203 : memref<1x1024xi32, #tpu.memory_space<vmem_shared>> -> memref<1024xi32, #tpu.memory_space<vmem_shared>>
      %dma_wait3A_205 = arith.constant 0 : i32
      %dma_wait3A_206 = tpu.memref_slice %arg30[%sub3A_35, %dma_wait3A_205] : memref<16x1024xi32, #tpu.memory_space<vmem_shared>> -> memref<1x1024xi32, #tpu.memory_space<vmem_shared>>
      %dma_wait3A_207 = tpu.memref_squeeze %dma_wait3A_206 : memref<1x1024xi32, #tpu.memory_space<vmem_shared>> -> memref<1024xi32, #tpu.memory_space<vmem_shared>>
      tpu.wait_dma2 semaphore(%run_scoped3A : memref<!tpu.dma_semaphore, #tpu.memory_space<semaphore_mem>>) src(%dma_wait3A_207 : memref<1024xi32, #tpu.memory_space<vmem_shared>>) dst(%arg13 : memref<1024xi32, #tpu.memory_space<vmem>>)
      tpu.yield
    }) : () -> ()
    %lt3A_66 = arith.constant 0 : i32
    %lt3A_67 = vector.broadcast %lt3A_66 : i32 to vector<16xi32>
    %lt3A_68 = arith.cmpi slt, %iota3A, %lt3A_67 : vector<16xi32>
    %scan3A_69 = arith.constant 0 : i32
    %scan3A_70 = arith.constant 1024 : i32
    %scan3A_71 = arith.addi %scan3A_69, %scan3A_70 : i32
    %scan3A_72 = arith.constant 1 : i32
    %scan3A_73:4 = scf.for %scan3A_198 = %scan3A_69 to %scan3A_71 step %scan3A_72 iter_args(%scan3A_199 = %broadcast_in_dim3A_43, %scan3A_200 = %broadcast_in_dim3A_43, %scan3A_201 = %broadcast_in_dim3A_43, %scan3A_202 = %lt3A_68) -> (vector<16xi32>, vector<16xi32>, vector<16xi32>, vector<16xi1>)  : i32 {
      %sub3A_203 = arith.constant 1023 : i32
      %sub3A_204 = arith.subi %sub3A_203, %scan3A_198 : i32
      %broadcast_in_dim3A_205 = vector.broadcast %sub3A_204 : i32 to vector<16xi32>
      %gather3A_206 = tpu.vector_load_idx %arg12[%broadcast_in_dim3A_205] : memref<1024xi32, #tpu.memory_space<vmem>>[vector<16xi32>], vector<16xi32>,
      %gather3A_207 = tpu.vector_load_idx %arg13[%broadcast_in_dim3A_205] : memref<1024xi32, #tpu.memory_space<vmem>>[vector<16xi32>], vector<16xi32>,
      %add3A_208 = arith.addi %gather3A_206, %gather3A_207 : vector<16xi32>
      %not3A = arith.constant dense<true> : vector<16xi1>
      %not3A_209 = arith.xori %scan3A_202, %not3A : vector<16xi1>
      %add3A_210 = arith.addi %broadcast_in_dim3A_43, %scan3A_199 : vector<16xi32>
      %add3A_211 = arith.addi %add3A_210, %add3A_208 : vector<16xi32>
      %ge3A = arith.cmpi sge, %add3A_211, %broadcast_in_dim3A_45 : vector<16xi32>
      %and3A_212 = arith.andi %not3A_209, %ge3A : vector<16xi1>
      %select_n3A_213 = arith.select %and3A_212, %broadcast_in_dim3A_205, %scan3A_201 : vector<16xi1>, vector<16xi32>
      %or3A = arith.ori %scan3A_202, %and3A_212 : vector<16xi1>
      %jit3A_214 = arith.constant 0 : i32
      %broadcast_in_dim3A_215 = vector.broadcast %jit3A_214 : i32 to vector<16xi32>
      %select_n3A_216 = arith.select %or3A, %broadcast_in_dim3A_215, %add3A_208 : vector<16xi1>, vector<16xi32>
      %add3A_217 = arith.addi %scan3A_199, %select_n3A_216 : vector<16xi32>
      %jit3A_218 = arith.constant 0 : i32
      %broadcast_in_dim3A_219 = vector.broadcast %jit3A_218 : i32 to vector<16xi32>
      %select_n3A_220 = arith.select %or3A, %broadcast_in_dim3A_219, %gather3A_206 : vector<16xi1>, vector<16xi32>
      %add3A_221 = arith.addi %scan3A_200, %select_n3A_220 : vector<16xi32>
      scf.yield %add3A_217, %add3A_221, %select_n3A_213, %or3A : vector<16xi32>, vector<16xi32>, vector<16xi32>, vector<16xi1>
    }
    %scan3A_74 = arith.constant 1024 : i32
    %add3A_75 = arith.addi %broadcast_in_dim3A_43, %scan3A_73#0 : vector<16xi32>
    %add3A_76 = arith.addi %broadcast_in_dim3A_43, %scan3A_73#1 : vector<16xi32>
    %mul3A_77 = arith.constant 1024 : i32
    %mul3A_78 = vector.broadcast %mul3A_77 : i32 to vector<16xi32>
    %mul3A_79 = arith.muli %broadcast_in_dim3A_43, %mul3A_78 : vector<16xi32>
    %add3A_80 = arith.addi %mul3A_79, %scan3A_73#2 : vector<16xi32>
    %barrier3A_81 = arith.constant 0 : index
    tpu.barrier barrier_id(%barrier3A_81)
    %scan3A_82 = arith.constant 0 : i32
    %scan3A_83 = arith.constant 0 : i32
    %scan3A_84 = arith.constant 128 : i32
    %scan3A_85 = arith.addi %scan3A_83, %scan3A_84 : i32
    %scan3A_86 = arith.constant 1 : i32
    %scan3A_87 = scf.for %scan3A_198 = %scan3A_83 to %scan3A_85 step %scan3A_86 iter_args(%scan3A_199 = %scan3A_82) -> (i32)  : i32 {
      %mul3A_200 = arith.constant 8 : i32
      %mul3A_201 = arith.muli %scan3A_198, %mul3A_200 : i32
      %add3A_202 = arith.constant 0 : i32
      %add3A_203 = arith.addi %mul3A_201, %add3A_202 : i32
      %mul3A_204 = arith.constant 16 : i32
      %mul3A_205 = arith.muli %add3A_203, %mul3A_204 : i32
      %add3A_206 = vector.broadcast %mul3A_205 : i32 to vector<16xi32>
      %add3A_207 = arith.addi %add3A_206, %iota3A : vector<16xi32>
      tpu.vector_store_idx %arg11[%add3A_207], %broadcast_in_dim3A_43 : memref<16384xi32, #tpu.memory_space<vmem>>[vector<16xi32>], vector<16xi32>,
      %mul3A_208 = arith.constant 8 : i32
      %mul3A_209 = arith.muli %scan3A_198, %mul3A_208 : i32
      %add3A_210 = arith.constant 1 : i32
      %add3A_211 = arith.addi %mul3A_209, %add3A_210 : i32
      %mul3A_212 = arith.constant 16 : i32
      %mul3A_213 = arith.muli %add3A_211, %mul3A_212 : i32
      %add3A_214 = vector.broadcast %mul3A_213 : i32 to vector<16xi32>
      %add3A_215 = arith.addi %add3A_214, %iota3A : vector<16xi32>
      tpu.vector_store_idx %arg11[%add3A_215], %broadcast_in_dim3A_43 : memref<16384xi32, #tpu.memory_space<vmem>>[vector<16xi32>], vector<16xi32>,
      %mul3A_216 = arith.constant 8 : i32
      %mul3A_217 = arith.muli %scan3A_198, %mul3A_216 : i32
      %add3A_218 = arith.constant 2 : i32
      %add3A_219 = arith.addi %mul3A_217, %add3A_218 : i32
      %mul3A_220 = arith.constant 16 : i32
      %mul3A_221 = arith.muli %add3A_219, %mul3A_220 : i32
      %add3A_222 = vector.broadcast %mul3A_221 : i32 to vector<16xi32>
      %add3A_223 = arith.addi %add3A_222, %iota3A : vector<16xi32>
      tpu.vector_store_idx %arg11[%add3A_223], %broadcast_in_dim3A_43 : memref<16384xi32, #tpu.memory_space<vmem>>[vector<16xi32>], vector<16xi32>,
      %mul3A_224 = arith.constant 8 : i32
      %mul3A_225 = arith.muli %scan3A_198, %mul3A_224 : i32
      %add3A_226 = arith.constant 3 : i32
      %add3A_227 = arith.addi %mul3A_225, %add3A_226 : i32
      %mul3A_228 = arith.constant 16 : i32
      %mul3A_229 = arith.muli %add3A_227, %mul3A_228 : i32
      %add3A_230 = vector.broadcast %mul3A_229 : i32 to vector<16xi32>
      %add3A_231 = arith.addi %add3A_230, %iota3A : vector<16xi32>
      tpu.vector_store_idx %arg11[%add3A_231], %broadcast_in_dim3A_43 : memref<16384xi32, #tpu.memory_space<vmem>>[vector<16xi32>], vector<16xi32>,
      %mul3A_232 = arith.constant 8 : i32
      %mul3A_233 = arith.muli %scan3A_198, %mul3A_232 : i32
      %add3A_234 = arith.constant 4 : i32
      %add3A_235 = arith.addi %mul3A_233, %add3A_234 : i32
      %mul3A_236 = arith.constant 16 : i32
      %mul3A_237 = arith.muli %add3A_235, %mul3A_236 : i32
      %add3A_238 = vector.broadcast %mul3A_237 : i32 to vector<16xi32>
      %add3A_239 = arith.addi %add3A_238, %iota3A : vector<16xi32>
      tpu.vector_store_idx %arg11[%add3A_239], %broadcast_in_dim3A_43 : memref<16384xi32, #tpu.memory_space<vmem>>[vector<16xi32>], vector<16xi32>,
      %mul3A_240 = arith.constant 8 : i32
      %mul3A_241 = arith.muli %scan3A_198, %mul3A_240 : i32
      %add3A_242 = arith.constant 5 : i32
      %add3A_243 = arith.addi %mul3A_241, %add3A_242 : i32
      %mul3A_244 = arith.constant 16 : i32
      %mul3A_245 = arith.muli %add3A_243, %mul3A_244 : i32
      %add3A_246 = vector.broadcast %mul3A_245 : i32 to vector<16xi32>
      %add3A_247 = arith.addi %add3A_246, %iota3A : vector<16xi32>
      tpu.vector_store_idx %arg11[%add3A_247], %broadcast_in_dim3A_43 : memref<16384xi32, #tpu.memory_space<vmem>>[vector<16xi32>], vector<16xi32>,
      %mul3A_248 = arith.constant 8 : i32
      %mul3A_249 = arith.muli %scan3A_198, %mul3A_248 : i32
      %add3A_250 = arith.constant 6 : i32
      %add3A_251 = arith.addi %mul3A_249, %add3A_250 : i32
      %mul3A_252 = arith.constant 16 : i32
      %mul3A_253 = arith.muli %add3A_251, %mul3A_252 : i32
      %add3A_254 = vector.broadcast %mul3A_253 : i32 to vector<16xi32>
      %add3A_255 = arith.addi %add3A_254, %iota3A : vector<16xi32>
      tpu.vector_store_idx %arg11[%add3A_255], %broadcast_in_dim3A_43 : memref<16384xi32, #tpu.memory_space<vmem>>[vector<16xi32>], vector<16xi32>,
      %mul3A_256 = arith.constant 8 : i32
      %mul3A_257 = arith.muli %scan3A_198, %mul3A_256 : i32
      %add3A_258 = arith.constant 7 : i32
      %add3A_259 = arith.addi %mul3A_257, %add3A_258 : i32
      %mul3A_260 = arith.constant 16 : i32
      %mul3A_261 = arith.muli %add3A_259, %mul3A_260 : i32
      %add3A_262 = vector.broadcast %mul3A_261 : i32 to vector<16xi32>
      %add3A_263 = arith.addi %add3A_262, %iota3A : vector<16xi32>
      tpu.vector_store_idx %arg11[%add3A_263], %broadcast_in_dim3A_43 : memref<16384xi32, #tpu.memory_space<vmem>>[vector<16xi32>], vector<16xi32>,
      %scan3A_264 = arith.constant 0 : i32
      scf.yield %scan3A_264 : i32
    }
    %scan3A_88 = arith.constant 128 : i32
    %scan3A_89 = arith.constant 0 : i32
    %scan3A_90 = arith.constant 0 : i32
    %scan3A_91 = arith.constant 25 : i32
    %scan3A_92 = arith.addi %scan3A_90, %scan3A_91 : i32
    %scan3A_93 = arith.constant 1 : i32
    %scan3A_94 = scf.for %scan3A_198 = %scan3A_90 to %scan3A_92 step %scan3A_93 iter_args(%scan3A_199 = %scan3A_89) -> (i32)  : i32 {
      %mul3A_200 = arith.constant 8000 : i32
      %mul3A_201 = arith.muli %scan3A_198, %mul3A_200 : i32
      %add3A_202 = arith.addi %add3A_40, %mul3A_201 : i32
      "tpu.region"() ({
        %run_scoped3A = tpu.sem_alloc : memref<!tpu.dma_semaphore, #tpu.memory_space<semaphore_mem>>
        %dma_start3A = tpu.memref_slice %arg2[%add3A_202] : memref<6400000xf32, #tpu.memory_space<hbm>> -> memref<8000xf32, #tpu.memory_space<hbm>>
        %dma_start3A_209 = tpu.memref_slice %arg2[%add3A_202] : memref<6400000xf32, #tpu.memory_space<hbm>> -> memref<8000xf32, #tpu.memory_space<hbm>>
        tpu.enqueue_dma source(%dma_start3A_209 : memref<8000xf32, #tpu.memory_space<hbm>>) target(%arg9 : memref<8000xf32, #tpu.memory_space<vmem>>) target_semaphore(%run_scoped3A : memref<!tpu.dma_semaphore, #tpu.memory_space<semaphore_mem>>)
        %dma_wait3A = tpu.memref_slice %arg2[%add3A_202] : memref<6400000xf32, #tpu.memory_space<hbm>> -> memref<8000xf32, #tpu.memory_space<hbm>>
        %dma_wait3A_210 = tpu.memref_slice %arg2[%add3A_202] : memref<6400000xf32, #tpu.memory_space<hbm>> -> memref<8000xf32, #tpu.memory_space<hbm>>
        tpu.wait_dma2 semaphore(%run_scoped3A : memref<!tpu.dma_semaphore, #tpu.memory_space<semaphore_mem>>) src(%dma_wait3A_210 : memref<8000xf32, #tpu.memory_space<hbm>>) dst(%arg9 : memref<8000xf32, #tpu.memory_space<vmem>>)
        tpu.yield
      }) : () -> ()
      %scan3A_203 = arith.constant 0 : i32
      %scan3A_204 = arith.constant 500 : i32
      %scan3A_205 = arith.addi %scan3A_203, %scan3A_204 : i32
      %scan3A_206 = arith.constant 1 : i32
      %scan3A_207 = scf.for %scan3A_209 = %scan3A_203 to %scan3A_205 step %scan3A_206 iter_args(%scan3A_210 = %scan3A_199) -> (i32)  : i32 {
        %mul3A_211 = arith.constant 1 : i32
        %mul3A_212 = arith.muli %scan3A_209, %mul3A_211 : i32
        %add3A_213 = arith.constant 0 : i32
        %add3A_214 = arith.addi %mul3A_212, %add3A_213 : i32
        %mul3A_215 = arith.constant 16 : i32
        %mul3A_216 = arith.muli %add3A_214, %mul3A_215 : i32
        %add3A_217 = vector.broadcast %mul3A_216 : i32 to vector<16xi32>
        %add3A_218 = arith.addi %add3A_217, %iota3A : vector<16xi32>
        %gather3A_219 = tpu.vector_load_idx %arg9[%add3A_218] : memref<8000xf32, #tpu.memory_space<vmem>>[vector<16xi32>], vector<16xf32>,
        %bitcast3A = vector.bitcast %gather3A_219 : vector<16xf32> to vector<16xi32>
        %shift_right_arithmetic3A = arith.constant 10 : i32
        %shift_right_arithmetic3A_220 = vector.broadcast %shift_right_arithmetic3A : i32 to vector<16xi32>
        %shift_right_arithmetic3A_221 = arith.shrsi %bitcast3A, %shift_right_arithmetic3A_220 : vector<16xi32>
        %and3A_222 = arith.constant 1023 : i32
        %and3A_223 = vector.broadcast %and3A_222 : i32 to vector<16xi32>
        %and3A_224 = arith.andi %shift_right_arithmetic3A_221, %and3A_223 : vector<16xi32>
        %shift_right_arithmetic3A_225 = arith.constant 20 : i32
        %shift_right_arithmetic3A_226 = vector.broadcast %shift_right_arithmetic3A_225 : i32 to vector<16xi32>
        %shift_right_arithmetic3A_227 = arith.shrsi %bitcast3A, %shift_right_arithmetic3A_226 : vector<16xi32>
        %eq3A_228 = arith.cmpi eq, %shift_right_arithmetic3A_227, %add3A_80 : vector<16xi32>
        %mul3A_229 = arith.constant 16 : i32
        %mul3A_230 = vector.broadcast %mul3A_229 : i32 to vector<16xi32>
        %mul3A_231 = arith.muli %and3A_224, %mul3A_230 : vector<16xi32>
        %add3A_232 = arith.addi %mul3A_231, %iota3A : vector<16xi32>
        tpu.vector_store_idx %arg11[%add3A_232], %broadcast_in_dim3A_41 masked %eq3A_228 {add = true} : memref<16384xi32, #tpu.memory_space<vmem>>[vector<16xi32>], vector<16xi32>, vector<16xi1>
        %scan3A_233 = arith.constant 0 : i32
        scf.yield %scan3A_233 : i32
      }
      %scan3A_208 = arith.constant 500 : i32
      scf.yield %scan3A_207 : i32
    }
    %scan3A_95 = arith.constant 25 : i32
    %scan3A_96 = arith.constant 0 : i32
    %scan3A_97 = arith.constant 0 : i32
    %scan3A_98 = arith.constant 64 : i32
    %scan3A_99 = arith.addi %scan3A_97, %scan3A_98 : i32
    %scan3A_100 = arith.constant 1 : i32
    %scan3A_101 = scf.for %scan3A_198 = %scan3A_97 to %scan3A_99 step %scan3A_100 iter_args(%scan3A_199 = %scan3A_96) -> (i32)  : i32 {
      %mul3A_200 = arith.constant 16 : i32
      %mul3A_201 = arith.muli %scan3A_198, %mul3A_200 : i32
      %add3A_202 = vector.broadcast %mul3A_201 : i32 to vector<16xi32>
      %add3A_203 = arith.addi %add3A_202, %iota3A : vector<16xi32>
      %mul3A_204 = arith.constant 16 : i32
      %mul3A_205 = vector.broadcast %mul3A_204 : i32 to vector<16xi32>
      %mul3A_206 = arith.muli %add3A_203, %mul3A_205 : vector<16xi32>
      %add3A_207 = arith.constant 0 : i32
      %add3A_208 = vector.broadcast %add3A_207 : i32 to vector<16xi32>
      %add3A_209 = arith.addi %mul3A_206, %add3A_208 : vector<16xi32>
      %gather3A_210 = tpu.vector_load_idx %arg11[%add3A_209] : memref<16384xi32, #tpu.memory_space<vmem>>[vector<16xi32>], vector<16xi32>,
      %add3A_211 = arith.addi %broadcast_in_dim3A_43, %gather3A_210 : vector<16xi32>
      %mul3A_212 = arith.constant 16 : i32
      %mul3A_213 = vector.broadcast %mul3A_212 : i32 to vector<16xi32>
      %mul3A_214 = arith.muli %add3A_203, %mul3A_213 : vector<16xi32>
      %add3A_215 = arith.constant 1 : i32
      %add3A_216 = vector.broadcast %add3A_215 : i32 to vector<16xi32>
      %add3A_217 = arith.addi %mul3A_214, %add3A_216 : vector<16xi32>
      %gather3A_218 = tpu.vector_load_idx %arg11[%add3A_217] : memref<16384xi32, #tpu.memory_space<vmem>>[vector<16xi32>], vector<16xi32>,
      %add3A_219 = arith.addi %add3A_211, %gather3A_218 : vector<16xi32>
      %mul3A_220 = arith.constant 16 : i32
      %mul3A_221 = vector.broadcast %mul3A_220 : i32 to vector<16xi32>
      %mul3A_222 = arith.muli %add3A_203, %mul3A_221 : vector<16xi32>
      %add3A_223 = arith.constant 2 : i32
      %add3A_224 = vector.broadcast %add3A_223 : i32 to vector<16xi32>
      %add3A_225 = arith.addi %mul3A_222, %add3A_224 : vector<16xi32>
      %gather3A_226 = tpu.vector_load_idx %arg11[%add3A_225] : memref<16384xi32, #tpu.memory_space<vmem>>[vector<16xi32>], vector<16xi32>,
      %add3A_227 = arith.addi %add3A_219, %gather3A_226 : vector<16xi32>
      %mul3A_228 = arith.constant 16 : i32
      %mul3A_229 = vector.broadcast %mul3A_228 : i32 to vector<16xi32>
      %mul3A_230 = arith.muli %add3A_203, %mul3A_229 : vector<16xi32>
      %add3A_231 = arith.constant 3 : i32
      %add3A_232 = vector.broadcast %add3A_231 : i32 to vector<16xi32>
      %add3A_233 = arith.addi %mul3A_230, %add3A_232 : vector<16xi32>
      %gather3A_234 = tpu.vector_load_idx %arg11[%add3A_233] : memref<16384xi32, #tpu.memory_space<vmem>>[vector<16xi32>], vector<16xi32>,
      %add3A_235 = arith.addi %add3A_227, %gather3A_234 : vector<16xi32>
      %mul3A_236 = arith.constant 16 : i32
      %mul3A_237 = vector.broadcast %mul3A_236 : i32 to vector<16xi32>
      %mul3A_238 = arith.muli %add3A_203, %mul3A_237 : vector<16xi32>
      %add3A_239 = arith.constant 4 : i32
      %add3A_240 = vector.broadcast %add3A_239 : i32 to vector<16xi32>
      %add3A_241 = arith.addi %mul3A_238, %add3A_240 : vector<16xi32>
      %gather3A_242 = tpu.vector_load_idx %arg11[%add3A_241] : memref<16384xi32, #tpu.memory_space<vmem>>[vector<16xi32>], vector<16xi32>,
      %add3A_243 = arith.addi %add3A_235, %gather3A_242 : vector<16xi32>
      %mul3A_244 = arith.constant 16 : i32
      %mul3A_245 = vector.broadcast %mul3A_244 : i32 to vector<16xi32>
      %mul3A_246 = arith.muli %add3A_203, %mul3A_245 : vector<16xi32>
      %add3A_247 = arith.constant 5 : i32
      %add3A_248 = vector.broadcast %add3A_247 : i32 to vector<16xi32>
      %add3A_249 = arith.addi %mul3A_246, %add3A_248 : vector<16xi32>
      %gather3A_250 = tpu.vector_load_idx %arg11[%add3A_249] : memref<16384xi32, #tpu.memory_space<vmem>>[vector<16xi32>], vector<16xi32>,
      %add3A_251 = arith.addi %add3A_243, %gather3A_250 : vector<16xi32>
      %mul3A_252 = arith.constant 16 : i32
      %mul3A_253 = vector.broadcast %mul3A_252 : i32 to vector<16xi32>
      %mul3A_254 = arith.muli %add3A_203, %mul3A_253 : vector<16xi32>
      %add3A_255 = arith.constant 6 : i32
      %add3A_256 = vector.broadcast %add3A_255 : i32 to vector<16xi32>
      %add3A_257 = arith.addi %mul3A_254, %add3A_256 : vector<16xi32>
      %gather3A_258 = tpu.vector_load_idx %arg11[%add3A_257] : memref<16384xi32, #tpu.memory_space<vmem>>[vector<16xi32>], vector<16xi32>,
      %add3A_259 = arith.addi %add3A_251, %gather3A_258 : vector<16xi32>
      %mul3A_260 = arith.constant 16 : i32
      %mul3A_261 = vector.broadcast %mul3A_260 : i32 to vector<16xi32>
      %mul3A_262 = arith.muli %add3A_203, %mul3A_261 : vector<16xi32>
      %add3A_263 = arith.constant 7 : i32
      %add3A_264 = vector.broadcast %add3A_263 : i32 to vector<16xi32>
      %add3A_265 = arith.addi %mul3A_262, %add3A_264 : vector<16xi32>
      %gather3A_266 = tpu.vector_load_idx %arg11[%add3A_265] : memref<16384xi32, #tpu.memory_space<vmem>>[vector<16xi32>], vector<16xi32>,
      %add3A_267 = arith.addi %add3A_259, %gather3A_266 : vector<16xi32>
      %mul3A_268 = arith.constant 16 : i32
      %mul3A_269 = vector.broadcast %mul3A_268 : i32 to vector<16xi32>
      %mul3A_270 = arith.muli %add3A_203, %mul3A_269 : vector<16xi32>
      %add3A_271 = arith.constant 8 : i32
      %add3A_272 = vector.broadcast %add3A_271 : i32 to vector<16xi32>
      %add3A_273 = arith.addi %mul3A_270, %add3A_272 : vector<16xi32>
      %gather3A_274 = tpu.vector_load_idx %arg11[%add3A_273] : memref<16384xi32, #tpu.memory_space<vmem>>[vector<16xi32>], vector<16xi32>,
      %add3A_275 = arith.addi %add3A_267, %gather3A_274 : vector<16xi32>
      %mul3A_276 = arith.constant 16 : i32
      %mul3A_277 = vector.broadcast %mul3A_276 : i32 to vector<16xi32>
      %mul3A_278 = arith.muli %add3A_203, %mul3A_277 : vector<16xi32>
      %add3A_279 = arith.constant 9 : i32
      %add3A_280 = vector.broadcast %add3A_279 : i32 to vector<16xi32>
      %add3A_281 = arith.addi %mul3A_278, %add3A_280 : vector<16xi32>
      %gather3A_282 = tpu.vector_load_idx %arg11[%add3A_281] : memref<16384xi32, #tpu.memory_space<vmem>>[vector<16xi32>], vector<16xi32>,
      %add3A_283 = arith.addi %add3A_275, %gather3A_282 : vector<16xi32>
      %mul3A_284 = arith.constant 16 : i32
      %mul3A_285 = vector.broadcast %mul3A_284 : i32 to vector<16xi32>
      %mul3A_286 = arith.muli %add3A_203, %mul3A_285 : vector<16xi32>
      %add3A_287 = arith.constant 10 : i32
      %add3A_288 = vector.broadcast %add3A_287 : i32 to vector<16xi32>
      %add3A_289 = arith.addi %mul3A_286, %add3A_288 : vector<16xi32>
      %gather3A_290 = tpu.vector_load_idx %arg11[%add3A_289] : memref<16384xi32, #tpu.memory_space<vmem>>[vector<16xi32>], vector<16xi32>,
      %add3A_291 = arith.addi %add3A_283, %gather3A_290 : vector<16xi32>
      %mul3A_292 = arith.constant 16 : i32
      %mul3A_293 = vector.broadcast %mul3A_292 : i32 to vector<16xi32>
      %mul3A_294 = arith.muli %add3A_203, %mul3A_293 : vector<16xi32>
      %add3A_295 = arith.constant 11 : i32
      %add3A_296 = vector.broadcast %add3A_295 : i32 to vector<16xi32>
      %add3A_297 = arith.addi %mul3A_294, %add3A_296 : vector<16xi32>
      %gather3A_298 = tpu.vector_load_idx %arg11[%add3A_297] : memref<16384xi32, #tpu.memory_space<vmem>>[vector<16xi32>], vector<16xi32>,
      %add3A_299 = arith.addi %add3A_291, %gather3A_298 : vector<16xi32>
      %mul3A_300 = arith.constant 16 : i32
      %mul3A_301 = vector.broadcast %mul3A_300 : i32 to vector<16xi32>
      %mul3A_302 = arith.muli %add3A_203, %mul3A_301 : vector<16xi32>
      %add3A_303 = arith.constant 12 : i32
      %add3A_304 = vector.broadcast %add3A_303 : i32 to vector<16xi32>
      %add3A_305 = arith.addi %mul3A_302, %add3A_304 : vector<16xi32>
      %gather3A_306 = tpu.vector_load_idx %arg11[%add3A_305] : memref<16384xi32, #tpu.memory_space<vmem>>[vector<16xi32>], vector<16xi32>,
      %add3A_307 = arith.addi %add3A_299, %gather3A_306 : vector<16xi32>
      %mul3A_308 = arith.constant 16 : i32
      %mul3A_309 = vector.broadcast %mul3A_308 : i32 to vector<16xi32>
      %mul3A_310 = arith.muli %add3A_203, %mul3A_309 : vector<16xi32>
      %add3A_311 = arith.constant 13 : i32
      %add3A_312 = vector.broadcast %add3A_311 : i32 to vector<16xi32>
      %add3A_313 = arith.addi %mul3A_310, %add3A_312 : vector<16xi32>
      %gather3A_314 = tpu.vector_load_idx %arg11[%add3A_313] : memref<16384xi32, #tpu.memory_space<vmem>>[vector<16xi32>], vector<16xi32>,
      %add3A_315 = arith.addi %add3A_307, %gather3A_314 : vector<16xi32>
      %mul3A_316 = arith.constant 16 : i32
      %mul3A_317 = vector.broadcast %mul3A_316 : i32 to vector<16xi32>
      %mul3A_318 = arith.muli %add3A_203, %mul3A_317 : vector<16xi32>
      %add3A_319 = arith.constant 14 : i32
      %add3A_320 = vector.broadcast %add3A_319 : i32 to vector<16xi32>
      %add3A_321 = arith.addi %mul3A_318, %add3A_320 : vector<16xi32>
      %gather3A_322 = tpu.vector_load_idx %arg11[%add3A_321] : memref<16384xi32, #tpu.memory_space<vmem>>[vector<16xi32>], vector<16xi32>,
      %add3A_323 = arith.addi %add3A_315, %gather3A_322 : vector<16xi32>
      %mul3A_324 = arith.constant 16 : i32
      %mul3A_325 = vector.broadcast %mul3A_324 : i32 to vector<16xi32>
      %mul3A_326 = arith.muli %add3A_203, %mul3A_325 : vector<16xi32>
      %add3A_327 = arith.constant 15 : i32
      %add3A_328 = vector.broadcast %add3A_327 : i32 to vector<16xi32>
      %add3A_329 = arith.addi %mul3A_326, %add3A_328 : vector<16xi32>
      %gather3A_330 = tpu.vector_load_idx %arg11[%add3A_329] : memref<16384xi32, #tpu.memory_space<vmem>>[vector<16xi32>], vector<16xi32>,
      %add3A_331 = arith.addi %add3A_323, %gather3A_330 : vector<16xi32>
      tpu.vector_store_idx %arg12[%add3A_203], %add3A_331 : memref<1024xi32, #tpu.memory_space<vmem>>[vector<16xi32>], vector<16xi32>,
      %scan3A_332 = arith.constant 0 : i32
      scf.yield %scan3A_332 : i32
    }
    %scan3A_102 = arith.constant 64 : i32
    "tpu.region"() ({
      %run_scoped3A = tpu.sem_alloc : memref<!tpu.dma_semaphore, #tpu.memory_space<semaphore_mem>>
      %dma_start3A = arith.constant 0 : i32
      %dma_start3A_198 = tpu.memref_slice %arg30[%arg1, %dma_start3A] : memref<16x1024xi32, #tpu.memory_space<vmem_shared>> -> memref<1x1024xi32, #tpu.memory_space<vmem_shared>>
      %dma_start3A_199 = tpu.memref_squeeze %dma_start3A_198 : memref<1x1024xi32, #tpu.memory_space<vmem_shared>> -> memref<1024xi32, #tpu.memory_space<vmem_shared>>
      %dma_start3A_200 = arith.constant 0 : i32
      %dma_start3A_201 = tpu.memref_slice %arg30[%arg1, %dma_start3A_200] : memref<16x1024xi32, #tpu.memory_space<vmem_shared>> -> memref<1x1024xi32, #tpu.memory_space<vmem_shared>>
      %dma_start3A_202 = tpu.memref_squeeze %dma_start3A_201 : memref<1x1024xi32, #tpu.memory_space<vmem_shared>> -> memref<1024xi32, #tpu.memory_space<vmem_shared>>
      tpu.enqueue_dma source(%arg12 : memref<1024xi32, #tpu.memory_space<vmem>>) target(%dma_start3A_202 : memref<1024xi32, #tpu.memory_space<vmem_shared>>) target_semaphore(%run_scoped3A : memref<!tpu.dma_semaphore, #tpu.memory_space<semaphore_mem>>)
      %dma_wait3A = arith.constant 0 : i32
      %dma_wait3A_203 = tpu.memref_slice %arg30[%arg1, %dma_wait3A] : memref<16x1024xi32, #tpu.memory_space<vmem_shared>> -> memref<1x1024xi32, #tpu.memory_space<vmem_shared>>
      %dma_wait3A_204 = tpu.memref_squeeze %dma_wait3A_203 : memref<1x1024xi32, #tpu.memory_space<vmem_shared>> -> memref<1024xi32, #tpu.memory_space<vmem_shared>>
      %dma_wait3A_205 = arith.constant 0 : i32
      %dma_wait3A_206 = tpu.memref_slice %arg30[%arg1, %dma_wait3A_205] : memref<16x1024xi32, #tpu.memory_space<vmem_shared>> -> memref<1x1024xi32, #tpu.memory_space<vmem_shared>>
      %dma_wait3A_207 = tpu.memref_squeeze %dma_wait3A_206 : memref<1x1024xi32, #tpu.memory_space<vmem_shared>> -> memref<1024xi32, #tpu.memory_space<vmem_shared>>
      tpu.wait_dma2 semaphore(%run_scoped3A : memref<!tpu.dma_semaphore, #tpu.memory_space<semaphore_mem>>) src(%arg12 : memref<1024xi32, #tpu.memory_space<vmem>>) dst(%dma_wait3A_207 : memref<1024xi32, #tpu.memory_space<vmem_shared>>)
      tpu.yield
    }) : () -> ()
    %barrier3A_103 = arith.constant 0 : index
    tpu.barrier barrier_id(%barrier3A_103)
    "tpu.region"() ({
      %run_scoped3A = tpu.sem_alloc : memref<!tpu.dma_semaphore, #tpu.memory_space<semaphore_mem>>
      %dma_start3A = arith.constant 0 : i32
      %dma_start3A_198 = tpu.memref_slice %arg30[%sub3A_35, %dma_start3A] : memref<16x1024xi32, #tpu.memory_space<vmem_shared>> -> memref<1x1024xi32, #tpu.memory_space<vmem_shared>>
      %dma_start3A_199 = tpu.memref_squeeze %dma_start3A_198 : memref<1x1024xi32, #tpu.memory_space<vmem_shared>> -> memref<1024xi32, #tpu.memory_space<vmem_shared>>
      %dma_start3A_200 = arith.constant 0 : i32
      %dma_start3A_201 = tpu.memref_slice %arg30[%sub3A_35, %dma_start3A_200] : memref<16x1024xi32, #tpu.memory_space<vmem_shared>> -> memref<1x1024xi32, #tpu.memory_space<vmem_shared>>
      %dma_start3A_202 = tpu.memref_squeeze %dma_start3A_201 : memref<1x1024xi32, #tpu.memory_space<vmem_shared>> -> memref<1024xi32, #tpu.memory_space<vmem_shared>>
      tpu.enqueue_dma source(%dma_start3A_202 : memref<1024xi32, #tpu.memory_space<vmem_shared>>) target(%arg13 : memref<1024xi32, #tpu.memory_space<vmem>>) target_semaphore(%run_scoped3A : memref<!tpu.dma_semaphore, #tpu.memory_space<semaphore_mem>>)
      %dma_wait3A = arith.constant 0 : i32
      %dma_wait3A_203 = tpu.memref_slice %arg30[%sub3A_35, %dma_wait3A] : memref<16x1024xi32, #tpu.memory_space<vmem_shared>> -> memref<1x1024xi32, #tpu.memory_space<vmem_shared>>
      %dma_wait3A_204 = tpu.memref_squeeze %dma_wait3A_203 : memref<1x1024xi32, #tpu.memory_space<vmem_shared>> -> memref<1024xi32, #tpu.memory_space<vmem_shared>>
      %dma_wait3A_205 = arith.constant 0 : i32
      %dma_wait3A_206 = tpu.memref_slice %arg30[%sub3A_35, %dma_wait3A_205] : memref<16x1024xi32, #tpu.memory_space<vmem_shared>> -> memref<1x1024xi32, #tpu.memory_space<vmem_shared>>
      %dma_wait3A_207 = tpu.memref_squeeze %dma_wait3A_206 : memref<1x1024xi32, #tpu.memory_space<vmem_shared>> -> memref<1024xi32, #tpu.memory_space<vmem_shared>>
      tpu.wait_dma2 semaphore(%run_scoped3A : memref<!tpu.dma_semaphore, #tpu.memory_space<semaphore_mem>>) src(%dma_wait3A_207 : memref<1024xi32, #tpu.memory_space<vmem_shared>>) dst(%arg13 : memref<1024xi32, #tpu.memory_space<vmem>>)
      tpu.yield
    }) : () -> ()
    %lt3A_104 = arith.constant 0 : i32
    %lt3A_105 = vector.broadcast %lt3A_104 : i32 to vector<16xi32>
    %lt3A_106 = arith.cmpi slt, %iota3A, %lt3A_105 : vector<16xi32>
    %scan3A_107 = arith.constant 0 : i32
    %scan3A_108 = arith.constant 1024 : i32
    %scan3A_109 = arith.addi %scan3A_107, %scan3A_108 : i32
    %scan3A_110 = arith.constant 1 : i32
    %scan3A_111:4 = scf.for %scan3A_198 = %scan3A_107 to %scan3A_109 step %scan3A_110 iter_args(%scan3A_199 = %broadcast_in_dim3A_43, %scan3A_200 = %broadcast_in_dim3A_43, %scan3A_201 = %broadcast_in_dim3A_43, %scan3A_202 = %lt3A_106) -> (vector<16xi32>, vector<16xi32>, vector<16xi32>, vector<16xi1>)  : i32 {
      %sub3A_203 = arith.constant 1023 : i32
      %sub3A_204 = arith.subi %sub3A_203, %scan3A_198 : i32
      %broadcast_in_dim3A_205 = vector.broadcast %sub3A_204 : i32 to vector<16xi32>
      %gather3A_206 = tpu.vector_load_idx %arg12[%broadcast_in_dim3A_205] : memref<1024xi32, #tpu.memory_space<vmem>>[vector<16xi32>], vector<16xi32>,
      %gather3A_207 = tpu.vector_load_idx %arg13[%broadcast_in_dim3A_205] : memref<1024xi32, #tpu.memory_space<vmem>>[vector<16xi32>], vector<16xi32>,
      %add3A_208 = arith.addi %gather3A_206, %gather3A_207 : vector<16xi32>
      %not3A = arith.constant dense<true> : vector<16xi1>
      %not3A_209 = arith.xori %scan3A_202, %not3A : vector<16xi1>
      %add3A_210 = arith.addi %add3A_75, %scan3A_199 : vector<16xi32>
      %add3A_211 = arith.addi %add3A_210, %add3A_208 : vector<16xi32>
      %ge3A = arith.cmpi sge, %add3A_211, %broadcast_in_dim3A_45 : vector<16xi32>
      %and3A_212 = arith.andi %not3A_209, %ge3A : vector<16xi1>
      %select_n3A_213 = arith.select %and3A_212, %broadcast_in_dim3A_205, %scan3A_201 : vector<16xi1>, vector<16xi32>
      %or3A = arith.ori %scan3A_202, %and3A_212 : vector<16xi1>
      %jit3A_214 = arith.constant 0 : i32
      %broadcast_in_dim3A_215 = vector.broadcast %jit3A_214 : i32 to vector<16xi32>
      %select_n3A_216 = arith.select %or3A, %broadcast_in_dim3A_215, %add3A_208 : vector<16xi1>, vector<16xi32>
      %add3A_217 = arith.addi %scan3A_199, %select_n3A_216 : vector<16xi32>
      %jit3A_218 = arith.constant 0 : i32
      %broadcast_in_dim3A_219 = vector.broadcast %jit3A_218 : i32 to vector<16xi32>
      %select_n3A_220 = arith.select %or3A, %broadcast_in_dim3A_219, %gather3A_206 : vector<16xi1>, vector<16xi32>
      %add3A_221 = arith.addi %scan3A_200, %select_n3A_220 : vector<16xi32>
      scf.yield %add3A_217, %add3A_221, %select_n3A_213, %or3A : vector<16xi32>, vector<16xi32>, vector<16xi32>, vector<16xi1>
    }
    %scan3A_112 = arith.constant 1024 : i32
    %add3A_113 = arith.addi %add3A_75, %scan3A_111#0 : vector<16xi32>
    %add3A_114 = arith.addi %add3A_76, %scan3A_111#1 : vector<16xi32>
    %mul3A_115 = arith.constant 1024 : i32
    %mul3A_116 = vector.broadcast %mul3A_115 : i32 to vector<16xi32>
    %mul3A_117 = arith.muli %add3A_80, %mul3A_116 : vector<16xi32>
    %add3A_118 = arith.addi %mul3A_117, %scan3A_111#2 : vector<16xi32>
    %barrier3A_119 = arith.constant 0 : index
    tpu.barrier barrier_id(%barrier3A_119)
    %scan3A_120 = arith.constant 0 : i32
    %scan3A_121 = arith.constant 0 : i32
    %scan3A_122 = arith.constant 128 : i32
    %scan3A_123 = arith.addi %scan3A_121, %scan3A_122 : i32
    %scan3A_124 = arith.constant 1 : i32
    %scan3A_125 = scf.for %scan3A_198 = %scan3A_121 to %scan3A_123 step %scan3A_124 iter_args(%scan3A_199 = %scan3A_120) -> (i32)  : i32 {
      %mul3A_200 = arith.constant 8 : i32
      %mul3A_201 = arith.muli %scan3A_198, %mul3A_200 : i32
      %add3A_202 = arith.constant 0 : i32
      %add3A_203 = arith.addi %mul3A_201, %add3A_202 : i32
      %mul3A_204 = arith.constant 16 : i32
      %mul3A_205 = arith.muli %add3A_203, %mul3A_204 : i32
      %add3A_206 = vector.broadcast %mul3A_205 : i32 to vector<16xi32>
      %add3A_207 = arith.addi %add3A_206, %iota3A : vector<16xi32>
      tpu.vector_store_idx %arg11[%add3A_207], %broadcast_in_dim3A_43 : memref<16384xi32, #tpu.memory_space<vmem>>[vector<16xi32>], vector<16xi32>,
      %mul3A_208 = arith.constant 8 : i32
      %mul3A_209 = arith.muli %scan3A_198, %mul3A_208 : i32
      %add3A_210 = arith.constant 1 : i32
      %add3A_211 = arith.addi %mul3A_209, %add3A_210 : i32
      %mul3A_212 = arith.constant 16 : i32
      %mul3A_213 = arith.muli %add3A_211, %mul3A_212 : i32
      %add3A_214 = vector.broadcast %mul3A_213 : i32 to vector<16xi32>
      %add3A_215 = arith.addi %add3A_214, %iota3A : vector<16xi32>
      tpu.vector_store_idx %arg11[%add3A_215], %broadcast_in_dim3A_43 : memref<16384xi32, #tpu.memory_space<vmem>>[vector<16xi32>], vector<16xi32>,
      %mul3A_216 = arith.constant 8 : i32
      %mul3A_217 = arith.muli %scan3A_198, %mul3A_216 : i32
      %add3A_218 = arith.constant 2 : i32
      %add3A_219 = arith.addi %mul3A_217, %add3A_218 : i32
      %mul3A_220 = arith.constant 16 : i32
      %mul3A_221 = arith.muli %add3A_219, %mul3A_220 : i32
      %add3A_222 = vector.broadcast %mul3A_221 : i32 to vector<16xi32>
      %add3A_223 = arith.addi %add3A_222, %iota3A : vector<16xi32>
      tpu.vector_store_idx %arg11[%add3A_223], %broadcast_in_dim3A_43 : memref<16384xi32, #tpu.memory_space<vmem>>[vector<16xi32>], vector<16xi32>,
      %mul3A_224 = arith.constant 8 : i32
      %mul3A_225 = arith.muli %scan3A_198, %mul3A_224 : i32
      %add3A_226 = arith.constant 3 : i32
      %add3A_227 = arith.addi %mul3A_225, %add3A_226 : i32
      %mul3A_228 = arith.constant 16 : i32
      %mul3A_229 = arith.muli %add3A_227, %mul3A_228 : i32
      %add3A_230 = vector.broadcast %mul3A_229 : i32 to vector<16xi32>
      %add3A_231 = arith.addi %add3A_230, %iota3A : vector<16xi32>
      tpu.vector_store_idx %arg11[%add3A_231], %broadcast_in_dim3A_43 : memref<16384xi32, #tpu.memory_space<vmem>>[vector<16xi32>], vector<16xi32>,
      %mul3A_232 = arith.constant 8 : i32
      %mul3A_233 = arith.muli %scan3A_198, %mul3A_232 : i32
      %add3A_234 = arith.constant 4 : i32
      %add3A_235 = arith.addi %mul3A_233, %add3A_234 : i32
      %mul3A_236 = arith.constant 16 : i32
      %mul3A_237 = arith.muli %add3A_235, %mul3A_236 : i32
      %add3A_238 = vector.broadcast %mul3A_237 : i32 to vector<16xi32>
      %add3A_239 = arith.addi %add3A_238, %iota3A : vector<16xi32>
      tpu.vector_store_idx %arg11[%add3A_239], %broadcast_in_dim3A_43 : memref<16384xi32, #tpu.memory_space<vmem>>[vector<16xi32>], vector<16xi32>,
      %mul3A_240 = arith.constant 8 : i32
      %mul3A_241 = arith.muli %scan3A_198, %mul3A_240 : i32
      %add3A_242 = arith.constant 5 : i32
      %add3A_243 = arith.addi %mul3A_241, %add3A_242 : i32
      %mul3A_244 = arith.constant 16 : i32
      %mul3A_245 = arith.muli %add3A_243, %mul3A_244 : i32
      %add3A_246 = vector.broadcast %mul3A_245 : i32 to vector<16xi32>
      %add3A_247 = arith.addi %add3A_246, %iota3A : vector<16xi32>
      tpu.vector_store_idx %arg11[%add3A_247], %broadcast_in_dim3A_43 : memref<16384xi32, #tpu.memory_space<vmem>>[vector<16xi32>], vector<16xi32>,
      %mul3A_248 = arith.constant 8 : i32
      %mul3A_249 = arith.muli %scan3A_198, %mul3A_248 : i32
      %add3A_250 = arith.constant 6 : i32
      %add3A_251 = arith.addi %mul3A_249, %add3A_250 : i32
      %mul3A_252 = arith.constant 16 : i32
      %mul3A_253 = arith.muli %add3A_251, %mul3A_252 : i32
      %add3A_254 = vector.broadcast %mul3A_253 : i32 to vector<16xi32>
      %add3A_255 = arith.addi %add3A_254, %iota3A : vector<16xi32>
      tpu.vector_store_idx %arg11[%add3A_255], %broadcast_in_dim3A_43 : memref<16384xi32, #tpu.memory_space<vmem>>[vector<16xi32>], vector<16xi32>,
      %mul3A_256 = arith.constant 8 : i32
      %mul3A_257 = arith.muli %scan3A_198, %mul3A_256 : i32
      %add3A_258 = arith.constant 7 : i32
      %add3A_259 = arith.addi %mul3A_257, %add3A_258 : i32
      %mul3A_260 = arith.constant 16 : i32
      %mul3A_261 = arith.muli %add3A_259, %mul3A_260 : i32
      %add3A_262 = vector.broadcast %mul3A_261 : i32 to vector<16xi32>
      %add3A_263 = arith.addi %add3A_262, %iota3A : vector<16xi32>
      tpu.vector_store_idx %arg11[%add3A_263], %broadcast_in_dim3A_43 : memref<16384xi32, #tpu.memory_space<vmem>>[vector<16xi32>], vector<16xi32>,
      %scan3A_264 = arith.constant 0 : i32
      scf.yield %scan3A_264 : i32
    }
    %scan3A_126 = arith.constant 128 : i32
    %scan3A_127 = arith.constant 0 : i32
    %scan3A_128 = arith.constant 0 : i32
    %scan3A_129 = arith.constant 25 : i32
    %scan3A_130 = arith.addi %scan3A_128, %scan3A_129 : i32
    %scan3A_131 = arith.constant 1 : i32
    %scan3A_132 = scf.for %scan3A_198 = %scan3A_128 to %scan3A_130 step %scan3A_131 iter_args(%scan3A_199 = %scan3A_127) -> (i32)  : i32 {
      %mul3A_200 = arith.constant 8000 : i32
      %mul3A_201 = arith.muli %scan3A_198, %mul3A_200 : i32
      %add3A_202 = arith.addi %add3A_40, %mul3A_201 : i32
      "tpu.region"() ({
        %run_scoped3A = tpu.sem_alloc : memref<!tpu.dma_semaphore, #tpu.memory_space<semaphore_mem>>
        %dma_start3A = tpu.memref_slice %arg2[%add3A_202] : memref<6400000xf32, #tpu.memory_space<hbm>> -> memref<8000xf32, #tpu.memory_space<hbm>>
        %dma_start3A_209 = tpu.memref_slice %arg2[%add3A_202] : memref<6400000xf32, #tpu.memory_space<hbm>> -> memref<8000xf32, #tpu.memory_space<hbm>>
        tpu.enqueue_dma source(%dma_start3A_209 : memref<8000xf32, #tpu.memory_space<hbm>>) target(%arg9 : memref<8000xf32, #tpu.memory_space<vmem>>) target_semaphore(%run_scoped3A : memref<!tpu.dma_semaphore, #tpu.memory_space<semaphore_mem>>)
        %dma_wait3A = tpu.memref_slice %arg2[%add3A_202] : memref<6400000xf32, #tpu.memory_space<hbm>> -> memref<8000xf32, #tpu.memory_space<hbm>>
        %dma_wait3A_210 = tpu.memref_slice %arg2[%add3A_202] : memref<6400000xf32, #tpu.memory_space<hbm>> -> memref<8000xf32, #tpu.memory_space<hbm>>
        tpu.wait_dma2 semaphore(%run_scoped3A : memref<!tpu.dma_semaphore, #tpu.memory_space<semaphore_mem>>) src(%dma_wait3A_210 : memref<8000xf32, #tpu.memory_space<hbm>>) dst(%arg9 : memref<8000xf32, #tpu.memory_space<vmem>>)
        tpu.yield
      }) : () -> ()
      %scan3A_203 = arith.constant 0 : i32
      %scan3A_204 = arith.constant 500 : i32
      %scan3A_205 = arith.addi %scan3A_203, %scan3A_204 : i32
      %scan3A_206 = arith.constant 1 : i32
      %scan3A_207 = scf.for %scan3A_209 = %scan3A_203 to %scan3A_205 step %scan3A_206 iter_args(%scan3A_210 = %scan3A_199) -> (i32)  : i32 {
        %mul3A_211 = arith.constant 1 : i32
        %mul3A_212 = arith.muli %scan3A_209, %mul3A_211 : i32
        %add3A_213 = arith.constant 0 : i32
        %add3A_214 = arith.addi %mul3A_212, %add3A_213 : i32
        %mul3A_215 = arith.constant 16 : i32
        %mul3A_216 = arith.muli %add3A_214, %mul3A_215 : i32
        %add3A_217 = vector.broadcast %mul3A_216 : i32 to vector<16xi32>
        %add3A_218 = arith.addi %add3A_217, %iota3A : vector<16xi32>
        %gather3A_219 = tpu.vector_load_idx %arg9[%add3A_218] : memref<8000xf32, #tpu.memory_space<vmem>>[vector<16xi32>], vector<16xf32>,
        %bitcast3A = vector.bitcast %gather3A_219 : vector<16xf32> to vector<16xi32>
        %shift_right_arithmetic3A = arith.constant 0 : i32
        %shift_right_arithmetic3A_220 = vector.broadcast %shift_right_arithmetic3A : i32 to vector<16xi32>
        %shift_right_arithmetic3A_221 = arith.shrsi %bitcast3A, %shift_right_arithmetic3A_220 : vector<16xi32>
        %and3A_222 = arith.constant 1023 : i32
        %and3A_223 = vector.broadcast %and3A_222 : i32 to vector<16xi32>
        %and3A_224 = arith.andi %shift_right_arithmetic3A_221, %and3A_223 : vector<16xi32>
        %shift_right_arithmetic3A_225 = arith.constant 10 : i32
        %shift_right_arithmetic3A_226 = vector.broadcast %shift_right_arithmetic3A_225 : i32 to vector<16xi32>
        %shift_right_arithmetic3A_227 = arith.shrsi %bitcast3A, %shift_right_arithmetic3A_226 : vector<16xi32>
        %eq3A_228 = arith.cmpi eq, %shift_right_arithmetic3A_227, %add3A_118 : vector<16xi32>
        %mul3A_229 = arith.constant 16 : i32
        %mul3A_230 = vector.broadcast %mul3A_229 : i32 to vector<16xi32>
        %mul3A_231 = arith.muli %and3A_224, %mul3A_230 : vector<16xi32>
        %add3A_232 = arith.addi %mul3A_231, %iota3A : vector<16xi32>
        tpu.vector_store_idx %arg11[%add3A_232], %broadcast_in_dim3A_41 masked %eq3A_228 {add = true} : memref<16384xi32, #tpu.memory_space<vmem>>[vector<16xi32>], vector<16xi32>, vector<16xi1>
        %scan3A_233 = arith.constant 0 : i32
        scf.yield %scan3A_233 : i32
      }
      %scan3A_208 = arith.constant 500 : i32
      scf.yield %scan3A_207 : i32
    }
    %scan3A_133 = arith.constant 25 : i32
    %scan3A_134 = arith.constant 0 : i32
    %scan3A_135 = arith.constant 0 : i32
    %scan3A_136 = arith.constant 64 : i32
    %scan3A_137 = arith.addi %scan3A_135, %scan3A_136 : i32
    %scan3A_138 = arith.constant 1 : i32
    %scan3A_139 = scf.for %scan3A_198 = %scan3A_135 to %scan3A_137 step %scan3A_138 iter_args(%scan3A_199 = %scan3A_134) -> (i32)  : i32 {
      %mul3A_200 = arith.constant 16 : i32
      %mul3A_201 = arith.muli %scan3A_198, %mul3A_200 : i32
      %add3A_202 = vector.broadcast %mul3A_201 : i32 to vector<16xi32>
      %add3A_203 = arith.addi %add3A_202, %iota3A : vector<16xi32>
      %mul3A_204 = arith.constant 16 : i32
      %mul3A_205 = vector.broadcast %mul3A_204 : i32 to vector<16xi32>
      %mul3A_206 = arith.muli %add3A_203, %mul3A_205 : vector<16xi32>
      %add3A_207 = arith.constant 0 : i32
      %add3A_208 = vector.broadcast %add3A_207 : i32 to vector<16xi32>
      %add3A_209 = arith.addi %mul3A_206, %add3A_208 : vector<16xi32>
      %gather3A_210 = tpu.vector_load_idx %arg11[%add3A_209] : memref<16384xi32, #tpu.memory_space<vmem>>[vector<16xi32>], vector<16xi32>,
      %add3A_211 = arith.addi %broadcast_in_dim3A_43, %gather3A_210 : vector<16xi32>
      %mul3A_212 = arith.constant 16 : i32
      %mul3A_213 = vector.broadcast %mul3A_212 : i32 to vector<16xi32>
      %mul3A_214 = arith.muli %add3A_203, %mul3A_213 : vector<16xi32>
      %add3A_215 = arith.constant 1 : i32
      %add3A_216 = vector.broadcast %add3A_215 : i32 to vector<16xi32>
      %add3A_217 = arith.addi %mul3A_214, %add3A_216 : vector<16xi32>
      %gather3A_218 = tpu.vector_load_idx %arg11[%add3A_217] : memref<16384xi32, #tpu.memory_space<vmem>>[vector<16xi32>], vector<16xi32>,
      %add3A_219 = arith.addi %add3A_211, %gather3A_218 : vector<16xi32>
      %mul3A_220 = arith.constant 16 : i32
      %mul3A_221 = vector.broadcast %mul3A_220 : i32 to vector<16xi32>
      %mul3A_222 = arith.muli %add3A_203, %mul3A_221 : vector<16xi32>
      %add3A_223 = arith.constant 2 : i32
      %add3A_224 = vector.broadcast %add3A_223 : i32 to vector<16xi32>
      %add3A_225 = arith.addi %mul3A_222, %add3A_224 : vector<16xi32>
      %gather3A_226 = tpu.vector_load_idx %arg11[%add3A_225] : memref<16384xi32, #tpu.memory_space<vmem>>[vector<16xi32>], vector<16xi32>,
      %add3A_227 = arith.addi %add3A_219, %gather3A_226 : vector<16xi32>
      %mul3A_228 = arith.constant 16 : i32
      %mul3A_229 = vector.broadcast %mul3A_228 : i32 to vector<16xi32>
      %mul3A_230 = arith.muli %add3A_203, %mul3A_229 : vector<16xi32>
      %add3A_231 = arith.constant 3 : i32
      %add3A_232 = vector.broadcast %add3A_231 : i32 to vector<16xi32>
      %add3A_233 = arith.addi %mul3A_230, %add3A_232 : vector<16xi32>
      %gather3A_234 = tpu.vector_load_idx %arg11[%add3A_233] : memref<16384xi32, #tpu.memory_space<vmem>>[vector<16xi32>], vector<16xi32>,
      %add3A_235 = arith.addi %add3A_227, %gather3A_234 : vector<16xi32>
      %mul3A_236 = arith.constant 16 : i32
      %mul3A_237 = vector.broadcast %mul3A_236 : i32 to vector<16xi32>
      %mul3A_238 = arith.muli %add3A_203, %mul3A_237 : vector<16xi32>
      %add3A_239 = arith.constant 4 : i32
      %add3A_240 = vector.broadcast %add3A_239 : i32 to vector<16xi32>
      %add3A_241 = arith.addi %mul3A_238, %add3A_240 : vector<16xi32>
      %gather3A_242 = tpu.vector_load_idx %arg11[%add3A_241] : memref<16384xi32, #tpu.memory_space<vmem>>[vector<16xi32>], vector<16xi32>,
      %add3A_243 = arith.addi %add3A_235, %gather3A_242 : vector<16xi32>
      %mul3A_244 = arith.constant 16 : i32
      %mul3A_245 = vector.broadcast %mul3A_244 : i32 to vector<16xi32>
      %mul3A_246 = arith.muli %add3A_203, %mul3A_245 : vector<16xi32>
      %add3A_247 = arith.constant 5 : i32
      %add3A_248 = vector.broadcast %add3A_247 : i32 to vector<16xi32>
      %add3A_249 = arith.addi %mul3A_246, %add3A_248 : vector<16xi32>
      %gather3A_250 = tpu.vector_load_idx %arg11[%add3A_249] : memref<16384xi32, #tpu.memory_space<vmem>>[vector<16xi32>], vector<16xi32>,
      %add3A_251 = arith.addi %add3A_243, %gather3A_250 : vector<16xi32>
      %mul3A_252 = arith.constant 16 : i32
      %mul3A_253 = vector.broadcast %mul3A_252 : i32 to vector<16xi32>
      %mul3A_254 = arith.muli %add3A_203, %mul3A_253 : vector<16xi32>
      %add3A_255 = arith.constant 6 : i32
      %add3A_256 = vector.broadcast %add3A_255 : i32 to vector<16xi32>
      %add3A_257 = arith.addi %mul3A_254, %add3A_256 : vector<16xi32>
      %gather3A_258 = tpu.vector_load_idx %arg11[%add3A_257] : memref<16384xi32, #tpu.memory_space<vmem>>[vector<16xi32>], vector<16xi32>,
      %add3A_259 = arith.addi %add3A_251, %gather3A_258 : vector<16xi32>
      %mul3A_260 = arith.constant 16 : i32
      %mul3A_261 = vector.broadcast %mul3A_260 : i32 to vector<16xi32>
      %mul3A_262 = arith.muli %add3A_203, %mul3A_261 : vector<16xi32>
      %add3A_263 = arith.constant 7 : i32
      %add3A_264 = vector.broadcast %add3A_263 : i32 to vector<16xi32>
      %add3A_265 = arith.addi %mul3A_262, %add3A_264 : vector<16xi32>
      %gather3A_266 = tpu.vector_load_idx %arg11[%add3A_265] : memref<16384xi32, #tpu.memory_space<vmem>>[vector<16xi32>], vector<16xi32>,
      %add3A_267 = arith.addi %add3A_259, %gather3A_266 : vector<16xi32>
      %mul3A_268 = arith.constant 16 : i32
      %mul3A_269 = vector.broadcast %mul3A_268 : i32 to vector<16xi32>
      %mul3A_270 = arith.muli %add3A_203, %mul3A_269 : vector<16xi32>
      %add3A_271 = arith.constant 8 : i32
      %add3A_272 = vector.broadcast %add3A_271 : i32 to vector<16xi32>
      %add3A_273 = arith.addi %mul3A_270, %add3A_272 : vector<16xi32>
      %gather3A_274 = tpu.vector_load_idx %arg11[%add3A_273] : memref<16384xi32, #tpu.memory_space<vmem>>[vector<16xi32>], vector<16xi32>,
      %add3A_275 = arith.addi %add3A_267, %gather3A_274 : vector<16xi32>
      %mul3A_276 = arith.constant 16 : i32
      %mul3A_277 = vector.broadcast %mul3A_276 : i32 to vector<16xi32>
      %mul3A_278 = arith.muli %add3A_203, %mul3A_277 : vector<16xi32>
      %add3A_279 = arith.constant 9 : i32
      %add3A_280 = vector.broadcast %add3A_279 : i32 to vector<16xi32>
      %add3A_281 = arith.addi %mul3A_278, %add3A_280 : vector<16xi32>
      %gather3A_282 = tpu.vector_load_idx %arg11[%add3A_281] : memref<16384xi32, #tpu.memory_space<vmem>>[vector<16xi32>], vector<16xi32>,
      %add3A_283 = arith.addi %add3A_275, %gather3A_282 : vector<16xi32>
      %mul3A_284 = arith.constant 16 : i32
      %mul3A_285 = vector.broadcast %mul3A_284 : i32 to vector<16xi32>
      %mul3A_286 = arith.muli %add3A_203, %mul3A_285 : vector<16xi32>
      %add3A_287 = arith.constant 10 : i32
      %add3A_288 = vector.broadcast %add3A_287 : i32 to vector<16xi32>
      %add3A_289 = arith.addi %mul3A_286, %add3A_288 : vector<16xi32>
      %gather3A_290 = tpu.vector_load_idx %arg11[%add3A_289] : memref<16384xi32, #tpu.memory_space<vmem>>[vector<16xi32>], vector<16xi32>,
      %add3A_291 = arith.addi %add3A_283, %gather3A_290 : vector<16xi32>
      %mul3A_292 = arith.constant 16 : i32
      %mul3A_293 = vector.broadcast %mul3A_292 : i32 to vector<16xi32>
      %mul3A_294 = arith.muli %add3A_203, %mul3A_293 : vector<16xi32>
      %add3A_295 = arith.constant 11 : i32
      %add3A_296 = vector.broadcast %add3A_295 : i32 to vector<16xi32>
      %add3A_297 = arith.addi %mul3A_294, %add3A_296 : vector<16xi32>
      %gather3A_298 = tpu.vector_load_idx %arg11[%add3A_297] : memref<16384xi32, #tpu.memory_space<vmem>>[vector<16xi32>], vector<16xi32>,
      %add3A_299 = arith.addi %add3A_291, %gather3A_298 : vector<16xi32>
      %mul3A_300 = arith.constant 16 : i32
      %mul3A_301 = vector.broadcast %mul3A_300 : i32 to vector<16xi32>
      %mul3A_302 = arith.muli %add3A_203, %mul3A_301 : vector<16xi32>
      %add3A_303 = arith.constant 12 : i32
      %add3A_304 = vector.broadcast %add3A_303 : i32 to vector<16xi32>
      %add3A_305 = arith.addi %mul3A_302, %add3A_304 : vector<16xi32>
      %gather3A_306 = tpu.vector_load_idx %arg11[%add3A_305] : memref<16384xi32, #tpu.memory_space<vmem>>[vector<16xi32>], vector<16xi32>,
      %add3A_307 = arith.addi %add3A_299, %gather3A_306 : vector<16xi32>
      %mul3A_308 = arith.constant 16 : i32
      %mul3A_309 = vector.broadcast %mul3A_308 : i32 to vector<16xi32>
      %mul3A_310 = arith.muli %add3A_203, %mul3A_309 : vector<16xi32>
      %add3A_311 = arith.constant 13 : i32
      %add3A_312 = vector.broadcast %add3A_311 : i32 to vector<16xi32>
      %add3A_313 = arith.addi %mul3A_310, %add3A_312 : vector<16xi32>
      %gather3A_314 = tpu.vector_load_idx %arg11[%add3A_313] : memref<16384xi32, #tpu.memory_space<vmem>>[vector<16xi32>], vector<16xi32>,
      %add3A_315 = arith.addi %add3A_307, %gather3A_314 : vector<16xi32>
      %mul3A_316 = arith.constant 16 : i32
      %mul3A_317 = vector.broadcast %mul3A_316 : i32 to vector<16xi32>
      %mul3A_318 = arith.muli %add3A_203, %mul3A_317 : vector<16xi32>
      %add3A_319 = arith.constant 14 : i32
      %add3A_320 = vector.broadcast %add3A_319 : i32 to vector<16xi32>
      %add3A_321 = arith.addi %mul3A_318, %add3A_320 : vector<16xi32>
      %gather3A_322 = tpu.vector_load_idx %arg11[%add3A_321] : memref<16384xi32, #tpu.memory_space<vmem>>[vector<16xi32>], vector<16xi32>,
      %add3A_323 = arith.addi %add3A_315, %gather3A_322 : vector<16xi32>
      %mul3A_324 = arith.constant 16 : i32
      %mul3A_325 = vector.broadcast %mul3A_324 : i32 to vector<16xi32>
      %mul3A_326 = arith.muli %add3A_203, %mul3A_325 : vector<16xi32>
      %add3A_327 = arith.constant 15 : i32
      %add3A_328 = vector.broadcast %add3A_327 : i32 to vector<16xi32>
      %add3A_329 = arith.addi %mul3A_326, %add3A_328 : vector<16xi32>
      %gather3A_330 = tpu.vector_load_idx %arg11[%add3A_329] : memref<16384xi32, #tpu.memory_space<vmem>>[vector<16xi32>], vector<16xi32>,
      %add3A_331 = arith.addi %add3A_323, %gather3A_330 : vector<16xi32>
      tpu.vector_store_idx %arg12[%add3A_203], %add3A_331 : memref<1024xi32, #tpu.memory_space<vmem>>[vector<16xi32>], vector<16xi32>,
      %scan3A_332 = arith.constant 0 : i32
      scf.yield %scan3A_332 : i32
    }
    %scan3A_140 = arith.constant 64 : i32
    "tpu.region"() ({
      %run_scoped3A = tpu.sem_alloc : memref<!tpu.dma_semaphore, #tpu.memory_space<semaphore_mem>>
      %dma_start3A = arith.constant 0 : i32
      %dma_start3A_198 = tpu.memref_slice %arg30[%arg1, %dma_start3A] : memref<16x1024xi32, #tpu.memory_space<vmem_shared>> -> memref<1x1024xi32, #tpu.memory_space<vmem_shared>>
      %dma_start3A_199 = tpu.memref_squeeze %dma_start3A_198 : memref<1x1024xi32, #tpu.memory_space<vmem_shared>> -> memref<1024xi32, #tpu.memory_space<vmem_shared>>
      %dma_start3A_200 = arith.constant 0 : i32
      %dma_start3A_201 = tpu.memref_slice %arg30[%arg1, %dma_start3A_200] : memref<16x1024xi32, #tpu.memory_space<vmem_shared>> -> memref<1x1024xi32, #tpu.memory_space<vmem_shared>>
      %dma_start3A_202 = tpu.memref_squeeze %dma_start3A_201 : memref<1x1024xi32, #tpu.memory_space<vmem_shared>> -> memref<1024xi32, #tpu.memory_space<vmem_shared>>
      tpu.enqueue_dma source(%arg12 : memref<1024xi32, #tpu.memory_space<vmem>>) target(%dma_start3A_202 : memref<1024xi32, #tpu.memory_space<vmem_shared>>) target_semaphore(%run_scoped3A : memref<!tpu.dma_semaphore, #tpu.memory_space<semaphore_mem>>)
      %dma_wait3A = arith.constant 0 : i32
      %dma_wait3A_203 = tpu.memref_slice %arg30[%arg1, %dma_wait3A] : memref<16x1024xi32, #tpu.memory_space<vmem_shared>> -> memref<1x1024xi32, #tpu.memory_space<vmem_shared>>
      %dma_wait3A_204 = tpu.memref_squeeze %dma_wait3A_203 : memref<1x1024xi32, #tpu.memory_space<vmem_shared>> -> memref<1024xi32, #tpu.memory_space<vmem_shared>>
      %dma_wait3A_205 = arith.constant 0 : i32
      %dma_wait3A_206 = tpu.memref_slice %arg30[%arg1, %dma_wait3A_205] : memref<16x1024xi32, #tpu.memory_space<vmem_shared>> -> memref<1x1024xi32, #tpu.memory_space<vmem_shared>>
      %dma_wait3A_207 = tpu.memref_squeeze %dma_wait3A_206 : memref<1x1024xi32, #tpu.memory_space<vmem_shared>> -> memref<1024xi32, #tpu.memory_space<vmem_shared>>
      tpu.wait_dma2 semaphore(%run_scoped3A : memref<!tpu.dma_semaphore, #tpu.memory_space<semaphore_mem>>) src(%arg12 : memref<1024xi32, #tpu.memory_space<vmem>>) dst(%dma_wait3A_207 : memref<1024xi32, #tpu.memory_space<vmem_shared>>)
      tpu.yield
    }) : () -> ()
    %barrier3A_141 = arith.constant 0 : index
    tpu.barrier barrier_id(%barrier3A_141)
    "tpu.region"() ({
      %run_scoped3A = tpu.sem_alloc : memref<!tpu.dma_semaphore, #tpu.memory_space<semaphore_mem>>
      %dma_start3A = arith.constant 0 : i32
      %dma_start3A_198 = tpu.memref_slice %arg30[%sub3A_35, %dma_start3A] : memref<16x1024xi32, #tpu.memory_space<vmem_shared>> -> memref<1x1024xi32, #tpu.memory_space<vmem_shared>>
      %dma_start3A_199 = tpu.memref_squeeze %dma_start3A_198 : memref<1x1024xi32, #tpu.memory_space<vmem_shared>> -> memref<1024xi32, #tpu.memory_space<vmem_shared>>
      %dma_start3A_200 = arith.constant 0 : i32
      %dma_start3A_201 = tpu.memref_slice %arg30[%sub3A_35, %dma_start3A_200] : memref<16x1024xi32, #tpu.memory_space<vmem_shared>> -> memref<1x1024xi32, #tpu.memory_space<vmem_shared>>
      %dma_start3A_202 = tpu.memref_squeeze %dma_start3A_201 : memref<1x1024xi32, #tpu.memory_space<vmem_shared>> -> memref<1024xi32, #tpu.memory_space<vmem_shared>>
      tpu.enqueue_dma source(%dma_start3A_202 : memref<1024xi32, #tpu.memory_space<vmem_shared>>) target(%arg13 : memref<1024xi32, #tpu.memory_space<vmem>>) target_semaphore(%run_scoped3A : memref<!tpu.dma_semaphore, #tpu.memory_space<semaphore_mem>>)
      %dma_wait3A = arith.constant 0 : i32
      %dma_wait3A_203 = tpu.memref_slice %arg30[%sub3A_35, %dma_wait3A] : memref<16x1024xi32, #tpu.memory_space<vmem_shared>> -> memref<1x1024xi32, #tpu.memory_space<vmem_shared>>
      %dma_wait3A_204 = tpu.memref_squeeze %dma_wait3A_203 : memref<1x1024xi32, #tpu.memory_space<vmem_shared>> -> memref<1024xi32, #tpu.memory_space<vmem_shared>>
      %dma_wait3A_205 = arith.constant 0 : i32
      %dma_wait3A_206 = tpu.memref_slice %arg30[%sub3A_35, %dma_wait3A_205] : memref<16x1024xi32, #tpu.memory_space<vmem_shared>> -> memref<1x1024xi32, #tpu.memory_space<vmem_shared>>
      %dma_wait3A_207 = tpu.memref_squeeze %dma_wait3A_206 : memref<1x1024xi32, #tpu.memory_space<vmem_shared>> -> memref<1024xi32, #tpu.memory_space<vmem_shared>>
      tpu.wait_dma2 semaphore(%run_scoped3A : memref<!tpu.dma_semaphore, #tpu.memory_space<semaphore_mem>>) src(%dma_wait3A_207 : memref<1024xi32, #tpu.memory_space<vmem_shared>>) dst(%arg13 : memref<1024xi32, #tpu.memory_space<vmem>>)
      tpu.yield
    }) : () -> ()
    %lt3A_142 = arith.constant 0 : i32
    %lt3A_143 = vector.broadcast %lt3A_142 : i32 to vector<16xi32>
    %lt3A_144 = arith.cmpi slt, %iota3A, %lt3A_143 : vector<16xi32>
    %scan3A_145 = arith.constant 0 : i32
    %scan3A_146 = arith.constant 1024 : i32
    %scan3A_147 = arith.addi %scan3A_145, %scan3A_146 : i32
    %scan3A_148 = arith.constant 1 : i32
    %scan3A_149:4 = scf.for %scan3A_198 = %scan3A_145 to %scan3A_147 step %scan3A_148 iter_args(%scan3A_199 = %broadcast_in_dim3A_43, %scan3A_200 = %broadcast_in_dim3A_43, %scan3A_201 = %broadcast_in_dim3A_43, %scan3A_202 = %lt3A_144) -> (vector<16xi32>, vector<16xi32>, vector<16xi32>, vector<16xi1>)  : i32 {
      %sub3A_203 = arith.constant 1023 : i32
      %sub3A_204 = arith.subi %sub3A_203, %scan3A_198 : i32
      %broadcast_in_dim3A_205 = vector.broadcast %sub3A_204 : i32 to vector<16xi32>
      %gather3A_206 = tpu.vector_load_idx %arg12[%broadcast_in_dim3A_205] : memref<1024xi32, #tpu.memory_space<vmem>>[vector<16xi32>], vector<16xi32>,
      %gather3A_207 = tpu.vector_load_idx %arg13[%broadcast_in_dim3A_205] : memref<1024xi32, #tpu.memory_space<vmem>>[vector<16xi32>], vector<16xi32>,
      %add3A_208 = arith.addi %gather3A_206, %gather3A_207 : vector<16xi32>
      %not3A = arith.constant dense<true> : vector<16xi1>
      %not3A_209 = arith.xori %scan3A_202, %not3A : vector<16xi1>
      %add3A_210 = arith.addi %add3A_113, %scan3A_199 : vector<16xi32>
      %add3A_211 = arith.addi %add3A_210, %add3A_208 : vector<16xi32>
      %ge3A = arith.cmpi sge, %add3A_211, %broadcast_in_dim3A_45 : vector<16xi32>
      %and3A_212 = arith.andi %not3A_209, %ge3A : vector<16xi1>
      %select_n3A_213 = arith.select %and3A_212, %broadcast_in_dim3A_205, %scan3A_201 : vector<16xi1>, vector<16xi32>
      %or3A = arith.ori %scan3A_202, %and3A_212 : vector<16xi1>
      %jit3A_214 = arith.constant 0 : i32
      %broadcast_in_dim3A_215 = vector.broadcast %jit3A_214 : i32 to vector<16xi32>
      %select_n3A_216 = arith.select %or3A, %broadcast_in_dim3A_215, %add3A_208 : vector<16xi1>, vector<16xi32>
      %add3A_217 = arith.addi %scan3A_199, %select_n3A_216 : vector<16xi32>
      %jit3A_218 = arith.constant 0 : i32
      %broadcast_in_dim3A_219 = vector.broadcast %jit3A_218 : i32 to vector<16xi32>
      %select_n3A_220 = arith.select %or3A, %broadcast_in_dim3A_219, %gather3A_206 : vector<16xi1>, vector<16xi32>
      %add3A_221 = arith.addi %scan3A_200, %select_n3A_220 : vector<16xi32>
      scf.yield %add3A_217, %add3A_221, %select_n3A_213, %or3A : vector<16xi32>, vector<16xi32>, vector<16xi32>, vector<16xi1>
    }
    %scan3A_150 = arith.constant 1024 : i32
    %add3A_151 = arith.addi %add3A_113, %scan3A_149#0 : vector<16xi32>
    %add3A_152 = arith.addi %add3A_114, %scan3A_149#1 : vector<16xi32>
    %mul3A_153 = arith.constant 1024 : i32
    %mul3A_154 = vector.broadcast %mul3A_153 : i32 to vector<16xi32>
    %mul3A_155 = arith.muli %add3A_118, %mul3A_154 : vector<16xi32>
    %add3A_156 = arith.addi %mul3A_155, %scan3A_149#2 : vector<16xi32>
    %barrier3A_157 = arith.constant 0 : index
    tpu.barrier barrier_id(%barrier3A_157)
    %gather3A = tpu.vector_load_idx %arg12[%scan3A_149#2] : memref<1024xi32, #tpu.memory_space<vmem>>[vector<16xi32>], vector<16xi32>,
    %eq3A_158 = arith.constant 0 : i32
    %eq3A_159 = vector.broadcast %eq3A_158 : i32 to vector<16xi32>
    %eq3A_160 = arith.cmpi eq, %iota3A, %eq3A_159 : vector<16xi32>
    %eq3A_161 = arith.constant 1 : i32
    %eq3A_162 = vector.broadcast %eq3A_161 : i32 to vector<16xi32>
    %eq3A_163 = arith.cmpi eq, %iota3A, %eq3A_162 : vector<16xi32>
    %select_n3A_164 = arith.select %eq3A_163, %gather3A, %broadcast_in_dim3A_43 : vector<16xi1>, vector<16xi32>
    %select_n3A_165 = arith.select %eq3A_160, %add3A_152, %select_n3A_164 : vector<16xi1>, vector<16xi32>
    tpu.vector_store_idx %arg12[%iota3A], %select_n3A_165 : memref<1024xi32, #tpu.memory_space<vmem>>[vector<16xi32>], vector<16xi32>,
    "tpu.region"() ({
      %run_scoped3A = tpu.sem_alloc : memref<!tpu.dma_semaphore, #tpu.memory_space<semaphore_mem>>
      %dma_start3A = arith.constant 0 : i32
      %dma_start3A_198 = tpu.memref_slice %arg12[%dma_start3A] : memref<1024xi32, #tpu.memory_space<vmem>> -> memref<16xi32, #tpu.memory_space<vmem>>
      %dma_start3A_199 = arith.constant 0 : i32
      %dma_start3A_200 = tpu.memref_slice %arg31[%arg1, %dma_start3A_199] : memref<16x16xi32, #tpu.memory_space<vmem_shared>> -> memref<1x16xi32, #tpu.memory_space<vmem_shared>>
      %dma_start3A_201 = tpu.memref_squeeze %dma_start3A_200 : memref<1x16xi32, #tpu.memory_space<vmem_shared>> -> memref<16xi32, #tpu.memory_space<vmem_shared>>
      %dma_start3A_202 = arith.constant 0 : i32
      %dma_start3A_203 = tpu.memref_slice %arg31[%arg1, %dma_start3A_202] : memref<16x16xi32, #tpu.memory_space<vmem_shared>> -> memref<1x16xi32, #tpu.memory_space<vmem_shared>>
      %dma_start3A_204 = tpu.memref_squeeze %dma_start3A_203 : memref<1x16xi32, #tpu.memory_space<vmem_shared>> -> memref<16xi32, #tpu.memory_space<vmem_shared>>
      %dma_start3A_205 = arith.constant 0 : i32
      %dma_start3A_206 = tpu.memref_slice %arg12[%dma_start3A_205] : memref<1024xi32, #tpu.memory_space<vmem>> -> memref<16xi32, #tpu.memory_space<vmem>>
      tpu.enqueue_dma source(%dma_start3A_206 : memref<16xi32, #tpu.memory_space<vmem>>) target(%dma_start3A_204 : memref<16xi32, #tpu.memory_space<vmem_shared>>) target_semaphore(%run_scoped3A : memref<!tpu.dma_semaphore, #tpu.memory_space<semaphore_mem>>)
      %dma_wait3A = arith.constant 0 : i32
      %dma_wait3A_207 = tpu.memref_slice %arg12[%dma_wait3A] : memref<1024xi32, #tpu.memory_space<vmem>> -> memref<16xi32, #tpu.memory_space<vmem>>
      %dma_wait3A_208 = arith.constant 0 : i32
      %dma_wait3A_209 = tpu.memref_slice %arg31[%arg1, %dma_wait3A_208] : memref<16x16xi32, #tpu.memory_space<vmem_shared>> -> memref<1x16xi32, #tpu.memory_space<vmem_shared>>
      %dma_wait3A_210 = tpu.memref_squeeze %dma_wait3A_209 : memref<1x16xi32, #tpu.memory_space<vmem_shared>> -> memref<16xi32, #tpu.memory_space<vmem_shared>>
      %dma_wait3A_211 = arith.constant 0 : i32
      %dma_wait3A_212 = tpu.memref_slice %arg31[%arg1, %dma_wait3A_211] : memref<16x16xi32, #tpu.memory_space<vmem_shared>> -> memref<1x16xi32, #tpu.memory_space<vmem_shared>>
      %dma_wait3A_213 = tpu.memref_squeeze %dma_wait3A_212 : memref<1x16xi32, #tpu.memory_space<vmem_shared>> -> memref<16xi32, #tpu.memory_space<vmem_shared>>
      %dma_wait3A_214 = arith.constant 0 : i32
      %dma_wait3A_215 = tpu.memref_slice %arg12[%dma_wait3A_214] : memref<1024xi32, #tpu.memory_space<vmem>> -> memref<16xi32, #tpu.memory_space<vmem>>
      tpu.wait_dma2 semaphore(%run_scoped3A : memref<!tpu.dma_semaphore, #tpu.memory_space<semaphore_mem>>) src(%dma_wait3A_215 : memref<16xi32, #tpu.memory_space<vmem>>) dst(%dma_wait3A_213 : memref<16xi32, #tpu.memory_space<vmem_shared>>)
      tpu.yield
    }) : () -> ()
    %barrier3A_166 = arith.constant 0 : index
    tpu.barrier barrier_id(%barrier3A_166)
    "tpu.region"() ({
      %run_scoped3A = tpu.sem_alloc : memref<!tpu.dma_semaphore, #tpu.memory_space<semaphore_mem>>
      %dma_start3A = arith.constant 0 : i32
      %dma_start3A_198 = tpu.memref_slice %arg13[%dma_start3A] : memref<1024xi32, #tpu.memory_space<vmem>> -> memref<16xi32, #tpu.memory_space<vmem>>
      %dma_start3A_199 = arith.constant 0 : i32
      %dma_start3A_200 = tpu.memref_slice %arg31[%sub3A_35, %dma_start3A_199] : memref<16x16xi32, #tpu.memory_space<vmem_shared>> -> memref<1x16xi32, #tpu.memory_space<vmem_shared>>
      %dma_start3A_201 = tpu.memref_squeeze %dma_start3A_200 : memref<1x16xi32, #tpu.memory_space<vmem_shared>> -> memref<16xi32, #tpu.memory_space<vmem_shared>>
      %dma_start3A_202 = arith.constant 0 : i32
      %dma_start3A_203 = tpu.memref_slice %arg13[%dma_start3A_202] : memref<1024xi32, #tpu.memory_space<vmem>> -> memref<16xi32, #tpu.memory_space<vmem>>
      %dma_start3A_204 = arith.constant 0 : i32
      %dma_start3A_205 = tpu.memref_slice %arg31[%sub3A_35, %dma_start3A_204] : memref<16x16xi32, #tpu.memory_space<vmem_shared>> -> memref<1x16xi32, #tpu.memory_space<vmem_shared>>
      %dma_start3A_206 = tpu.memref_squeeze %dma_start3A_205 : memref<1x16xi32, #tpu.memory_space<vmem_shared>> -> memref<16xi32, #tpu.memory_space<vmem_shared>>
      tpu.enqueue_dma source(%dma_start3A_206 : memref<16xi32, #tpu.memory_space<vmem_shared>>) target(%dma_start3A_203 : memref<16xi32, #tpu.memory_space<vmem>>) target_semaphore(%run_scoped3A : memref<!tpu.dma_semaphore, #tpu.memory_space<semaphore_mem>>)
      %dma_wait3A = arith.constant 0 : i32
      %dma_wait3A_207 = tpu.memref_slice %arg13[%dma_wait3A] : memref<1024xi32, #tpu.memory_space<vmem>> -> memref<16xi32, #tpu.memory_space<vmem>>
      %dma_wait3A_208 = arith.constant 0 : i32
      %dma_wait3A_209 = tpu.memref_slice %arg31[%sub3A_35, %dma_wait3A_208] : memref<16x16xi32, #tpu.memory_space<vmem_shared>> -> memref<1x16xi32, #tpu.memory_space<vmem_shared>>
      %dma_wait3A_210 = tpu.memref_squeeze %dma_wait3A_209 : memref<1x16xi32, #tpu.memory_space<vmem_shared>> -> memref<16xi32, #tpu.memory_space<vmem_shared>>
      %dma_wait3A_211 = arith.constant 0 : i32
      %dma_wait3A_212 = tpu.memref_slice %arg13[%dma_wait3A_211] : memref<1024xi32, #tpu.memory_space<vmem>> -> memref<16xi32, #tpu.memory_space<vmem>>
      %dma_wait3A_213 = arith.constant 0 : i32
      %dma_wait3A_214 = tpu.memref_slice %arg31[%sub3A_35, %dma_wait3A_213] : memref<16x16xi32, #tpu.memory_space<vmem_shared>> -> memref<1x16xi32, #tpu.memory_space<vmem_shared>>
      %dma_wait3A_215 = tpu.memref_squeeze %dma_wait3A_214 : memref<1x16xi32, #tpu.memory_space<vmem_shared>> -> memref<16xi32, #tpu.memory_space<vmem_shared>>
      tpu.wait_dma2 semaphore(%run_scoped3A : memref<!tpu.dma_semaphore, #tpu.memory_space<semaphore_mem>>) src(%dma_wait3A_215 : memref<16xi32, #tpu.memory_space<vmem_shared>>) dst(%dma_wait3A_212 : memref<16xi32, #tpu.memory_space<vmem>>)
      tpu.yield
    }) : () -> ()
    %get3A = arith.constant 0 : index
    %get3A_167 = tpu.vector_load %arg13[%get3A] {strides = array<i32>} : memref<1024xi32, #tpu.memory_space<vmem>>, vector<16xi32>,
    %slice3A = vector.extract_strided_slice %get3A_167 {offsets = [0], sizes = [1], strides = [1]} : vector<16xi32> to vector<1xi32>
    %squeeze3A = vector.extract %slice3A[0] : i32 from vector<1xi32>
    %broadcast_in_dim3A_168 = vector.broadcast %squeeze3A : i32 to vector<16xi32>
    %slice3A_169 = vector.extract_strided_slice %get3A_167 {offsets = [1], sizes = [1], strides = [1]} : vector<16xi32> to vector<1xi32>
    %squeeze3A_170 = vector.extract %slice3A_169[0] : i32 from vector<1xi32>
    %broadcast_in_dim3A_171 = vector.broadcast %squeeze3A_170 : i32 to vector<16xi32>
    %eq3A_172 = arith.constant 0 : i32
    %eq3A_173 = arith.cmpi eq, %select_n3A_30, %eq3A_172 : i32
    %select_n3A_174 = arith.select %eq3A_173, %add3A_152, %broadcast_in_dim3A_168 : vector<16xi32>
    %eq3A_175 = arith.constant 0 : i32
    %eq3A_176 = arith.cmpi eq, %select_n3A_30, %eq3A_175 : i32
    %select_n3A_177 = arith.select %eq3A_176, %broadcast_in_dim3A_168, %add3A_152 : vector<16xi32>
    %eq3A_178 = arith.constant 0 : i32
    %eq3A_179 = arith.cmpi eq, %select_n3A_30, %eq3A_178 : i32
    %select_n3A_180 = arith.select %eq3A_179, %gather3A, %broadcast_in_dim3A_171 : vector<16xi32>
    %sub3A_181 = arith.subi %broadcast_in_dim3A_45, %select_n3A_174 : vector<16xi32>
    %sub3A_182 = arith.subi %sub3A_181, %select_n3A_177 : vector<16xi32>
    %min3A = arith.minsi %select_n3A_180, %sub3A_182 : vector<16xi32>
    %sub3A_183 = arith.subi %sub3A_182, %min3A : vector<16xi32>
    %eq3A_184 = arith.constant 0 : i32
    %eq3A_185 = arith.cmpi eq, %select_n3A_30, %eq3A_184 : i32
    %select_n3A_186 = arith.select %eq3A_185, %min3A, %sub3A_183 : vector<16xi32>
    %add3A_187 = arith.addi %select_n3A_174, %min3A : vector<16xi32>
    %scan3A_188 = arith.constant 0 : i32
    %scan3A_189 = arith.constant 25 : i32
    %scan3A_190 = arith.addi %scan3A_188, %scan3A_189 : i32
    %scan3A_191 = arith.constant 1 : i32
    %scan3A_192:2 = scf.for %scan3A_198 = %scan3A_188 to %scan3A_190 step %scan3A_191 iter_args(%scan3A_199 = %broadcast_in_dim3A_43, %scan3A_200 = %broadcast_in_dim3A_43) -> (vector<16xi32>, vector<16xi32>)  : i32 {
      %mul3A_201 = arith.constant 8000 : i32
      %mul3A_202 = arith.muli %scan3A_198, %mul3A_201 : i32
      %add3A_203 = arith.addi %add3A_40, %mul3A_202 : i32
      "tpu.region"() ({
        %run_scoped3A = tpu.sem_alloc : memref<!tpu.dma_semaphore, #tpu.memory_space<semaphore_mem>>
        %dma_start3A = tpu.memref_slice %arg2[%add3A_203] : memref<6400000xf32, #tpu.memory_space<hbm>> -> memref<8000xf32, #tpu.memory_space<hbm>>
        %dma_start3A_218 = tpu.memref_slice %arg2[%add3A_203] : memref<6400000xf32, #tpu.memory_space<hbm>> -> memref<8000xf32, #tpu.memory_space<hbm>>
        tpu.enqueue_dma source(%dma_start3A_218 : memref<8000xf32, #tpu.memory_space<hbm>>) target(%arg9 : memref<8000xf32, #tpu.memory_space<vmem>>) target_semaphore(%run_scoped3A : memref<!tpu.dma_semaphore, #tpu.memory_space<semaphore_mem>>)
        %dma_wait3A = tpu.memref_slice %arg2[%add3A_203] : memref<6400000xf32, #tpu.memory_space<hbm>> -> memref<8000xf32, #tpu.memory_space<hbm>>
        %dma_wait3A_219 = tpu.memref_slice %arg2[%add3A_203] : memref<6400000xf32, #tpu.memory_space<hbm>> -> memref<8000xf32, #tpu.memory_space<hbm>>
        tpu.wait_dma2 semaphore(%run_scoped3A : memref<!tpu.dma_semaphore, #tpu.memory_space<semaphore_mem>>) src(%dma_wait3A_219 : memref<8000xf32, #tpu.memory_space<hbm>>) dst(%arg9 : memref<8000xf32, #tpu.memory_space<vmem>>)
        tpu.yield
      }) : () -> ()
      %mul3A_204 = arith.constant 200000 : i32
      %mul3A_205 = arith.muli %select_n3A_30, %mul3A_204 : i32
      %broadcast_in_dim3A_206 = vector.broadcast %mul3A_205 : i32 to vector<16xi32>
      %mul3A_207 = arith.constant 8000 : i32
      %mul3A_208 = arith.muli %scan3A_198, %mul3A_207 : i32
      %add3A_209 = vector.broadcast %mul3A_208 : i32 to vector<16xi32>
      %add3A_210 = arith.addi %broadcast_in_dim3A_206, %add3A_209 : vector<16xi32>
      %add3A_211 = arith.addi %add3A_210, %iota3A : vector<16xi32>
      %scan3A_212 = arith.constant 0 : i32
      %scan3A_213 = arith.constant 500 : i32
      %scan3A_214 = arith.addi %scan3A_212, %scan3A_213 : i32
      %scan3A_215 = arith.constant 1 : i32
      %scan3A_216:2 = scf.for %scan3A_218 = %scan3A_212 to %scan3A_214 step %scan3A_215 iter_args(%scan3A_219 = %scan3A_199, %scan3A_220 = %scan3A_200) -> (vector<16xi32>, vector<16xi32>)  : i32 {
        %mul3A_221 = arith.constant 1 : i32
        %mul3A_222 = arith.muli %scan3A_218, %mul3A_221 : i32
        %add3A_223 = arith.constant 0 : i32
        %add3A_224 = arith.addi %mul3A_222, %add3A_223 : i32
        %mul3A_225 = arith.constant 16 : i32
        %mul3A_226 = arith.muli %add3A_224, %mul3A_225 : i32
        %add3A_227 = vector.broadcast %mul3A_226 : i32 to vector<16xi32>
        %add3A_228 = arith.addi %add3A_227, %iota3A : vector<16xi32>
        %gather3A_229 = tpu.vector_load_idx %arg9[%add3A_228] : memref<8000xf32, #tpu.memory_space<vmem>>[vector<16xi32>], vector<16xf32>,
        %bitcast3A = vector.bitcast %gather3A_229 : vector<16xf32> to vector<16xi32>
        %gt3A = arith.cmpi sgt, %bitcast3A, %add3A_156 : vector<16xi32>
        %eq3A_230 = arith.cmpi eq, %bitcast3A, %add3A_156 : vector<16xi32>
        %convert_element_type3A_231 = arith.extui %eq3A_230 : vector<16xi1> to vector<16xi32>
        %broadcast_in_dim3A_232 = arith.constant true
        %broadcast_in_dim3A_233 = vector.broadcast %broadcast_in_dim3A_232 : i1 to vector<16xi1>
        %masked_cumsum3A = tpu.scan <sum>, %convert_element_type3A_231 masked %broadcast_in_dim3A_233 : vector<16xi32>, vector<16xi1> -> vector<16xi32>
        %add3A_234 = arith.addi %scan3A_220, %masked_cumsum3A : vector<16xi32>
        %le3A = arith.cmpi sle, %add3A_234, %select_n3A_186 : vector<16xi32>
        %and3A_235 = arith.andi %eq3A_230, %le3A : vector<16xi1>
        %or3A = arith.ori %gt3A, %and3A_235 : vector<16xi1>
        %convert_element_type3A_236 = arith.extui %or3A : vector<16xi1> to vector<16xi32>
        %broadcast_in_dim3A_237 = arith.constant true
        %broadcast_in_dim3A_238 = vector.broadcast %broadcast_in_dim3A_237 : i1 to vector<16xi1>
        %masked_cumsum3A_239 = tpu.scan <sum>, %convert_element_type3A_236 masked %broadcast_in_dim3A_238 : vector<16xi32>, vector<16xi1> -> vector<16xi32>
        %add3A_240 = arith.addi %scan3A_219, %masked_cumsum3A_239 : vector<16xi32>
        %sub3A_241 = arith.constant 1 : i32
        %sub3A_242 = vector.broadcast %sub3A_241 : i32 to vector<16xi32>
        %sub3A_243 = arith.subi %add3A_240, %sub3A_242 : vector<16xi32>
        tpu.vector_store_idx %arg14[%sub3A_243], %bitcast3A masked %or3A : memref<5024xi32, #tpu.memory_space<vmem>>[vector<16xi32>], vector<16xi32>, vector<16xi1>
        %mul3A_244 = arith.constant 1 : i32
        %mul3A_245 = arith.muli %scan3A_218, %mul3A_244 : i32
        %add3A_246 = arith.constant 0 : i32
        %add3A_247 = arith.addi %mul3A_245, %add3A_246 : i32
        %mul3A_248 = arith.constant 16 : i32
        %mul3A_249 = arith.muli %add3A_247, %mul3A_248 : i32
        %add3A_250 = vector.broadcast %mul3A_249 : i32 to vector<16xi32>
        %add3A_251 = arith.addi %add3A_211, %add3A_250 : vector<16xi32>
        tpu.vector_store_idx %arg15[%sub3A_243], %add3A_251 masked %or3A : memref<5024xi32, #tpu.memory_space<vmem>>[vector<16xi32>], vector<16xi32>, vector<16xi1>
        %all_reduce_population_count3A = tpu.all_reduce %or3A {dim = 0 : i64, kind = #tpu.reduction_kind<sum>} : vector<16xi1> -> vector<16xi32>
        %add3A_252 = arith.addi %scan3A_219, %all_reduce_population_count3A : vector<16xi32>
        %all_reduce_population_count3A_253 = tpu.all_reduce %eq3A_230 {dim = 0 : i64, kind = #tpu.reduction_kind<sum>} : vector<16xi1> -> vector<16xi32>
        %add3A_254 = arith.addi %scan3A_220, %all_reduce_population_count3A_253 : vector<16xi32>
        scf.yield %add3A_252, %add3A_254 : vector<16xi32>, vector<16xi32>
      }
      %scan3A_217 = arith.constant 500 : i32
      scf.yield %scan3A_216#0, %scan3A_216#1 : vector<16xi32>, vector<16xi32>
    }
    %scan3A_193 = arith.constant 25 : i32
    "tpu.region"() ({
      %run_scoped3A = tpu.sem_alloc : memref<!tpu.dma_semaphore, #tpu.memory_space<semaphore_mem>>
      %dma_start3A = arith.constant 0 : i32
      %dma_start3A_198 = tpu.memref_slice %arg32[%arg1, %dma_start3A] : memref<16x5024xi32, #tpu.memory_space<vmem_shared>> -> memref<1x5024xi32, #tpu.memory_space<vmem_shared>>
      %dma_start3A_199 = tpu.memref_squeeze %dma_start3A_198 : memref<1x5024xi32, #tpu.memory_space<vmem_shared>> -> memref<5024xi32, #tpu.memory_space<vmem_shared>>
      %dma_start3A_200 = arith.constant 0 : i32
      %dma_start3A_201 = tpu.memref_slice %arg32[%arg1, %dma_start3A_200] : memref<16x5024xi32, #tpu.memory_space<vmem_shared>> -> memref<1x5024xi32, #tpu.memory_space<vmem_shared>>
      %dma_start3A_202 = tpu.memref_squeeze %dma_start3A_201 : memref<1x5024xi32, #tpu.memory_space<vmem_shared>> -> memref<5024xi32, #tpu.memory_space<vmem_shared>>
      tpu.enqueue_dma source(%arg14 : memref<5024xi32, #tpu.memory_space<vmem>>) target(%dma_start3A_202 : memref<5024xi32, #tpu.memory_space<vmem_shared>>) target_semaphore(%run_scoped3A : memref<!tpu.dma_semaphore, #tpu.memory_space<semaphore_mem>>)
      %dma_wait3A = arith.constant 0 : i32
      %dma_wait3A_203 = tpu.memref_slice %arg32[%arg1, %dma_wait3A] : memref<16x5024xi32, #tpu.memory_space<vmem_shared>> -> memref<1x5024xi32, #tpu.memory_space<vmem_shared>>
      %dma_wait3A_204 = tpu.memref_squeeze %dma_wait3A_203 : memref<1x5024xi32, #tpu.memory_space<vmem_shared>> -> memref<5024xi32, #tpu.memory_space<vmem_shared>>
      %dma_wait3A_205 = arith.constant 0 : i32
      %dma_wait3A_206 = tpu.memref_slice %arg32[%arg1, %dma_wait3A_205] : memref<16x5024xi32, #tpu.memory_space<vmem_shared>> -> memref<1x5024xi32, #tpu.memory_space<vmem_shared>>
      %dma_wait3A_207 = tpu.memref_squeeze %dma_wait3A_206 : memref<1x5024xi32, #tpu.memory_space<vmem_shared>> -> memref<5024xi32, #tpu.memory_space<vmem_shared>>
      tpu.wait_dma2 semaphore(%run_scoped3A : memref<!tpu.dma_semaphore, #tpu.memory_space<semaphore_mem>>) src(%arg14 : memref<5024xi32, #tpu.memory_space<vmem>>) dst(%dma_wait3A_207 : memref<5024xi32, #tpu.memory_space<vmem_shared>>)
      tpu.yield
    }) : () -> ()
    "tpu.region"() ({
      %run_scoped3A = tpu.sem_alloc : memref<!tpu.dma_semaphore, #tpu.memory_space<semaphore_mem>>
      %dma_start3A = arith.constant 0 : i32
      %dma_start3A_198 = tpu.memref_slice %arg33[%arg1, %dma_start3A] : memref<16x5024xi32, #tpu.memory_space<vmem_shared>> -> memref<1x5024xi32, #tpu.memory_space<vmem_shared>>
      %dma_start3A_199 = tpu.memref_squeeze %dma_start3A_198 : memref<1x5024xi32, #tpu.memory_space<vmem_shared>> -> memref<5024xi32, #tpu.memory_space<vmem_shared>>
      %dma_start3A_200 = arith.constant 0 : i32
      %dma_start3A_201 = tpu.memref_slice %arg33[%arg1, %dma_start3A_200] : memref<16x5024xi32, #tpu.memory_space<vmem_shared>> -> memref<1x5024xi32, #tpu.memory_space<vmem_shared>>
      %dma_start3A_202 = tpu.memref_squeeze %dma_start3A_201 : memref<1x5024xi32, #tpu.memory_space<vmem_shared>> -> memref<5024xi32, #tpu.memory_space<vmem_shared>>
      tpu.enqueue_dma source(%arg15 : memref<5024xi32, #tpu.memory_space<vmem>>) target(%dma_start3A_202 : memref<5024xi32, #tpu.memory_space<vmem_shared>>) target_semaphore(%run_scoped3A : memref<!tpu.dma_semaphore, #tpu.memory_space<semaphore_mem>>)
      %dma_wait3A = arith.constant 0 : i32
      %dma_wait3A_203 = tpu.memref_slice %arg33[%arg1, %dma_wait3A] : memref<16x5024xi32, #tpu.memory_space<vmem_shared>> -> memref<1x5024xi32, #tpu.memory_space<vmem_shared>>
      %dma_wait3A_204 = tpu.memref_squeeze %dma_wait3A_203 : memref<1x5024xi32, #tpu.memory_space<vmem_shared>> -> memref<5024xi32, #tpu.memory_space<vmem_shared>>
      %dma_wait3A_205 = arith.constant 0 : i32
      %dma_wait3A_206 = tpu.memref_slice %arg33[%arg1, %dma_wait3A_205] : memref<16x5024xi32, #tpu.memory_space<vmem_shared>> -> memref<1x5024xi32, #tpu.memory_space<vmem_shared>>
      %dma_wait3A_207 = tpu.memref_squeeze %dma_wait3A_206 : memref<1x5024xi32, #tpu.memory_space<vmem_shared>> -> memref<5024xi32, #tpu.memory_space<vmem_shared>>
      tpu.wait_dma2 semaphore(%run_scoped3A : memref<!tpu.dma_semaphore, #tpu.memory_space<semaphore_mem>>) src(%arg15 : memref<5024xi32, #tpu.memory_space<vmem>>) dst(%dma_wait3A_207 : memref<5024xi32, #tpu.memory_space<vmem_shared>>)
      tpu.yield
    }) : () -> ()
    %barrier3A_194 = arith.constant 0 : index
    tpu.barrier barrier_id(%barrier3A_194)
    %eq3A_195 = arith.constant 0 : i32
    %eq3A_196 = arith.cmpi eq, %select_n3A_30, %eq3A_195 : i32
    %convert_element_type3A = arith.extui %eq3A_196 : i1 to i32
    %cond3A = arith.constant 0 : i32
    %cond3A_197 = arith.cmpi ne, %convert_element_type3A, %cond3A : i32
    scf.if %cond3A_197 {
      "tpu.region"() ({
        %run_scoped3A = tpu.sem_alloc : memref<!tpu.dma_semaphore, #tpu.memory_space<semaphore_mem>>
        %dma_start3A = arith.constant 0 : i32
        %dma_start3A_367 = tpu.memref_slice %arg32[%arg1, %dma_start3A] : memref<16x5024xi32, #tpu.memory_space<vmem_shared>> -> memref<1x5024xi32, #tpu.memory_space<vmem_shared>>
        %dma_start3A_368 = tpu.memref_squeeze %dma_start3A_367 : memref<1x5024xi32, #tpu.memory_space<vmem_shared>> -> memref<5024xi32, #tpu.memory_space<vmem_shared>>
        %dma_start3A_369 = arith.constant 0 : i32
        %dma_start3A_370 = tpu.memref_slice %arg32[%arg1, %dma_start3A_369] : memref<16x5024xi32, #tpu.memory_space<vmem_shared>> -> memref<1x5024xi32, #tpu.memory_space<vmem_shared>>
        %dma_start3A_371 = tpu.memref_squeeze %dma_start3A_370 : memref<1x5024xi32, #tpu.memory_space<vmem_shared>> -> memref<5024xi32, #tpu.memory_space<vmem_shared>>
        tpu.enqueue_dma source(%dma_start3A_371 : memref<5024xi32, #tpu.memory_space<vmem_shared>>) target(%arg18 : memref<5024xi32, #tpu.memory_space<vmem>>) target_semaphore(%run_scoped3A : memref<!tpu.dma_semaphore, #tpu.memory_space<semaphore_mem>>)
        %dma_wait3A = arith.constant 0 : i32
        %dma_wait3A_372 = tpu.memref_slice %arg32[%arg1, %dma_wait3A] : memref<16x5024xi32, #tpu.memory_space<vmem_shared>> -> memref<1x5024xi32, #tpu.memory_space<vmem_shared>>
        %dma_wait3A_373 = tpu.memref_squeeze %dma_wait3A_372 : memref<1x5024xi32, #tpu.memory_space<vmem_shared>> -> memref<5024xi32, #tpu.memory_space<vmem_shared>>
        %dma_wait3A_374 = arith.constant 0 : i32
        %dma_wait3A_375 = tpu.memref_slice %arg32[%arg1, %dma_wait3A_374] : memref<16x5024xi32, #tpu.memory_space<vmem_shared>> -> memref<1x5024xi32, #tpu.memory_space<vmem_shared>>
        %dma_wait3A_376 = tpu.memref_squeeze %dma_wait3A_375 : memref<1x5024xi32, #tpu.memory_space<vmem_shared>> -> memref<5024xi32, #tpu.memory_space<vmem_shared>>
        tpu.wait_dma2 semaphore(%run_scoped3A : memref<!tpu.dma_semaphore, #tpu.memory_space<semaphore_mem>>) src(%dma_wait3A_376 : memref<5024xi32, #tpu.memory_space<vmem_shared>>) dst(%arg18 : memref<5024xi32, #tpu.memory_space<vmem>>)
        tpu.yield
      }) : () -> ()
      "tpu.region"() ({
        %run_scoped3A = tpu.sem_alloc : memref<!tpu.dma_semaphore, #tpu.memory_space<semaphore_mem>>
        %dma_start3A = arith.constant 0 : i32
        %dma_start3A_367 = tpu.memref_slice %arg33[%arg1, %dma_start3A] : memref<16x5024xi32, #tpu.memory_space<vmem_shared>> -> memref<1x5024xi32, #tpu.memory_space<vmem_shared>>
        %dma_start3A_368 = tpu.memref_squeeze %dma_start3A_367 : memref<1x5024xi32, #tpu.memory_space<vmem_shared>> -> memref<5024xi32, #tpu.memory_space<vmem_shared>>
        %dma_start3A_369 = arith.constant 0 : i32
        %dma_start3A_370 = tpu.memref_slice %arg33[%arg1, %dma_start3A_369] : memref<16x5024xi32, #tpu.memory_space<vmem_shared>> -> memref<1x5024xi32, #tpu.memory_space<vmem_shared>>
        %dma_start3A_371 = tpu.memref_squeeze %dma_start3A_370 : memref<1x5024xi32, #tpu.memory_space<vmem_shared>> -> memref<5024xi32, #tpu.memory_space<vmem_shared>>
        tpu.enqueue_dma source(%dma_start3A_371 : memref<5024xi32, #tpu.memory_space<vmem_shared>>) target(%arg19 : memref<5024xi32, #tpu.memory_space<vmem>>) target_semaphore(%run_scoped3A : memref<!tpu.dma_semaphore, #tpu.memory_space<semaphore_mem>>)
        %dma_wait3A = arith.constant 0 : i32
        %dma_wait3A_372 = tpu.memref_slice %arg33[%arg1, %dma_wait3A] : memref<16x5024xi32, #tpu.memory_space<vmem_shared>> -> memref<1x5024xi32, #tpu.memory_space<vmem_shared>>
        %dma_wait3A_373 = tpu.memref_squeeze %dma_wait3A_372 : memref<1x5024xi32, #tpu.memory_space<vmem_shared>> -> memref<5024xi32, #tpu.memory_space<vmem_shared>>
        %dma_wait3A_374 = arith.constant 0 : i32
        %dma_wait3A_375 = tpu.memref_slice %arg33[%arg1, %dma_wait3A_374] : memref<16x5024xi32, #tpu.memory_space<vmem_shared>> -> memref<1x5024xi32, #tpu.memory_space<vmem_shared>>
        %dma_wait3A_376 = tpu.memref_squeeze %dma_wait3A_375 : memref<1x5024xi32, #tpu.memory_space<vmem_shared>> -> memref<5024xi32, #tpu.memory_space<vmem_shared>>
        tpu.wait_dma2 semaphore(%run_scoped3A : memref<!tpu.dma_semaphore, #tpu.memory_space<semaphore_mem>>) src(%dma_wait3A_376 : memref<5024xi32, #tpu.memory_space<vmem_shared>>) dst(%arg19 : memref<5024xi32, #tpu.memory_space<vmem>>)
        tpu.yield
      }) : () -> ()
      %add3A_198 = arith.constant 1 : i32
      %add3A_199 = arith.addi %arg1, %add3A_198 : i32
      "tpu.region"() ({
        %run_scoped3A = tpu.sem_alloc : memref<!tpu.dma_semaphore, #tpu.memory_space<semaphore_mem>>
        %dma_start3A = arith.constant 0 : i32
        %dma_start3A_367 = tpu.memref_slice %arg32[%add3A_199, %dma_start3A] : memref<16x5024xi32, #tpu.memory_space<vmem_shared>> -> memref<1x5024xi32, #tpu.memory_space<vmem_shared>>
        %dma_start3A_368 = tpu.memref_squeeze %dma_start3A_367 : memref<1x5024xi32, #tpu.memory_space<vmem_shared>> -> memref<5024xi32, #tpu.memory_space<vmem_shared>>
        %dma_start3A_369 = arith.constant 0 : i32
        %dma_start3A_370 = tpu.memref_slice %arg32[%add3A_199, %dma_start3A_369] : memref<16x5024xi32, #tpu.memory_space<vmem_shared>> -> memref<1x5024xi32, #tpu.memory_space<vmem_shared>>
        %dma_start3A_371 = tpu.memref_squeeze %dma_start3A_370 : memref<1x5024xi32, #tpu.memory_space<vmem_shared>> -> memref<5024xi32, #tpu.memory_space<vmem_shared>>
        tpu.enqueue_dma source(%dma_start3A_371 : memref<5024xi32, #tpu.memory_space<vmem_shared>>) target(%arg20 : memref<5024xi32, #tpu.memory_space<vmem>>) target_semaphore(%run_scoped3A : memref<!tpu.dma_semaphore, #tpu.memory_space<semaphore_mem>>)
        %dma_wait3A = arith.constant 0 : i32
        %dma_wait3A_372 = tpu.memref_slice %arg32[%add3A_199, %dma_wait3A] : memref<16x5024xi32, #tpu.memory_space<vmem_shared>> -> memref<1x5024xi32, #tpu.memory_space<vmem_shared>>
        %dma_wait3A_373 = tpu.memref_squeeze %dma_wait3A_372 : memref<1x5024xi32, #tpu.memory_space<vmem_shared>> -> memref<5024xi32, #tpu.memory_space<vmem_shared>>
        %dma_wait3A_374 = arith.constant 0 : i32
        %dma_wait3A_375 = tpu.memref_slice %arg32[%add3A_199, %dma_wait3A_374] : memref<16x5024xi32, #tpu.memory_space<vmem_shared>> -> memref<1x5024xi32, #tpu.memory_space<vmem_shared>>
        %dma_wait3A_376 = tpu.memref_squeeze %dma_wait3A_375 : memref<1x5024xi32, #tpu.memory_space<vmem_shared>> -> memref<5024xi32, #tpu.memory_space<vmem_shared>>
        tpu.wait_dma2 semaphore(%run_scoped3A : memref<!tpu.dma_semaphore, #tpu.memory_space<semaphore_mem>>) src(%dma_wait3A_376 : memref<5024xi32, #tpu.memory_space<vmem_shared>>) dst(%arg20 : memref<5024xi32, #tpu.memory_space<vmem>>)
        tpu.yield
      }) : () -> ()
      %add3A_200 = arith.constant 1 : i32
      %add3A_201 = arith.addi %arg1, %add3A_200 : i32
      "tpu.region"() ({
        %run_scoped3A = tpu.sem_alloc : memref<!tpu.dma_semaphore, #tpu.memory_space<semaphore_mem>>
        %dma_start3A = arith.constant 0 : i32
        %dma_start3A_367 = tpu.memref_slice %arg33[%add3A_201, %dma_start3A] : memref<16x5024xi32, #tpu.memory_space<vmem_shared>> -> memref<1x5024xi32, #tpu.memory_space<vmem_shared>>
        %dma_start3A_368 = tpu.memref_squeeze %dma_start3A_367 : memref<1x5024xi32, #tpu.memory_space<vmem_shared>> -> memref<5024xi32, #tpu.memory_space<vmem_shared>>
        %dma_start3A_369 = arith.constant 0 : i32
        %dma_start3A_370 = tpu.memref_slice %arg33[%add3A_201, %dma_start3A_369] : memref<16x5024xi32, #tpu.memory_space<vmem_shared>> -> memref<1x5024xi32, #tpu.memory_space<vmem_shared>>
        %dma_start3A_371 = tpu.memref_squeeze %dma_start3A_370 : memref<1x5024xi32, #tpu.memory_space<vmem_shared>> -> memref<5024xi32, #tpu.memory_space<vmem_shared>>
        tpu.enqueue_dma source(%dma_start3A_371 : memref<5024xi32, #tpu.memory_space<vmem_shared>>) target(%arg21 : memref<5024xi32, #tpu.memory_space<vmem>>) target_semaphore(%run_scoped3A : memref<!tpu.dma_semaphore, #tpu.memory_space<semaphore_mem>>)
        %dma_wait3A = arith.constant 0 : i32
        %dma_wait3A_372 = tpu.memref_slice %arg33[%add3A_201, %dma_wait3A] : memref<16x5024xi32, #tpu.memory_space<vmem_shared>> -> memref<1x5024xi32, #tpu.memory_space<vmem_shared>>
        %dma_wait3A_373 = tpu.memref_squeeze %dma_wait3A_372 : memref<1x5024xi32, #tpu.memory_space<vmem_shared>> -> memref<5024xi32, #tpu.memory_space<vmem_shared>>
        %dma_wait3A_374 = arith.constant 0 : i32
        %dma_wait3A_375 = tpu.memref_slice %arg33[%add3A_201, %dma_wait3A_374] : memref<16x5024xi32, #tpu.memory_space<vmem_shared>> -> memref<1x5024xi32, #tpu.memory_space<vmem_shared>>
        %dma_wait3A_376 = tpu.memref_squeeze %dma_wait3A_375 : memref<1x5024xi32, #tpu.memory_space<vmem_shared>> -> memref<5024xi32, #tpu.memory_space<vmem_shared>>
        tpu.wait_dma2 semaphore(%run_scoped3A : memref<!tpu.dma_semaphore, #tpu.memory_space<semaphore_mem>>) src(%dma_wait3A_376 : memref<5024xi32, #tpu.memory_space<vmem_shared>>) dst(%arg21 : memref<5024xi32, #tpu.memory_space<vmem>>)
        tpu.yield
      }) : () -> ()
      %mul3A_202 = arith.constant 2 : i32
      %mul3A_203 = arith.muli %add3A, %mul3A_202 : i32
      %mul3A_204 = arith.constant 5000 : i32
      %mul3A_205 = arith.muli %mul3A_203, %mul3A_204 : i32
      "tpu.region"() ({
        %run_scoped3A = tpu.sem_alloc : memref<!tpu.dma_semaphore, #tpu.memory_space<semaphore_mem>>
        %dma_start3A = tpu.memref_slice %arg3[%mul3A_205] : memref<160000xf32, #tpu.memory_space<hbm>> -> memref<10000xf32, #tpu.memory_space<hbm>>
        %dma_start3A_367 = tpu.memref_slice %arg3[%mul3A_205] : memref<160000xf32, #tpu.memory_space<hbm>> -> memref<10000xf32, #tpu.memory_space<hbm>>
        tpu.enqueue_dma source(%dma_start3A_367 : memref<10000xf32, #tpu.memory_space<hbm>>) target(%arg23 : memref<10000xf32, #tpu.memory_space<vmem>>) target_semaphore(%run_scoped3A : memref<!tpu.dma_semaphore, #tpu.memory_space<semaphore_mem>>)
        %dma_wait3A = tpu.memref_slice %arg3[%mul3A_205] : memref<160000xf32, #tpu.memory_space<hbm>> -> memref<10000xf32, #tpu.memory_space<hbm>>
        %dma_wait3A_368 = tpu.memref_slice %arg3[%mul3A_205] : memref<160000xf32, #tpu.memory_space<hbm>> -> memref<10000xf32, #tpu.memory_space<hbm>>
        tpu.wait_dma2 semaphore(%run_scoped3A : memref<!tpu.dma_semaphore, #tpu.memory_space<semaphore_mem>>) src(%dma_wait3A_368 : memref<10000xf32, #tpu.memory_space<hbm>>) dst(%arg23 : memref<10000xf32, #tpu.memory_space<vmem>>)
        tpu.yield
      }) : () -> ()
      %scan3A_206 = arith.constant 0 : i32
      %scan3A_207 = arith.constant 0 : i32
      %scan3A_208 = arith.constant 313 : i32
      %scan3A_209 = arith.addi %scan3A_207, %scan3A_208 : i32
      %scan3A_210 = arith.constant 1 : i32
      %scan3A_211 = scf.for %scan3A_367 = %scan3A_207 to %scan3A_209 step %scan3A_210 iter_args(%scan3A_368 = %scan3A_206) -> (i32)  : i32 {
        %mul3A_369 = arith.constant 1 : i32
        %mul3A_370 = arith.muli %scan3A_367, %mul3A_369 : i32
        %add3A_371 = arith.constant 0 : i32
        %add3A_372 = arith.addi %mul3A_370, %add3A_371 : i32
        %mul3A_373 = arith.constant 16 : i32
        %mul3A_374 = arith.muli %add3A_372, %mul3A_373 : i32
        %add3A_375 = vector.broadcast %mul3A_374 : i32 to vector<16xi32>
        %add3A_376 = arith.addi %add3A_375, %iota3A : vector<16xi32>
        %lt3A_377 = arith.cmpi slt, %add3A_376, %add3A_187 : vector<16xi32>
        %sub3A_378 = arith.subi %add3A_376, %add3A_187 : vector<16xi32>
        %max3A = arith.constant 0 : i32
        %max3A_379 = vector.broadcast %max3A : i32 to vector<16xi32>
        %max3A_380 = arith.maxsi %sub3A_378, %max3A_379 : vector<16xi32>
        %gather3A_381 = tpu.vector_load_idx %arg18[%add3A_376] : memref<5024xi32, #tpu.memory_space<vmem>>[vector<16xi32>], vector<16xi32>,
        %gather3A_382 = tpu.vector_load_idx %arg20[%max3A_380] : memref<5024xi32, #tpu.memory_space<vmem>>[vector<16xi32>], vector<16xi32>,
        %gather3A_383 = tpu.vector_load_idx %arg19[%add3A_376] : memref<5024xi32, #tpu.memory_space<vmem>>[vector<16xi32>], vector<16xi32>,
        %gather3A_384 = tpu.vector_load_idx %arg21[%max3A_380] : memref<5024xi32, #tpu.memory_space<vmem>>[vector<16xi32>], vector<16xi32>,
        %lt3A_385 = arith.constant 5000 : i32
        %lt3A_386 = vector.broadcast %lt3A_385 : i32 to vector<16xi32>
        %lt3A_387 = arith.cmpi slt, %add3A_376, %lt3A_386 : vector<16xi32>
        %and3A_388 = arith.andi %lt3A_377, %lt3A_387 : vector<16xi1>
        %jit3A_389 = arith.constant 0 : i32
        %broadcast_in_dim3A_390 = vector.broadcast %jit3A_389 : i32 to vector<16xi32>
        %select_n3A_391 = arith.select %lt3A_387, %gather3A_382, %broadcast_in_dim3A_390 : vector<16xi1>, vector<16xi32>
        %select_n3A_392 = arith.select %and3A_388, %gather3A_381, %select_n3A_391 : vector<16xi1>, vector<16xi32>
        %and3A_393 = arith.andi %lt3A_377, %lt3A_387 : vector<16xi1>
        %jit3A_394 = arith.constant 0 : i32
        %broadcast_in_dim3A_395 = vector.broadcast %jit3A_394 : i32 to vector<16xi32>
        %select_n3A_396 = arith.select %lt3A_387, %gather3A_384, %broadcast_in_dim3A_395 : vector<16xi1>, vector<16xi32>
        %select_n3A_397 = arith.select %and3A_393, %gather3A_383, %select_n3A_396 : vector<16xi1>, vector<16xi32>
        tpu.vector_store_idx %arg16[%add3A_376], %select_n3A_392 : memref<5024xi32, #tpu.memory_space<vmem>>[vector<16xi32>], vector<16xi32>,
        tpu.vector_store_idx %arg17[%add3A_376], %select_n3A_397 : memref<5024xi32, #tpu.memory_space<vmem>>[vector<16xi32>], vector<16xi32>,
        %scan3A_398 = arith.constant 0 : i32
        scf.yield %scan3A_398 : i32
      }
      %scan3A_212 = arith.constant 313 : i32
      %scan3A_213 = arith.constant 0 : i32
      %scan3A_214 = arith.constant 0 : i32
      %scan3A_215 = arith.constant 64 : i32
      %scan3A_216 = arith.addi %scan3A_214, %scan3A_215 : i32
      %scan3A_217 = arith.constant 1 : i32
      %scan3A_218 = scf.for %scan3A_367 = %scan3A_214 to %scan3A_216 step %scan3A_217 iter_args(%scan3A_368 = %scan3A_213) -> (i32)  : i32 {
        %mul3A_369 = arith.constant 16 : i32
        %mul3A_370 = arith.muli %scan3A_367, %mul3A_369 : i32
        %add3A_371 = vector.broadcast %mul3A_370 : i32 to vector<16xi32>
        %add3A_372 = arith.addi %add3A_371, %iota3A : vector<16xi32>
        tpu.vector_store_idx %arg11[%add3A_372], %broadcast_in_dim3A_43 : memref<16384xi32, #tpu.memory_space<vmem>>[vector<16xi32>], vector<16xi32>,
        %scan3A_373 = arith.constant 0 : i32
        scf.yield %scan3A_373 : i32
      }
      %scan3A_219 = arith.constant 64 : i32
      %scan3A_220 = arith.constant 0 : i32
      %scan3A_221 = arith.constant 0 : i32
      %scan3A_222 = arith.constant 313 : i32
      %scan3A_223 = arith.addi %scan3A_221, %scan3A_222 : i32
      %scan3A_224 = arith.constant 1 : i32
      %scan3A_225 = scf.for %scan3A_367 = %scan3A_221 to %scan3A_223 step %scan3A_224 iter_args(%scan3A_368 = %scan3A_220) -> (i32)  : i32 {
        %mul3A_369 = arith.constant 313 : i32
        %mul3A_370 = vector.broadcast %mul3A_369 : i32 to vector<16xi32>
        %mul3A_371 = arith.muli %iota3A, %mul3A_370 : vector<16xi32>
        %mul3A_372 = arith.constant 1 : i32
        %mul3A_373 = arith.muli %scan3A_367, %mul3A_372 : i32
        %add3A_374 = vector.broadcast %mul3A_373 : i32 to vector<16xi32>
        %add3A_375 = arith.addi %mul3A_371, %add3A_374 : vector<16xi32>
        %add3A_376 = arith.constant 0 : i32
        %add3A_377 = vector.broadcast %add3A_376 : i32 to vector<16xi32>
        %add3A_378 = arith.addi %add3A_375, %add3A_377 : vector<16xi32>
        %gather3A_379 = tpu.vector_load_idx %arg16[%add3A_378] : memref<5024xi32, #tpu.memory_space<vmem>>[vector<16xi32>], vector<16xi32>,
        %shift_right_arithmetic3A = arith.constant 0 : i32
        %shift_right_arithmetic3A_380 = vector.broadcast %shift_right_arithmetic3A : i32 to vector<16xi32>
        %shift_right_arithmetic3A_381 = arith.shrsi %gather3A_379, %shift_right_arithmetic3A_380 : vector<16xi32>
        %and3A_382 = arith.constant 63 : i32
        %and3A_383 = vector.broadcast %and3A_382 : i32 to vector<16xi32>
        %and3A_384 = arith.andi %shift_right_arithmetic3A_381, %and3A_383 : vector<16xi32>
        %sub3A_385 = arith.constant 63 : i32
        %sub3A_386 = vector.broadcast %sub3A_385 : i32 to vector<16xi32>
        %sub3A_387 = arith.subi %sub3A_386, %and3A_384 : vector<16xi32>
        %mul3A_388 = arith.constant 16 : i32
        %mul3A_389 = vector.broadcast %mul3A_388 : i32 to vector<16xi32>
        %mul3A_390 = arith.muli %sub3A_387, %mul3A_389 : vector<16xi32>
        %add3A_391 = arith.addi %mul3A_390, %iota3A : vector<16xi32>
        tpu.vector_store_idx %arg11[%add3A_391], %broadcast_in_dim3A_41 {add = true} : memref<16384xi32, #tpu.memory_space<vmem>>[vector<16xi32>], vector<16xi32>,
        %scan3A_392 = arith.constant 0 : i32
        scf.yield %scan3A_392 : i32
      }
      %scan3A_226 = arith.constant 313 : i32
      %scan3A_227 = arith.constant 0 : i32
      %scan3A_228 = arith.constant 64 : i32
      %scan3A_229 = arith.addi %scan3A_227, %scan3A_228 : i32
      %scan3A_230 = arith.constant 1 : i32
      %scan3A_231 = scf.for %scan3A_367 = %scan3A_227 to %scan3A_229 step %scan3A_230 iter_args(%scan3A_368 = %broadcast_in_dim3A_43) -> (vector<16xi32>)  : i32 {
        %mul3A_369 = arith.constant 16 : i32
        %mul3A_370 = arith.muli %scan3A_367, %mul3A_369 : i32
        %add3A_371 = vector.broadcast %mul3A_370 : i32 to vector<16xi32>
        %add3A_372 = arith.addi %add3A_371, %iota3A : vector<16xi32>
        %gather3A_373 = tpu.vector_load_idx %arg11[%add3A_372] : memref<16384xi32, #tpu.memory_space<vmem>>[vector<16xi32>], vector<16xi32>,
        %broadcast_in_dim3A_374 = arith.constant true
        %broadcast_in_dim3A_375 = vector.broadcast %broadcast_in_dim3A_374 : i1 to vector<16xi1>
        %masked_cumsum3A = tpu.scan <sum>, %gather3A_373 masked %broadcast_in_dim3A_375 : vector<16xi32>, vector<16xi1> -> vector<16xi32>
        %mul3A_376 = arith.constant 16 : i32
        %mul3A_377 = arith.muli %scan3A_367, %mul3A_376 : i32
        %add3A_378 = vector.broadcast %mul3A_377 : i32 to vector<16xi32>
        %add3A_379 = arith.addi %add3A_378, %iota3A : vector<16xi32>
        %add3A_380 = arith.addi %scan3A_368, %masked_cumsum3A : vector<16xi32>
        %sub3A_381 = arith.subi %add3A_380, %gather3A_373 : vector<16xi32>
        tpu.vector_store_idx %arg22[%add3A_379], %sub3A_381 : memref<1024xi32, #tpu.memory_space<vmem>>[vector<16xi32>], vector<16xi32>,
        %reduce_sum3A = arith.constant true
        %reduce_sum3A_382 = vector.broadcast %reduce_sum3A : i1 to vector<16xi1>
        %reduce_sum3A_383 = tpu.scan <sum>, %gather3A_373 masked %reduce_sum3A_382 : vector<16xi32>, vector<16xi1> -> vector<16xi32>
        %reduce_sum3A_384 = vector.extract %reduce_sum3A_383[15] : i32 from vector<16xi32>
        %broadcast_in_dim3A_385 = vector.broadcast %reduce_sum3A_384 : i32 to vector<16xi32>
        %add3A_386 = arith.addi %scan3A_368, %broadcast_in_dim3A_385 : vector<16xi32>
        scf.yield %add3A_386 : vector<16xi32>
      }
      %scan3A_232 = arith.constant 64 : i32
      %scan3A_233 = arith.constant 0 : i32
      %scan3A_234 = arith.constant 0 : i32
      %scan3A_235 = arith.constant 313 : i32
      %scan3A_236 = arith.addi %scan3A_234, %scan3A_235 : i32
      %scan3A_237 = arith.constant 1 : i32
      %scan3A_238 = scf.for %scan3A_367 = %scan3A_234 to %scan3A_236 step %scan3A_237 iter_args(%scan3A_368 = %scan3A_233) -> (i32)  : i32 {
        %mul3A_369 = arith.constant 313 : i32
        %mul3A_370 = vector.broadcast %mul3A_369 : i32 to vector<16xi32>
        %mul3A_371 = arith.muli %iota3A, %mul3A_370 : vector<16xi32>
        %mul3A_372 = arith.constant 1 : i32
        %mul3A_373 = arith.muli %scan3A_367, %mul3A_372 : i32
        %add3A_374 = vector.broadcast %mul3A_373 : i32 to vector<16xi32>
        %add3A_375 = arith.addi %mul3A_371, %add3A_374 : vector<16xi32>
        %add3A_376 = arith.constant 0 : i32
        %add3A_377 = vector.broadcast %add3A_376 : i32 to vector<16xi32>
        %add3A_378 = arith.addi %add3A_375, %add3A_377 : vector<16xi32>
        %gather3A_379 = tpu.vector_load_idx %arg16[%add3A_378] : memref<5024xi32, #tpu.memory_space<vmem>>[vector<16xi32>], vector<16xi32>,
        %gather3A_380 = tpu.vector_load_idx %arg17[%add3A_378] : memref<5024xi32, #tpu.memory_space<vmem>>[vector<16xi32>], vector<16xi32>,
        %shift_right_arithmetic3A = arith.constant 0 : i32
        %shift_right_arithmetic3A_381 = vector.broadcast %shift_right_arithmetic3A : i32 to vector<16xi32>
        %shift_right_arithmetic3A_382 = arith.shrsi %gather3A_379, %shift_right_arithmetic3A_381 : vector<16xi32>
        %and3A_383 = arith.constant 63 : i32
        %and3A_384 = vector.broadcast %and3A_383 : i32 to vector<16xi32>
        %and3A_385 = arith.andi %shift_right_arithmetic3A_382, %and3A_384 : vector<16xi32>
        %sub3A_386 = arith.constant 63 : i32
        %sub3A_387 = vector.broadcast %sub3A_386 : i32 to vector<16xi32>
        %sub3A_388 = arith.subi %sub3A_387, %and3A_385 : vector<16xi32>
        %mul3A_389 = arith.constant 16 : i32
        %mul3A_390 = vector.broadcast %mul3A_389 : i32 to vector<16xi32>
        %mul3A_391 = arith.muli %sub3A_388, %mul3A_390 : vector<16xi32>
        %add3A_392 = arith.addi %mul3A_391, %iota3A : vector<16xi32>
        %gather3A_393 = tpu.vector_load_idx %arg22[%add3A_392] : memref<1024xi32, #tpu.memory_space<vmem>>[vector<16xi32>], vector<16xi32>,
        tpu.vector_store_idx %arg18[%gather3A_393], %gather3A_379 : memref<5024xi32, #tpu.memory_space<vmem>>[vector<16xi32>], vector<16xi32>,
        tpu.vector_store_idx %arg19[%gather3A_393], %gather3A_380 : memref<5024xi32, #tpu.memory_space<vmem>>[vector<16xi32>], vector<16xi32>,
        tpu.vector_store_idx %arg22[%add3A_392], %broadcast_in_dim3A_41 {add = true} : memref<1024xi32, #tpu.memory_space<vmem>>[vector<16xi32>], vector<16xi32>,
        %scan3A_394 = arith.constant 0 : i32
        scf.yield %scan3A_394 : i32
      }
      %scan3A_239 = arith.constant 313 : i32
      %scan3A_240 = arith.constant 0 : i32
      %scan3A_241 = arith.constant 0 : i32
      %scan3A_242 = arith.constant 64 : i32
      %scan3A_243 = arith.addi %scan3A_241, %scan3A_242 : i32
      %scan3A_244 = arith.constant 1 : i32
      %scan3A_245 = scf.for %scan3A_367 = %scan3A_241 to %scan3A_243 step %scan3A_244 iter_args(%scan3A_368 = %scan3A_240) -> (i32)  : i32 {
        %mul3A_369 = arith.constant 16 : i32
        %mul3A_370 = arith.muli %scan3A_367, %mul3A_369 : i32
        %add3A_371 = vector.broadcast %mul3A_370 : i32 to vector<16xi32>
        %add3A_372 = arith.addi %add3A_371, %iota3A : vector<16xi32>
        tpu.vector_store_idx %arg11[%add3A_372], %broadcast_in_dim3A_43 : memref<16384xi32, #tpu.memory_space<vmem>>[vector<16xi32>], vector<16xi32>,
        %scan3A_373 = arith.constant 0 : i32
        scf.yield %scan3A_373 : i32
      }
      %scan3A_246 = arith.constant 64 : i32
      %scan3A_247 = arith.constant 0 : i32
      %scan3A_248 = arith.constant 0 : i32
      %scan3A_249 = arith.constant 313 : i32
      %scan3A_250 = arith.addi %scan3A_248, %scan3A_249 : i32
      %scan3A_251 = arith.constant 1 : i32
      %scan3A_252 = scf.for %scan3A_367 = %scan3A_248 to %scan3A_250 step %scan3A_251 iter_args(%scan3A_368 = %scan3A_247) -> (i32)  : i32 {
        %mul3A_369 = arith.constant 313 : i32
        %mul3A_370 = vector.broadcast %mul3A_369 : i32 to vector<16xi32>
        %mul3A_371 = arith.muli %iota3A, %mul3A_370 : vector<16xi32>
        %mul3A_372 = arith.constant 1 : i32
        %mul3A_373 = arith.muli %scan3A_367, %mul3A_372 : i32
        %add3A_374 = vector.broadcast %mul3A_373 : i32 to vector<16xi32>
        %add3A_375 = arith.addi %mul3A_371, %add3A_374 : vector<16xi32>
        %add3A_376 = arith.constant 0 : i32
        %add3A_377 = vector.broadcast %add3A_376 : i32 to vector<16xi32>
        %add3A_378 = arith.addi %add3A_375, %add3A_377 : vector<16xi32>
        %gather3A_379 = tpu.vector_load_idx %arg18[%add3A_378] : memref<5024xi32, #tpu.memory_space<vmem>>[vector<16xi32>], vector<16xi32>,
        %shift_right_arithmetic3A = arith.constant 6 : i32
        %shift_right_arithmetic3A_380 = vector.broadcast %shift_right_arithmetic3A : i32 to vector<16xi32>
        %shift_right_arithmetic3A_381 = arith.shrsi %gather3A_379, %shift_right_arithmetic3A_380 : vector<16xi32>
        %and3A_382 = arith.constant 63 : i32
        %and3A_383 = vector.broadcast %and3A_382 : i32 to vector<16xi32>
        %and3A_384 = arith.andi %shift_right_arithmetic3A_381, %and3A_383 : vector<16xi32>
        %sub3A_385 = arith.constant 63 : i32
        %sub3A_386 = vector.broadcast %sub3A_385 : i32 to vector<16xi32>
        %sub3A_387 = arith.subi %sub3A_386, %and3A_384 : vector<16xi32>
        %mul3A_388 = arith.constant 16 : i32
        %mul3A_389 = vector.broadcast %mul3A_388 : i32 to vector<16xi32>
        %mul3A_390 = arith.muli %sub3A_387, %mul3A_389 : vector<16xi32>
        %add3A_391 = arith.addi %mul3A_390, %iota3A : vector<16xi32>
        tpu.vector_store_idx %arg11[%add3A_391], %broadcast_in_dim3A_41 {add = true} : memref<16384xi32, #tpu.memory_space<vmem>>[vector<16xi32>], vector<16xi32>,
        %scan3A_392 = arith.constant 0 : i32
        scf.yield %scan3A_392 : i32
      }
      %scan3A_253 = arith.constant 313 : i32
      %scan3A_254 = arith.constant 0 : i32
      %scan3A_255 = arith.constant 64 : i32
      %scan3A_256 = arith.addi %scan3A_254, %scan3A_255 : i32
      %scan3A_257 = arith.constant 1 : i32
      %scan3A_258 = scf.for %scan3A_367 = %scan3A_254 to %scan3A_256 step %scan3A_257 iter_args(%scan3A_368 = %broadcast_in_dim3A_43) -> (vector<16xi32>)  : i32 {
        %mul3A_369 = arith.constant 16 : i32
        %mul3A_370 = arith.muli %scan3A_367, %mul3A_369 : i32
        %add3A_371 = vector.broadcast %mul3A_370 : i32 to vector<16xi32>
        %add3A_372 = arith.addi %add3A_371, %iota3A : vector<16xi32>
        %gather3A_373 = tpu.vector_load_idx %arg11[%add3A_372] : memref<16384xi32, #tpu.memory_space<vmem>>[vector<16xi32>], vector<16xi32>,
        %broadcast_in_dim3A_374 = arith.constant true
        %broadcast_in_dim3A_375 = vector.broadcast %broadcast_in_dim3A_374 : i1 to vector<16xi1>
        %masked_cumsum3A = tpu.scan <sum>, %gather3A_373 masked %broadcast_in_dim3A_375 : vector<16xi32>, vector<16xi1> -> vector<16xi32>
        %mul3A_376 = arith.constant 16 : i32
        %mul3A_377 = arith.muli %scan3A_367, %mul3A_376 : i32
        %add3A_378 = vector.broadcast %mul3A_377 : i32 to vector<16xi32>
        %add3A_379 = arith.addi %add3A_378, %iota3A : vector<16xi32>
        %add3A_380 = arith.addi %scan3A_368, %masked_cumsum3A : vector<16xi32>
        %sub3A_381 = arith.subi %add3A_380, %gather3A_373 : vector<16xi32>
        tpu.vector_store_idx %arg22[%add3A_379], %sub3A_381 : memref<1024xi32, #tpu.memory_space<vmem>>[vector<16xi32>], vector<16xi32>,
        %reduce_sum3A = arith.constant true
        %reduce_sum3A_382 = vector.broadcast %reduce_sum3A : i1 to vector<16xi1>
        %reduce_sum3A_383 = tpu.scan <sum>, %gather3A_373 masked %reduce_sum3A_382 : vector<16xi32>, vector<16xi1> -> vector<16xi32>
        %reduce_sum3A_384 = vector.extract %reduce_sum3A_383[15] : i32 from vector<16xi32>
        %broadcast_in_dim3A_385 = vector.broadcast %reduce_sum3A_384 : i32 to vector<16xi32>
        %add3A_386 = arith.addi %scan3A_368, %broadcast_in_dim3A_385 : vector<16xi32>
        scf.yield %add3A_386 : vector<16xi32>
      }
      %scan3A_259 = arith.constant 64 : i32
      %scan3A_260 = arith.constant 0 : i32
      %scan3A_261 = arith.constant 0 : i32
      %scan3A_262 = arith.constant 313 : i32
      %scan3A_263 = arith.addi %scan3A_261, %scan3A_262 : i32
      %scan3A_264 = arith.constant 1 : i32
      %scan3A_265 = scf.for %scan3A_367 = %scan3A_261 to %scan3A_263 step %scan3A_264 iter_args(%scan3A_368 = %scan3A_260) -> (i32)  : i32 {
        %mul3A_369 = arith.constant 313 : i32
        %mul3A_370 = vector.broadcast %mul3A_369 : i32 to vector<16xi32>
        %mul3A_371 = arith.muli %iota3A, %mul3A_370 : vector<16xi32>
        %mul3A_372 = arith.constant 1 : i32
        %mul3A_373 = arith.muli %scan3A_367, %mul3A_372 : i32
        %add3A_374 = vector.broadcast %mul3A_373 : i32 to vector<16xi32>
        %add3A_375 = arith.addi %mul3A_371, %add3A_374 : vector<16xi32>
        %add3A_376 = arith.constant 0 : i32
        %add3A_377 = vector.broadcast %add3A_376 : i32 to vector<16xi32>
        %add3A_378 = arith.addi %add3A_375, %add3A_377 : vector<16xi32>
        %gather3A_379 = tpu.vector_load_idx %arg18[%add3A_378] : memref<5024xi32, #tpu.memory_space<vmem>>[vector<16xi32>], vector<16xi32>,
        %gather3A_380 = tpu.vector_load_idx %arg19[%add3A_378] : memref<5024xi32, #tpu.memory_space<vmem>>[vector<16xi32>], vector<16xi32>,
        %shift_right_arithmetic3A = arith.constant 6 : i32
        %shift_right_arithmetic3A_381 = vector.broadcast %shift_right_arithmetic3A : i32 to vector<16xi32>
        %shift_right_arithmetic3A_382 = arith.shrsi %gather3A_379, %shift_right_arithmetic3A_381 : vector<16xi32>
        %and3A_383 = arith.constant 63 : i32
        %and3A_384 = vector.broadcast %and3A_383 : i32 to vector<16xi32>
        %and3A_385 = arith.andi %shift_right_arithmetic3A_382, %and3A_384 : vector<16xi32>
        %sub3A_386 = arith.constant 63 : i32
        %sub3A_387 = vector.broadcast %sub3A_386 : i32 to vector<16xi32>
        %sub3A_388 = arith.subi %sub3A_387, %and3A_385 : vector<16xi32>
        %mul3A_389 = arith.constant 16 : i32
        %mul3A_390 = vector.broadcast %mul3A_389 : i32 to vector<16xi32>
        %mul3A_391 = arith.muli %sub3A_388, %mul3A_390 : vector<16xi32>
        %add3A_392 = arith.addi %mul3A_391, %iota3A : vector<16xi32>
        %gather3A_393 = tpu.vector_load_idx %arg22[%add3A_392] : memref<1024xi32, #tpu.memory_space<vmem>>[vector<16xi32>], vector<16xi32>,
        tpu.vector_store_idx %arg16[%gather3A_393], %gather3A_379 : memref<5024xi32, #tpu.memory_space<vmem>>[vector<16xi32>], vector<16xi32>,
        tpu.vector_store_idx %arg17[%gather3A_393], %gather3A_380 : memref<5024xi32, #tpu.memory_space<vmem>>[vector<16xi32>], vector<16xi32>,
        tpu.vector_store_idx %arg22[%add3A_392], %broadcast_in_dim3A_41 {add = true} : memref<1024xi32, #tpu.memory_space<vmem>>[vector<16xi32>], vector<16xi32>,
        %scan3A_394 = arith.constant 0 : i32
        scf.yield %scan3A_394 : i32
      }
      %scan3A_266 = arith.constant 313 : i32
      %scan3A_267 = arith.constant 0 : i32
      %scan3A_268 = arith.constant 0 : i32
      %scan3A_269 = arith.constant 64 : i32
      %scan3A_270 = arith.addi %scan3A_268, %scan3A_269 : i32
      %scan3A_271 = arith.constant 1 : i32
      %scan3A_272 = scf.for %scan3A_367 = %scan3A_268 to %scan3A_270 step %scan3A_271 iter_args(%scan3A_368 = %scan3A_267) -> (i32)  : i32 {
        %mul3A_369 = arith.constant 16 : i32
        %mul3A_370 = arith.muli %scan3A_367, %mul3A_369 : i32
        %add3A_371 = vector.broadcast %mul3A_370 : i32 to vector<16xi32>
        %add3A_372 = arith.addi %add3A_371, %iota3A : vector<16xi32>
        tpu.vector_store_idx %arg11[%add3A_372], %broadcast_in_dim3A_43 : memref<16384xi32, #tpu.memory_space<vmem>>[vector<16xi32>], vector<16xi32>,
        %scan3A_373 = arith.constant 0 : i32
        scf.yield %scan3A_373 : i32
      }
      %scan3A_273 = arith.constant 64 : i32
      %scan3A_274 = arith.constant 0 : i32
      %scan3A_275 = arith.constant 0 : i32
      %scan3A_276 = arith.constant 313 : i32
      %scan3A_277 = arith.addi %scan3A_275, %scan3A_276 : i32
      %scan3A_278 = arith.constant 1 : i32
      %scan3A_279 = scf.for %scan3A_367 = %scan3A_275 to %scan3A_277 step %scan3A_278 iter_args(%scan3A_368 = %scan3A_274) -> (i32)  : i32 {
        %mul3A_369 = arith.constant 313 : i32
        %mul3A_370 = vector.broadcast %mul3A_369 : i32 to vector<16xi32>
        %mul3A_371 = arith.muli %iota3A, %mul3A_370 : vector<16xi32>
        %mul3A_372 = arith.constant 1 : i32
        %mul3A_373 = arith.muli %scan3A_367, %mul3A_372 : i32
        %add3A_374 = vector.broadcast %mul3A_373 : i32 to vector<16xi32>
        %add3A_375 = arith.addi %mul3A_371, %add3A_374 : vector<16xi32>
        %add3A_376 = arith.constant 0 : i32
        %add3A_377 = vector.broadcast %add3A_376 : i32 to vector<16xi32>
        %add3A_378 = arith.addi %add3A_375, %add3A_377 : vector<16xi32>
        %gather3A_379 = tpu.vector_load_idx %arg16[%add3A_378] : memref<5024xi32, #tpu.memory_space<vmem>>[vector<16xi32>], vector<16xi32>,
        %shift_right_arithmetic3A = arith.constant 12 : i32
        %shift_right_arithmetic3A_380 = vector.broadcast %shift_right_arithmetic3A : i32 to vector<16xi32>
        %shift_right_arithmetic3A_381 = arith.shrsi %gather3A_379, %shift_right_arithmetic3A_380 : vector<16xi32>
        %and3A_382 = arith.constant 63 : i32
        %and3A_383 = vector.broadcast %and3A_382 : i32 to vector<16xi32>
        %and3A_384 = arith.andi %shift_right_arithmetic3A_381, %and3A_383 : vector<16xi32>
        %sub3A_385 = arith.constant 63 : i32
        %sub3A_386 = vector.broadcast %sub3A_385 : i32 to vector<16xi32>
        %sub3A_387 = arith.subi %sub3A_386, %and3A_384 : vector<16xi32>
        %mul3A_388 = arith.constant 16 : i32
        %mul3A_389 = vector.broadcast %mul3A_388 : i32 to vector<16xi32>
        %mul3A_390 = arith.muli %sub3A_387, %mul3A_389 : vector<16xi32>
        %add3A_391 = arith.addi %mul3A_390, %iota3A : vector<16xi32>
        tpu.vector_store_idx %arg11[%add3A_391], %broadcast_in_dim3A_41 {add = true} : memref<16384xi32, #tpu.memory_space<vmem>>[vector<16xi32>], vector<16xi32>,
        %scan3A_392 = arith.constant 0 : i32
        scf.yield %scan3A_392 : i32
      }
      %scan3A_280 = arith.constant 313 : i32
      %scan3A_281 = arith.constant 0 : i32
      %scan3A_282 = arith.constant 64 : i32
      %scan3A_283 = arith.addi %scan3A_281, %scan3A_282 : i32
      %scan3A_284 = arith.constant 1 : i32
      %scan3A_285 = scf.for %scan3A_367 = %scan3A_281 to %scan3A_283 step %scan3A_284 iter_args(%scan3A_368 = %broadcast_in_dim3A_43) -> (vector<16xi32>)  : i32 {
        %mul3A_369 = arith.constant 16 : i32
        %mul3A_370 = arith.muli %scan3A_367, %mul3A_369 : i32
        %add3A_371 = vector.broadcast %mul3A_370 : i32 to vector<16xi32>
        %add3A_372 = arith.addi %add3A_371, %iota3A : vector<16xi32>
        %gather3A_373 = tpu.vector_load_idx %arg11[%add3A_372] : memref<16384xi32, #tpu.memory_space<vmem>>[vector<16xi32>], vector<16xi32>,
        %broadcast_in_dim3A_374 = arith.constant true
        %broadcast_in_dim3A_375 = vector.broadcast %broadcast_in_dim3A_374 : i1 to vector<16xi1>
        %masked_cumsum3A = tpu.scan <sum>, %gather3A_373 masked %broadcast_in_dim3A_375 : vector<16xi32>, vector<16xi1> -> vector<16xi32>
        %mul3A_376 = arith.constant 16 : i32
        %mul3A_377 = arith.muli %scan3A_367, %mul3A_376 : i32
        %add3A_378 = vector.broadcast %mul3A_377 : i32 to vector<16xi32>
        %add3A_379 = arith.addi %add3A_378, %iota3A : vector<16xi32>
        %add3A_380 = arith.addi %scan3A_368, %masked_cumsum3A : vector<16xi32>
        %sub3A_381 = arith.subi %add3A_380, %gather3A_373 : vector<16xi32>
        tpu.vector_store_idx %arg22[%add3A_379], %sub3A_381 : memref<1024xi32, #tpu.memory_space<vmem>>[vector<16xi32>], vector<16xi32>,
        %reduce_sum3A = arith.constant true
        %reduce_sum3A_382 = vector.broadcast %reduce_sum3A : i1 to vector<16xi1>
        %reduce_sum3A_383 = tpu.scan <sum>, %gather3A_373 masked %reduce_sum3A_382 : vector<16xi32>, vector<16xi1> -> vector<16xi32>
        %reduce_sum3A_384 = vector.extract %reduce_sum3A_383[15] : i32 from vector<16xi32>
        %broadcast_in_dim3A_385 = vector.broadcast %reduce_sum3A_384 : i32 to vector<16xi32>
        %add3A_386 = arith.addi %scan3A_368, %broadcast_in_dim3A_385 : vector<16xi32>
        scf.yield %add3A_386 : vector<16xi32>
      }
      %scan3A_286 = arith.constant 64 : i32
      %scan3A_287 = arith.constant 0 : i32
      %scan3A_288 = arith.constant 0 : i32
      %scan3A_289 = arith.constant 313 : i32
      %scan3A_290 = arith.addi %scan3A_288, %scan3A_289 : i32
      %scan3A_291 = arith.constant 1 : i32
      %scan3A_292 = scf.for %scan3A_367 = %scan3A_288 to %scan3A_290 step %scan3A_291 iter_args(%scan3A_368 = %scan3A_287) -> (i32)  : i32 {
        %mul3A_369 = arith.constant 313 : i32
        %mul3A_370 = vector.broadcast %mul3A_369 : i32 to vector<16xi32>
        %mul3A_371 = arith.muli %iota3A, %mul3A_370 : vector<16xi32>
        %mul3A_372 = arith.constant 1 : i32
        %mul3A_373 = arith.muli %scan3A_367, %mul3A_372 : i32
        %add3A_374 = vector.broadcast %mul3A_373 : i32 to vector<16xi32>
        %add3A_375 = arith.addi %mul3A_371, %add3A_374 : vector<16xi32>
        %add3A_376 = arith.constant 0 : i32
        %add3A_377 = vector.broadcast %add3A_376 : i32 to vector<16xi32>
        %add3A_378 = arith.addi %add3A_375, %add3A_377 : vector<16xi32>
        %gather3A_379 = tpu.vector_load_idx %arg16[%add3A_378] : memref<5024xi32, #tpu.memory_space<vmem>>[vector<16xi32>], vector<16xi32>,
        %gather3A_380 = tpu.vector_load_idx %arg17[%add3A_378] : memref<5024xi32, #tpu.memory_space<vmem>>[vector<16xi32>], vector<16xi32>,
        %shift_right_arithmetic3A = arith.constant 12 : i32
        %shift_right_arithmetic3A_381 = vector.broadcast %shift_right_arithmetic3A : i32 to vector<16xi32>
        %shift_right_arithmetic3A_382 = arith.shrsi %gather3A_379, %shift_right_arithmetic3A_381 : vector<16xi32>
        %and3A_383 = arith.constant 63 : i32
        %and3A_384 = vector.broadcast %and3A_383 : i32 to vector<16xi32>
        %and3A_385 = arith.andi %shift_right_arithmetic3A_382, %and3A_384 : vector<16xi32>
        %sub3A_386 = arith.constant 63 : i32
        %sub3A_387 = vector.broadcast %sub3A_386 : i32 to vector<16xi32>
        %sub3A_388 = arith.subi %sub3A_387, %and3A_385 : vector<16xi32>
        %mul3A_389 = arith.constant 16 : i32
        %mul3A_390 = vector.broadcast %mul3A_389 : i32 to vector<16xi32>
        %mul3A_391 = arith.muli %sub3A_388, %mul3A_390 : vector<16xi32>
        %add3A_392 = arith.addi %mul3A_391, %iota3A : vector<16xi32>
        %gather3A_393 = tpu.vector_load_idx %arg22[%add3A_392] : memref<1024xi32, #tpu.memory_space<vmem>>[vector<16xi32>], vector<16xi32>,
        tpu.vector_store_idx %arg18[%gather3A_393], %gather3A_379 : memref<5024xi32, #tpu.memory_space<vmem>>[vector<16xi32>], vector<16xi32>,
        tpu.vector_store_idx %arg19[%gather3A_393], %gather3A_380 : memref<5024xi32, #tpu.memory_space<vmem>>[vector<16xi32>], vector<16xi32>,
        tpu.vector_store_idx %arg22[%add3A_392], %broadcast_in_dim3A_41 {add = true} : memref<1024xi32, #tpu.memory_space<vmem>>[vector<16xi32>], vector<16xi32>,
        %scan3A_394 = arith.constant 0 : i32
        scf.yield %scan3A_394 : i32
      }
      %scan3A_293 = arith.constant 313 : i32
      %scan3A_294 = arith.constant 0 : i32
      %scan3A_295 = arith.constant 0 : i32
      %scan3A_296 = arith.constant 64 : i32
      %scan3A_297 = arith.addi %scan3A_295, %scan3A_296 : i32
      %scan3A_298 = arith.constant 1 : i32
      %scan3A_299 = scf.for %scan3A_367 = %scan3A_295 to %scan3A_297 step %scan3A_298 iter_args(%scan3A_368 = %scan3A_294) -> (i32)  : i32 {
        %mul3A_369 = arith.constant 16 : i32
        %mul3A_370 = arith.muli %scan3A_367, %mul3A_369 : i32
        %add3A_371 = vector.broadcast %mul3A_370 : i32 to vector<16xi32>
        %add3A_372 = arith.addi %add3A_371, %iota3A : vector<16xi32>
        tpu.vector_store_idx %arg11[%add3A_372], %broadcast_in_dim3A_43 : memref<16384xi32, #tpu.memory_space<vmem>>[vector<16xi32>], vector<16xi32>,
        %scan3A_373 = arith.constant 0 : i32
        scf.yield %scan3A_373 : i32
      }
      %scan3A_300 = arith.constant 64 : i32
      %scan3A_301 = arith.constant 0 : i32
      %scan3A_302 = arith.constant 0 : i32
      %scan3A_303 = arith.constant 313 : i32
      %scan3A_304 = arith.addi %scan3A_302, %scan3A_303 : i32
      %scan3A_305 = arith.constant 1 : i32
      %scan3A_306 = scf.for %scan3A_367 = %scan3A_302 to %scan3A_304 step %scan3A_305 iter_args(%scan3A_368 = %scan3A_301) -> (i32)  : i32 {
        %mul3A_369 = arith.constant 313 : i32
        %mul3A_370 = vector.broadcast %mul3A_369 : i32 to vector<16xi32>
        %mul3A_371 = arith.muli %iota3A, %mul3A_370 : vector<16xi32>
        %mul3A_372 = arith.constant 1 : i32
        %mul3A_373 = arith.muli %scan3A_367, %mul3A_372 : i32
        %add3A_374 = vector.broadcast %mul3A_373 : i32 to vector<16xi32>
        %add3A_375 = arith.addi %mul3A_371, %add3A_374 : vector<16xi32>
        %add3A_376 = arith.constant 0 : i32
        %add3A_377 = vector.broadcast %add3A_376 : i32 to vector<16xi32>
        %add3A_378 = arith.addi %add3A_375, %add3A_377 : vector<16xi32>
        %gather3A_379 = tpu.vector_load_idx %arg18[%add3A_378] : memref<5024xi32, #tpu.memory_space<vmem>>[vector<16xi32>], vector<16xi32>,
        %shift_right_arithmetic3A = arith.constant 18 : i32
        %shift_right_arithmetic3A_380 = vector.broadcast %shift_right_arithmetic3A : i32 to vector<16xi32>
        %shift_right_arithmetic3A_381 = arith.shrsi %gather3A_379, %shift_right_arithmetic3A_380 : vector<16xi32>
        %and3A_382 = arith.constant 63 : i32
        %and3A_383 = vector.broadcast %and3A_382 : i32 to vector<16xi32>
        %and3A_384 = arith.andi %shift_right_arithmetic3A_381, %and3A_383 : vector<16xi32>
        %sub3A_385 = arith.constant 63 : i32
        %sub3A_386 = vector.broadcast %sub3A_385 : i32 to vector<16xi32>
        %sub3A_387 = arith.subi %sub3A_386, %and3A_384 : vector<16xi32>
        %mul3A_388 = arith.constant 16 : i32
        %mul3A_389 = vector.broadcast %mul3A_388 : i32 to vector<16xi32>
        %mul3A_390 = arith.muli %sub3A_387, %mul3A_389 : vector<16xi32>
        %add3A_391 = arith.addi %mul3A_390, %iota3A : vector<16xi32>
        tpu.vector_store_idx %arg11[%add3A_391], %broadcast_in_dim3A_41 {add = true} : memref<16384xi32, #tpu.memory_space<vmem>>[vector<16xi32>], vector<16xi32>,
        %scan3A_392 = arith.constant 0 : i32
        scf.yield %scan3A_392 : i32
      }
      %scan3A_307 = arith.constant 313 : i32
      %scan3A_308 = arith.constant 0 : i32
      %scan3A_309 = arith.constant 64 : i32
      %scan3A_310 = arith.addi %scan3A_308, %scan3A_309 : i32
      %scan3A_311 = arith.constant 1 : i32
      %scan3A_312 = scf.for %scan3A_367 = %scan3A_308 to %scan3A_310 step %scan3A_311 iter_args(%scan3A_368 = %broadcast_in_dim3A_43) -> (vector<16xi32>)  : i32 {
        %mul3A_369 = arith.constant 16 : i32
        %mul3A_370 = arith.muli %scan3A_367, %mul3A_369 : i32
        %add3A_371 = vector.broadcast %mul3A_370 : i32 to vector<16xi32>
        %add3A_372 = arith.addi %add3A_371, %iota3A : vector<16xi32>
        %gather3A_373 = tpu.vector_load_idx %arg11[%add3A_372] : memref<16384xi32, #tpu.memory_space<vmem>>[vector<16xi32>], vector<16xi32>,
        %broadcast_in_dim3A_374 = arith.constant true
        %broadcast_in_dim3A_375 = vector.broadcast %broadcast_in_dim3A_374 : i1 to vector<16xi1>
        %masked_cumsum3A = tpu.scan <sum>, %gather3A_373 masked %broadcast_in_dim3A_375 : vector<16xi32>, vector<16xi1> -> vector<16xi32>
        %mul3A_376 = arith.constant 16 : i32
        %mul3A_377 = arith.muli %scan3A_367, %mul3A_376 : i32
        %add3A_378 = vector.broadcast %mul3A_377 : i32 to vector<16xi32>
        %add3A_379 = arith.addi %add3A_378, %iota3A : vector<16xi32>
        %add3A_380 = arith.addi %scan3A_368, %masked_cumsum3A : vector<16xi32>
        %sub3A_381 = arith.subi %add3A_380, %gather3A_373 : vector<16xi32>
        tpu.vector_store_idx %arg22[%add3A_379], %sub3A_381 : memref<1024xi32, #tpu.memory_space<vmem>>[vector<16xi32>], vector<16xi32>,
        %reduce_sum3A = arith.constant true
        %reduce_sum3A_382 = vector.broadcast %reduce_sum3A : i1 to vector<16xi1>
        %reduce_sum3A_383 = tpu.scan <sum>, %gather3A_373 masked %reduce_sum3A_382 : vector<16xi32>, vector<16xi1> -> vector<16xi32>
        %reduce_sum3A_384 = vector.extract %reduce_sum3A_383[15] : i32 from vector<16xi32>
        %broadcast_in_dim3A_385 = vector.broadcast %reduce_sum3A_384 : i32 to vector<16xi32>
        %add3A_386 = arith.addi %scan3A_368, %broadcast_in_dim3A_385 : vector<16xi32>
        scf.yield %add3A_386 : vector<16xi32>
      }
      %scan3A_313 = arith.constant 64 : i32
      %scan3A_314 = arith.constant 0 : i32
      %scan3A_315 = arith.constant 0 : i32
      %scan3A_316 = arith.constant 313 : i32
      %scan3A_317 = arith.addi %scan3A_315, %scan3A_316 : i32
      %scan3A_318 = arith.constant 1 : i32
      %scan3A_319 = scf.for %scan3A_367 = %scan3A_315 to %scan3A_317 step %scan3A_318 iter_args(%scan3A_368 = %scan3A_314) -> (i32)  : i32 {
        %mul3A_369 = arith.constant 313 : i32
        %mul3A_370 = vector.broadcast %mul3A_369 : i32 to vector<16xi32>
        %mul3A_371 = arith.muli %iota3A, %mul3A_370 : vector<16xi32>
        %mul3A_372 = arith.constant 1 : i32
        %mul3A_373 = arith.muli %scan3A_367, %mul3A_372 : i32
        %add3A_374 = vector.broadcast %mul3A_373 : i32 to vector<16xi32>
        %add3A_375 = arith.addi %mul3A_371, %add3A_374 : vector<16xi32>
        %add3A_376 = arith.constant 0 : i32
        %add3A_377 = vector.broadcast %add3A_376 : i32 to vector<16xi32>
        %add3A_378 = arith.addi %add3A_375, %add3A_377 : vector<16xi32>
        %gather3A_379 = tpu.vector_load_idx %arg18[%add3A_378] : memref<5024xi32, #tpu.memory_space<vmem>>[vector<16xi32>], vector<16xi32>,
        %gather3A_380 = tpu.vector_load_idx %arg19[%add3A_378] : memref<5024xi32, #tpu.memory_space<vmem>>[vector<16xi32>], vector<16xi32>,
        %shift_right_arithmetic3A = arith.constant 18 : i32
        %shift_right_arithmetic3A_381 = vector.broadcast %shift_right_arithmetic3A : i32 to vector<16xi32>
        %shift_right_arithmetic3A_382 = arith.shrsi %gather3A_379, %shift_right_arithmetic3A_381 : vector<16xi32>
        %and3A_383 = arith.constant 63 : i32
        %and3A_384 = vector.broadcast %and3A_383 : i32 to vector<16xi32>
        %and3A_385 = arith.andi %shift_right_arithmetic3A_382, %and3A_384 : vector<16xi32>
        %sub3A_386 = arith.constant 63 : i32
        %sub3A_387 = vector.broadcast %sub3A_386 : i32 to vector<16xi32>
        %sub3A_388 = arith.subi %sub3A_387, %and3A_385 : vector<16xi32>
        %mul3A_389 = arith.constant 16 : i32
        %mul3A_390 = vector.broadcast %mul3A_389 : i32 to vector<16xi32>
        %mul3A_391 = arith.muli %sub3A_388, %mul3A_390 : vector<16xi32>
        %add3A_392 = arith.addi %mul3A_391, %iota3A : vector<16xi32>
        %gather3A_393 = tpu.vector_load_idx %arg22[%add3A_392] : memref<1024xi32, #tpu.memory_space<vmem>>[vector<16xi32>], vector<16xi32>,
        tpu.vector_store_idx %arg16[%gather3A_393], %gather3A_379 : memref<5024xi32, #tpu.memory_space<vmem>>[vector<16xi32>], vector<16xi32>,
        tpu.vector_store_idx %arg17[%gather3A_393], %gather3A_380 : memref<5024xi32, #tpu.memory_space<vmem>>[vector<16xi32>], vector<16xi32>,
        tpu.vector_store_idx %arg22[%add3A_392], %broadcast_in_dim3A_41 {add = true} : memref<1024xi32, #tpu.memory_space<vmem>>[vector<16xi32>], vector<16xi32>,
        %scan3A_394 = arith.constant 0 : i32
        scf.yield %scan3A_394 : i32
      }
      %scan3A_320 = arith.constant 313 : i32
      %scan3A_321 = arith.constant 0 : i32
      %scan3A_322 = arith.constant 0 : i32
      %scan3A_323 = arith.constant 64 : i32
      %scan3A_324 = arith.addi %scan3A_322, %scan3A_323 : i32
      %scan3A_325 = arith.constant 1 : i32
      %scan3A_326 = scf.for %scan3A_367 = %scan3A_322 to %scan3A_324 step %scan3A_325 iter_args(%scan3A_368 = %scan3A_321) -> (i32)  : i32 {
        %mul3A_369 = arith.constant 16 : i32
        %mul3A_370 = arith.muli %scan3A_367, %mul3A_369 : i32
        %add3A_371 = vector.broadcast %mul3A_370 : i32 to vector<16xi32>
        %add3A_372 = arith.addi %add3A_371, %iota3A : vector<16xi32>
        tpu.vector_store_idx %arg11[%add3A_372], %broadcast_in_dim3A_43 : memref<16384xi32, #tpu.memory_space<vmem>>[vector<16xi32>], vector<16xi32>,
        %scan3A_373 = arith.constant 0 : i32
        scf.yield %scan3A_373 : i32
      }
      %scan3A_327 = arith.constant 64 : i32
      %scan3A_328 = arith.constant 0 : i32
      %scan3A_329 = arith.constant 0 : i32
      %scan3A_330 = arith.constant 313 : i32
      %scan3A_331 = arith.addi %scan3A_329, %scan3A_330 : i32
      %scan3A_332 = arith.constant 1 : i32
      %scan3A_333 = scf.for %scan3A_367 = %scan3A_329 to %scan3A_331 step %scan3A_332 iter_args(%scan3A_368 = %scan3A_328) -> (i32)  : i32 {
        %mul3A_369 = arith.constant 313 : i32
        %mul3A_370 = vector.broadcast %mul3A_369 : i32 to vector<16xi32>
        %mul3A_371 = arith.muli %iota3A, %mul3A_370 : vector<16xi32>
        %mul3A_372 = arith.constant 1 : i32
        %mul3A_373 = arith.muli %scan3A_367, %mul3A_372 : i32
        %add3A_374 = vector.broadcast %mul3A_373 : i32 to vector<16xi32>
        %add3A_375 = arith.addi %mul3A_371, %add3A_374 : vector<16xi32>
        %add3A_376 = arith.constant 0 : i32
        %add3A_377 = vector.broadcast %add3A_376 : i32 to vector<16xi32>
        %add3A_378 = arith.addi %add3A_375, %add3A_377 : vector<16xi32>
        %gather3A_379 = tpu.vector_load_idx %arg16[%add3A_378] : memref<5024xi32, #tpu.memory_space<vmem>>[vector<16xi32>], vector<16xi32>,
        %shift_right_arithmetic3A = arith.constant 24 : i32
        %shift_right_arithmetic3A_380 = vector.broadcast %shift_right_arithmetic3A : i32 to vector<16xi32>
        %shift_right_arithmetic3A_381 = arith.shrsi %gather3A_379, %shift_right_arithmetic3A_380 : vector<16xi32>
        %and3A_382 = arith.constant 63 : i32
        %and3A_383 = vector.broadcast %and3A_382 : i32 to vector<16xi32>
        %and3A_384 = arith.andi %shift_right_arithmetic3A_381, %and3A_383 : vector<16xi32>
        %sub3A_385 = arith.constant 63 : i32
        %sub3A_386 = vector.broadcast %sub3A_385 : i32 to vector<16xi32>
        %sub3A_387 = arith.subi %sub3A_386, %and3A_384 : vector<16xi32>
        %mul3A_388 = arith.constant 16 : i32
        %mul3A_389 = vector.broadcast %mul3A_388 : i32 to vector<16xi32>
        %mul3A_390 = arith.muli %sub3A_387, %mul3A_389 : vector<16xi32>
        %add3A_391 = arith.addi %mul3A_390, %iota3A : vector<16xi32>
        tpu.vector_store_idx %arg11[%add3A_391], %broadcast_in_dim3A_41 {add = true} : memref<16384xi32, #tpu.memory_space<vmem>>[vector<16xi32>], vector<16xi32>,
        %scan3A_392 = arith.constant 0 : i32
        scf.yield %scan3A_392 : i32
      }
      %scan3A_334 = arith.constant 313 : i32
      %scan3A_335 = arith.constant 0 : i32
      %scan3A_336 = arith.constant 64 : i32
      %scan3A_337 = arith.addi %scan3A_335, %scan3A_336 : i32
      %scan3A_338 = arith.constant 1 : i32
      %scan3A_339 = scf.for %scan3A_367 = %scan3A_335 to %scan3A_337 step %scan3A_338 iter_args(%scan3A_368 = %broadcast_in_dim3A_43) -> (vector<16xi32>)  : i32 {
        %mul3A_369 = arith.constant 16 : i32
        %mul3A_370 = arith.muli %scan3A_367, %mul3A_369 : i32
        %add3A_371 = vector.broadcast %mul3A_370 : i32 to vector<16xi32>
        %add3A_372 = arith.addi %add3A_371, %iota3A : vector<16xi32>
        %gather3A_373 = tpu.vector_load_idx %arg11[%add3A_372] : memref<16384xi32, #tpu.memory_space<vmem>>[vector<16xi32>], vector<16xi32>,
        %broadcast_in_dim3A_374 = arith.constant true
        %broadcast_in_dim3A_375 = vector.broadcast %broadcast_in_dim3A_374 : i1 to vector<16xi1>
        %masked_cumsum3A = tpu.scan <sum>, %gather3A_373 masked %broadcast_in_dim3A_375 : vector<16xi32>, vector<16xi1> -> vector<16xi32>
        %mul3A_376 = arith.constant 16 : i32
        %mul3A_377 = arith.muli %scan3A_367, %mul3A_376 : i32
        %add3A_378 = vector.broadcast %mul3A_377 : i32 to vector<16xi32>
        %add3A_379 = arith.addi %add3A_378, %iota3A : vector<16xi32>
        %add3A_380 = arith.addi %scan3A_368, %masked_cumsum3A : vector<16xi32>
        %sub3A_381 = arith.subi %add3A_380, %gather3A_373 : vector<16xi32>
        tpu.vector_store_idx %arg22[%add3A_379], %sub3A_381 : memref<1024xi32, #tpu.memory_space<vmem>>[vector<16xi32>], vector<16xi32>,
        %reduce_sum3A = arith.constant true
        %reduce_sum3A_382 = vector.broadcast %reduce_sum3A : i1 to vector<16xi1>
        %reduce_sum3A_383 = tpu.scan <sum>, %gather3A_373 masked %reduce_sum3A_382 : vector<16xi32>, vector<16xi1> -> vector<16xi32>
        %reduce_sum3A_384 = vector.extract %reduce_sum3A_383[15] : i32 from vector<16xi32>
        %broadcast_in_dim3A_385 = vector.broadcast %reduce_sum3A_384 : i32 to vector<16xi32>
        %add3A_386 = arith.addi %scan3A_368, %broadcast_in_dim3A_385 : vector<16xi32>
        scf.yield %add3A_386 : vector<16xi32>
      }
      %scan3A_340 = arith.constant 64 : i32
      %scan3A_341 = arith.constant 0 : i32
      %scan3A_342 = arith.constant 0 : i32
      %scan3A_343 = arith.constant 313 : i32
      %scan3A_344 = arith.addi %scan3A_342, %scan3A_343 : i32
      %scan3A_345 = arith.constant 1 : i32
      %scan3A_346 = scf.for %scan3A_367 = %scan3A_342 to %scan3A_344 step %scan3A_345 iter_args(%scan3A_368 = %scan3A_341) -> (i32)  : i32 {
        %mul3A_369 = arith.constant 313 : i32
        %mul3A_370 = vector.broadcast %mul3A_369 : i32 to vector<16xi32>
        %mul3A_371 = arith.muli %iota3A, %mul3A_370 : vector<16xi32>
        %mul3A_372 = arith.constant 1 : i32
        %mul3A_373 = arith.muli %scan3A_367, %mul3A_372 : i32
        %add3A_374 = vector.broadcast %mul3A_373 : i32 to vector<16xi32>
        %add3A_375 = arith.addi %mul3A_371, %add3A_374 : vector<16xi32>
        %add3A_376 = arith.constant 0 : i32
        %add3A_377 = vector.broadcast %add3A_376 : i32 to vector<16xi32>
        %add3A_378 = arith.addi %add3A_375, %add3A_377 : vector<16xi32>
        %gather3A_379 = tpu.vector_load_idx %arg16[%add3A_378] : memref<5024xi32, #tpu.memory_space<vmem>>[vector<16xi32>], vector<16xi32>,
        %gather3A_380 = tpu.vector_load_idx %arg17[%add3A_378] : memref<5024xi32, #tpu.memory_space<vmem>>[vector<16xi32>], vector<16xi32>,
        %shift_right_arithmetic3A = arith.constant 24 : i32
        %shift_right_arithmetic3A_381 = vector.broadcast %shift_right_arithmetic3A : i32 to vector<16xi32>
        %shift_right_arithmetic3A_382 = arith.shrsi %gather3A_379, %shift_right_arithmetic3A_381 : vector<16xi32>
        %and3A_383 = arith.constant 63 : i32
        %and3A_384 = vector.broadcast %and3A_383 : i32 to vector<16xi32>
        %and3A_385 = arith.andi %shift_right_arithmetic3A_382, %and3A_384 : vector<16xi32>
        %sub3A_386 = arith.constant 63 : i32
        %sub3A_387 = vector.broadcast %sub3A_386 : i32 to vector<16xi32>
        %sub3A_388 = arith.subi %sub3A_387, %and3A_385 : vector<16xi32>
        %mul3A_389 = arith.constant 16 : i32
        %mul3A_390 = vector.broadcast %mul3A_389 : i32 to vector<16xi32>
        %mul3A_391 = arith.muli %sub3A_388, %mul3A_390 : vector<16xi32>
        %add3A_392 = arith.addi %mul3A_391, %iota3A : vector<16xi32>
        %gather3A_393 = tpu.vector_load_idx %arg22[%add3A_392] : memref<1024xi32, #tpu.memory_space<vmem>>[vector<16xi32>], vector<16xi32>,
        tpu.vector_store_idx %arg18[%gather3A_393], %gather3A_379 : memref<5024xi32, #tpu.memory_space<vmem>>[vector<16xi32>], vector<16xi32>,
        tpu.vector_store_idx %arg19[%gather3A_393], %gather3A_380 : memref<5024xi32, #tpu.memory_space<vmem>>[vector<16xi32>], vector<16xi32>,
        tpu.vector_store_idx %arg22[%add3A_392], %broadcast_in_dim3A_41 {add = true} : memref<1024xi32, #tpu.memory_space<vmem>>[vector<16xi32>], vector<16xi32>,
        %scan3A_394 = arith.constant 0 : i32
        scf.yield %scan3A_394 : i32
      }
      %scan3A_347 = arith.constant 313 : i32
      %scan3A_348 = arith.constant 0 : i32
      %scan3A_349 = arith.constant 0 : i32
      %scan3A_350 = arith.constant 313 : i32
      %scan3A_351 = arith.addi %scan3A_349, %scan3A_350 : i32
      %scan3A_352 = arith.constant 1 : i32
      %scan3A_353 = scf.for %scan3A_367 = %scan3A_349 to %scan3A_351 step %scan3A_352 iter_args(%scan3A_368 = %scan3A_348) -> (i32)  : i32 {
        %mul3A_369 = arith.constant 1 : i32
        %mul3A_370 = arith.muli %scan3A_367, %mul3A_369 : i32
        %add3A_371 = arith.constant 0 : i32
        %add3A_372 = arith.addi %mul3A_370, %add3A_371 : i32
        %mul3A_373 = arith.constant 16 : i32
        %mul3A_374 = arith.muli %add3A_372, %mul3A_373 : i32
        %add3A_375 = vector.broadcast %mul3A_374 : i32 to vector<16xi32>
        %add3A_376 = arith.addi %add3A_375, %iota3A : vector<16xi32>
        %gather3A_377 = tpu.vector_load_idx %arg18[%add3A_376] : memref<5024xi32, #tpu.memory_space<vmem>>[vector<16xi32>], vector<16xi32>,
        %gather3A_378 = tpu.vector_load_idx %arg19[%add3A_376] : memref<5024xi32, #tpu.memory_space<vmem>>[vector<16xi32>], vector<16xi32>,
        %jit3A_379 = arith.constant 80 : i32
        %div3A_380 = vector.broadcast %jit3A_379 : i32 to vector<16xi32>
        %div3A_381 = arith.divsi %gather3A_378, %div3A_380 : vector<16xi32>
        %sign3A_382 = arith.constant 0 : i32
        %sign3A_383 = vector.broadcast %sign3A_382 : i32 to vector<16xi32>
        %sign3A_384 = arith.cmpi sgt, %gather3A_378, %sign3A_383 : vector<16xi32>
        %sign3A_385 = arith.extui %sign3A_384 : vector<16xi1> to vector<16xi32>
        %sign3A_386 = arith.constant 0 : i32
        %sign3A_387 = vector.broadcast %sign3A_386 : i32 to vector<16xi32>
        %sign3A_388 = arith.cmpi slt, %gather3A_378, %sign3A_387 : vector<16xi32>
        %sign3A_389 = arith.extui %sign3A_388 : vector<16xi1> to vector<16xi32>
        %sign3A_390 = arith.subi %sign3A_385, %sign3A_389 : vector<16xi32>
        %sign3A_391 = arith.constant 0 : i32
        %sign3A_392 = arith.cmpi sgt, %jit3A_379, %sign3A_391 : i32
        %sign3A_393 = arith.extui %sign3A_392 : i1 to i32
        %sign3A_394 = arith.constant 0 : i32
        %sign3A_395 = arith.cmpi slt, %jit3A_379, %sign3A_394 : i32
        %sign3A_396 = arith.extui %sign3A_395 : i1 to i32
        %sign3A_397 = arith.subi %sign3A_393, %sign3A_396 : i32
        %ne3A_398 = vector.broadcast %sign3A_397 : i32 to vector<16xi32>
        %ne3A_399 = arith.cmpi ne, %sign3A_390, %ne3A_398 : vector<16xi32>
        %rem3A_400 = vector.broadcast %jit3A_379 : i32 to vector<16xi32>
        %rem3A_401 = arith.remsi %gather3A_378, %rem3A_400 : vector<16xi32>
        %ne3A_402 = arith.constant 0 : i32
        %ne3A_403 = vector.broadcast %ne3A_402 : i32 to vector<16xi32>
        %ne3A_404 = arith.cmpi ne, %rem3A_401, %ne3A_403 : vector<16xi32>
        %and3A_405 = arith.andi %ne3A_399, %ne3A_404 : vector<16xi1>
        %sub3A_406 = arith.constant 1 : i32
        %sub3A_407 = vector.broadcast %sub3A_406 : i32 to vector<16xi32>
        %sub3A_408 = arith.subi %div3A_381, %sub3A_407 : vector<16xi32>
        %select_n3A_409 = arith.select %and3A_405, %sub3A_408, %div3A_381 : vector<16xi1>, vector<16xi32>
        %mul3A_410 = arith.constant 80 : i32
        %mul3A_411 = vector.broadcast %mul3A_410 : i32 to vector<16xi32>
        %mul3A_412 = arith.muli %select_n3A_409, %mul3A_411 : vector<16xi32>
        %sub3A_413 = arith.subi %gather3A_378, %mul3A_412 : vector<16xi32>
        %min3A_414 = arith.constant 4999 : i32
        %min3A_415 = vector.broadcast %min3A_414 : i32 to vector<16xi32>
        %min3A_416 = arith.minsi %select_n3A_409, %min3A_415 : vector<16xi32>
        %gather3A_417 = tpu.vector_load_idx %arg23[%min3A_416] : memref<10000xf32, #tpu.memory_space<vmem>>[vector<16xi32>], vector<16xf32>,
        %add3A_418 = arith.constant 5000 : i32
        %add3A_419 = vector.broadcast %add3A_418 : i32 to vector<16xi32>
        %add3A_420 = arith.addi %min3A_416, %add3A_419 : vector<16xi32>
        %gather3A_421 = tpu.vector_load_idx %arg23[%add3A_420] : memref<10000xf32, #tpu.memory_space<vmem>>[vector<16xi32>], vector<16xf32>,
        %bitcast3A = vector.bitcast %gather3A_377 : vector<16xi32> to vector<16xf32>
        tpu.vector_store_idx %arg27[%add3A_376], %bitcast3A : memref<5008xf32, #tpu.memory_space<vmem>>[vector<16xi32>], vector<16xf32>,
        tpu.vector_store_idx %arg25[%add3A_376], %sub3A_413 : memref<5008xi32, #tpu.memory_space<vmem>>[vector<16xi32>], vector<16xi32>,
        tpu.vector_store_idx %arg26[%add3A_376], %select_n3A_409 : memref<5008xi32, #tpu.memory_space<vmem>>[vector<16xi32>], vector<16xi32>,
        %mul3A_422 = arith.constant 2 : i32
        %mul3A_423 = vector.broadcast %mul3A_422 : i32 to vector<16xi32>
        %mul3A_424 = arith.muli %mul3A_423, %add3A_376 : vector<16xi32>
        tpu.vector_store_idx %arg24[%mul3A_424], %gather3A_417 : memref<10016xf32, #tpu.memory_space<vmem>>[vector<16xi32>], vector<16xf32>,
        %mul3A_425 = arith.constant 2 : i32
        %mul3A_426 = vector.broadcast %mul3A_425 : i32 to vector<16xi32>
        %mul3A_427 = arith.muli %mul3A_426, %add3A_376 : vector<16xi32>
        %add3A_428 = arith.constant 1 : i32
        %add3A_429 = vector.broadcast %add3A_428 : i32 to vector<16xi32>
        %add3A_430 = arith.addi %mul3A_427, %add3A_429 : vector<16xi32>
        tpu.vector_store_idx %arg24[%add3A_430], %gather3A_421 : memref<10016xf32, #tpu.memory_space<vmem>>[vector<16xi32>], vector<16xf32>,
        %scan3A_431 = arith.constant 0 : i32
        scf.yield %scan3A_431 : i32
      }
      %scan3A_354 = arith.constant 313 : i32
      %mul3A_355 = arith.constant 5000 : i32
      %mul3A_356 = arith.muli %add3A, %mul3A_355 : i32
      "tpu.region"() ({
        %run_scoped3A = tpu.sem_alloc : memref<!tpu.dma_semaphore, #tpu.memory_space<semaphore_mem>>
        %dma_start3A = arith.constant 0 : i32
        %dma_start3A_367 = tpu.memref_slice %arg27[%dma_start3A] : memref<5008xf32, #tpu.memory_space<vmem>> -> memref<5000xf32, #tpu.memory_space<vmem>>
        %dma_start3A_368 = tpu.memref_slice %arg4[%mul3A_356] : memref<80000xf32, #tpu.memory_space<hbm>> -> memref<5000xf32, #tpu.memory_space<hbm>>
        %dma_start3A_369 = tpu.memref_slice %arg4[%mul3A_356] : memref<80000xf32, #tpu.memory_space<hbm>> -> memref<5000xf32, #tpu.memory_space<hbm>>
        %dma_start3A_370 = arith.constant 0 : i32
        %dma_start3A_371 = tpu.memref_slice %arg27[%dma_start3A_370] : memref<5008xf32, #tpu.memory_space<vmem>> -> memref<5000xf32, #tpu.memory_space<vmem>>
        tpu.enqueue_dma source(%dma_start3A_371 : memref<5000xf32, #tpu.memory_space<vmem>>) target(%dma_start3A_369 : memref<5000xf32, #tpu.memory_space<hbm>>) target_semaphore(%run_scoped3A : memref<!tpu.dma_semaphore, #tpu.memory_space<semaphore_mem>>)
        %dma_wait3A = arith.constant 0 : i32
        %dma_wait3A_372 = tpu.memref_slice %arg27[%dma_wait3A] : memref<5008xf32, #tpu.memory_space<vmem>> -> memref<5000xf32, #tpu.memory_space<vmem>>
        %dma_wait3A_373 = tpu.memref_slice %arg4[%mul3A_356] : memref<80000xf32, #tpu.memory_space<hbm>> -> memref<5000xf32, #tpu.memory_space<hbm>>
        %dma_wait3A_374 = tpu.memref_slice %arg4[%mul3A_356] : memref<80000xf32, #tpu.memory_space<hbm>> -> memref<5000xf32, #tpu.memory_space<hbm>>
        %dma_wait3A_375 = arith.constant 0 : i32
        %dma_wait3A_376 = tpu.memref_slice %arg27[%dma_wait3A_375] : memref<5008xf32, #tpu.memory_space<vmem>> -> memref<5000xf32, #tpu.memory_space<vmem>>
        tpu.wait_dma2 semaphore(%run_scoped3A : memref<!tpu.dma_semaphore, #tpu.memory_space<semaphore_mem>>) src(%dma_wait3A_376 : memref<5000xf32, #tpu.memory_space<vmem>>) dst(%dma_wait3A_374 : memref<5000xf32, #tpu.memory_space<hbm>>)
        tpu.yield
      }) : () -> ()
      %mul3A_357 = arith.constant 5000 : i32
      %mul3A_358 = arith.muli %add3A, %mul3A_357 : i32
      "tpu.region"() ({
        %run_scoped3A = tpu.sem_alloc : memref<!tpu.dma_semaphore, #tpu.memory_space<semaphore_mem>>
        %dma_start3A = arith.constant 0 : i32
        %dma_start3A_367 = tpu.memref_slice %arg25[%dma_start3A] : memref<5008xi32, #tpu.memory_space<vmem>> -> memref<5000xi32, #tpu.memory_space<vmem>>
        %dma_start3A_368 = tpu.memref_slice %arg5[%mul3A_358] : memref<80000xi32, #tpu.memory_space<hbm>> -> memref<5000xi32, #tpu.memory_space<hbm>>
        %dma_start3A_369 = tpu.memref_slice %arg5[%mul3A_358] : memref<80000xi32, #tpu.memory_space<hbm>> -> memref<5000xi32, #tpu.memory_space<hbm>>
        %dma_start3A_370 = arith.constant 0 : i32
        %dma_start3A_371 = tpu.memref_slice %arg25[%dma_start3A_370] : memref<5008xi32, #tpu.memory_space<vmem>> -> memref<5000xi32, #tpu.memory_space<vmem>>
        tpu.enqueue_dma source(%dma_start3A_371 : memref<5000xi32, #tpu.memory_space<vmem>>) target(%dma_start3A_369 : memref<5000xi32, #tpu.memory_space<hbm>>) target_semaphore(%run_scoped3A : memref<!tpu.dma_semaphore, #tpu.memory_space<semaphore_mem>>)
        %dma_wait3A = arith.constant 0 : i32
        %dma_wait3A_372 = tpu.memref_slice %arg25[%dma_wait3A] : memref<5008xi32, #tpu.memory_space<vmem>> -> memref<5000xi32, #tpu.memory_space<vmem>>
        %dma_wait3A_373 = tpu.memref_slice %arg5[%mul3A_358] : memref<80000xi32, #tpu.memory_space<hbm>> -> memref<5000xi32, #tpu.memory_space<hbm>>
        %dma_wait3A_374 = tpu.memref_slice %arg5[%mul3A_358] : memref<80000xi32, #tpu.memory_space<hbm>> -> memref<5000xi32, #tpu.memory_space<hbm>>
        %dma_wait3A_375 = arith.constant 0 : i32
        %dma_wait3A_376 = tpu.memref_slice %arg25[%dma_wait3A_375] : memref<5008xi32, #tpu.memory_space<vmem>> -> memref<5000xi32, #tpu.memory_space<vmem>>
        tpu.wait_dma2 semaphore(%run_scoped3A : memref<!tpu.dma_semaphore, #tpu.memory_space<semaphore_mem>>) src(%dma_wait3A_376 : memref<5000xi32, #tpu.memory_space<vmem>>) dst(%dma_wait3A_374 : memref<5000xi32, #tpu.memory_space<hbm>>)
        tpu.yield
      }) : () -> ()
      %mul3A_359 = arith.constant 5000 : i32
      %mul3A_360 = arith.muli %add3A, %mul3A_359 : i32
      "tpu.region"() ({
        %run_scoped3A = tpu.sem_alloc : memref<!tpu.dma_semaphore, #tpu.memory_space<semaphore_mem>>
        %dma_start3A = arith.constant 0 : i32
        %dma_start3A_367 = tpu.memref_slice %arg26[%dma_start3A] : memref<5008xi32, #tpu.memory_space<vmem>> -> memref<5000xi32, #tpu.memory_space<vmem>>
        %dma_start3A_368 = tpu.memref_slice %arg6[%mul3A_360] : memref<80000xi32, #tpu.memory_space<hbm>> -> memref<5000xi32, #tpu.memory_space<hbm>>
        %dma_start3A_369 = tpu.memref_slice %arg6[%mul3A_360] : memref<80000xi32, #tpu.memory_space<hbm>> -> memref<5000xi32, #tpu.memory_space<hbm>>
        %dma_start3A_370 = arith.constant 0 : i32
        %dma_start3A_371 = tpu.memref_slice %arg26[%dma_start3A_370] : memref<5008xi32, #tpu.memory_space<vmem>> -> memref<5000xi32, #tpu.memory_space<vmem>>
        tpu.enqueue_dma source(%dma_start3A_371 : memref<5000xi32, #tpu.memory_space<vmem>>) target(%dma_start3A_369 : memref<5000xi32, #tpu.memory_space<hbm>>) target_semaphore(%run_scoped3A : memref<!tpu.dma_semaphore, #tpu.memory_space<semaphore_mem>>)
        %dma_wait3A = arith.constant 0 : i32
        %dma_wait3A_372 = tpu.memref_slice %arg26[%dma_wait3A] : memref<5008xi32, #tpu.memory_space<vmem>> -> memref<5000xi32, #tpu.memory_space<vmem>>
        %dma_wait3A_373 = tpu.memref_slice %arg6[%mul3A_360] : memref<80000xi32, #tpu.memory_space<hbm>> -> memref<5000xi32, #tpu.memory_space<hbm>>
        %dma_wait3A_374 = tpu.memref_slice %arg6[%mul3A_360] : memref<80000xi32, #tpu.memory_space<hbm>> -> memref<5000xi32, #tpu.memory_space<hbm>>
        %dma_wait3A_375 = arith.constant 0 : i32
        %dma_wait3A_376 = tpu.memref_slice %arg26[%dma_wait3A_375] : memref<5008xi32, #tpu.memory_space<vmem>> -> memref<5000xi32, #tpu.memory_space<vmem>>
        tpu.wait_dma2 semaphore(%run_scoped3A : memref<!tpu.dma_semaphore, #tpu.memory_space<semaphore_mem>>) src(%dma_wait3A_376 : memref<5000xi32, #tpu.memory_space<vmem>>) dst(%dma_wait3A_374 : memref<5000xi32, #tpu.memory_space<hbm>>)
        tpu.yield
      }) : () -> ()
      %mul3A_361 = arith.constant 5000 : i32
      %mul3A_362 = arith.muli %add3A, %mul3A_361 : i32
      "tpu.region"() ({
        %run_scoped3A = tpu.sem_alloc : memref<!tpu.dma_semaphore, #tpu.memory_space<semaphore_mem>>
        %dma_start3A = arith.constant 0 : i32
        %dma_start3A_367 = tpu.memref_slice %arg19[%dma_start3A] : memref<5024xi32, #tpu.memory_space<vmem>> -> memref<5000xi32, #tpu.memory_space<vmem>>
        %dma_start3A_368 = tpu.memref_slice %arg7[%mul3A_362] : memref<80000xi32, #tpu.memory_space<hbm>> -> memref<5000xi32, #tpu.memory_space<hbm>>
        %dma_start3A_369 = tpu.memref_slice %arg7[%mul3A_362] : memref<80000xi32, #tpu.memory_space<hbm>> -> memref<5000xi32, #tpu.memory_space<hbm>>
        %dma_start3A_370 = arith.constant 0 : i32
        %dma_start3A_371 = tpu.memref_slice %arg19[%dma_start3A_370] : memref<5024xi32, #tpu.memory_space<vmem>> -> memref<5000xi32, #tpu.memory_space<vmem>>
        tpu.enqueue_dma source(%dma_start3A_371 : memref<5000xi32, #tpu.memory_space<vmem>>) target(%dma_start3A_369 : memref<5000xi32, #tpu.memory_space<hbm>>) target_semaphore(%run_scoped3A : memref<!tpu.dma_semaphore, #tpu.memory_space<semaphore_mem>>)
        %dma_wait3A = arith.constant 0 : i32
        %dma_wait3A_372 = tpu.memref_slice %arg19[%dma_wait3A] : memref<5024xi32, #tpu.memory_space<vmem>> -> memref<5000xi32, #tpu.memory_space<vmem>>
        %dma_wait3A_373 = tpu.memref_slice %arg7[%mul3A_362] : memref<80000xi32, #tpu.memory_space<hbm>> -> memref<5000xi32, #tpu.memory_space<hbm>>
        %dma_wait3A_374 = tpu.memref_slice %arg7[%mul3A_362] : memref<80000xi32, #tpu.memory_space<hbm>> -> memref<5000xi32, #tpu.memory_space<hbm>>
        %dma_wait3A_375 = arith.constant 0 : i32
        %dma_wait3A_376 = tpu.memref_slice %arg19[%dma_wait3A_375] : memref<5024xi32, #tpu.memory_space<vmem>> -> memref<5000xi32, #tpu.memory_space<vmem>>
        tpu.wait_dma2 semaphore(%run_scoped3A : memref<!tpu.dma_semaphore, #tpu.memory_space<semaphore_mem>>) src(%dma_wait3A_376 : memref<5000xi32, #tpu.memory_space<vmem>>) dst(%dma_wait3A_374 : memref<5000xi32, #tpu.memory_space<hbm>>)
        tpu.yield
      }) : () -> ()
      %mul3A_363 = arith.constant 2 : i32
      %mul3A_364 = arith.muli %add3A, %mul3A_363 : i32
      %mul3A_365 = arith.constant 5000 : i32
      %mul3A_366 = arith.muli %mul3A_364, %mul3A_365 : i32
      "tpu.region"() ({
        %run_scoped3A = tpu.sem_alloc : memref<!tpu.dma_semaphore, #tpu.memory_space<semaphore_mem>>
        %dma_start3A = arith.constant 0 : i32
        %dma_start3A_367 = tpu.memref_slice %arg24[%dma_start3A] : memref<10016xf32, #tpu.memory_space<vmem>> -> memref<10000xf32, #tpu.memory_space<vmem>>
        %dma_start3A_368 = tpu.memref_slice %arg8[%mul3A_366] : memref<160000xf32, #tpu.memory_space<hbm>> -> memref<10000xf32, #tpu.memory_space<hbm>>
        %dma_start3A_369 = tpu.memref_slice %arg8[%mul3A_366] : memref<160000xf32, #tpu.memory_space<hbm>> -> memref<10000xf32, #tpu.memory_space<hbm>>
        %dma_start3A_370 = arith.constant 0 : i32
        %dma_start3A_371 = tpu.memref_slice %arg24[%dma_start3A_370] : memref<10016xf32, #tpu.memory_space<vmem>> -> memref<10000xf32, #tpu.memory_space<vmem>>
        tpu.enqueue_dma source(%dma_start3A_371 : memref<10000xf32, #tpu.memory_space<vmem>>) target(%dma_start3A_369 : memref<10000xf32, #tpu.memory_space<hbm>>) target_semaphore(%run_scoped3A : memref<!tpu.dma_semaphore, #tpu.memory_space<semaphore_mem>>)
        %dma_wait3A = arith.constant 0 : i32
        %dma_wait3A_372 = tpu.memref_slice %arg24[%dma_wait3A] : memref<10016xf32, #tpu.memory_space<vmem>> -> memref<10000xf32, #tpu.memory_space<vmem>>
        %dma_wait3A_373 = tpu.memref_slice %arg8[%mul3A_366] : memref<160000xf32, #tpu.memory_space<hbm>> -> memref<10000xf32, #tpu.memory_space<hbm>>
        %dma_wait3A_374 = tpu.memref_slice %arg8[%mul3A_366] : memref<160000xf32, #tpu.memory_space<hbm>> -> memref<10000xf32, #tpu.memory_space<hbm>>
        %dma_wait3A_375 = arith.constant 0 : i32
        %dma_wait3A_376 = tpu.memref_slice %arg24[%dma_wait3A_375] : memref<10016xf32, #tpu.memory_space<vmem>> -> memref<10000xf32, #tpu.memory_space<vmem>>
        tpu.wait_dma2 semaphore(%run_scoped3A : memref<!tpu.dma_semaphore, #tpu.memory_space<semaphore_mem>>) src(%dma_wait3A_376 : memref<10000xf32, #tpu.memory_space<vmem>>) dst(%dma_wait3A_374 : memref<10000xf32, #tpu.memory_space<hbm>>)
        tpu.yield
      }) : () -> ()
    } else {
    }
    return
  }
}

module attributes {stable_mosaic.version = 14 : i64} {
  func.func @_elementwise_body(%arg0: i32, %arg1: memref<1x3125x128xf32, #tpu.memory_space<vmem>>, %arg2: memref<1x2x5000xf32, #tpu.memory_space<vmem>>, %arg3: memref<1x1x101xf32, #tpu.memory_space<vmem>>, %arg4: memref<1x1x1xf32, #tpu.memory_space<vmem>>, %arg5: memref<1x3125x128xf32, #tpu.memory_space<vmem>>, %arg6: memref<1x2x5000xf32, #tpu.memory_space<vmem>>, %arg7: memref<1x2x5000xf32, #tpu.memory_space<vmem>>, %arg8: memref<1x1x1xi32, #tpu.memory_space<vmem>>) attributes {dimension_semantics = [#tpu.dimension_semantics<arbitrary>], iteration_bounds = array<i64: 16>, scalar_prefetch = 0 : i64, scratch_operands = 0 : i64, tpu.core_type = #tpu.core_type<tc>, window_params = [{transform_indices = @transform_0, window_bounds = array<i64: 1, 3125, 128>}, {transform_indices = @transform_1, window_bounds = array<i64: 1, 2, 5000>}, {transform_indices = @transform_2, window_bounds = array<i64: 1, 1, 101>}, {transform_indices = @transform_3, window_bounds = array<i64: 1, 1, 1>}, {transform_indices = @transform_4, window_bounds = array<i64: 1, 3125, 128>}, {transform_indices = @transform_5, window_bounds = array<i64: 1, 2, 5000>}, {transform_indices = @transform_6, window_bounds = array<i64: 1, 2, 5000>}, {transform_indices = @transform_7, window_bounds = array<i64: 1, 1, 1>}]} {
    %get3A = arith.constant 0 : index
    %get3A_0 = arith.constant 0 : index
    %get3A_1 = arith.constant 0 : index
    %get3A_2 = vector.load %arg1[%get3A, %get3A_0, %get3A_1] : memref<1x3125x128xf32, #tpu.memory_space<vmem>>, vector<1x3125x128xf32>
    %logistic3A = arith.negf %get3A_2 : vector<1x3125x128xf32>
    %logistic3A_3 = math.exp %logistic3A : vector<1x3125x128xf32>
    %logistic3A_4 = arith.constant 1.000000e+00 : f32
    %logistic3A_5 = vector.broadcast %logistic3A_4 : f32 to vector<1x3125x128xf32>
    %logistic3A_6 = arith.addf %logistic3A_5, %logistic3A_3 : vector<1x3125x128xf32>
    %logistic3A_7 = arith.divf %logistic3A_5, %logistic3A_6 : vector<1x3125x128xf32>
    %swap3A = arith.constant 0 : index
    %swap3A_8 = arith.constant 0 : index
    %swap3A_9 = arith.constant 0 : index
    %swap3A_10 = vector.load %arg5[%swap3A, %swap3A_8, %swap3A_9] : memref<1x3125x128xf32, #tpu.memory_space<vmem>>, vector<1x3125x128xf32>
    tpu.vector_store %arg5[%swap3A, %swap3A_8, %swap3A_9], %logistic3A_7 {strides = array<i32>} : memref<1x3125x128xf32, #tpu.memory_space<vmem>>, vector<1x3125x128xf32>,
    %get3A_11 = arith.constant 0 : index
    %get3A_12 = arith.constant 0 : index
    %get3A_13 = arith.constant 0 : index
    %get3A_14 = vector.load %arg2[%get3A_11, %get3A_12, %get3A_13] : memref<1x2x5000xf32, #tpu.memory_space<vmem>>, vector<1x1x5000xf32>
    %get3A_15 = vector.shape_cast %get3A_14 : vector<1x1x5000xf32> to vector<5000xf32>
    %get3A_16 = arith.constant 0 : index
    %get3A_17 = arith.constant 1 : index
    %get3A_18 = arith.constant 0 : index
    %get3A_19 = vector.load %arg2[%get3A_16, %get3A_17, %get3A_18] : memref<1x2x5000xf32, #tpu.memory_space<vmem>>, vector<1x1x5000xf32>
    %get3A_20 = vector.shape_cast %get3A_19 : vector<1x1x5000xf32> to vector<5000xf32>
    %mul3A = arith.constant 5.000000e-01 : f32
    %mul3A_21 = vector.broadcast %mul3A : f32 to vector<5000xf32>
    %mul3A_22 = arith.mulf %mul3A_21, %get3A_20 : vector<5000xf32>
    %sub3A = arith.subf %get3A_15, %mul3A_22 : vector<5000xf32>
    %mul3A_23 = arith.constant 5.000000e-01 : f32
    %mul3A_24 = vector.broadcast %mul3A_23 : f32 to vector<5000xf32>
    %mul3A_25 = arith.mulf %mul3A_24, %get3A_20 : vector<5000xf32>
    %add3A = arith.addf %get3A_15, %mul3A_25 : vector<5000xf32>
    %swap3A_26 = arith.constant 0 : index
    %swap3A_27 = arith.constant 0 : index
    %swap3A_28 = arith.constant 0 : index
    %swap3A_29 = vector.load %arg6[%swap3A_26, %swap3A_27, %swap3A_28] : memref<1x2x5000xf32, #tpu.memory_space<vmem>>, vector<1x1x5000xf32>
    %swap3A_30 = vector.shape_cast %swap3A_29 : vector<1x1x5000xf32> to vector<5000xf32>
    %swap3A_31 = vector.shape_cast %sub3A : vector<5000xf32> to vector<1x1x5000xf32>
    tpu.vector_store %arg6[%swap3A_26, %swap3A_27, %swap3A_28], %swap3A_31 {strides = array<i32>} : memref<1x2x5000xf32, #tpu.memory_space<vmem>>, vector<1x1x5000xf32>,
    %swap3A_32 = arith.constant 0 : index
    %swap3A_33 = arith.constant 1 : index
    %swap3A_34 = arith.constant 0 : index
    %swap3A_35 = vector.load %arg6[%swap3A_32, %swap3A_33, %swap3A_34] : memref<1x2x5000xf32, #tpu.memory_space<vmem>>, vector<1x1x5000xf32>
    %swap3A_36 = vector.shape_cast %swap3A_35 : vector<1x1x5000xf32> to vector<5000xf32>
    %swap3A_37 = vector.shape_cast %add3A : vector<5000xf32> to vector<1x1x5000xf32>
    tpu.vector_store %arg6[%swap3A_32, %swap3A_33, %swap3A_34], %swap3A_37 {strides = array<i32>} : memref<1x2x5000xf32, #tpu.memory_space<vmem>>, vector<1x1x5000xf32>,
    %get3A_38 = arith.constant 0 : index
    %get3A_39 = arith.constant 0 : index
    %get3A_40 = arith.constant 0 : index
    %get3A_41 = vector.load %arg4[%get3A_38, %get3A_39, %get3A_40] : memref<1x1x1xf32, #tpu.memory_space<vmem>>, vector<1x1x1xf32>
    %get3A_42 = vector.extract %get3A_41[0, 0, 0] : f32 from vector<1x1x1xf32>
    %jit3A = arith.constant 0.000000e+00 : f32
    %jit3A_43 = arith.constant 1.000000e+00 : f32
    %max3A = vector.broadcast %jit3A : f32 to vector<5000xf32>
    %max3A_44 = arith.maximumf %max3A, %sub3A : vector<5000xf32>
    %min3A = vector.broadcast %jit3A_43 : f32 to vector<5000xf32>
    %min3A_45 = arith.minimumf %min3A, %max3A_44 : vector<5000xf32>
    %mul3A_46 = vector.broadcast %get3A_42 : f32 to vector<5000xf32>
    %mul3A_47 = arith.mulf %min3A_45, %mul3A_46 : vector<5000xf32>
    %swap3A_48 = arith.constant 0 : index
    %swap3A_49 = arith.constant 0 : index
    %swap3A_50 = arith.constant 0 : index
    %swap3A_51 = vector.load %arg7[%swap3A_48, %swap3A_49, %swap3A_50] : memref<1x2x5000xf32, #tpu.memory_space<vmem>>, vector<1x1x5000xf32>
    %swap3A_52 = vector.shape_cast %swap3A_51 : vector<1x1x5000xf32> to vector<5000xf32>
    %swap3A_53 = vector.shape_cast %mul3A_47 : vector<5000xf32> to vector<1x1x5000xf32>
    tpu.vector_store %arg7[%swap3A_48, %swap3A_49, %swap3A_50], %swap3A_53 {strides = array<i32>} : memref<1x2x5000xf32, #tpu.memory_space<vmem>>, vector<1x1x5000xf32>,
    %jit3A_54 = arith.constant 0.000000e+00 : f32
    %jit3A_55 = arith.constant 1.000000e+00 : f32
    %max3A_56 = vector.broadcast %jit3A_54 : f32 to vector<5000xf32>
    %max3A_57 = arith.maximumf %max3A_56, %add3A : vector<5000xf32>
    %min3A_58 = vector.broadcast %jit3A_55 : f32 to vector<5000xf32>
    %min3A_59 = arith.minimumf %min3A_58, %max3A_57 : vector<5000xf32>
    %mul3A_60 = vector.broadcast %get3A_42 : f32 to vector<5000xf32>
    %mul3A_61 = arith.mulf %min3A_59, %mul3A_60 : vector<5000xf32>
    %swap3A_62 = arith.constant 0 : index
    %swap3A_63 = arith.constant 1 : index
    %swap3A_64 = arith.constant 0 : index
    %swap3A_65 = vector.load %arg7[%swap3A_62, %swap3A_63, %swap3A_64] : memref<1x2x5000xf32, #tpu.memory_space<vmem>>, vector<1x1x5000xf32>
    %swap3A_66 = vector.shape_cast %swap3A_65 : vector<1x1x5000xf32> to vector<5000xf32>
    %swap3A_67 = vector.shape_cast %mul3A_61 : vector<5000xf32> to vector<1x1x5000xf32>
    tpu.vector_store %arg7[%swap3A_62, %swap3A_63, %swap3A_64], %swap3A_67 {strides = array<i32>} : memref<1x2x5000xf32, #tpu.memory_space<vmem>>, vector<1x1x5000xf32>,
    %get3A_68 = arith.constant 0 : index
    %get3A_69 = arith.constant 0 : index
    %get3A_70 = arith.constant 0 : index
    %get3A_71 = vector.load %arg3[%get3A_68, %get3A_69, %get3A_70] : memref<1x1x101xf32, #tpu.memory_space<vmem>>, vector<1x1x101xf32>
    %get3A_72 = vector.shape_cast %get3A_71 : vector<1x1x101xf32> to vector<101xf32>
    %reduce_max3A = vector.shape_cast %get3A_72 : vector<101xf32> to vector<1x101xf32>
    %reduce_max3A_73 = arith.constant dense<0xFF800000> : vector<1xf32>
    %reduce_max3A_74 = vector.multi_reduction <maximumf>, %reduce_max3A, %reduce_max3A_73 [1] : vector<1x101xf32> to vector<1xf32>
    %reduce_max3A_75 = vector.shape_cast %reduce_max3A_74 : vector<1xf32> to vector<1x1xf32>
    %reduce_max3A_76 = vector.extract %reduce_max3A_75[0, 0] : f32 from vector<1x1xf32>
    %iota3A = tpu.iota {dimensions = array<i32: 1>} : vector<1x101xi32>
    %iota3A_77 = vector.shape_cast %iota3A : vector<1x101xi32> to vector<101xi32>
    %eq3A = vector.broadcast %reduce_max3A_76 : f32 to vector<101xf32>
    %eq3A_78 = arith.cmpf oeq, %get3A_72, %eq3A : vector<101xf32>
    %jit3A_79 = arith.constant 1000000000 : i32
    %broadcast_in_dim3A = vector.broadcast %jit3A_79 : i32 to vector<101xi32>
    %select_n3A = arith.select %eq3A_78, %iota3A_77, %broadcast_in_dim3A : vector<101xi1>, vector<101xi32>
    %reduce_min3A = vector.shape_cast %select_n3A : vector<101xi32> to vector<1x101xi32>
    %reduce_min3A_80 = arith.constant dense<2147483647> : vector<1xi32>
    %reduce_min3A_81 = vector.multi_reduction <minsi>, %reduce_min3A, %reduce_min3A_80 [1] : vector<1x101xi32> to vector<1xi32>
    %reduce_min3A_82 = vector.shape_cast %reduce_min3A_81 : vector<1xi32> to vector<1x1xi32>
    %reduce_min3A_83 = vector.extract %reduce_min3A_82[0, 0] : i32 from vector<1x1xi32>
    %max3A_84 = arith.constant 1 : i32
    %max3A_85 = arith.maxsi %reduce_min3A_83, %max3A_84 : i32
    %reshape3A = vector.broadcast %max3A_85 : i32 to vector<1x1x1xi32>
    %swap3A_86 = arith.constant 0 : index
    %swap3A_87 = arith.constant 0 : index
    %swap3A_88 = arith.constant 0 : index
    %swap3A_89 = vector.load %arg8[%swap3A_86, %swap3A_87, %swap3A_88] : memref<1x1x1xi32, #tpu.memory_space<vmem>>, vector<1x1x1xi32>
    tpu.vector_store %arg8[%swap3A_86, %swap3A_87, %swap3A_88], %reshape3A {strides = array<i32>} : memref<1x1x1xi32, #tpu.memory_space<vmem>>, vector<1x1x1xi32>,
    return
  }
  func.func @transform_0(%arg0: i32) -> (i32, i32, i32) {
    %c0_i32 = arith.constant 0 : i32
    %c0_i32_0 = arith.constant 0 : i32
    %c0_i32_1 = arith.constant 0 : i32
    return %arg0, %c0_i32, %c0_i32_0 : i32, i32, i32
  }
  func.func @transform_1(%arg0: i32) -> (i32, i32, i32) {
    %c0_i32 = arith.constant 0 : i32
    %c0_i32_0 = arith.constant 0 : i32
    %c0_i32_1 = arith.constant 0 : i32
    return %arg0, %c0_i32, %c0_i32_0 : i32, i32, i32
  }
  func.func @transform_2(%arg0: i32) -> (i32, i32, i32) {
    %c0_i32 = arith.constant 0 : i32
    %c0_i32_0 = arith.constant 0 : i32
    %c0_i32_1 = arith.constant 0 : i32
    return %arg0, %c0_i32, %c0_i32_0 : i32, i32, i32
  }
  func.func @transform_3(%arg0: i32) -> (i32, i32, i32) {
    %c0_i32 = arith.constant 0 : i32
    %c0_i32_0 = arith.constant 0 : i32
    %c0_i32_1 = arith.constant 0 : i32
    return %arg0, %c0_i32, %c0_i32_0 : i32, i32, i32
  }
  func.func @transform_4(%arg0: i32) -> (i32, i32, i32) {
    %c0_i32 = arith.constant 0 : i32
    %c0_i32_0 = arith.constant 0 : i32
    %c0_i32_1 = arith.constant 0 : i32
    return %arg0, %c0_i32, %c0_i32_0 : i32, i32, i32
  }
  func.func @transform_5(%arg0: i32) -> (i32, i32, i32) {
    %c0_i32 = arith.constant 0 : i32
    %c0_i32_0 = arith.constant 0 : i32
    %c0_i32_1 = arith.constant 0 : i32
    return %arg0, %c0_i32, %c0_i32_0 : i32, i32, i32
  }
  func.func @transform_6(%arg0: i32) -> (i32, i32, i32) {
    %c0_i32 = arith.constant 0 : i32
    %c0_i32_0 = arith.constant 0 : i32
    %c0_i32_1 = arith.constant 0 : i32
    return %arg0, %c0_i32, %c0_i32_0 : i32, i32, i32
  }
  func.func @transform_7(%arg0: i32) -> (i32, i32, i32) {
    %c0_i32 = arith.constant 0 : i32
    %c0_i32_0 = arith.constant 0 : i32
    %c0_i32_1 = arith.constant 0 : i32
    return %arg0, %c0_i32, %c0_i32_0 : i32, i32, i32
  }
}

</mosaic_0001>

<sc_bundles>
// kernel: kernel.4.cloned.1.call-start
scs
__scs_entry_jumppad:
0x0: {  	(pc) =	sbr.rel $0x88, $3  }
0x1: {  	(tag) =	ssettag $0x0;
	lr =	simm.s32 $0x1  }
0x2: {  	[smem:$0x3F9D] =	sst lr;
	_ =	strace $0xD0000000  }
0x3: {  	_ = 	snop  }
0x4: {  	_ = 	snop  }
0x5: {  	_ = 	snop  }
0x6: {  	_ = 	snop  }
0x7: {  	_ = 	snop  }
__scs_overlays_trampoline_lowered:
0x8: {  	[smem:$0x3FAC] =	sst s0  }
0x9: {  	[smem:$0x3FAD] =	sst s1  }
0xa: {  	[smem:$0x3FAE] =	sst s2  }
0xb: {  	[smem:$0x3FAF] =	sst s3  }
0xc: {  	[smem:$0x3FB0] =	sst s4  }
0xd: {  	[smem:$0x3FB1] =	sst s5  }
0xe: {  	[smem:$0x3FB2] =	sst s6  }
0xf: {  	[smem:$0x3FB3] =	sst s7  }
0x10: {  	[smem:$0x3FB4] =	sst s8  }
0x11: {  	[smem:$0x3FB5] =	sst s9;
	s0 =	simm.s32 @!p0 $0x0  }
0x12: {  	s1 =	sld [smem:$0x3F9B];
	s0 =	simm.s32 @p0 $0x1  }
0x13: {  	[smem:$0x3FB6] =	sst s0;
	s0 =	simm.s32 @!p1 $0x0  }
0x14: {  	s2 =	sld [smem:$0x3F9A];
	s0 =	simm.s32 @p1 $0x1  }
0x15: {  	[smem:$0x3FB7] =	sst s0;
	s0 =	simm.s32 @!p2 $0x0  }
0x16: {  	s3 =	sld [smem:$0x3FDB];
	s0 =	simm.s32 @p2 $0x1  }
0x17: {  	s4 =	simm.s32 $0x1BF5;
	[smem:$0x3FB9] =	sst s0  }
0x18: {  	s0 =	sld [smem:$0x3F9C];
	_ =	swait.ge [sflag:s4], $0x0  }
0x19: {  	s7 =	sld [smem:$0x3F9D]  }
0x1a: {  	s8 =	sadd.s32 $0xFFFFE003, lr  }
0x1b: {  	s9 =	sadd.s32 $0xFFFFFEF7, lr;
	s5 =	simm.s32 $0xFFFFFFFF;
	p2 =	slt.u32 s8, $0xFFFFF086  }
0x1c: {  	p1 =	slt.u32 s9, $0xF7A;
	s5 =	simm.s32 @!p2 $0x0  }
0x1d: {  	s5 =	simm.s32 @p1 $0x1;
	p0 =	seq.s32 s7, s2  }
0x1e: {  	s7 =	smul.u32 @!p0 $0xF7A, s2;
	p2 =	seq.s32 @!p0 s5, $0x0  }
0x1f: {  	s9 =	smul.u32 $0xF7A, s1;
	s8 =	simm.s32 @!p0 $0x1BF5;
	p2 =	por !p2, p0  }
0x20: {  	[sflag:s8] =	ssyncset.s32 @!p0 $0xFFFFF086;
	s6 =	sadd.s32 @!p0 s3, s7;
	s7 =	simm.s32 @!p0 $0x108  }
0x21: {  	s3 =	sadd.s32 s3, s9;
	s6 =	sadd.s32 @!p0 $0x88, s6;
	s7 =	simm.s32 @p2 $0x1082  }
0x22: {  	[simem:s7], [sflag:s8] =	dma.local @!p0 [hbm:s6], $0xF7A  }
0x23: {  	s9 =	sor.u32 $0xD0000000, s2;
	s6 =	simm.s32 $0x108;
	_ =	swait.ge @!p0 [sflag:s8], $0x0  }
0x24: {  	s3 =	sadd.s32 $0x88, s3;
	s6 =	simm.s32 @!p1 $0x1082;
	[sflag:s4] =	ssyncset.s32 $0xFFFFF086  }
0x25: {  	[simem:s6], [sflag:s4] =	dma.local [hbm:s3], $0xF7A  }
0x26: {  	[smem:$0x3F9D] =	sst s1;
	(tag) =	ssettag s2;
	_ =	strace s9  }
0x27: {  	s1 =	sld [smem:$0x3FAD]  }
0x28: {  	s2 =	sld [smem:$0x3FAE]  }
0x29: {  	s4 =	sld [smem:$0x3FB0]  }
0x2a: {  	p0 =	seq.s32 s5, $0x0;
	s5 =	sld [smem:$0x3FB1]  }
0x2b: {  	s6 =	sld [smem:$0x3FB2]  }
0x2c: {  	s7 =	sld [smem:$0x3FB3]  }
0x2d: {  	s3 =	simm.s32 $0x108;
	s8 =	sld [smem:$0x3FB4]  }
0x2e: {  	s3 =	simm.s32 @!p0 $0x1082;
	s9 =	sld [smem:$0x3FB5]  }
0x2f: {  	lr =	sadd.s32 s0, s3;
	s0 =	sld [smem:$0x3FAC]  }
0x30: {  	s3 =	sld [smem:$0x3FAF]  }
0x31: {  	[smem:$0x3FB8] =	sst s10  }
0x32: {  	s10 =	sld [smem:$0x3FB6];
	_ =	sdelay $0x3  }
0x33: {  	p0 =	seq.s32 s10, $0x1;
	s10 =	sld [smem:$0x3FB8];
	_ =	sdelay $0x3  }
0x34: {  	[smem:$0x3FB8] =	sst s10  }
0x35: {  	s10 =	sld [smem:$0x3FB7];
	_ =	sdelay $0x3  }
0x36: {  	p1 =	seq.s32 s10, $0x1;
	s10 =	sld [smem:$0x3FB8];
	_ =	sdelay $0x3  }
0x37: {  	[smem:$0x3FB8] =	sst s10  }
0x38: {  	s10 =	sld [smem:$0x3FB9]  }
0x39: {  	_ = 	snop;
	(pc) =	sbr.ind lr, $3  }
0x3a: {  	_ = 	snop  }
0x3b: {  	_ = 	snop  }
0x3c: {  	p2 =	seq.s32 s10, $0x1;
	s10 =	sld [smem:$0x3FB8]  }
0x3d: {  	_ =	shalt  }
0x3e: {  	_ =	shalt  }
0x3f: {  	_ =	shalt  }
0x40: {  	_ =	shalt  }
0x41: {  	_ =	shalt  }
0x42: {  	_ =	shalt  }
0x43: {  	_ =	shalt  }
0x44: {  	_ =	shalt  }
0x45: {  	_ =	shalt  }
0x46: {  	_ =	shalt  }
0x47: {  	_ =	shalt  }
0x48: {  	_ =	shalt  }
0x49: {  	_ =	shalt  }
0x4a: {  	_ =	shalt  }
0x4b: {  	_ =	shalt  }
0x4c: {  	_ =	shalt  }
0x4d: {  	_ =	shalt  }
0x4e: {  	_ =	shalt  }
0x4f: {  	_ =	shalt  }
0x50: {  	_ =	shalt  }
0x51: {  	_ =	shalt  }
0x52: {  	_ =	shalt  }
0x53: {  	_ =	shalt  }
0x54: {  	_ =	shalt  }
0x55: {  	_ =	shalt  }
0x56: {  	_ =	shalt  }
0x57: {  	_ =	shalt  }
0x58: {  	_ =	shalt  }
0x59: {  	_ =	shalt  }
0x5a: {  	_ =	shalt  }
0x5b: {  	_ =	shalt  }
0x5c: {  	_ =	shalt  }
0x5d: {  	_ =	shalt  }
0x5e: {  	_ =	shalt  }
0x5f: {  	_ =	shalt  }
0x60: {  	_ =	shalt  }
0x61: {  	_ =	shalt  }
0x62: {  	_ =	shalt  }
0x63: {  	_ =	shalt  }
0x64: {  	_ =	shalt  }
0x65: {  	_ =	shalt  }
0x66: {  	_ =	shalt  }
0x67: {  	_ =	shalt  }
0x68: {  	_ =	shalt  }
0x69: {  	_ =	shalt  }
0x6a: {  	_ =	shalt  }
0x6b: {  	_ =	shalt  }
0x6c: {  	_ =	shalt  }
0x6d: {  	_ =	shalt  }
0x6e: {  	_ =	shalt  }
0x6f: {  	_ =	shalt  }
0x70: {  	_ =	shalt  }
0x71: {  	_ =	shalt  }
0x72: {  	_ =	shalt  }
0x73: {  	_ =	shalt  }
0x74: {  	_ =	shalt  }
0x75: {  	_ =	shalt  }
0x76: {  	_ =	shalt  }
0x77: {  	_ =	shalt  }
0x78: {  	_ =	shalt  }
0x79: {  	_ =	shalt  }
0x7a: {  	_ =	shalt  }
0x7b: {  	_ =	shalt  }
0x7c: {  	_ =	shalt  }
0x7d: {  	_ =	shalt  }
0x7e: {  	_ =	shalt  }
0x7f: {  	_ =	shalt  }
0x80: {  	_ =	shalt  }
0x81: {  	_ =	shalt  }
0x82: {  	_ =	shalt  }
0x83: {  	_ =	shalt  }
0x84: {  	_ =	shalt  }
0x85: {  	_ =	shalt  }
0x86: {  	_ =	shalt  }
0x87: {  	_ =	shalt  }
.Lfunc_end0:
.L_simem_size_0:
called_computation_lowered:
.L_overlay_start_0:
0x88: {  	s2 =	sld [smem:$0x3FD9]  }
0x89: {  	s3 =	sld [smem:$0x3FFE];
	_ =	sdelay $0x1  }
0x8a: {  	s1 =	srdreg.scid  }
0x8b: {  	s0 =	sand.u32 $0x1, s1  }
0x8c: {  	s14 =	sshll.u32 s0, $0xA;
	s2 =	sadd.s32 s3, s2  }
0x8d: {  	s2 =	sadd.s32 s2, s14  }
0x8e: {  	[smem:$0x3FC4] =	sst s2  }
0x8f: {  	_ = 	snop  }
0x90: {  	s2 =	sld [smem:$0x3FD0];
	_ =	sdelay $0x2  }
0x91: {  	s15 =	simm.s32 $0xA;
	s4 =	simm.s32 $0x10  }
0x92: {  	[smem:s4], [sflag:s15] =	dma.local [hbm:s2], $0x1  }
0x93: {  	_ =	swait.eq [sflag:s15], $0x1  }
0x94: {  	s16 =	sld [smem:$0x12];
	[sflag:s15] =	ssyncset.done $0x0  }
0x95: {  	s17 =	sld [smem:$0x14];
	[sflag:s15] =	ssyncadd.s32 $0xFFFFFFFF  }
0x96: {  	s18 =	sld [smem:$0x16];
	(tm) =	ssettm $0x1  }
0x97: {  	s5 =	sld [smem:$0x3FFB];
	_ =	sdelay $0x3  }
0x98: {  	_ =	strace s5  }
0x99: {  	s5 =	sld [smem:$0x3FFC];
	_ =	sdelay $0x3  }
0x9a: {  	_ =	strace s5  }
0x9b: {  	s5 =	sld [smem:$0x3FFD];
	_ =	sdelay $0x3  }
0x9c: {  	_ =	strace s5  }
0x9d: {  	_ =	strace $0x8FFFFFFF  }
0x9e: {  	s19 =	sld [smem:$0x3FDB];
	_ =	sdelay $0x1  }
0x9f: {  	s6 =	simm.s32 $_scs_section_size  }
0xa0: {  	s7 =	simm.s32 $_size__tile_overlayer_lowered;
	s8 =	simm.s32 $_tile_overlayer_lowered  }
0xa1: {  	s22 =	simm.s32 $0x1BFF;
	s21 =	sshll.u32 s8, $0x1;
	s5 =	sadd.s32 s6, s19  }
0xa2: {  	s9 =	simm.s32 $0x0;
	s20 =	sshll.u32 s7, $0x1;
	s7 =	sadd.s32 s21, s5  }
0xa3: {  	[timem:s9], [sflag:s22] =	dma.local [hbm:s7], s20  }
0xa4: {  	_ =	swait.ge [sflag:s22], s20  }
0xa5: {  	s6 =	ssub.s32 $0x0, s20;
	[sflag:s22] =	ssyncset.done $0x0  }
0xa6: {  	[sflag:s22] =	ssyncadd.s32 s6;
	_ =	sdelay $0x1  }
0xa7: {  	s23 =	simm.s32 $0x1B8B  }
0xa8: {  	_ =	swait.ge [sflag:s23], $0x1  }
0xa9: {  	[sflag:s23] =	ssyncset.done $0x0  }
0xaa: {  	s25 =	simm.s32 $0x1B8E;
	s24 =	sld [smem:$0x3FFE];
	[sflag:s23] =	ssyncadd.s32 $0xFFFFFFFF  }
0xab: {  	s26 =	simm.s32 $execute0_lowered;
	[smem:$0x3FD2] =	sst s25  }
0xac: {  	s7 =	sshll.u32 s26, $0x1;
	_ =	strace $0x80000046;
	[dreg:$0x1] =	wrdreg $0xFFFFFFFF  }
0xad: {  	s28 =	simm.s32 $_size_execute0_lowered;
	s5 =	sadd.s32 s5, s7;
	[dreg:$0x0] =	wrdreg $0x0  }
0xae: {  	s7 =	sshll.u32 s28, $0x1;
	[dreg:$0x2] =	wrdreg s5  }
0xaf: {  	[dreg:$0x3] =	wrdreg s7  }
0xb0: {  	[dreg:$0x4] =	wrdreg $0xC0  }
0xb1: {  	_ =	task [dreg:s9], $0x5FFFF  }
0xb2: {  	[dreg:$0x1] =	wrdreg $0xFFFFFFFF  }
0xb3: {  	[dreg:$0x0] =	wrdreg $0x60  }
0xb4: {  	[dreg:$0x2] =	wrdreg s24  }
0xb5: {  	[dreg:$0x3] =	wrdreg s16  }
0xb6: {  	[dreg:$0x4] =	wrdreg s18  }
0xb7: {  	[dreg:$0x5] =	wrdreg s17  }
0xb8: {  	[dreg:$0x6] =	wrdreg $0x19A800  }
0xb9: {  	[dreg:$0x7] =	wrdreg $0x196800  }
0xba: {  	[dreg:$0x8] =	wrdreg $0x19A900  }
0xbb: {  	[dreg:$0x9] =	wrdreg $0x1AE300  }
0xbc: {  	[dreg:$0xa] =	wrdreg $0x9  }
0xbd: {  	_ =	task.clear_ibuf [dreg:s9], $0xBFFFF;
	_ =	strace $0x90000046  }
0xbe: {  	s29 =	simm.s32 $0x9;
	_ =	strace $0x80000048  }
0xbf: {  	_ =	swait.ge [sflag:s29], $0x1  }
0xc0: {  	[sflag:s29] =	ssyncadd.s32 $0xFFFFFFFF  }
0xc1: {  	_ =	strace $0x90000048  }
0xc2: {  	_ =	sfence  }
0xc3: {  	s30 =	sld [smem:$0x0];
	_ =	sdelay $0x2  }
0xc4: {  	s31 =	sshll.u32 s1, $0xD;
	s1 =	sshrl.u32 s1, $0x2  }
0xc5: {  	s3 =	sand.u32 $0x4000, s31;
	s1 =	sadd.s32 s1, s30  }
0xc6: {  	s0 =	sor.u32 s3, s0;
	s1 =	sshll.u32 s1, $0x11  }
0xc7: {  	s0 =	sor.u32 s1, s0  }
0xc8: {  	s0 =	sadd.s32 $0x8F2B, s0  }
0xc9: {  	[sflag:s0] =	ssyncadd.remote.s32 $0x1  }
0xca: {  	_ =	sfence.sel $0xFFFF  }
0xcb: {  	[dreg:$0x0] =	wrdreg $0xFFFFFFFF;
	(pc) =	sbr.abs _section_cstart, $3  }
0xcc: {  	[dreg:$0x1] =	wrdreg $0xFFFFFFFF  }
0xcd: {  	_ =	task.clear_ibuf [dreg:s9], $0x2FFFF;
	_ =	strace $0x9FFFFFFF  }
0xce: {  	(tm) =	ssettm $0x7FFFFFFF  }
0xcf: {  	_ =	shalt  }
tec
execute0_lowered:
.L_overlay_start_1:
0x0: {  	(tag) =	ssettag $0x1  }
0x1: {  	s0 =	rddreg [dreg:$0x0]  }
0x2: {  	s1 =	rddreg [dreg:$0x1]  }
0x3: {  	s3 =	rddreg [dreg:$0x2]  }
0x4: {  	s4 =	rddreg [dreg:$0x3]  }
0x5: {  	s6 =	rddreg [dreg:$0x4]  }
0x6: {  	s5 =	rddreg [dreg:$0x5]  }
0x7: {  	s2 =	srdreg.scid;
	s7 =	rddreg [dreg:$0x6]  }
0x8: {  	s18 =	stileid.u32;
	s9 =	rddreg [dreg:$0x7];
	s28 =	simm.s32 $0xCB80  }
0x9: {  	s29 =	simm.s32 $0xDF80;
	s30 =	simm.s32 $0xF380;
	s31 =	simm.s32 $0x10B80  }
0xa: {  	s8 =	sand.u32 $0x1, s2;
	s11 =	sshrl.u32 s18, $0x1;
	s2 =	simm.s32 $0x0  }
0xb: {  	s23 =	sadd.s32 $0xC4C00, s0;
	s15 =	sadd.s32 $0x1, s18;
	s17 =	sshrl.u32 s18, $0x3  }
0xc: {  	s10 =	sshll.u32 s8, $0x3;
	[smem:$0x7FF] =	sst s2;
	s8 =	ssub.s32 $0x2, s8  }
0xd: {  	s19 =	sshll.u32 s17, $0xD;
	s10 =	sor.u32 s11, s10;
	_ =	strace $0x80000047  }
0xe: {  	s14 =	sshrl.u32 s8, $0x1;
	s19 =	sadd.s32 s19, s5;
	s11 =	smul.u32 $0x271, s10  }
0xf: {  	[dreg:$0xc] =	wrdreg s23;
	s12 =	smul.u32 $0x4E2, s10;
	s8 =	ssub.s32 s8, s14  }
0x10: {  	s14 =	sand.u32 $0x1, s18;
	s10 =	smul.u32 $0x61A80, s10;
	s18 =	sshll.u32 s18, $0x7  }
0x11: {  	s16 =	sshll.u32 s14, $0x1;
	s24 =	smul.u32 $0x30D40, s14;
	s22 =	sand.u32 $0x380, s18  }
0x12: {  	s18 =	sadd.s32 s18, s6;
	p0 =	seq.s32 s14, $0x0;
	p1 =	sne.s32 s14, $0x0  }
0x13: {  	s14 =	simm.s32 $0x6780;
	s13 =	sadd.s32 s11, s0;
	s0 =	sadd.s32 s12, s0  }
0x14: {  	s16 =	ssub.s32 s15, s16;
	s19 =	sadd.s32 s22, s19;
	s1 =	sadd.s32 s1, s12  }
0x15: {  	s12 =	simm.s32 $0x400;
	[dreg:$0x11] =	wrdreg s18;
	s20 =	sshll.u32 s16, $0xA  }
0x16: {  	s21 =	sshll.u32 s16, $0x7;
	s16 =	sshll.u32 s16, $0x9;
	[dreg:$0x17] =	wrdreg s1  }
0x17: {  	s0 =	sadd.s32 $0x1400, s0;
	s1 =	simm.s32 $0x1;
	[dreg:$0xd] =	wrdreg s24  }
0x18: {  	[dreg:$0xf] =	wrdreg s19;
	s20 =	sand.u32 $0xFFFFE000, s20;
	s21 =	sand.u32 $0x380, s21  }
0x19: {  	s16 =	sshra.s32 s16, $0x2;
	[dreg:$0x1c] =	wrdreg s0;
	s0 =	smax.u32 s8, $0x1  }
0x1a: {  	s8 =	simm.s32 $0x5F80;
	s20 =	sadd.s32 s20, s5;
	s5 =	sadd.s32 s24, s10  }
0x1b: {  	s16 =	sadd.s32 s16, s6;
	[dreg:$0x1d] =	wrdreg s0;
	s25 =	sadd.s32 s21, s20  }
0x1c: {  	s20 =	smul.u32 $0xA000, s17;
	s21 =	sshrl.u32 s15, $0x3;
	[dreg:$0xe] =	wrdreg s5  }
0x1d: {  	v0 =	vlaneseq.u32;
	v1 =	vimm.s32 $0x0;
	v9 =	vimm.s32 $0x1;
	s15 =	sshll.u32 s15, $0x7;
	[dreg:$0x12] =	wrdreg s16;
	s17 =	smul.u32 $0xA000, s21  }
0x1e: {  	v10 =	vimm.s32 $0xECA86420;
	vm0 =	vmmov $0x1;
	v11 =	vimm.s32 $0x0;
	s15 =	sand.u32 $0x380, s15;
	s21 =	sadd.s32 $0x6400, s13;
	[dreg:$0x10] =	wrdreg s25  }
0x1f: {  	vm3 =	vcmask $0xB08;
	vm4 =	vcmask $0x1310;
	vm5 =	vcmask $0x1B18;
	s10 =	sor.u32 s22, s20;
	s20 =	sadd.s32 s4, s11;
	[dreg:$0x1a] =	wrdreg s21  }
0x20: {  	vm6 =	vcmask $0x300;
	vm7 =	vcmask $0x2320;
	vm8 =	vcmask $0x2B28;
	s26 =	sor.u32 s15, s17;
	s17 =	sadd.s32 s3, s11;
	[dreg:$0x19] =	wrdreg s20  }
0x21: {  	vm9 =	vcmask $0x3330;
	vm10 =	vcmask $0x3B38;
	vm15 =	vcmask $0x1714;
	s21 =	simm.s32 $0x1F80;
	s22 =	sadd.s32 s10, s7;
	[dreg:$0x18] =	wrdreg s17  }
.Ltmp0:
0x22: {  	vm1 =	vcmask $0x2724;
	vm2 =	vcmask $0x2F2C;
	vm14 =	vcmask $0x3734;
	s15 =	sadd.s32 s10, s9;
	[dreg:$0x13] =	wrdreg s22;
	(pc) =	sbr.rel .LBB2_1-.Ltmp0, $4  }
0x23: {  	v2 =	vor.u32 $0x10, v0;
	v3 =	vor.u32 $0x20, v0;
	v4 =	vor.u32 $0x30, v0;
	s11 =	simm.s32 $0x80;
	s7 =	sadd.s32 s26, s7;
	[dreg:$0x14] =	wrdreg s15  }
0x24: {  	v5 =	vor.u32 $0x40, v0;
	v6 =	vor.u32 $0x50, v0;
	v12 =	vunpack.c.l.s4.s8 v10;
	s3 =	simm.s32 $0x0;
	s6 =	sadd.s32 s26, s9;
	[dreg:$0x15] =	wrdreg s7  }
0x25: {  	v7 =	vor.u32 $0x60, v0;
	v11 =	vsel vm0, $0xFFFFFFFF, v11;
	v10 =	vmul.u32 $0x139, v0;
	s26 =	sadd.s32 $0x8C00, s13;
	s13 =	simm.s32 $0x6380;
	[dreg:$0x16] =	wrdreg s6  }
0x26: {  	v8 =	vor.u32 $0x70, v0;
	[tilespmem:$0x1FFF0] =	vst v11;
	v11 =	vor.u32 $0x3F0, v0;
	v12 =	vunpack.c.0.s8.s32 v12;
	s17 =	simm.s32 $0x7B80;
	[dreg:$0x1b] =	wrdreg s26;
	s26 =	simm.s32 $0xB780  }
.LBB2_81:
0x27: {  	s3 =	sadd.s32 $0x1, s3  }
0x28: {  	p2 =	sne.s32 s3, s0  }
.Ltmp1:
0x29: {  	_ = 	snop;
	(pc) =	sbr.rel @!p2 .LBB2_82-.Ltmp1, $1  }
0x2a: {  	_ =	sdelay $0x3  }
.LBB2_1:
0x2b: {  	v13 =	vmov s2  }
0x2c: {  	v13 =	vshrl.u32 v13, $0x7  }
0x2d: {  	v13 =	vshll.u32 v13, $0x7  }
0x2e: {  	v14 =	vbroadcast v13, $0x0;
	_ =	sdelay $0x1  }
0x2f: {  	v13 =	vor.u32 v0, v14  }
0x30: {  	v15 =	vor.u32 v2, v14  }
0x31: {  	s20 =	simm.s32 $0x80;
	v16 =	vor.u32 v3, v14  }
0x32: {  	v17 =	vmov s20;
	v18 =	vor.u32 v4, v14  }
0x33: {  	v17 =	vshrl.u32 v17, $0x7;
	v19 =	vor.u32 v5, v14  }
0x34: {  	v20 =	vor.u32 v6, v14;
	[tilespmem:v13+s21+$0x0] =	vst.idx.msk $0xffff, v1;
	v13 =	vshll.u32 v17, $0x7  }
0x35: {  	v17 =	vor.u32 v7, v14;
	[tilespmem:v15+s21+$0x0] =	vst.idx.msk $0xffff, v1;
	v13 =	vbroadcast v13, $0x0  }
0x36: {  	v15 =	vor.u32 v8, v14;
	[tilespmem:v16+s21+$0x0] =	vst.idx.msk $0xffff, v1  }
0x37: {  	[tilespmem:v18+s21+$0x0] =	vst.idx.msk $0xffff, v1;
	v16 =	vor.u32 v0, v13  }
0x38: {  	[tilespmem:v19+s21+$0x0] =	vst.idx.msk $0xffff, v1;
	v19 =	vor.u32 v2, v13  }
0x39: {  	[dreg:$0x1e] =	wrdreg s3;
	s3 =	simm.s32 $0x100;
	v14 =	vor.u32 v4, v13;
	v18 =	vor.u32 v3, v13;
	[tilespmem:v20+s21+$0x0] =	vst.idx.msk $0xffff, v1  }
.LBB2_2:
0x3a: {  	v20 =	vmov s3;
	p2 =	seq.s32 s3, $0x3F80;
	s3 =	sadd.s32 $0x80, s3;
	[tilespmem:v17+s21+$0x0] =	vst.idx.msk $0xffff, v1  }
0x3b: {  	v17 =	vshrl.u32 v20, $0x7;
	v20 =	vor.u32 v5, v13;
	[tilespmem:v15+s21+$0x0] =	vst.idx.msk $0xffff, v1  }
0x3c: {  	v21 =	vor.u32 v6, v13;
	v15 =	vshll.u32 v17, $0x7;
	[tilespmem:v16+s21+$0x0] =	vst.idx.msk $0xffff, v1  }
.Ltmp2:
0x3d: {  	v17 =	vor.u32 v7, v13;
	v22 =	vbroadcast v15, $0x0;
	[tilespmem:v19+s21+$0x0] =	vst.idx.msk $0xffff, v1;
	(pc) =	sbr.rel @!p2 .LBB2_2-.Ltmp2, $4  }
0x3e: {  	v15 =	vor.u32 v8, v13;
	[tilespmem:v18+s21+$0x0] =	vst.idx.msk $0xffff, v1  }
0x3f: {  	v16 =	vor.u32 v0, v22;
	[tilespmem:v14+s21+$0x0] =	vst.idx.msk $0xffff, v1;
	v14 =	vor.u32 v4, v22;
	v13 =	vmov v22  }
0x40: {  	v19 =	vor.u32 v2, v13;
	[tilespmem:v20+s21+$0x0] =	vst.idx.msk $0xffff, v1  }
0x41: {  	v18 =	vor.u32 v3, v13;
	[tilespmem:v21+s21+$0x0] =	vst.idx.msk $0xffff, v1  }
0x42: {  	_ =	sdelay $0x3  }
0x43: {  	[tilespmem:v17+s21+$0x0] =	vst.idx.msk $0xffff, v1  }
0x44: {  	v62 =	vor.u32 v5, v13;
	[tilespmem:v15+s21+$0x0] =	vst.idx.msk $0xffff, v1  }
0x45: {  	v15 =	vor.u32 v6, v13;
	[tilespmem:v16+s21+$0x0] =	vst.idx.msk $0xffff, v1  }
0x46: {  	v63 =	vor.u32 v7, v13;
	[tilespmem:v19+s21+$0x0] =	vst.idx.msk $0xffff, v1  }
0x47: {  	v13 =	vor.u32 v8, v13;
	[tilespmem:v18+s21+$0x0] =	vst.idx.msk $0xffff, v1  }
0x48: {  	[tilespmem:v14+s21+$0x0] =	vst.idx.msk $0xffff, v1  }
0x49: {  	[tilespmem:v62+s21+$0x0] =	vst.idx.msk $0xffff, v1  }
0x4a: {  	[tilespmem:v15+s21+$0x0] =	vst.idx.msk $0xffff, v1  }
0x4b: {  	[tilespmem:v63+s21+$0x0] =	vst.idx.msk $0xffff, v1  }
0x4c: {  	s3 =	simm.s32 $0x0;
	s4 =	simm.s32 $0x0;
	[tilespmem:v13+s21+$0x0] =	vst.idx.msk $0xffff, v1  }
.LBB2_4:
0x4d: {  	s6 =	smul.u32 $0x1F40, s4;
	_ =	sdelay $0x1  }
0x4e: {  	s6 =	sadd.s32 s5, s6  }
0x4f: {  	s6 =	sshrl.u32 s6, $0x3  }
0x50: {  	v13 =	vor.u32 s3, v0;
	s6 =	sadd.s32 s23, s6  }
0x51: {  	[tilespmem:s3], [sflag:$0x1] =	stream.linear.gather [hbm4b:s6+s3], $0x1F40, $0x38;
	[tilespmem:$0x1C1D0] =	vst v63  }
0x52: {  	_ =	swait.ge [sflag:s1], $0x1F40  }
0x53: {  	[sflag:s1] =	ssyncset.done $0x0  }
0x54: {  	[sflag:s1] =	ssyncadd.s32 $0xFFFFE0C0  }
0x55: {  	v13 =	vld.idx.msk [tilespmem:v13+s2+$0x0], $0xffff;
	_ =	sdelay $0x4  }
0x56: {  	v13 =	vshrl.u32 v13, $0x10  }
0x57: {  	v13 =	vand.u32 $0x3FF0, v13  }
0x58: {  	s20 =	simm.s32 $0x10;
	v13 =	vor.u32 v0, v13  }
0x59: {  	v14 =	vor.u32 s20, v0;
	s6 =	simm.s32 $0x20  }
.LBB2_5:
0x5a: {  	p2 =	sne.s32 s6, $0x1F30;
	_ =	sdelay $0x2  }
0x5b: {  	[tilespmem:v13+s21+$0x0] =	vst.idx.add.s32.msk $0xffff, v9  }
0x5c: {  	v13 =	vld.idx.msk [tilespmem:v14+s2+$0x0], $0xffff;
	_ =	sdelay $0x4  }
.Ltmp3:
0x5d: {  	(pc) =	sbr.rel @p2 .LBB2_5-.Ltmp3, $4  }
0x5e: {  	v13 =	vshrl.u32 v13, $0x10  }
0x5f: {  	v13 =	vand.u32 $0x3FF0, v13  }
0x60: {  	v13 =	vor.u32 v0, v13  }
0x61: {  	v14 =	vor.u32 s6, v0;
	s6 =	sadd.s32 $0x10, s6  }
0x62: {  	_ =	sdelay $0x3  }
0x63: {  	[tilespmem:v13+s21+$0x0] =	vst.idx.add.s32.msk $0xffff, v9  }
0x64: {  	v13 =	vld.idx.msk [tilespmem:v14+s2+$0x0], $0xffff;
	_ =	sdelay $0x4  }
0x65: {  	v13 =	vshrl.u32 v13, $0x10  }
0x66: {  	s4 =	sadd.s32 $0x1, s4;
	v13 =	vand.u32 $0x3FF0, v13  }
0x67: {  	p2 =	sne.s32 s4, $0x19;
	v13 =	vor.u32 v0, v13  }
.Ltmp4:
0x68: {  	_ = 	snop;
	(pc) =	sbr.rel @p2 .LBB2_4-.Ltmp4, $2  }
0x69: {  	_ =	sdelay $0x2  }
0x6a: {  	[tilespmem:v13+s21+$0x0] =	vst.idx.add.s32.msk $0xffff, v9  }
0x6b: {  	s3 =	simm.s32 $0x0  }
0x6c: {  	v13 =	vor.u32 s3, v0  }
0x6d: {  	v14 =	vshll.u32 v13, $0x4  }
0x6e: {  	v15 =	vor.u32 $0x1, v14  }
0x6f: {  	v16 =	vor.u32 $0x2, v14  }
0x70: {  	v17 =	vor.u32 $0x3, v14  }
0x71: {  	v18 =	vor.u32 $0x4, v14  }
0x72: {  	v19 =	vor.u32 $0x5, v14;
	v20 =	vld.idx.msk [tilespmem:v14+s21+$0x0], $0xffff  }
0x73: {  	v21 =	vor.u32 $0x6, v14;
	v15 =	vld.idx.msk [tilespmem:v15+s21+$0x0], $0xffff  }
0x74: {  	v22 =	vor.u32 $0x7, v14;
	v16 =	vld.idx.msk [tilespmem:v16+s21+$0x0], $0xffff  }
0x75: {  	v23 =	vor.u32 $0x8, v14;
	v17 =	vld.idx.msk [tilespmem:v17+s21+$0x0], $0xffff  }
0x76: {  	v24 =	vor.u32 $0x9, v14;
	v18 =	vld.idx.msk [tilespmem:v18+s21+$0x0], $0xffff  }
0x77: {  	v25 =	vor.u32 $0xA, v14;
	v19 =	vld.idx.msk [tilespmem:v19+s21+$0x0], $0xffff  }
0x78: {  	v26 =	vor.u32 $0xB, v14;
	v21 =	vld.idx.msk [tilespmem:v21+s21+$0x0], $0xffff;
	v15 =	vadd.s32 v20, v15  }
0x79: {  	v20 =	vld.idx.msk [tilespmem:v22+s21+$0x0], $0xffff;
	v15 =	vadd.s32 v16, v15;
	v16 =	vor.u32 $0xC, v14  }
0x7a: {  	v22 =	vld.idx.msk [tilespmem:v23+s21+$0x0], $0xffff;
	v15 =	vadd.s32 v17, v15;
	v17 =	vor.u32 $0xD, v14  }
0x7b: {  	v23 =	vld.idx.msk [tilespmem:v24+s21+$0x0], $0xffff;
	v15 =	vadd.s32 v18, v15;
	v18 =	vor.u32 $0xE, v14  }
0x7c: {  	v62 =	vld.idx.msk [tilespmem:v25+s21+$0x0], $0xffff;
	v14 =	vor.u32 $0xF, v14;
	v15 =	vadd.s32 v19, v15  }
0x7d: {  	v63 =	vld.idx.msk [tilespmem:v26+s21+$0x0], $0xffff;
	v15 =	vadd.s32 v21, v15  }
0x7e: {  	v15 =	vadd.s32 v20, v15;
	v16 =	vld.idx.msk [tilespmem:v16+s21+$0x0], $0xffff  }
0x7f: {  	v15 =	vadd.s32 v22, v15;
	v17 =	vld.idx.msk [tilespmem:v17+s21+$0x0], $0xffff  }
0x80: {  	s20 =	simm.s32 $0x10;
	v19 =	vadd.s32 v23, v15;
	v18 =	vld.idx.msk [tilespmem:v18+s21+$0x0], $0xffff  }
0x81: {  	v15 =	vor.u32 s20, v0;
	v20 =	vadd.s32 v62, v19;
	v19 =	vld.idx.msk [tilespmem:v14+s21+$0x0], $0xffff  }
0x82: {  	s6 =	simm.s32 $0x20;
	v14 =	vshll.u32 v15, $0x4;
	v20 =	vadd.s32 v63, v20  }
.LBB2_8:
0x83: {  	p2 =	sne.s32 s6, $0x3F0;
	v21 =	vor.u32 $0x1, v14;
	v16 =	vadd.s32 v16, v20  }
0x84: {  	v16 =	vadd.s32 v17, v16  }
0x85: {  	v17 =	vor.u32 $0x2, v14;
	v16 =	vadd.s32 v18, v16  }
0x86: {  	v18 =	vor.u32 $0x3, v14;
	v16 =	vadd.s32 v19, v16  }
0x87: {  	v19 =	vor.u32 $0x4, v14;
	[tilespmem:v13+s8+$0x0] =	vst.idx.msk $0xffff, v16;
	v13 =	vmov v15  }
0x88: {  	v16 =	vor.u32 $0x5, v14;
	v15 =	vld.idx.msk [tilespmem:v21+s21+$0x0], $0xffff  }
0x89: {  	v21 =	vor.u32 $0x6, v14;
	v20 =	vld.idx.msk [tilespmem:v14+s21+$0x0], $0xffff  }
0x8a: {  	v22 =	vor.u32 $0x7, v14;
	v17 =	vld.idx.msk [tilespmem:v17+s21+$0x0], $0xffff  }
0x8b: {  	v23 =	vor.u32 $0x8, v14;
	v18 =	vld.idx.msk [tilespmem:v18+s21+$0x0], $0xffff  }
0x8c: {  	v24 =	vor.u32 $0x9, v14;
	v19 =	vld.idx.msk [tilespmem:v19+s21+$0x0], $0xffff  }
0x8d: {  	v25 =	vor.u32 $0xA, v14;
	v16 =	vld.idx.msk [tilespmem:v16+s21+$0x0], $0xffff  }
0x8e: {  	v26 =	vor.u32 $0xB, v14;
	v21 =	vld.idx.msk [tilespmem:v21+s21+$0x0], $0xffff  }
0x8f: {  	v15 =	vadd.s32 v20, v15;
	v20 =	vld.idx.msk [tilespmem:v22+s21+$0x0], $0xffff;
	v22 =	vor.u32 $0xC, v14  }
0x90: {  	v15 =	vadd.s32 v17, v15;
	v17 =	vor.u32 $0xD, v14;
	v23 =	vld.idx.msk [tilespmem:v23+s21+$0x0], $0xffff  }
0x91: {  	v15 =	vadd.s32 v18, v15;
	v18 =	vor.u32 $0xE, v14;
	v24 =	vld.idx.msk [tilespmem:v24+s21+$0x0], $0xffff  }
0x92: {  	v14 =	vor.u32 $0xF, v14;
	v15 =	vadd.s32 v19, v15;
	v25 =	vld.idx.msk [tilespmem:v25+s21+$0x0], $0xffff  }
0x93: {  	v15 =	vadd.s32 v16, v15;
	v26 =	vld.idx.msk [tilespmem:v26+s21+$0x0], $0xffff  }
0x94: {  	v15 =	vadd.s32 v21, v15;
	v16 =	vld.idx.msk [tilespmem:v22+s21+$0x0], $0xffff  }
.Ltmp5:
0x95: {  	v15 =	vadd.s32 v20, v15;
	v17 =	vld.idx.msk [tilespmem:v17+s21+$0x0], $0xffff;
	(pc) =	sbr.rel @p2 .LBB2_8-.Ltmp5, $4  }
0x96: {  	v15 =	vadd.s32 v23, v15;
	v18 =	vld.idx.msk [tilespmem:v18+s21+$0x0], $0xffff  }
0x97: {  	v20 =	vadd.s32 v24, v15;
	v19 =	vld.idx.msk [tilespmem:v14+s21+$0x0], $0xffff  }
0x98: {  	v15 =	vor.u32 s6, v0;
	v20 =	vadd.s32 v25, v20  }
0x99: {  	s6 =	sadd.s32 $0x10, s6;
	v14 =	vshll.u32 v15, $0x4;
	v20 =	vadd.s32 v26, v20  }
0x9a: {  	v21 =	vor.u32 $0x1, v14;
	v16 =	vadd.s32 v16, v20  }
0x9b: {  	v16 =	vadd.s32 v17, v16  }
0x9c: {  	v17 =	vor.u32 $0x2, v14;
	v16 =	vadd.s32 v18, v16  }
0x9d: {  	v18 =	vor.u32 $0x3, v14;
	v16 =	vadd.s32 v19, v16  }
0x9e: {  	v19 =	vor.u32 $0x4, v14;
	[tilespmem:v13+s8+$0x0] =	vst.idx.msk $0xffff, v16  }
0x9f: {  	v16 =	vor.u32 $0x5, v14;
	v13 =	vld.idx.msk [tilespmem:v21+s21+$0x0], $0xffff  }
0xa0: {  	v59 =	vor.u32 $0x6, v14;
	v20 =	vld.idx.msk [tilespmem:v14+s21+$0x0], $0xffff  }
0xa1: {  	v22 =	vor.u32 $0x7, v14;
	v17 =	vld.idx.msk [tilespmem:v17+s21+$0x0], $0xffff  }
0xa2: {  	v23 =	vor.u32 $0x8, v14;
	v18 =	vld.idx.msk [tilespmem:v18+s21+$0x0], $0xffff  }
0xa3: {  	v24 =	vor.u32 $0x9, v14;
	v19 =	vld.idx.msk [tilespmem:v19+s21+$0x0], $0xffff  }
0xa4: {  	v25 =	vor.u32 $0xA, v14;
	v16 =	vld.idx.msk [tilespmem:v16+s21+$0x0], $0xffff  }
0xa5: {  	v26 =	vor.u32 $0xB, v14;
	v21 =	vld.idx.msk [tilespmem:v59+s21+$0x0], $0xffff;
	v13 =	vadd.s32 v20, v13  }
0xa6: {  	v60 =	vor.u32 $0xC, v14;
	v20 =	vld.idx.msk [tilespmem:v22+s21+$0x0], $0xffff;
	v13 =	vadd.s32 v17, v13  }
0xa7: {  	v61 =	vor.u32 $0xD, v14;
	v17 =	vld.idx.msk [tilespmem:v23+s21+$0x0], $0xffff;
	v13 =	vadd.s32 v18, v13  }
0xa8: {  	v62 =	vor.u32 $0xE, v14;
	v18 =	vld.idx.msk [tilespmem:v24+s21+$0x0], $0xffff;
	v13 =	vadd.s32 v19, v13  }
0xa9: {  	v14 =	vor.u32 $0xF, v14;
	v19 =	vld.idx.msk [tilespmem:v25+s21+$0x0], $0xffff;
	v13 =	vadd.s32 v16, v13  }
0xaa: {  	v16 =	vld.idx.msk [tilespmem:v26+s21+$0x0], $0xffff;
	v13 =	vadd.s32 v21, v13  }
0xab: {  	v63 =	vld.idx.msk [tilespmem:v60+s21+$0x0], $0xffff;
	v13 =	vadd.s32 v20, v13  }
0xac: {  	v20 =	vld.idx.msk [tilespmem:v61+s21+$0x0], $0xffff;
	v13 =	vadd.s32 v17, v13  }
0xad: {  	v17 =	vld.idx.msk [tilespmem:v62+s21+$0x0], $0xffff;
	v13 =	vadd.s32 v18, v13  }
0xae: {  	v14 =	vld.idx.msk [tilespmem:v14+s21+$0x0], $0xffff;
	v13 =	vadd.s32 v19, v13  }
0xaf: {  	v13 =	vadd.s32 v16, v13  }
0xb0: {  	v13 =	vadd.s32 v63, v13  }
0xb1: {  	v13 =	vadd.s32 v20, v13  }
0xb2: {  	v13 =	vadd.s32 v17, v13  }
0xb3: {  	v13 =	vadd.s32 v14, v13  }
0xb4: {  	[tilespmem:v15+s8+$0x0] =	vst.idx.msk $0xffff, v13  }
0xb5: {  	[spmem:s19] =	stream.strided.scatter [tilespmem:s8], [sflag:$0x1], $0x400, s12, s11, $0x38;
	[tilespmem:$0x1C1D0] =	vst v63  }
0xb6: {  	_ =	swait.ge [sflag:s1], $0x400  }
0xb7: {  	[sflag:s1] =	ssyncset.done $0x0  }
0xb8: {  	s3 =	simm.s32 $0x3FF;
	[sflag:s1] =	ssyncadd.s32 $0xFFFFFC00  }
0xb9: {  	v13 =	vmov s3;
	[bflag:$0x0] =	sbarrier.arrive $0xFFFF  }
0xba: {  	[tilespmem:s13], [sflag:$0x1] =	stream.strided.gather [spmem:s25], $0x400, s12, s11, $0x38;
	[tilespmem:$0x1C1D0] =	vst v63  }
0xbb: {  	_ =	swait.ge [sflag:s1], $0x400  }
0xbc: {  	[sflag:s1] =	ssyncset.done $0x0  }
0xbd: {  	s10 =	simm.s32 $0x3FE;
	[sflag:s1] =	ssyncadd.s32 $0xFFFFFC00  }
0xbe: {  	v17 =	vmov s10;
	v15 =	vld.idx.msk [tilespmem:v13+s8+$0x0], $0xffff  }
0xbf: {  	v19 =	vld.idx.msk [tilespmem:v13+s13+$0x0], $0xffff;
	_ =	sdelay $0x1  }
0xc0: {  	vm0 =	vmxor vm0, vm0  }
0xc1: {  	vm11 =	vmneg vm0  }
0xc2: {  	s4 =	simm.s32 $0x3FD;
	v18 =	vimm.s32 $0x0;
	v16 =	vimm.s32 $0x0;
	v14 =	vimm.s32 $0x0;
	v13 =	vld.idx.msk [tilespmem:v17+s8+$0x0], $0xffff  }
.LBB2_10:
0xc3: {  	v20 =	vadd.s32 v15, v19;
	v19 =	vld.idx.msk [tilespmem:v17+s13+$0x0], $0xffff;
	v17 =	vmov s4;
	s6 =	smov.u32 s4;
	p2 =	sne.s32 s4, $0x0  }
.Ltmp6:
0xc4: {  	s4 =	sadd.s32 $0xFFFFFFFF, s4;
	v21 =	vadd.s32 v14, v20;
	(pc) =	sbr.rel @p2 .LBB2_10-.Ltmp6, $4  }
0xc5: {  	vm12 =	vgt.s32 v21, $0x1387  }
0xc6: {  	vm13 =	vmand vm12, vm11;
	vm0 =	vmor vm0, vm12  }
0xc7: {  	vm11 =	vmneg vm0;
	v20 =	vsel vm0, $0x0, v20;
	v21 =	vsel vm0, $0x0, v15  }
0xc8: {  	v18 =	vsel vm13, s3, v18;
	v15 =	vmovc v13;
	s3 =	smov.u32 s10;
	s10 =	smov.u32 s6;
	v14 =	vadd.s32 v14, v20;
	v16 =	vadd.s32 v16, v21;
	v13 =	vld.idx.msk [tilespmem:v17+s8+$0x0], $0xffff  }
0xc9: {  	_ = 	snop  }
0xca: {  	s9 =	simm.s32 $0x0  }
0xcb: {  	v20 =	vmov s9  }
0xcc: {  	v19 =	vadd.s32 v15, v19;
	v20 =	vshrl.u32 v20, $0x7  }
0xcd: {  	v17 =	vld.idx.msk [tilespmem:v17+s13+$0x0], $0xffff;
	v21 =	vadd.s32 v14, v19;
	v20 =	vshll.u32 v20, $0x7  }
0xce: {  	vm12 =	vgt.s32 v21, $0x1387;
	v21 =	vbroadcast v20, $0x0  }
0xcf: {  	s20 =	simm.s32 $0x80;
	vm11 =	vmand vm12, vm11;
	vm0 =	vmor vm0, vm12  }
0xd0: {  	v22 =	vsel vm11, s3, v18;
	v20 =	vmov s20;
	v18 =	vor.u32 v0, v21  }
0xd1: {  	v19 =	vsel vm0, $0x0, v19;
	v15 =	vsel vm0, $0x0, v15;
	v23 =	vor.u32 v2, v21  }
0xd2: {  	v14 =	vadd.s32 v14, v19;
	v17 =	vadd.s32 v13, v17;
	v19 =	vor.u32 v3, v21  }
0xd3: {  	v15 =	vadd.s32 v16, v15;
	v16 =	vshrl.u32 v20, $0x7;
	v25 =	vor.u32 v4, v21  }
0xd4: {  	[bflag:$0x0] =	sbarrier.arrive $0xFFFF;
	v24 =	vadd.s32 v14, v17;
	v63 =	vor.u32 v5, v21;
	v26 =	vor.u32 v6, v21  }
0xd5: {  	v16 =	vshll.u32 v16, $0x7;
	v20 =	vor.u32 v7, v21;
	vm11 =	vgt.s32 v24, $0x1387;
	[tilespmem:v18+s21+$0x0] =	vst.idx.msk $0xffff, v1  }
0xd6: {  	v16 =	vbroadcast v16, $0x0;
	vm12 =	vmor vm0, vm11;
	vm0 =	vmneg vm0;
	[tilespmem:v23+s21+$0x0] =	vst.idx.msk $0xffff, v1  }
0xd7: {  	v17 =	vsel vm12, $0x0, v17;
	v13 =	vsel vm12, $0x0, v13;
	v18 =	vor.u32 v8, v21;
	[tilespmem:v19+s21+$0x0] =	vst.idx.msk $0xffff, v1  }
0xd8: {  	vm0 =	vmand vm11, vm0;
	v14 =	vadd.s32 v14, v17;
	v19 =	vor.u32 v0, v16;
	[tilespmem:v25+s21+$0x0] =	vst.idx.msk $0xffff, v1  }
0xd9: {  	v13 =	vadd.s32 v15, v13;
	v15 =	vsel vm0, s10, v22;
	v22 =	vor.u32 v2, v16;
	[tilespmem:v63+s21+$0x0] =	vst.idx.msk $0xffff, v1  }
0xda: {  	s3 =	simm.s32 $0x100;
	v17 =	vor.u32 v4, v16;
	v21 =	vor.u32 v3, v16;
	[tilespmem:v26+s21+$0x0] =	vst.idx.msk $0xffff, v1  }
.LBB2_12:
0xdb: {  	v23 =	vmov s3;
	p2 =	sne.s32 s3, $0x3F80;
	s3 =	sadd.s32 $0x80, s3;
	[tilespmem:v20+s21+$0x0] =	vst.idx.msk $0xffff, v1  }
0xdc: {  	v20 =	vshrl.u32 v23, $0x7;
	v23 =	vor.u32 v5, v16;
	[tilespmem:v18+s21+$0x0] =	vst.idx.msk $0xffff, v1  }
0xdd: {  	v24 =	vor.u32 v6, v16;
	v18 =	vshll.u32 v20, $0x7;
	[tilespmem:v19+s21+$0x0] =	vst.idx.msk $0xffff, v1  }
.Ltmp7:
0xde: {  	v20 =	vor.u32 v7, v16;
	v25 =	vbroadcast v18, $0x0;
	[tilespmem:v22+s21+$0x0] =	vst.idx.msk $0xffff, v1;
	(pc) =	sbr.rel @p2 .LBB2_12-.Ltmp7, $4  }
0xdf: {  	v18 =	vor.u32 v8, v16;
	[tilespmem:v21+s21+$0x0] =	vst.idx.msk $0xffff, v1  }
0xe0: {  	v19 =	vor.u32 v0, v25;
	[tilespmem:v17+s21+$0x0] =	vst.idx.msk $0xffff, v1;
	v17 =	vor.u32 v4, v25;
	v16 =	vmov v25  }
0xe1: {  	v22 =	vor.u32 v2, v16;
	[tilespmem:v23+s21+$0x0] =	vst.idx.msk $0xffff, v1  }
0xe2: {  	v21 =	vor.u32 v3, v16;
	[tilespmem:v24+s21+$0x0] =	vst.idx.msk $0xffff, v1  }
0xe3: {  	_ =	sdelay $0x3  }
0xe4: {  	[tilespmem:v20+s21+$0x0] =	vst.idx.msk $0xffff, v1  }
0xe5: {  	v61 =	vor.u32 v5, v16;
	[tilespmem:v18+s21+$0x0] =	vst.idx.msk $0xffff, v1  }
0xe6: {  	v62 =	vor.u32 v6, v16;
	[tilespmem:v19+s21+$0x0] =	vst.idx.msk $0xffff, v1  }
0xe7: {  	v63 =	vor.u32 v7, v16;
	[tilespmem:v22+s21+$0x0] =	vst.idx.msk $0xffff, v1  }
0xe8: {  	v16 =	vor.u32 v8, v16;
	[tilespmem:v21+s21+$0x0] =	vst.idx.msk $0xffff, v1  }
0xe9: {  	[tilespmem:v17+s21+$0x0] =	vst.idx.msk $0xffff, v1  }
0xea: {  	[tilespmem:v61+s21+$0x0] =	vst.idx.msk $0xffff, v1  }
0xeb: {  	[tilespmem:v62+s21+$0x0] =	vst.idx.msk $0xffff, v1  }
0xec: {  	[tilespmem:v63+s21+$0x0] =	vst.idx.msk $0xffff, v1  }
0xed: {  	[tilespmem:v16+s21+$0x0] =	vst.idx.msk $0xffff, v1  }
.LBB2_14:
0xee: {  	s3 =	smul.u32 $0x1F40, s9;
	_ =	sdelay $0x1  }
0xef: {  	s3 =	sadd.s32 s5, s3  }
0xf0: {  	s4 =	simm.s32 $0x0;
	s3 =	sshrl.u32 s3, $0x3  }
0xf1: {  	v16 =	vor.u32 s4, v0;
	s3 =	sadd.s32 s23, s3  }
0xf2: {  	[tilespmem:s4], [sflag:$0x1] =	stream.linear.gather [hbm4b:s3+s4], $0x1F40, $0x38;
	[tilespmem:$0x1C1D0] =	vst v63  }
0xf3: {  	_ =	swait.ge [sflag:s1], $0x1F40  }
0xf4: {  	[sflag:s1] =	ssyncset.done $0x0  }
0xf5: {  	[sflag:s1] =	ssyncadd.s32 $0xFFFFE0C0  }
0xf6: {  	v16 =	vld.idx.msk [tilespmem:v16+s2+$0x0], $0xffff;
	_ =	sdelay $0x4  }
0xf7: {  	v17 =	vshrl.u32 v16, $0x6;
	v16 =	vshra.s32 v16, $0x14  }
0xf8: {  	v17 =	vand.u32 $0x3FF0, v17;
	vm0 =	veq.s32 v16, v15  }
0xf9: {  	s20 =	simm.s32 $0x10;
	v16 =	vor.u32 v0, v17  }
0xfa: {  	s3 =	simm.s32 $0x20;
	v17 =	vor.u32 s20, v0  }
.LBB2_15:
0xfb: {  	p2 =	sne.s32 s3, $0x1F30;
	_ =	sdelay $0x2  }
0xfc: {  	[tilespmem:v16+s21+$0x0] =	vst.idx.add.s32.msk vm0, v9  }
0xfd: {  	v16 =	vld.idx.msk [tilespmem:v17+s2+$0x0], $0xffff;
	_ =	sdelay $0x4  }
.Ltmp8:
0xfe: {  	(pc) =	sbr.rel @p2 .LBB2_15-.Ltmp8, $4  }
0xff: {  	v17 =	vshra.s32 v16, $0x14;
	v16 =	vshrl.u32 v16, $0x6  }
0x100: {  	vm0 =	veq.s32 v17, v15;
	v16 =	vand.u32 $0x3FF0, v16  }
0x101: {  	v16 =	vor.u32 v0, v16  }
0x102: {  	v17 =	vor.u32 s3, v0;
	s3 =	sadd.s32 $0x10, s3  }
0x103: {  	_ =	sdelay $0x4  }
0x104: {  	[tilespmem:v16+s21+$0x0] =	vst.idx.add.s32.msk vm0, v9  }
0x105: {  	v16 =	vld.idx.msk [tilespmem:v17+s2+$0x0], $0xffff;
	_ =	sdelay $0x4  }
0x106: {  	v17 =	vshra.s32 v16, $0x14;
	v16 =	vshrl.u32 v16, $0x6  }
0x107: {  	s9 =	sadd.s32 $0x1, s9;
	vm0 =	veq.s32 v17, v15;
	v16 =	vand.u32 $0x3FF0, v16  }
0x108: {  	p2 =	sne.s32 s9, $0x19;
	v16 =	vor.u32 v0, v16  }
.Ltmp9:
0x109: {  	_ = 	snop;
	(pc) =	sbr.rel @p2 .LBB2_14-.Ltmp9, $2  }
0x10a: {  	_ =	sdelay $0x2  }
0x10b: {  	[tilespmem:v16+s21+$0x0] =	vst.idx.add.s32.msk vm0, v9  }
0x10c: {  	s3 =	simm.s32 $0x0  }
0x10d: {  	v16 =	vor.u32 s3, v0  }
0x10e: {  	v17 =	vshll.u32 v16, $0x4  }
0x10f: {  	v18 =	vor.u32 $0x1, v17  }
0x110: {  	v19 =	vor.u32 $0x2, v17  }
0x111: {  	v20 =	vor.u32 $0x3, v17  }
0x112: {  	v21 =	vor.u32 $0x4, v17  }
0x113: {  	v22 =	vor.u32 $0x5, v17;
	v23 =	vld.idx.msk [tilespmem:v17+s21+$0x0], $0xffff  }
0x114: {  	v24 =	vor.u32 $0x6, v17;
	v18 =	vld.idx.msk [tilespmem:v18+s21+$0x0], $0xffff  }
0x115: {  	v25 =	vor.u32 $0x7, v17;
	v19 =	vld.idx.msk [tilespmem:v19+s21+$0x0], $0xffff  }
0x116: {  	v26 =	vor.u32 $0x8, v17;
	v20 =	vld.idx.msk [tilespmem:v20+s21+$0x0], $0xffff  }
0x117: {  	v27 =	vor.u32 $0x9, v17;
	v21 =	vld.idx.msk [tilespmem:v21+s21+$0x0], $0xffff  }
0x118: {  	v28 =	vor.u32 $0xA, v17;
	v22 =	vld.idx.msk [tilespmem:v22+s21+$0x0], $0xffff  }
0x119: {  	v29 =	vor.u32 $0xB, v17;
	v24 =	vld.idx.msk [tilespmem:v24+s21+$0x0], $0xffff;
	v18 =	vadd.s32 v23, v18  }
0x11a: {  	v23 =	vld.idx.msk [tilespmem:v25+s21+$0x0], $0xffff;
	v18 =	vadd.s32 v19, v18;
	v19 =	vor.u32 $0xC, v17  }
0x11b: {  	v60 =	vld.idx.msk [tilespmem:v26+s21+$0x0], $0xffff;
	v18 =	vadd.s32 v20, v18;
	v20 =	vor.u32 $0xD, v17  }
0x11c: {  	v61 =	vld.idx.msk [tilespmem:v27+s21+$0x0], $0xffff;
	v18 =	vadd.s32 v21, v18;
	v21 =	vor.u32 $0xE, v17  }
0x11d: {  	v62 =	vld.idx.msk [tilespmem:v28+s21+$0x0], $0xffff;
	v17 =	vor.u32 $0xF, v17;
	v18 =	vadd.s32 v22, v18  }
0x11e: {  	v63 =	vld.idx.msk [tilespmem:v29+s21+$0x0], $0xffff;
	v18 =	vadd.s32 v24, v18  }
0x11f: {  	v18 =	vadd.s32 v23, v18;
	v19 =	vld.idx.msk [tilespmem:v19+s21+$0x0], $0xffff  }
0x120: {  	v18 =	vadd.s32 v60, v18;
	v20 =	vld.idx.msk [tilespmem:v20+s21+$0x0], $0xffff  }
0x121: {  	s20 =	simm.s32 $0x10;
	v22 =	vadd.s32 v61, v18;
	v21 =	vld.idx.msk [tilespmem:v21+s21+$0x0], $0xffff  }
0x122: {  	v18 =	vor.u32 s20, v0;
	v23 =	vadd.s32 v62, v22;
	v22 =	vld.idx.msk [tilespmem:v17+s21+$0x0], $0xffff  }
0x123: {  	s6 =	simm.s32 $0x20;
	v17 =	vshll.u32 v18, $0x4;
	v23 =	vadd.s32 v63, v23  }
.LBB2_18:
0x124: {  	p2 =	sne.s32 s6, $0x3F0;
	v24 =	vor.u32 $0x1, v17;
	v19 =	vadd.s32 v19, v23  }
0x125: {  	v19 =	vadd.s32 v20, v19  }
0x126: {  	v20 =	vor.u32 $0x2, v17;
	v19 =	vadd.s32 v21, v19  }
0x127: {  	v21 =	vor.u32 $0x3, v17;
	v19 =	vadd.s32 v22, v19  }
0x128: {  	v22 =	vor.u32 $0x4, v17;
	[tilespmem:v16+s8+$0x0] =	vst.idx.msk $0xffff, v19;
	v16 =	vmov v18  }
0x129: {  	v19 =	vor.u32 $0x5, v17;
	v18 =	vld.idx.msk [tilespmem:v24+s21+$0x0], $0xffff  }
0x12a: {  	v24 =	vor.u32 $0x6, v17;
	v23 =	vld.idx.msk [tilespmem:v17+s21+$0x0], $0xffff  }
0x12b: {  	v25 =	vor.u32 $0x7, v17;
	v20 =	vld.idx.msk [tilespmem:v20+s21+$0x0], $0xffff  }
0x12c: {  	v26 =	vor.u32 $0x8, v17;
	v21 =	vld.idx.msk [tilespmem:v21+s21+$0x0], $0xffff  }
0x12d: {  	v27 =	vor.u32 $0x9, v17;
	v22 =	vld.idx.msk [tilespmem:v22+s21+$0x0], $0xffff  }
0x12e: {  	v28 =	vor.u32 $0xA, v17;
	v19 =	vld.idx.msk [tilespmem:v19+s21+$0x0], $0xffff  }
0x12f: {  	v29 =	vor.u32 $0xB, v17;
	v24 =	vld.idx.msk [tilespmem:v24+s21+$0x0], $0xffff  }
0x130: {  	v18 =	vadd.s32 v23, v18;
	v23 =	vld.idx.msk [tilespmem:v25+s21+$0x0], $0xffff;
	v25 =	vor.u32 $0xC, v17  }
0x131: {  	v18 =	vadd.s32 v20, v18;
	v20 =	vor.u32 $0xD, v17;
	v26 =	vld.idx.msk [tilespmem:v26+s21+$0x0], $0xffff  }
0x132: {  	v18 =	vadd.s32 v21, v18;
	v21 =	vor.u32 $0xE, v17;
	v27 =	vld.idx.msk [tilespmem:v27+s21+$0x0], $0xffff  }
0x133: {  	v17 =	vor.u32 $0xF, v17;
	v18 =	vadd.s32 v22, v18;
	v28 =	vld.idx.msk [tilespmem:v28+s21+$0x0], $0xffff  }
0x134: {  	v18 =	vadd.s32 v19, v18;
	v29 =	vld.idx.msk [tilespmem:v29+s21+$0x0], $0xffff  }
0x135: {  	v18 =	vadd.s32 v24, v18;
	v19 =	vld.idx.msk [tilespmem:v25+s21+$0x0], $0xffff  }
.Ltmp10:
0x136: {  	v18 =	vadd.s32 v23, v18;
	v20 =	vld.idx.msk [tilespmem:v20+s21+$0x0], $0xffff;
	(pc) =	sbr.rel @p2 .LBB2_18-.Ltmp10, $4  }
0x137: {  	v18 =	vadd.s32 v26, v18;
	v21 =	vld.idx.msk [tilespmem:v21+s21+$0x0], $0xffff  }
0x138: {  	v23 =	vadd.s32 v27, v18;
	v22 =	vld.idx.msk [tilespmem:v17+s21+$0x0], $0xffff  }
0x139: {  	v18 =	vor.u32 s6, v0;
	v23 =	vadd.s32 v28, v23  }
0x13a: {  	s6 =	sadd.s32 $0x10, s6;
	v17 =	vshll.u32 v18, $0x4;
	v23 =	vadd.s32 v29, v23  }
0x13b: {  	v24 =	vor.u32 $0x1, v17;
	v19 =	vadd.s32 v19, v23  }
0x13c: {  	v19 =	vadd.s32 v20, v19  }
0x13d: {  	v20 =	vor.u32 $0x2, v17;
	v19 =	vadd.s32 v21, v19  }
0x13e: {  	v21 =	vor.u32 $0x3, v17;
	v19 =	vadd.s32 v22, v19  }
0x13f: {  	v22 =	vor.u32 $0x4, v17;
	[tilespmem:v16+s8+$0x0] =	vst.idx.msk $0xffff, v19  }
0x140: {  	v19 =	vor.u32 $0x5, v17;
	v16 =	vld.idx.msk [tilespmem:v24+s21+$0x0], $0xffff  }
0x141: {  	v59 =	vor.u32 $0x6, v17;
	v23 =	vld.idx.msk [tilespmem:v17+s21+$0x0], $0xffff  }
0x142: {  	v25 =	vor.u32 $0x7, v17;
	v20 =	vld.idx.msk [tilespmem:v20+s21+$0x0], $0xffff  }
0x143: {  	v26 =	vor.u32 $0x8, v17;
	v21 =	vld.idx.msk [tilespmem:v21+s21+$0x0], $0xffff  }
0x144: {  	v27 =	vor.u32 $0x9, v17;
	v22 =	vld.idx.msk [tilespmem:v22+s21+$0x0], $0xffff  }
0x145: {  	v28 =	vor.u32 $0xA, v17;
	v19 =	vld.idx.msk [tilespmem:v19+s21+$0x0], $0xffff  }
0x146: {  	v29 =	vor.u32 $0xB, v17;
	v24 =	vld.idx.msk [tilespmem:v59+s21+$0x0], $0xffff;
	v16 =	vadd.s32 v23, v16  }
0x147: {  	v60 =	vor.u32 $0xC, v17;
	v23 =	vld.idx.msk [tilespmem:v25+s21+$0x0], $0xffff;
	v16 =	vadd.s32 v20, v16  }
0x148: {  	v61 =	vor.u32 $0xD, v17;
	v20 =	vld.idx.msk [tilespmem:v26+s21+$0x0], $0xffff;
	v16 =	vadd.s32 v21, v16  }
0x149: {  	v62 =	vor.u32 $0xE, v17;
	v21 =	vld.idx.msk [tilespmem:v27+s21+$0x0], $0xffff;
	v16 =	vadd.s32 v22, v16  }
0x14a: {  	v17 =	vor.u32 $0xF, v17;
	v22 =	vld.idx.msk [tilespmem:v28+s21+$0x0], $0xffff;
	v16 =	vadd.s32 v19, v16  }
0x14b: {  	v19 =	vld.idx.msk [tilespmem:v29+s21+$0x0], $0xffff;
	v16 =	vadd.s32 v24, v16  }
0x14c: {  	v63 =	vld.idx.msk [tilespmem:v60+s21+$0x0], $0xffff;
	v16 =	vadd.s32 v23, v16  }
0x14d: {  	v23 =	vld.idx.msk [tilespmem:v61+s21+$0x0], $0xffff;
	v16 =	vadd.s32 v20, v16  }
0x14e: {  	v20 =	vld.idx.msk [tilespmem:v62+s21+$0x0], $0xffff;
	v16 =	vadd.s32 v21, v16  }
0x14f: {  	v17 =	vld.idx.msk [tilespmem:v17+s21+$0x0], $0xffff;
	v16 =	vadd.s32 v22, v16  }
0x150: {  	v16 =	vadd.s32 v19, v16  }
0x151: {  	v16 =	vadd.s32 v63, v16  }
0x152: {  	v16 =	vadd.s32 v23, v16  }
0x153: {  	v16 =	vadd.s32 v20, v16  }
0x154: {  	v16 =	vadd.s32 v17, v16  }
0x155: {  	[tilespmem:v18+s8+$0x0] =	vst.idx.msk $0xffff, v16  }
0x156: {  	[spmem:s19] =	stream.strided.scatter [tilespmem:s8], [sflag:$0x1], $0x400, s12, s11, $0x38;
	[tilespmem:$0x1C1D0] =	vst v63  }
0x157: {  	_ =	swait.ge [sflag:s1], $0x400  }
0x158: {  	[sflag:s1] =	ssyncset.done $0x0  }
0x159: {  	s10 =	simm.s32 $0x3FF;
	[sflag:s1] =	ssyncadd.s32 $0xFFFFFC00  }
0x15a: {  	v16 =	vmov s10;
	[bflag:$0x0] =	sbarrier.arrive $0xFFFF  }
0x15b: {  	[tilespmem:s13], [sflag:$0x1] =	stream.strided.gather [spmem:s25], $0x400, s12, s11, $0x38;
	[tilespmem:$0x1C1D0] =	vst v63  }
0x15c: {  	_ =	swait.ge [sflag:s1], $0x400  }
0x15d: {  	[sflag:s1] =	ssyncset.done $0x0  }
0x15e: {  	s9 =	simm.s32 $0x3FE;
	[sflag:s1] =	ssyncadd.s32 $0xFFFFFC00  }
0x15f: {  	v21 =	vmov s9;
	v17 =	vld.idx.msk [tilespmem:v16+s8+$0x0], $0xffff  }
0x160: {  	v22 =	vld.idx.msk [tilespmem:v16+s13+$0x0], $0xffff;
	_ =	sdelay $0x1  }
0x161: {  	vm11 =	vmxor vm11, vm11  }
0x162: {  	vm0 =	vmneg vm11  }
0x163: {  	s3 =	simm.s32 $0x3FD;
	v20 =	vimm.s32 $0x0;
	v18 =	vimm.s32 $0x0;
	v19 =	vld.idx.msk [tilespmem:v21+s8+$0x0], $0xffff;
	v16 =	vimm.s32 $0x0  }
.LBB2_20:
0x164: {  	v23 =	vadd.s32 v17, v22;
	v22 =	vld.idx.msk [tilespmem:v21+s13+$0x0], $0xffff;
	v21 =	vmov s3;
	v24 =	vadd.s32 v14, v20;
	s4 =	smov.u32 s3;
	p2 =	sne.s32 s3, $0x0  }
.Ltmp11:
0x165: {  	s3 =	sadd.s32 $0xFFFFFFFF, s3;
	v24 =	vadd.s32 v23, v24;
	(pc) =	sbr.rel @p2 .LBB2_20-.Ltmp11, $4  }
0x166: {  	vm12 =	vgt.s32 v24, $0x1387  }
0x167: {  	vm13 =	vmand vm12, vm0;
	vm11 =	vmor vm11, vm12  }
0x168: {  	vm0 =	vmneg vm11;
	v23 =	vsel vm11, $0x0, v23;
	v24 =	vsel vm11, $0x0, v17  }
0x169: {  	v18 =	vsel vm13, s10, v18;
	v17 =	vmovc v19;
	s10 =	smov.u32 s9;
	s9 =	smov.u32 s4;
	v20 =	vadd.s32 v20, v23;
	v16 =	vadd.s32 v16, v24;
	v19 =	vld.idx.msk [tilespmem:v21+s8+$0x0], $0xffff  }
0x16a: {  	_ =	sdelay $0x2  }
0x16b: {  	v22 =	vadd.s32 v17, v22;
	v23 =	vadd.s32 v14, v20;
	s3 =	simm.s32 $0x0  }
0x16c: {  	v21 =	vld.idx.msk [tilespmem:v21+s13+$0x0], $0xffff;
	v23 =	vadd.s32 v22, v23;
	v24 =	vmov s3  }
0x16d: {  	vm12 =	vgt.s32 v23, $0x1387;
	v23 =	vshrl.u32 v24, $0x7  }
0x16e: {  	s20 =	simm.s32 $0x80;
	vm11 =	vmor vm11, vm12;
	v23 =	vshll.u32 v23, $0x7  }
0x16f: {  	v26 =	vmov s20;
	v22 =	vsel vm11, $0x0, v22;
	v24 =	vbroadcast v23, $0x0  }
0x170: {  	v26 =	vshrl.u32 v26, $0x7;
	v20 =	vadd.s32 v20, v22  }
0x171: {  	v21 =	vadd.s32 v19, v21;
	v22 =	vadd.s32 v14, v20;
	v23 =	vor.u32 v0, v24  }
0x172: {  	vm0 =	vmand vm12, vm0;
	v25 =	vor.u32 v2, v24;
	v22 =	vadd.s32 v21, v22  }
0x173: {  	v17 =	vsel vm11, $0x0, v17;
	vm13 =	vgt.s32 v22, $0x1387;
	v22 =	vor.u32 v3, v24  }
0x174: {  	v16 =	vadd.s32 v16, v17;
	v27 =	vor.u32 v4, v24;
	vm12 =	vmor vm11, vm13  }
0x175: {  	[bflag:$0x0] =	sbarrier.arrive $0xFFFF;
	v28 =	vor.u32 v5, v24;
	v29 =	vor.u32 v6, v24;
	v21 =	vsel vm12, $0x0, v21  }
0x176: {  	v19 =	vsel vm12, $0x0, v19;
	[tilespmem:v23+s21+$0x0] =	vst.idx.msk $0xffff, v1;
	v17 =	vadd.s32 v20, v21;
	v20 =	vshll.u32 v26, $0x7  }
0x177: {  	v16 =	vadd.s32 v16, v19;
	v23 =	vor.u32 v7, v24;
	[tilespmem:v25+s21+$0x0] =	vst.idx.msk $0xffff, v1;
	v19 =	vbroadcast v20, $0x0  }
0x178: {  	v21 =	vor.u32 v8, v24;
	[tilespmem:v22+s21+$0x0] =	vst.idx.msk $0xffff, v1  }
0x179: {  	vm11 =	vmneg vm11;
	[tilespmem:v27+s21+$0x0] =	vst.idx.msk $0xffff, v1;
	v22 =	vor.u32 v0, v19  }
0x17a: {  	v18 =	vsel vm0, s10, v18;
	vm0 =	vmand vm13, vm11;
	v25 =	vor.u32 v2, v19;
	[tilespmem:v28+s21+$0x0] =	vst.idx.msk $0xffff, v1  }
0x17b: {  	s3 =	simm.s32 $0x100;
	v18 =	vsel vm0, s9, v18;
	v20 =	vor.u32 v4, v19;
	v24 =	vor.u32 v3, v19;
	[tilespmem:v29+s21+$0x0] =	vst.idx.msk $0xffff, v1  }
.LBB2_22:
0x17c: {  	v26 =	vmov s3;
	p2 =	sne.s32 s3, $0x3F80;
	s3 =	sadd.s32 $0x80, s3;
	[tilespmem:v23+s21+$0x0] =	vst.idx.msk $0xffff, v1  }
0x17d: {  	v23 =	vshrl.u32 v26, $0x7;
	v26 =	vor.u32 v5, v19;
	[tilespmem:v21+s21+$0x0] =	vst.idx.msk $0xffff, v1  }
0x17e: {  	v27 =	vor.u32 v6, v19;
	v21 =	vshll.u32 v23, $0x7;
	[tilespmem:v22+s21+$0x0] =	vst.idx.msk $0xffff, v1  }
.Ltmp12:
0x17f: {  	v23 =	vor.u32 v7, v19;
	v28 =	vbroadcast v21, $0x0;
	[tilespmem:v25+s21+$0x0] =	vst.idx.msk $0xffff, v1;
	(pc) =	sbr.rel @p2 .LBB2_22-.Ltmp12, $4  }
0x180: {  	v21 =	vor.u32 v8, v19;
	[tilespmem:v24+s21+$0x0] =	vst.idx.msk $0xffff, v1  }
0x181: {  	v22 =	vor.u32 v0, v28;
	[tilespmem:v20+s21+$0x0] =	vst.idx.msk $0xffff, v1;
	v20 =	vor.u32 v4, v28;
	v19 =	vmov v28  }
0x182: {  	v25 =	vor.u32 v2, v19;
	[tilespmem:v26+s21+$0x0] =	vst.idx.msk $0xffff, v1  }
0x183: {  	v24 =	vor.u32 v3, v19;
	[tilespmem:v27+s21+$0x0] =	vst.idx.msk $0xffff, v1  }
0x184: {  	_ =	sdelay $0x3  }
0x185: {  	[tilespmem:v23+s21+$0x0] =	vst.idx.msk $0xffff, v1  }
0x186: {  	v61 =	vor.u32 v5, v19;
	[tilespmem:v21+s21+$0x0] =	vst.idx.msk $0xffff, v1  }
0x187: {  	v62 =	vor.u32 v6, v19;
	[tilespmem:v22+s21+$0x0] =	vst.idx.msk $0xffff, v1  }
0x188: {  	v63 =	vor.u32 v7, v19;
	[tilespmem:v25+s21+$0x0] =	vst.idx.msk $0xffff, v1  }
0x189: {  	v19 =	vor.u32 v8, v19;
	[tilespmem:v24+s21+$0x0] =	vst.idx.msk $0xffff, v1  }
0x18a: {  	[tilespmem:v20+s21+$0x0] =	vst.idx.msk $0xffff, v1  }
0x18b: {  	[tilespmem:v61+s21+$0x0] =	vst.idx.msk $0xffff, v1  }
0x18c: {  	[tilespmem:v62+s21+$0x0] =	vst.idx.msk $0xffff, v1  }
0x18d: {  	v15 =	vshll.u32 v15, $0xA;
	[tilespmem:v63+s21+$0x0] =	vst.idx.msk $0xffff, v1  }
0x18e: {  	s3 =	simm.s32 $0x0;
	s4 =	simm.s32 $0x0;
	v15 =	vadd.s32 v15, v18;
	[tilespmem:v19+s21+$0x0] =	vst.idx.msk $0xffff, v1  }
.LBB2_24:
0x18f: {  	s6 =	smul.u32 $0x1F40, s4;
	_ =	sdelay $0x1  }
0x190: {  	s6 =	sadd.s32 s5, s6  }
0x191: {  	s6 =	sshrl.u32 s6, $0x3  }
0x192: {  	v18 =	vor.u32 s3, v0;
	s6 =	sadd.s32 s23, s6  }
0x193: {  	[tilespmem:s3], [sflag:$0x1] =	stream.linear.gather [hbm4b:s6+s3], $0x1F40, $0x38;
	[tilespmem:$0x1C1D0] =	vst v63  }
0x194: {  	_ =	swait.ge [sflag:s1], $0x1F40  }
0x195: {  	[sflag:s1] =	ssyncset.done $0x0  }
0x196: {  	[sflag:s1] =	ssyncadd.s32 $0xFFFFE0C0  }
0x197: {  	v18 =	vld.idx.msk [tilespmem:v18+s2+$0x0], $0xffff;
	_ =	sdelay $0x4  }
0x198: {  	v19 =	vshll.u32 v18, $0x4;
	v18 =	vshra.s32 v18, $0xA  }
0x199: {  	v19 =	vor.u32 v0, v19;
	vm0 =	veq.s32 v18, v15  }
0x19a: {  	s20 =	simm.s32 $0x10;
	v18 =	vand.u32 $0x3FFF, v19  }
0x19b: {  	s6 =	simm.s32 $0x20;
	v19 =	vor.u32 s20, v0  }
.LBB2_25:
0x19c: {  	p2 =	sne.s32 s6, $0x1F30;
	_ =	sdelay $0x2  }
0x19d: {  	[tilespmem:v18+s21+$0x0] =	vst.idx.add.s32.msk vm0, v9  }
0x19e: {  	v18 =	vld.idx.msk [tilespmem:v19+s2+$0x0], $0xffff;
	_ =	sdelay $0x4  }
.Ltmp13:
0x19f: {  	(pc) =	sbr.rel @p2 .LBB2_25-.Ltmp13, $4  }
0x1a0: {  	v19 =	vshra.s32 v18, $0xA;
	v18 =	vshll.u32 v18, $0x4  }
0x1a1: {  	vm0 =	veq.s32 v19, v15;
	v18 =	vor.u32 v0, v18  }
0x1a2: {  	v18 =	vand.u32 $0x3FFF, v18  }
0x1a3: {  	v19 =	vor.u32 s6, v0;
	s6 =	sadd.s32 $0x10, s6  }
0x1a4: {  	_ =	sdelay $0x4  }
0x1a5: {  	[tilespmem:v18+s21+$0x0] =	vst.idx.add.s32.msk vm0, v9  }
0x1a6: {  	v18 =	vld.idx.msk [tilespmem:v19+s2+$0x0], $0xffff;
	_ =	sdelay $0x4  }
0x1a7: {  	v19 =	vshra.s32 v18, $0xA;
	v18 =	vshll.u32 v18, $0x4  }
0x1a8: {  	s4 =	sadd.s32 $0x1, s4;
	vm0 =	veq.s32 v19, v15;
	v18 =	vor.u32 v0, v18  }
0x1a9: {  	p2 =	sne.s32 s4, $0x19;
	v18 =	vand.u32 $0x3FFF, v18  }
.Ltmp14:
0x1aa: {  	_ = 	snop;
	(pc) =	sbr.rel @p2 .LBB2_24-.Ltmp14, $2  }
0x1ab: {  	_ =	sdelay $0x2  }
0x1ac: {  	[tilespmem:v18+s21+$0x0] =	vst.idx.add.s32.msk vm0, v9  }
0x1ad: {  	s3 =	simm.s32 $0x0  }
0x1ae: {  	v18 =	vor.u32 s3, v0  }
0x1af: {  	v19 =	vshll.u32 v18, $0x4  }
0x1b0: {  	v20 =	vor.u32 $0x1, v19  }
0x1b1: {  	v21 =	vor.u32 $0x2, v19  }
0x1b2: {  	v22 =	vor.u32 $0x3, v19  }
0x1b3: {  	v23 =	vor.u32 $0x4, v19  }
0x1b4: {  	v24 =	vor.u32 $0x5, v19;
	v25 =	vld.idx.msk [tilespmem:v19+s21+$0x0], $0xffff  }
0x1b5: {  	v26 =	vor.u32 $0x6, v19;
	v20 =	vld.idx.msk [tilespmem:v20+s21+$0x0], $0xffff  }
0x1b6: {  	v27 =	vor.u32 $0x7, v19;
	v21 =	vld.idx.msk [tilespmem:v21+s21+$0x0], $0xffff  }
0x1b7: {  	v28 =	vor.u32 $0x8, v19;
	v22 =	vld.idx.msk [tilespmem:v22+s21+$0x0], $0xffff  }
0x1b8: {  	v29 =	vor.u32 $0x9, v19;
	v23 =	vld.idx.msk [tilespmem:v23+s21+$0x0], $0xffff  }
0x1b9: {  	v30 =	vor.u32 $0xA, v19;
	v24 =	vld.idx.msk [tilespmem:v24+s21+$0x0], $0xffff  }
0x1ba: {  	v31 =	vor.u32 $0xB, v19;
	v26 =	vld.idx.msk [tilespmem:v26+s21+$0x0], $0xffff;
	v20 =	vadd.s32 v25, v20  }
0x1bb: {  	v25 =	vld.idx.msk [tilespmem:v27+s21+$0x0], $0xffff;
	v20 =	vadd.s32 v21, v20;
	v21 =	vor.u32 $0xC, v19  }
0x1bc: {  	v27 =	vld.idx.msk [tilespmem:v28+s21+$0x0], $0xffff;
	v20 =	vadd.s32 v22, v20;
	v22 =	vor.u32 $0xD, v19  }
0x1bd: {  	v61 =	vld.idx.msk [tilespmem:v29+s21+$0x0], $0xffff;
	v20 =	vadd.s32 v23, v20;
	v23 =	vor.u32 $0xE, v19  }
0x1be: {  	v62 =	vld.idx.msk [tilespmem:v30+s21+$0x0], $0xffff;
	v19 =	vor.u32 $0xF, v19;
	v20 =	vadd.s32 v24, v20  }
0x1bf: {  	v63 =	vld.idx.msk [tilespmem:v31+s21+$0x0], $0xffff;
	v20 =	vadd.s32 v26, v20  }
0x1c0: {  	v20 =	vadd.s32 v25, v20;
	v21 =	vld.idx.msk [tilespmem:v21+s21+$0x0], $0xffff  }
0x1c1: {  	v20 =	vadd.s32 v27, v20;
	v22 =	vld.idx.msk [tilespmem:v22+s21+$0x0], $0xffff  }
0x1c2: {  	s20 =	simm.s32 $0x10;
	v24 =	vadd.s32 v61, v20;
	v23 =	vld.idx.msk [tilespmem:v23+s21+$0x0], $0xffff  }
0x1c3: {  	v20 =	vor.u32 s20, v0;
	v25 =	vadd.s32 v62, v24;
	v24 =	vld.idx.msk [tilespmem:v19+s21+$0x0], $0xffff  }
0x1c4: {  	s6 =	simm.s32 $0x20;
	v19 =	vshll.u32 v20, $0x4;
	v25 =	vadd.s32 v63, v25  }
.LBB2_28:
0x1c5: {  	p2 =	sne.s32 s6, $0x3F0;
	v26 =	vor.u32 $0x1, v19;
	v21 =	vadd.s32 v21, v25  }
0x1c6: {  	v21 =	vadd.s32 v22, v21  }
0x1c7: {  	v22 =	vor.u32 $0x2, v19;
	v21 =	vadd.s32 v23, v21  }
0x1c8: {  	v23 =	vor.u32 $0x3, v19;
	v21 =	vadd.s32 v24, v21  }
0x1c9: {  	v24 =	vor.u32 $0x4, v19;
	[tilespmem:v18+s8+$0x0] =	vst.idx.msk $0xffff, v21;
	v18 =	vmov v20  }
0x1ca: {  	v21 =	vor.u32 $0x5, v19;
	v20 =	vld.idx.msk [tilespmem:v26+s21+$0x0], $0xffff  }
0x1cb: {  	v26 =	vor.u32 $0x6, v19;
	v25 =	vld.idx.msk [tilespmem:v19+s21+$0x0], $0xffff  }
0x1cc: {  	v27 =	vor.u32 $0x7, v19;
	v22 =	vld.idx.msk [tilespmem:v22+s21+$0x0], $0xffff  }
0x1cd: {  	v28 =	vor.u32 $0x8, v19;
	v23 =	vld.idx.msk [tilespmem:v23+s21+$0x0], $0xffff  }
0x1ce: {  	v29 =	vor.u32 $0x9, v19;
	v24 =	vld.idx.msk [tilespmem:v24+s21+$0x0], $0xffff  }
0x1cf: {  	v30 =	vor.u32 $0xA, v19;
	v21 =	vld.idx.msk [tilespmem:v21+s21+$0x0], $0xffff  }
0x1d0: {  	v31 =	vor.u32 $0xB, v19;
	v26 =	vld.idx.msk [tilespmem:v26+s21+$0x0], $0xffff  }
0x1d1: {  	v20 =	vadd.s32 v25, v20;
	v25 =	vld.idx.msk [tilespmem:v27+s21+$0x0], $0xffff;
	v27 =	vor.u32 $0xC, v19  }
0x1d2: {  	v20 =	vadd.s32 v22, v20;
	v22 =	vor.u32 $0xD, v19;
	v28 =	vld.idx.msk [tilespmem:v28+s21+$0x0], $0xffff  }
0x1d3: {  	v20 =	vadd.s32 v23, v20;
	v23 =	vor.u32 $0xE, v19;
	v29 =	vld.idx.msk [tilespmem:v29+s21+$0x0], $0xffff  }
0x1d4: {  	v19 =	vor.u32 $0xF, v19;
	v20 =	vadd.s32 v24, v20;
	v30 =	vld.idx.msk [tilespmem:v30+s21+$0x0], $0xffff  }
0x1d5: {  	v20 =	vadd.s32 v21, v20;
	v31 =	vld.idx.msk [tilespmem:v31+s21+$0x0], $0xffff  }
0x1d6: {  	v20 =	vadd.s32 v26, v20;
	v21 =	vld.idx.msk [tilespmem:v27+s21+$0x0], $0xffff  }
.Ltmp15:
0x1d7: {  	v20 =	vadd.s32 v25, v20;
	v22 =	vld.idx.msk [tilespmem:v22+s21+$0x0], $0xffff;
	(pc) =	sbr.rel @p2 .LBB2_28-.Ltmp15, $4  }
0x1d8: {  	v20 =	vadd.s32 v28, v20;
	v23 =	vld.idx.msk [tilespmem:v23+s21+$0x0], $0xffff  }
0x1d9: {  	v25 =	vadd.s32 v29, v20;
	v24 =	vld.idx.msk [tilespmem:v19+s21+$0x0], $0xffff  }
0x1da: {  	v20 =	vor.u32 s6, v0;
	v25 =	vadd.s32 v30, v25  }
0x1db: {  	s6 =	sadd.s32 $0x10, s6;
	v19 =	vshll.u32 v20, $0x4;
	v25 =	vadd.s32 v31, v25  }
0x1dc: {  	v26 =	vor.u32 $0x1, v19;
	v21 =	vadd.s32 v21, v25  }
0x1dd: {  	v21 =	vadd.s32 v22, v21  }
0x1de: {  	v22 =	vor.u32 $0x2, v19;
	v21 =	vadd.s32 v23, v21  }
0x1df: {  	v23 =	vor.u32 $0x3, v19;
	v21 =	vadd.s32 v24, v21  }
0x1e0: {  	v54 =	vor.u32 $0x4, v19;
	[tilespmem:v18+s8+$0x0] =	vst.idx.msk $0xffff, v21  }
0x1e1: {  	v21 =	vor.u32 $0x5, v19;
	v18 =	vld.idx.msk [tilespmem:v26+s21+$0x0], $0xffff  }
0x1e2: {  	v56 =	vor.u32 $0x6, v19;
	v55 =	vld.idx.msk [tilespmem:v19+s21+$0x0], $0xffff  }
0x1e3: {  	v27 =	vor.u32 $0x7, v19;
	v22 =	vld.idx.msk [tilespmem:v22+s21+$0x0], $0xffff  }
0x1e4: {  	v28 =	vor.u32 $0x8, v19;
	v23 =	vld.idx.msk [tilespmem:v23+s21+$0x0], $0xffff  }
0x1e5: {  	v29 =	vor.u32 $0x9, v19;
	v24 =	vld.idx.msk [tilespmem:v54+s21+$0x0], $0xffff  }
0x1e6: {  	v30 =	vor.u32 $0xA, v19;
	v21 =	vld.idx.msk [tilespmem:v21+s21+$0x0], $0xffff  }
0x1e7: {  	v31 =	vor.u32 $0xB, v19;
	v26 =	vld.idx.msk [tilespmem:v56+s21+$0x0], $0xffff;
	v18 =	vadd.s32 v55, v18  }
0x1e8: {  	v58 =	vor.u32 $0xC, v19;
	v57 =	vld.idx.msk [tilespmem:v27+s21+$0x0], $0xffff;
	v18 =	vadd.s32 v22, v18  }
0x1e9: {  	v59 =	vor.u32 $0xD, v19;
	v22 =	vld.idx.msk [tilespmem:v28+s21+$0x0], $0xffff;
	v18 =	vadd.s32 v23, v18  }
0x1ea: {  	v60 =	vor.u32 $0xE, v19;
	v23 =	vld.idx.msk [tilespmem:v29+s21+$0x0], $0xffff;
	v18 =	vadd.s32 v24, v18  }
0x1eb: {  	v61 =	vld.idx.msk [tilespmem:v30+s21+$0x0], $0xffff;
	v19 =	vor.u32 $0xF, v19;
	v18 =	vadd.s32 v21, v18  }
0x1ec: {  	v21 =	vld.idx.msk [tilespmem:v31+s21+$0x0], $0xffff;
	v18 =	vadd.s32 v26, v18  }
0x1ed: {  	v62 =	vld.idx.msk [tilespmem:v58+s21+$0x0], $0xffff;
	v18 =	vadd.s32 v57, v18  }
0x1ee: {  	v63 =	vld.idx.msk [tilespmem:v59+s21+$0x0], $0xffff;
	v18 =	vadd.s32 v22, v18  }
0x1ef: {  	v22 =	vld.idx.msk [tilespmem:v60+s21+$0x0], $0xffff;
	v18 =	vadd.s32 v23, v18  }
0x1f0: {  	v19 =	vld.idx.msk [tilespmem:v19+s21+$0x0], $0xffff;
	v18 =	vadd.s32 v61, v18  }
0x1f1: {  	v18 =	vadd.s32 v21, v18  }
0x1f2: {  	v18 =	vadd.s32 v62, v18  }
0x1f3: {  	v18 =	vadd.s32 v63, v18  }
0x1f4: {  	v18 =	vadd.s32 v22, v18  }
0x1f5: {  	v18 =	vadd.s32 v19, v18  }
0x1f6: {  	[tilespmem:v20+s8+$0x0] =	vst.idx.msk $0xffff, v18  }
0x1f7: {  	[spmem:s19] =	stream.strided.scatter [tilespmem:s8], [sflag:$0x1], $0x400, s12, s11, $0x38;
	[tilespmem:$0x1C1D0] =	vst v63  }
0x1f8: {  	_ =	swait.ge [sflag:s1], $0x400  }
0x1f9: {  	[sflag:s1] =	ssyncset.done $0x0  }
0x1fa: {  	s4 =	simm.s32 $0x3FF;
	[sflag:s1] =	ssyncadd.s32 $0xFFFFFC00  }
0x1fb: {  	v20 =	vmov s4;
	[bflag:$0x0] =	sbarrier.arrive $0xFFFF  }
0x1fc: {  	[tilespmem:s13], [sflag:$0x1] =	stream.strided.gather [spmem:s25], $0x400, s12, s11, $0x38;
	[tilespmem:$0x1C1D0] =	vst v63  }
0x1fd: {  	_ =	swait.ge [sflag:s1], $0x400  }
0x1fe: {  	[sflag:s1] =	ssyncset.done $0x0  }
0x1ff: {  	s3 =	simm.s32 $0x3FE;
	[sflag:s1] =	ssyncadd.s32 $0xFFFFFC00  }
0x200: {  	v22 =	vmov s3;
	v18 =	vld.idx.msk [tilespmem:v20+s8+$0x0], $0xffff  }
0x201: {  	v23 =	vld.idx.msk [tilespmem:v20+s13+$0x0], $0xffff;
	_ =	sdelay $0x1  }
0x202: {  	vm11 =	vmxor vm11, vm11  }
0x203: {  	vm0 =	vmneg vm11;
	v21 =	vimm.s32 $0x0  }
0x204: {  	s6 =	simm.s32 $0x3FD;
	v19 =	vadd.s32 v14, v17;
	v17 =	vimm.s32 $0x0;
	v14 =	vld.idx.msk [tilespmem:v22+s8+$0x0], $0xffff;
	v20 =	vimm.s32 $0x0  }
.LBB2_30:
0x205: {  	v24 =	vadd.s32 v18, v23;
	v23 =	vld.idx.msk [tilespmem:v22+s13+$0x0], $0xffff;
	v22 =	vmov s6;
	v25 =	vadd.s32 v21, v19;
	s7 =	smov.u32 s6;
	p2 =	sne.s32 s6, $0x0  }
.Ltmp16:
0x206: {  	s6 =	sadd.s32 $0xFFFFFFFF, s6;
	v25 =	vadd.s32 v24, v25;
	(pc) =	sbr.rel @p2 .LBB2_30-.Ltmp16, $4  }
0x207: {  	vm12 =	vgt.s32 v25, $0x1387  }
0x208: {  	vm13 =	vmand vm12, vm0;
	vm11 =	vmor vm11, vm12  }
0x209: {  	vm0 =	vmneg vm11;
	v24 =	vsel vm11, $0x0, v24;
	v25 =	vsel vm11, $0x0, v18  }
0x20a: {  	v20 =	vsel vm13, s4, v20;
	v18 =	vmovc v14;
	s4 =	smov.u32 s3;
	s3 =	smov.u32 s7;
	v21 =	vadd.s32 v21, v24;
	v17 =	vadd.s32 v17, v25;
	v14 =	vld.idx.msk [tilespmem:v22+s8+$0x0], $0xffff  }
0x20b: {  	_ =	sdelay $0x2  }
0x20c: {  	v23 =	vadd.s32 v18, v23;
	v24 =	vadd.s32 v21, v19  }
0x20d: {  	v22 =	vld.idx.msk [tilespmem:v22+s13+$0x0], $0xffff;
	v24 =	vadd.s32 v23, v24  }
0x20e: {  	vm12 =	vgt.s32 v24, $0x1387  }
0x20f: {  	vm11 =	vmor vm11, vm12  }
0x210: {  	v23 =	vsel vm11, $0x0, v23  }
0x211: {  	v21 =	vadd.s32 v21, v23  }
0x212: {  	v22 =	vadd.s32 v14, v22;
	v19 =	vadd.s32 v21, v19  }
0x213: {  	v19 =	vadd.s32 v22, v19  }
0x214: {  	vm0 =	vmand vm12, vm0;
	vm12 =	vmneg vm11;
	vm13 =	vgt.s32 v19, $0x1387  }
0x215: {  	v19 =	vsel vm0, s4, v20;
	vm0 =	vmand vm13, vm12  }
0x216: {  	v19 =	vsel vm0, s3, v19;
	_ =	sdelay $0x2  }
0x217: {  	[bflag:$0x0] =	sbarrier.arrive $0xFFFF  }
0x218: {  	v13 =	vadd.s32 v13, v16;
	v16 =	vld [tilespmem:$0x1FFF0]  }
0x219: {  	v20 =	vld.idx.msk [tilespmem:v19+s8+$0x0], $0xffff;
	_ =	sdelay $0x1  }
0x21a: {  	v18 =	vsel vm11, $0x0, v18;
	vm0 =	vmor vm11, vm13  }
0x21b: {  	v17 =	vadd.s32 v17, v18;
	v14 =	vsel vm0, $0x0, v14  }
0x21c: {  	vm0 =	vcmask $0x3F08;
	v14 =	vadd.s32 v17, v14  }
0x21d: {  	v13 =	vadd.s32 v14, v13;
	v14 =	vsel vm0, $0x0, v20;
	vm0 =	vnez.u8 v16  }
0x21e: {  	v14 =	vsel vm0, v13, v14  }
0x21f: {  	[tilespmem:v0+s8+$0x0] =	vst.idx.msk $0xffff, v14  }
0x220: {  	[spmem:s18] =	stream.linear.scatter [tilespmem:s8], [sflag:$0x1], $0x10, $0x38;
	[tilespmem:$0x1C1D0] =	vst v63  }
0x221: {  	_ =	swait.ge [sflag:s1], $0x10  }
0x222: {  	[sflag:s1] =	ssyncset.done $0x0  }
0x223: {  	[sflag:s1] =	ssyncadd.s32 $0xFFFFFFF0  }
0x224: {  	[bflag:$0x0] =	sbarrier.arrive $0xFFFF  }
0x225: {  	[tilespmem:s13], [sflag:$0x1] =	stream.linear.gather [spmem:s16], $0x10, $0x38;
	[tilespmem:$0x1C1D0] =	vst v63  }
0x226: {  	_ =	swait.ge [sflag:s1], $0x10  }
0x227: {  	[sflag:s1] =	ssyncset.done $0x0  }
0x228: {  	[sflag:s1] =	ssyncadd.s32 $0xFFFFFFF0  }
0x229: {  	v16 =	vld [tilespmem:$0x6380];
	_ =	sdelay $0x4  }
0x22a: {  	v14 =	vbroadcast v16, $0x0  }
0x22b: {  	v16 =	vbroadcast v16, $0x1  }
0x22c: {  	v17 =	vadd.s32 v14, v13  }
0x22d: {  	v16 =	vpsel p0, v20, v16;
	v17 =	vsub.s32 $0x1388, v17  }
0x22e: {  	vm0 =	vlt.s32 v16, v17  }
0x22f: {  	v18 =	vshll.u32 v15, $0xA;
	v15 =	vsel vm0, v16, v17  }
0x230: {  	vm13 =	vcmask $0x704;
	v20 =	vimm.s32 $0x0;
	v17 =	vsub.s32 v17, v15  }
0x231: {  	s9 =	simm.s32 $0x0;
	s20 =	simm.s32 $0x0;
	v16 =	vadd.s32 v18, v19;
	v18 =	vimm.s32 $0x0;
	v17 =	vpsel p0, v15, v17  }
.LBB2_32:
0x232: {  	s3 =	smul.u32 $0x1F40, s20;
	_ =	sdelay $0x1  }
0x233: {  	s4 =	sadd.s32 s5, s3  }
0x234: {  	s4 =	sshrl.u32 s4, $0x3  }
0x235: {  	v19 =	vor.u32 s9, v0;
	s4 =	sadd.s32 s23, s4  }
0x236: {  	[tilespmem:s9], [sflag:$0x1] =	stream.linear.gather [hbm4b:s4+s9], $0x1F40, $0x38;
	[tilespmem:$0x1C1D0] =	vst v63  }
0x237: {  	_ =	swait.ge [sflag:s1], $0x1F40  }
0x238: {  	[sflag:s1] =	ssyncset.done $0x0  }
0x239: {  	[sflag:s1] =	ssyncadd.s32 $0xFFFFE0C0  }
0x23a: {  	v21 =	vld.idx.msk [tilespmem:v19+s2+$0x0], $0xffff;
	_ =	sdelay $0x4  }
0x23b: {  	vm11 =	veq.s32 v16, v21  }
0x23c: {  	v19 =	vsel vm11, $0x1, v1  }
0x23d: {  	(xrf0) =	vadd.scan.msk.s32 $0xffff, v19;
	_ =	sdelay $0x5  }
0x23e: {  	v19, _, _ =	vpop (xrf0)  }
0x23f: {  	v19 =	vadd.s32 v18, v19  }
0x240: {  	vm0 =	vle.s32 v19, v17  }
0x241: {  	vm12 =	vlt.s32 v16, v21;
	vm0 =	vmand vm11, vm0  }
0x242: {  	vm0 =	vmor vm12, vm0  }
0x243: {  	v19 =	vsel vm0, $0x1, v1  }
0x244: {  	(xrf0) =	vadd.scan.msk.s32 $0xffff, v19;
	_ =	sdelay $0x4  }
0x245: {  	v22 =	vmpcnt.ones.xlane vm0;
	v19 =	vmpcnt.ones.xlane vm11  }
0x246: {  	v23, _, _ =	vpop (xrf0)  }
0x247: {  	v18 =	vadd.s32 v18, v19;
	v19 =	vadd.s32 v20, v22;
	v22 =	vadd.s32 v23, v20  }
0x248: {  	v24 =	vadd.s32 $0xFFFFFFFF, v22  }
0x249: {  	s10 =	simm.s32 $0x10  }
0x24a: {  	v25 =	vor.u32 s10, v0;
	s3 =	sadd.s32 s24, s3  }
0x24b: {  	s7 =	simm.s32 $0x20;
	s6 =	simm.s32 $0x0;
	v20 =	vor.u32 s3, v0;
	v23 =	vmov v18;
	v22 =	vmov v19  }
.LBB2_33:
0x24c: {  	p2 =	sne.s32 s7, $0x1F30  }
0x24d: {  	[tilespmem:v24+s14+$0x0] =	vst.idx.msk vm0, v21;
	v21 =	vadd.s32 s6, v20;
	s6 =	smov.u32 s10;
	s10 =	smov.u32 s7  }
0x24e: {  	[tilespmem:v24+s17+$0x0] =	vst.idx.msk vm0, v21  }
0x24f: {  	v21 =	vld.idx.msk [tilespmem:v25+s2+$0x0], $0xffff;
	_ =	sdelay $0x5  }
0x250: {  	vm0 =	veq.s32 v16, v21  }
0x251: {  	v24 =	vsel vm0, $0x1, v1;
	v25 =	vmpcnt.ones.xlane vm0  }
0x252: {  	(xrf0) =	vadd.scan.msk.s32 $0xffff, v24  }
0x253: {  	v18 =	vadd.s32 v18, v25;
	_ =	sdelay $0x4  }
0x254: {  	v24, _, _ =	vpop (xrf0)  }
0x255: {  	v24 =	vadd.s32 v23, v24;
	v23 =	vmov v18  }
0x256: {  	vm11 =	vle.s32 v24, v17  }
0x257: {  	vm12 =	vlt.s32 v16, v21;
	vm0 =	vmand vm0, vm11  }
0x258: {  	vm0 =	vmor vm12, vm0  }
0x259: {  	v24 =	vsel vm0, $0x1, v1;
	v25 =	vmpcnt.ones.xlane vm0  }
0x25a: {  	(xrf0) =	vadd.scan.msk.s32 $0xffff, v24  }
0x25b: {  	v19 =	vadd.s32 v19, v25;
	_ =	sdelay $0x4  }
0x25c: {  	v24, _, _ =	vpop (xrf0)  }
.Ltmp17:
0x25d: {  	v24 =	vadd.s32 v24, v22;
	v22 =	vmov v19;
	(pc) =	sbr.rel @p2 .LBB2_33-.Ltmp17, $3  }
0x25e: {  	v24 =	vadd.s32 $0xFFFFFFFF, v24;
	_ =	sdelay $0x1  }
0x25f: {  	v25 =	vor.u32 s7, v0  }
0x260: {  	s7 =	sadd.s32 $0x10, s7  }
0x261: {  	_ =	sdelay $0x4  }
0x262: {  	[tilespmem:v24+s14+$0x0] =	vst.idx.msk vm0, v21;
	v21 =	vadd.s32 s6, v20  }
0x263: {  	[tilespmem:v24+s17+$0x0] =	vst.idx.msk vm0, v21  }
0x264: {  	v21 =	vld.idx.msk [tilespmem:v25+s2+$0x0], $0xffff;
	_ =	sdelay $0x4  }
0x265: {  	vm0 =	veq.s32 v16, v21  }
0x266: {  	v62 =	vsel vm0, $0x1, v1  }
0x267: {  	(xrf0) =	vadd.scan.msk.s32 $0xffff, v62;
	_ =	sdelay $0x5  }
0x268: {  	v24, _, _ =	vpop (xrf0)  }
0x269: {  	v23 =	vadd.s32 v23, v24  }
0x26a: {  	vm11 =	vle.s32 v23, v17  }
0x26b: {  	vm12 =	vlt.s32 v16, v21;
	vm11 =	vmand vm0, vm11  }
0x26c: {  	vm11 =	vmor vm12, vm11  }
0x26d: {  	v23 =	vsel vm11, $0x1, v1  }
0x26e: {  	(xrf0) =	vadd.scan.msk.s32 $0xffff, v23;
	_ =	sdelay $0x5  }
0x26f: {  	v23, _, _ =	vpop (xrf0)  }
0x270: {  	v22 =	vadd.s32 v23, v22  }
0x271: {  	s20 =	sadd.s32 $0x1, s20;
	v22 =	vadd.s32 $0xFFFFFFFF, v22  }
0x272: {  	p2 =	sne.s32 s20, $0x19  }
.Ltmp18:
0x273: {  	_ = 	snop;
	(pc) =	sbr.rel @p2 .LBB2_32-.Ltmp18, $4  }
0x274: {  	_ = 	snop  }
0x275: {  	v63 =	vmpcnt.ones.xlane vm11;
	v23 =	vmpcnt.ones.xlane vm0  }
0x276: {  	[tilespmem:v22+s14+$0x0] =	vst.idx.msk vm11, v21;
	v21 =	vadd.s32 s10, v20  }
0x277: {  	v18 =	vadd.s32 v18, v23;
	v20 =	vadd.s32 v19, v63;
	[tilespmem:v22+s17+$0x0] =	vst.idx.msk vm11, v21  }
0x278: {  	[spmem:s22] =	stream.strided.scatter [tilespmem:s14], [sflag:$0x1], $0x1400, s12, s11, $0x38;
	[tilespmem:$0x1C1D0] =	vst v63  }
0x279: {  	_ =	swait.ge [sflag:s1], $0x1400  }
0x27a: {  	[sflag:s1] =	ssyncset.done $0x0  }
0x27b: {  	[sflag:s1] =	ssyncadd.s32 $0xFFFFEC00  }
0x27c: {  	[spmem:s15] =	stream.strided.scatter [tilespmem:s17], [sflag:$0x1], $0x1400, s12, s11, $0x38;
	[tilespmem:$0x1C1D0] =	vst v63  }
.Ltmp19:
0x27d: {  	_ =	swait.ge [sflag:s1], $0x1400;
	(pc) =	sbr.rel @p1 .LBB2_81-.Ltmp19, $4  }
0x27e: {  	[sflag:s1] =	ssyncset.done $0x0  }
0x27f: {  	[sflag:s1] =	ssyncadd.s32 $0xFFFFEC00  }
0x280: {  	[bflag:$0x0] =	sbarrier.arrive $0xFFFF  }
0x281: {  	vm12 =	vcmask $0xF0C;
	s3 =	rddreg [dreg:$0x1e]  }
0x282: {  	[tilespmem:s26], [sflag:$0x1] =	stream.strided.gather [spmem:s22], $0x1400, s12, s11, $0x38;
	[tilespmem:$0x1C1D0] =	vst v63  }
0x283: {  	_ =	swait.ge [sflag:s1], $0x1400  }
0x284: {  	[sflag:s1] =	ssyncset.done $0x0  }
0x285: {  	[sflag:s1] =	ssyncadd.s32 $0xFFFFEC00  }
0x286: {  	[tilespmem:s28], [sflag:$0x1] =	stream.strided.gather [spmem:s15], $0x1400, s12, s11, $0x38;
	[tilespmem:$0x1C1D0] =	vst v63  }
0x287: {  	_ =	swait.ge [sflag:s1], $0x1400  }
0x288: {  	[sflag:s1] =	ssyncset.done $0x0  }
0x289: {  	s0 =	rddreg [dreg:$0x15];
	[sflag:s1] =	ssyncadd.s32 $0xFFFFEC00  }
0x28a: {  	[tilespmem:s29], [sflag:$0x1] =	stream.strided.gather [spmem:s0], $0x1400, s12, s11, $0x38;
	[tilespmem:$0x1C1D0] =	vst v63  }
0x28b: {  	_ =	swait.ge [sflag:s1], $0x1400  }
0x28c: {  	[sflag:s1] =	ssyncset.done $0x0  }
0x28d: {  	v13 =	vpsel p0, v13, v14;
	s6 =	simm.s32 $0x0;
	s24 =	rddreg [dreg:$0x16];
	[sflag:s1] =	ssyncadd.s32 $0xFFFFEC00  }
0x28e: {  	v13 =	vadd.s32 v13, v15;
	v14 =	vor.u32 s6, v0;
	[tilespmem:s30], [sflag:$0x1] =	stream.strided.gather [spmem:s24], $0x1400, s12, s11, $0x38;
	[tilespmem:$0x1C1D0] =	vst v63  }
0x28f: {  	v15 =	vsub.s32 v14, v13;
	_ =	swait.ge [sflag:s1], $0x1400  }
0x290: {  	vm0 =	vgt.s32 v15, $0x0;
	[sflag:s1] =	ssyncset.done $0x0  }
0x291: {  	v17 =	vnsel vm0, $0x0, v15;
	s25 =	rddreg [dreg:$0x17];
	[sflag:s1] =	ssyncadd.s32 $0xFFFFEC00  }
0x292: {  	[tilespmem:s31], [sflag:$0x1] =	stream.linear.gather [hbm4b:s25+s6], $0x2710, $0x38;
	[tilespmem:$0x1C1D0] =	vst v63  }
0x293: {  	_ =	swait.ge [sflag:s1], $0x2710  }
0x294: {  	[sflag:s1] =	ssyncset.done $0x0  }
0x295: {  	[sflag:s1] =	ssyncadd.s32 $0xFFFFD8F0  }
0x296: {  	v16 =	vld.idx.msk [tilespmem:v17+s30+$0x0], $0xffff  }
0x297: {  	v18 =	vld.idx.msk [tilespmem:v17+s29+$0x0], $0xffff  }
0x298: {  	s7 =	simm.s32 $0x10;
	v20 =	vld.idx.msk [tilespmem:v14+s26+$0x0], $0xffff  }
0x299: {  	v15 =	vor.u32 s7, v0;
	v19 =	vld.idx.msk [tilespmem:v14+s28+$0x0], $0xffff  }
0x29a: {  	v17 =	vsub.s32 v15, v13  }
0x29b: {  	vm0 =	vgt.s32 v17, $0x0  }
0x29c: {  	s3 =	simm.s32 $0x20;
	s0 =	simm.s32 $0x8F80;
	s1 =	simm.s32 $0xA380;
	v17 =	vnsel vm0, $0x0, v17;
	vm0 =	vlt.s32 v14, v13  }
.LBB2_37:
0x29d: {  	p2 =	sne.s32 s3, $0x1380;
	vm11 =	vlt.u32 v14, $0x1388;
	v18 =	vsel vm0, v20, v18  }
0x29e: {  	v16 =	vsel vm0, v19, v16;
	v18 =	vnsel vm11, $0x0, v18  }
0x29f: {  	v16 =	vnsel vm11, $0x0, v16;
	[tilespmem:v14+s0+$0x0] =	vst.idx.msk $0xffff, v18  }
0x2a0: {  	[tilespmem:v14+s1+$0x0] =	vst.idx.msk $0xffff, v16;
	v14 =	vmov v15  }
0x2a1: {  	v16 =	vld.idx.msk [tilespmem:v17+s30+$0x0], $0xffff  }
0x2a2: {  	v18 =	vld.idx.msk [tilespmem:v17+s29+$0x0], $0xffff  }
0x2a3: {  	v20 =	vld.idx.msk [tilespmem:v15+s26+$0x0], $0xffff  }
.Ltmp20:
0x2a4: {  	v19 =	vld.idx.msk [tilespmem:v15+s28+$0x0], $0xffff;
	(pc) =	sbr.rel @p2 .LBB2_37-.Ltmp20, $4  }
0x2a5: {  	v15 =	vor.u32 s3, v0  }
0x2a6: {  	v17 =	vsub.s32 v15, v13  }
0x2a7: {  	vm0 =	vgt.s32 v17, $0x0  }
0x2a8: {  	s3 =	sadd.s32 $0x10, s3;
	v17 =	vnsel vm0, $0x0, v17;
	vm0 =	vlt.s32 v14, v13  }
0x2a9: {  	_ =	sdelay $0x1  }
0x2aa: {  	vm11 =	vlt.u32 v14, $0x1388;
	v18 =	vsel vm0, v20, v18  }
0x2ab: {  	v16 =	vsel vm0, v19, v16;
	v18 =	vnsel vm11, $0x0, v18  }
0x2ac: {  	v16 =	vnsel vm11, $0x0, v16;
	[tilespmem:v14+s0+$0x0] =	vst.idx.msk $0xffff, v18  }
0x2ad: {  	[tilespmem:v14+s1+$0x0] =	vst.idx.msk $0xffff, v16  }
0x2ae: {  	v14 =	vld.idx.msk [tilespmem:v17+s30+$0x0], $0xffff  }
0x2af: {  	v16 =	vld.idx.msk [tilespmem:v17+s29+$0x0], $0xffff  }
0x2b0: {  	v63 =	vld.idx.msk [tilespmem:v15+s26+$0x0], $0xffff  }
0x2b1: {  	v18 =	vld.idx.msk [tilespmem:v15+s28+$0x0], $0xffff;
	_ =	sdelay $0x2  }
0x2b2: {  	vm0 =	vlt.s32 v15, v13  }
0x2b3: {  	vm11 =	vlt.u32 v15, $0x1388;
	v13 =	vsel vm0, v63, v16  }
0x2b4: {  	v14 =	vsel vm0, v18, v14;
	v13 =	vnsel vm11, $0x0, v13  }
0x2b5: {  	s8 =	simm.s32 $0x10780;
	v14 =	vnsel vm11, $0x0, v14;
	[tilespmem:v15+s0+$0x0] =	vst.idx.msk $0xffff, v13  }
0x2b6: {  	s12 =	simm.s32 $0x15A80;
	s13 =	simm.s32 $0x16E80;
	s14 =	simm.s32 $0x13300;
	v13 =	vor.u32 s6, v0;
	[tilespmem:v15+s1+$0x0] =	vst.idx.msk $0xffff, v14  }
.LBB2_39:
0x2b7: {  	p2 =	sne.s32 s7, $0x3F0  }
.Ltmp21:
0x2b8: {  	_ = 	snop;
	(pc) =	sbr.rel @p2 .LBB2_39-.Ltmp21, $3  }
0x2b9: {  	_ =	sdelay $0x1  }
0x2ba: {  	[tilespmem:v13+s21+$0x0] =	vst.idx.msk $0xffff, v1;
	s3 =	smov.u32 s7;
	s7 =	sadd.s32 $0x10, s7  }
0x2bb: {  	v13 =	vor.u32 s3, v0  }
0x2bc: {  	_ =	sdelay $0x3  }
0x2bd: {  	[tilespmem:v13+s21+$0x0] =	vst.idx.msk $0xffff, v1;
	s3 =	simm.s32 $0x0;
	s4 =	simm.s32 $0x0;
	vm0 =	vcmask $0x1F1C  }
.LBB2_41:
0x2be: {  	v13 =	vadd.s32 s4, v10;
	_ =	sdelay $0x4  }
0x2bf: {  	v13 =	vld.idx.msk [tilespmem:v13+s0+$0x0], $0xffff;
	_ =	sdelay $0x4  }
0x2c0: {  	v13 =	vshll.u32 v13, $0x4  }
0x2c1: {  	v13 =	vand.u32 $0x3F0, v13  }
0x2c2: {  	p2 =	sne.s32 s4, $0x138;
	v13 =	vxor.u32 v11, v13  }
.Ltmp22:
0x2c3: {  	_ = 	snop;
	(pc) =	sbr.rel @p2 .LBB2_41-.Ltmp22, $2  }
0x2c4: {  	_ =	sdelay $0x2  }
0x2c5: {  	s4 =	sadd.s32 $0x1, s4;
	[tilespmem:v13+s21+$0x0] =	vst.idx.add.s32.msk $0xffff, v9  }
0x2c6: {  	v14 =	vor.u32 s3, v0;
	_ =	sdelay $0x4  }
0x2c7: {  	v15 =	vld.idx.msk [tilespmem:v14+s21+$0x0], $0xffff;
	_ =	sdelay $0x4  }
0x2c8: {  	(xrf0) =	vadd.scan.msk.s32 $0xffff, v15;
	_ =	sdelay $0x2  }
0x2c9: {  	v13 =	vimm.s32 $0x0;
	s30 =	simm.s32 $0x10  }
0x2ca: {  	s3 =	simm.s32 $0x20;
	v16 =	vsub.s32 v13, v15;
	v15 =	vor.u32 s30, v0  }
.LBB2_43:
0x2cb: {  	p2 =	sne.s32 s3, $0x3F0  }
0x2cc: {  	v17, _, _ =	vpop (xrf0)  }
0x2cd: {  	v16 =	vadd.s32 v17, v16;
	v17 =	vbroadcast v17, $0xF  }
0x2ce: {  	[tilespmem:v14+s8+$0x0] =	vst.idx.msk $0xffff, v16;
	v14 =	vmov v15  }
0x2cf: {  	v15 =	vld.idx.msk [tilespmem:v15+s21+$0x0], $0xffff;
	v13 =	vadd.s32 v13, v17;
	_ =	sdelay $0x5  }
.Ltmp23:
0x2d0: {  	v16 =	vsub.s32 v13, v15;
	(xrf0) =	vadd.scan.msk.s32 $0xffff, v15;
	(pc) =	sbr.rel @p2 .LBB2_43-.Ltmp23, $2  }
0x2d1: {  	_ =	sdelay $0x2  }
0x2d2: {  	v15 =	vor.u32 s3, v0;
	s3 =	sadd.s32 $0x10, s3  }
0x2d3: {  	_ =	sdelay $0x1  }
0x2d4: {  	v17, _, _ =	vpop (xrf0)  }
0x2d5: {  	v16 =	vadd.s32 v17, v16  }
0x2d6: {  	[tilespmem:v14+s8+$0x0] =	vst.idx.msk $0xffff, v16  }
0x2d7: {  	v14 =	vld.idx.msk [tilespmem:v15+s21+$0x0], $0xffff;
	_ =	sdelay $0x4  }
0x2d8: {  	(xrf0) =	vadd.scan.msk.s32 $0xffff, v14;
	_ =	sdelay $0x2  }
0x2d9: {  	s6 =	simm.s32 $0x0;
	v16 =	vbroadcast v17, $0xF  }
0x2da: {  	v17 =	vadd.s32 s6, v10  }
0x2db: {  	v13 =	vadd.s32 v13, v16  }
0x2dc: {  	v13 =	vsub.s32 v13, v14;
	v14, _, _ =	vpop (xrf0)  }
0x2dd: {  	v13 =	vadd.s32 v14, v13  }
0x2de: {  	[tilespmem:v15+s8+$0x0] =	vst.idx.msk $0xffff, v13  }
0x2df: {  	v18 =	vld.idx.msk [tilespmem:v17+s0+$0x0], $0xffff;
	_ =	sdelay $0x4  }
0x2e0: {  	v13 =	vshll.u32 v18, $0x4  }
0x2e1: {  	v13 =	vand.u32 $0x3F0, v13  }
0x2e2: {  	v14 =	vxor.u32 v11, v13;
	_ =	sdelay $0x4  }
0x2e3: {  	v16 =	vld.idx.msk [tilespmem:v14+s8+$0x0], $0xffff;
	_ =	sdelay $0x3  }
0x2e4: {  	v13 =	vld.idx.msk [tilespmem:v17+s1+$0x0], $0xffff  }
0x2e5: {  	s3 =	simm.s32 $0x1  }
0x2e6: {  	v15 =	vadd.s32 s3, v10;
	_ =	sdelay $0x1  }
0x2e7: {  	s3 =	simm.s32 $0x2;
	[tilespmem:v16+s26+$0x0] =	vst.idx.msk $0xffff, v18  }
.LBB2_45:
0x2e8: {  	p2 =	sne.s32 s3, $0x138;
	[tilespmem:v16+s28+$0x0] =	vst.idx.msk $0xffff, v13  }
0x2e9: {  	[tilespmem:v14+s8+$0x0] =	vst.idx.add.s32.msk $0xffff, v9  }
0x2ea: {  	v17 =	vld.idx.msk [tilespmem:v15+s0+$0x0], $0xffff  }
0x2eb: {  	v13 =	vld.idx.msk [tilespmem:v15+s1+$0x0], $0xffff;
	_ =	sdelay $0x4  }
0x2ec: {  	v14 =	vshll.u32 v17, $0x4  }
0x2ed: {  	v14 =	vand.u32 $0x3F0, v14  }
0x2ee: {  	v14 =	vxor.u32 v11, v14;
	_ =	sdelay $0x4  }
0x2ef: {  	v16 =	vld.idx.msk [tilespmem:v14+s8+$0x0], $0xffff;
	_ =	sdelay $0x3  }
.Ltmp24:
0x2f0: {  	(pc) =	sbr.rel @p2 .LBB2_45-.Ltmp24, $3  }
0x2f1: {  	_ = 	snop  }
0x2f2: {  	v15 =	vadd.s32 s3, v10;
	_ =	sdelay $0x1  }
0x2f3: {  	s3 =	sadd.s32 $0x1, s3;
	[tilespmem:v16+s26+$0x0] =	vst.idx.msk $0xffff, v17  }
0x2f4: {  	_ =	sdelay $0x3  }
0x2f5: {  	[tilespmem:v16+s28+$0x0] =	vst.idx.msk $0xffff, v13  }
0x2f6: {  	[tilespmem:v14+s8+$0x0] =	vst.idx.add.s32.msk $0xffff, v9  }
0x2f7: {  	v13 =	vld.idx.msk [tilespmem:v15+s0+$0x0], $0xffff;
	_ =	sdelay $0x4  }
0x2f8: {  	v14 =	vshll.u32 v13, $0x4  }
0x2f9: {  	v14 =	vand.u32 $0x3F0, v14  }
0x2fa: {  	v14 =	vxor.u32 v11, v14;
	_ =	sdelay $0x4  }
0x2fb: {  	v16 =	vld.idx.msk [tilespmem:v14+s8+$0x0], $0xffff;
	_ =	sdelay $0x3  }
0x2fc: {  	v15 =	vld.idx.msk [tilespmem:v15+s1+$0x0], $0xffff;
	_ =	sdelay $0x3  }
0x2fd: {  	[tilespmem:v16+s26+$0x0] =	vst.idx.msk $0xffff, v13  }
0x2fe: {  	[tilespmem:v16+s28+$0x0] =	vst.idx.msk $0xffff, v15  }
0x2ff: {  	s3 =	simm.s32 $0x10;
	v13 =	vor.u32 s6, v0;
	[tilespmem:v14+s8+$0x0] =	vst.idx.add.s32.msk $0xffff, v9  }
.LBB2_47:
0x300: {  	p2 =	sne.s32 s3, $0x3F0  }
.Ltmp25:
0x301: {  	_ = 	snop;
	(pc) =	sbr.rel @p2 .LBB2_47-.Ltmp25, $3  }
0x302: {  	_ =	sdelay $0x1  }
0x303: {  	[tilespmem:v13+s21+$0x0] =	vst.idx.msk $0xffff, v1;
	s4 =	smov.u32 s3;
	s3 =	sadd.s32 $0x10, s3  }
0x304: {  	v13 =	vor.u32 s4, v0  }
0x305: {  	_ =	sdelay $0x3  }
0x306: {  	[tilespmem:v13+s21+$0x0] =	vst.idx.msk $0xffff, v1;
	s3 =	simm.s32 $0x0;
	s4 =	simm.s32 $0x0  }
.LBB2_49:
0x307: {  	v13 =	vadd.s32 s4, v10;
	_ =	sdelay $0x4  }
0x308: {  	v13 =	vld.idx.msk [tilespmem:v13+s26+$0x0], $0xffff;
	_ =	sdelay $0x4  }
0x309: {  	v13 =	vshrl.u32 v13, $0x2  }
0x30a: {  	v13 =	vand.u32 $0x3F0, v13  }
0x30b: {  	p2 =	sne.s32 s4, $0x138;
	v13 =	vxor.u32 v11, v13  }
.Ltmp26:
0x30c: {  	_ = 	snop;
	(pc) =	sbr.rel @p2 .LBB2_49-.Ltmp26, $2  }
0x30d: {  	_ =	sdelay $0x2  }
0x30e: {  	s4 =	sadd.s32 $0x1, s4;
	[tilespmem:v13+s21+$0x0] =	vst.idx.add.s32.msk $0xffff, v9  }
0x30f: {  	v14 =	vor.u32 s3, v0;
	_ =	sdelay $0x4  }
0x310: {  	v15 =	vld.idx.msk [tilespmem:v14+s21+$0x0], $0xffff;
	_ =	sdelay $0x4  }
0x311: {  	(xrf0) =	vadd.scan.msk.s32 $0xffff, v15;
	_ =	sdelay $0x2  }
0x312: {  	v13 =	vimm.s32 $0x0;
	s30 =	simm.s32 $0x10  }
0x313: {  	s3 =	simm.s32 $0x20;
	v16 =	vsub.s32 v13, v15;
	v15 =	vor.u32 s30, v0  }
.LBB2_51:
0x314: {  	p2 =	sne.s32 s3, $0x3F0  }
0x315: {  	v17, _, _ =	vpop (xrf0)  }
0x316: {  	v16 =	vadd.s32 v17, v16;
	v17 =	vbroadcast v17, $0xF  }
0x317: {  	[tilespmem:v14+s8+$0x0] =	vst.idx.msk $0xffff, v16;
	v14 =	vmov v15  }
0x318: {  	v15 =	vld.idx.msk [tilespmem:v15+s21+$0x0], $0xffff;
	v13 =	vadd.s32 v13, v17;
	_ =	sdelay $0x5  }
.Ltmp27:
0x319: {  	v16 =	vsub.s32 v13, v15;
	(xrf0) =	vadd.scan.msk.s32 $0xffff, v15;
	(pc) =	sbr.rel @p2 .LBB2_51-.Ltmp27, $2  }
0x31a: {  	_ =	sdelay $0x2  }
0x31b: {  	v15 =	vor.u32 s3, v0;
	s3 =	sadd.s32 $0x10, s3  }
0x31c: {  	_ =	sdelay $0x1  }
0x31d: {  	v17, _, _ =	vpop (xrf0)  }
0x31e: {  	v16 =	vadd.s32 v17, v16  }
0x31f: {  	[tilespmem:v14+s8+$0x0] =	vst.idx.msk $0xffff, v16  }
0x320: {  	v14 =	vld.idx.msk [tilespmem:v15+s21+$0x0], $0xffff;
	_ =	sdelay $0x4  }
0x321: {  	(xrf0) =	vadd.scan.msk.s32 $0xffff, v14;
	_ =	sdelay $0x2  }
0x322: {  	s6 =	simm.s32 $0x0;
	v16 =	vbroadcast v17, $0xF  }
0x323: {  	v17 =	vadd.s32 s6, v10  }
0x324: {  	v13 =	vadd.s32 v13, v16  }
0x325: {  	v13 =	vsub.s32 v13, v14;
	v14, _, _ =	vpop (xrf0)  }
0x326: {  	v13 =	vadd.s32 v14, v13  }
0x327: {  	[tilespmem:v15+s8+$0x0] =	vst.idx.msk $0xffff, v13  }
0x328: {  	v18 =	vld.idx.msk [tilespmem:v17+s26+$0x0], $0xffff;
	_ =	sdelay $0x4  }
0x329: {  	v13 =	vshrl.u32 v18, $0x2  }
0x32a: {  	v13 =	vand.u32 $0x3F0, v13  }
0x32b: {  	v14 =	vxor.u32 v11, v13;
	_ =	sdelay $0x4  }
0x32c: {  	v16 =	vld.idx.msk [tilespmem:v14+s8+$0x0], $0xffff;
	_ =	sdelay $0x3  }
0x32d: {  	v13 =	vld.idx.msk [tilespmem:v17+s28+$0x0], $0xffff  }
0x32e: {  	s3 =	simm.s32 $0x1  }
0x32f: {  	v15 =	vadd.s32 s3, v10;
	_ =	sdelay $0x1  }
0x330: {  	s3 =	simm.s32 $0x2;
	[tilespmem:v16+s0+$0x0] =	vst.idx.msk $0xffff, v18  }
.LBB2_53:
0x331: {  	p2 =	sne.s32 s3, $0x138;
	[tilespmem:v16+s1+$0x0] =	vst.idx.msk $0xffff, v13  }
0x332: {  	[tilespmem:v14+s8+$0x0] =	vst.idx.add.s32.msk $0xffff, v9  }
0x333: {  	v17 =	vld.idx.msk [tilespmem:v15+s26+$0x0], $0xffff  }
0x334: {  	v13 =	vld.idx.msk [tilespmem:v15+s28+$0x0], $0xffff;
	_ =	sdelay $0x4  }
0x335: {  	v14 =	vshrl.u32 v17, $0x2  }
0x336: {  	v14 =	vand.u32 $0x3F0, v14  }
0x337: {  	v14 =	vxor.u32 v11, v14;
	_ =	sdelay $0x4  }
0x338: {  	v16 =	vld.idx.msk [tilespmem:v14+s8+$0x0], $0xffff;
	_ =	sdelay $0x3  }
.Ltmp28:
0x339: {  	(pc) =	sbr.rel @p2 .LBB2_53-.Ltmp28, $3  }
0x33a: {  	_ = 	snop  }
0x33b: {  	v15 =	vadd.s32 s3, v10;
	_ =	sdelay $0x1  }
0x33c: {  	s3 =	sadd.s32 $0x1, s3;
	[tilespmem:v16+s0+$0x0] =	vst.idx.msk $0xffff, v17  }
0x33d: {  	_ =	sdelay $0x3  }
0x33e: {  	[tilespmem:v16+s1+$0x0] =	vst.idx.msk $0xffff, v13  }
0x33f: {  	[tilespmem:v14+s8+$0x0] =	vst.idx.add.s32.msk $0xffff, v9  }
0x340: {  	v13 =	vld.idx.msk [tilespmem:v15+s26+$0x0], $0xffff;
	_ =	sdelay $0x4  }
0x341: {  	v14 =	vshrl.u32 v13, $0x2  }
0x342: {  	v14 =	vand.u32 $0x3F0, v14  }
0x343: {  	v14 =	vxor.u32 v11, v14;
	_ =	sdelay $0x4  }
0x344: {  	v16 =	vld.idx.msk [tilespmem:v14+s8+$0x0], $0xffff;
	_ =	sdelay $0x3  }
0x345: {  	v15 =	vld.idx.msk [tilespmem:v15+s28+$0x0], $0xffff;
	_ =	sdelay $0x3  }
0x346: {  	[tilespmem:v16+s0+$0x0] =	vst.idx.msk $0xffff, v13  }
0x347: {  	[tilespmem:v16+s1+$0x0] =	vst.idx.msk $0xffff, v15  }
0x348: {  	s3 =	simm.s32 $0x10;
	v13 =	vor.u32 s6, v0;
	[tilespmem:v14+s8+$0x0] =	vst.idx.add.s32.msk $0xffff, v9  }
.LBB2_55:
0x349: {  	p2 =	sne.s32 s3, $0x3F0  }
.Ltmp29:
0x34a: {  	_ = 	snop;
	(pc) =	sbr.rel @p2 .LBB2_55-.Ltmp29, $3  }
0x34b: {  	_ =	sdelay $0x1  }
0x34c: {  	[tilespmem:v13+s21+$0x0] =	vst.idx.msk $0xffff, v1;
	s4 =	smov.u32 s3;
	s3 =	sadd.s32 $0x10, s3  }
0x34d: {  	v13 =	vor.u32 s4, v0  }
0x34e: {  	_ =	sdelay $0x3  }
0x34f: {  	[tilespmem:v13+s21+$0x0] =	vst.idx.msk $0xffff, v1;
	s3 =	simm.s32 $0x0;
	s4 =	simm.s32 $0x0  }
.LBB2_57:
0x350: {  	v13 =	vadd.s32 s4, v10;
	_ =	sdelay $0x4  }
0x351: {  	v13 =	vld.idx.msk [tilespmem:v13+s0+$0x0], $0xffff;
	_ =	sdelay $0x4  }
0x352: {  	v13 =	vshrl.u32 v13, $0x8  }
0x353: {  	v13 =	vand.u32 $0x3F0, v13  }
0x354: {  	p2 =	sne.s32 s4, $0x138;
	v13 =	vxor.u32 v11, v13  }
.Ltmp30:
0x355: {  	_ = 	snop;
	(pc) =	sbr.rel @p2 .LBB2_57-.Ltmp30, $2  }
0x356: {  	_ =	sdelay $0x2  }
0x357: {  	s4 =	sadd.s32 $0x1, s4;
	[tilespmem:v13+s21+$0x0] =	vst.idx.add.s32.msk $0xffff, v9  }
0x358: {  	v14 =	vor.u32 s3, v0;
	_ =	sdelay $0x4  }
0x359: {  	v15 =	vld.idx.msk [tilespmem:v14+s21+$0x0], $0xffff;
	_ =	sdelay $0x4  }
0x35a: {  	(xrf0) =	vadd.scan.msk.s32 $0xffff, v15;
	_ =	sdelay $0x2  }
0x35b: {  	v13 =	vimm.s32 $0x0;
	s30 =	simm.s32 $0x10  }
0x35c: {  	s3 =	simm.s32 $0x20;
	v16 =	vsub.s32 v13, v15;
	v15 =	vor.u32 s30, v0  }
.LBB2_59:
0x35d: {  	p2 =	sne.s32 s3, $0x3F0  }
0x35e: {  	v17, _, _ =	vpop (xrf0)  }
0x35f: {  	v16 =	vadd.s32 v17, v16;
	v17 =	vbroadcast v17, $0xF  }
0x360: {  	[tilespmem:v14+s8+$0x0] =	vst.idx.msk $0xffff, v16;
	v14 =	vmov v15  }
0x361: {  	v15 =	vld.idx.msk [tilespmem:v15+s21+$0x0], $0xffff;
	v13 =	vadd.s32 v13, v17;
	_ =	sdelay $0x5  }
.Ltmp31:
0x362: {  	v16 =	vsub.s32 v13, v15;
	(xrf0) =	vadd.scan.msk.s32 $0xffff, v15;
	(pc) =	sbr.rel @p2 .LBB2_59-.Ltmp31, $2  }
0x363: {  	_ =	sdelay $0x2  }
0x364: {  	v15 =	vor.u32 s3, v0;
	s3 =	sadd.s32 $0x10, s3  }
0x365: {  	_ =	sdelay $0x1  }
0x366: {  	v17, _, _ =	vpop (xrf0)  }
0x367: {  	v16 =	vadd.s32 v17, v16  }
0x368: {  	[tilespmem:v14+s8+$0x0] =	vst.idx.msk $0xffff, v16  }
0x369: {  	v14 =	vld.idx.msk [tilespmem:v15+s21+$0x0], $0xffff;
	_ =	sdelay $0x4  }
0x36a: {  	(xrf0) =	vadd.scan.msk.s32 $0xffff, v14;
	_ =	sdelay $0x2  }
0x36b: {  	s6 =	simm.s32 $0x0;
	v16 =	vbroadcast v17, $0xF  }
0x36c: {  	v17 =	vadd.s32 s6, v10  }
0x36d: {  	v13 =	vadd.s32 v13, v16  }
0x36e: {  	v13 =	vsub.s32 v13, v14;
	v14, _, _ =	vpop (xrf0)  }
0x36f: {  	v13 =	vadd.s32 v14, v13  }
0x370: {  	[tilespmem:v15+s8+$0x0] =	vst.idx.msk $0xffff, v13  }
0x371: {  	v18 =	vld.idx.msk [tilespmem:v17+s0+$0x0], $0xffff;
	_ =	sdelay $0x4  }
0x372: {  	v13 =	vshrl.u32 v18, $0x8  }
0x373: {  	v13 =	vand.u32 $0x3F0, v13  }
0x374: {  	v14 =	vxor.u32 v11, v13;
	_ =	sdelay $0x4  }
0x375: {  	v16 =	vld.idx.msk [tilespmem:v14+s8+$0x0], $0xffff;
	_ =	sdelay $0x3  }
0x376: {  	v13 =	vld.idx.msk [tilespmem:v17+s1+$0x0], $0xffff  }
0x377: {  	s3 =	simm.s32 $0x1  }
0x378: {  	v15 =	vadd.s32 s3, v10;
	_ =	sdelay $0x1  }
0x379: {  	s3 =	simm.s32 $0x2;
	[tilespmem:v16+s26+$0x0] =	vst.idx.msk $0xffff, v18  }
.LBB2_61:
0x37a: {  	p2 =	sne.s32 s3, $0x138;
	[tilespmem:v16+s28+$0x0] =	vst.idx.msk $0xffff, v13  }
0x37b: {  	[tilespmem:v14+s8+$0x0] =	vst.idx.add.s32.msk $0xffff, v9  }
0x37c: {  	v17 =	vld.idx.msk [tilespmem:v15+s0+$0x0], $0xffff  }
0x37d: {  	v13 =	vld.idx.msk [tilespmem:v15+s1+$0x0], $0xffff;
	_ =	sdelay $0x4  }
0x37e: {  	v14 =	vshrl.u32 v17, $0x8  }
0x37f: {  	v14 =	vand.u32 $0x3F0, v14  }
0x380: {  	v14 =	vxor.u32 v11, v14;
	_ =	sdelay $0x4  }
0x381: {  	v16 =	vld.idx.msk [tilespmem:v14+s8+$0x0], $0xffff;
	_ =	sdelay $0x3  }
.Ltmp32:
0x382: {  	(pc) =	sbr.rel @p2 .LBB2_61-.Ltmp32, $3  }
0x383: {  	_ = 	snop  }
0x384: {  	v15 =	vadd.s32 s3, v10;
	_ =	sdelay $0x1  }
0x385: {  	s3 =	sadd.s32 $0x1, s3;
	[tilespmem:v16+s26+$0x0] =	vst.idx.msk $0xffff, v17  }
0x386: {  	_ =	sdelay $0x3  }
0x387: {  	[tilespmem:v16+s28+$0x0] =	vst.idx.msk $0xffff, v13  }
0x388: {  	[tilespmem:v14+s8+$0x0] =	vst.idx.add.s32.msk $0xffff, v9  }
0x389: {  	v13 =	vld.idx.msk [tilespmem:v15+s0+$0x0], $0xffff;
	_ =	sdelay $0x4  }
0x38a: {  	v14 =	vshrl.u32 v13, $0x8  }
0x38b: {  	v14 =	vand.u32 $0x3F0, v14  }
0x38c: {  	v14 =	vxor.u32 v11, v14;
	_ =	sdelay $0x4  }
0x38d: {  	v16 =	vld.idx.msk [tilespmem:v14+s8+$0x0], $0xffff;
	_ =	sdelay $0x3  }
0x38e: {  	v15 =	vld.idx.msk [tilespmem:v15+s1+$0x0], $0xffff;
	_ =	sdelay $0x3  }
0x38f: {  	[tilespmem:v16+s26+$0x0] =	vst.idx.msk $0xffff, v13  }
0x390: {  	[tilespmem:v16+s28+$0x0] =	vst.idx.msk $0xffff, v15  }
0x391: {  	s3 =	simm.s32 $0x10;
	v13 =	vor.u32 s6, v0;
	[tilespmem:v14+s8+$0x0] =	vst.idx.add.s32.msk $0xffff, v9  }
.LBB2_63:
0x392: {  	p2 =	sne.s32 s3, $0x3F0  }
.Ltmp33:
0x393: {  	_ = 	snop;
	(pc) =	sbr.rel @p2 .LBB2_63-.Ltmp33, $3  }
0x394: {  	_ =	sdelay $0x1  }
0x395: {  	[tilespmem:v13+s21+$0x0] =	vst.idx.msk $0xffff, v1;
	s4 =	smov.u32 s3;
	s3 =	sadd.s32 $0x10, s3  }
0x396: {  	v13 =	vor.u32 s4, v0  }
0x397: {  	_ =	sdelay $0x3  }
0x398: {  	[tilespmem:v13+s21+$0x0] =	vst.idx.msk $0xffff, v1;
	s3 =	simm.s32 $0x0;
	s4 =	simm.s32 $0x0  }
.LBB2_65:
0x399: {  	v13 =	vadd.s32 s4, v10;
	_ =	sdelay $0x4  }
0x39a: {  	v13 =	vld.idx.msk [tilespmem:v13+s26+$0x0], $0xffff;
	_ =	sdelay $0x4  }
0x39b: {  	v13 =	vshrl.u32 v13, $0xE  }
0x39c: {  	v13 =	vand.u32 $0x3F0, v13  }
0x39d: {  	p2 =	sne.s32 s4, $0x138;
	v13 =	vxor.u32 v11, v13  }
.Ltmp34:
0x39e: {  	_ = 	snop;
	(pc) =	sbr.rel @p2 .LBB2_65-.Ltmp34, $2  }
0x39f: {  	_ =	sdelay $0x2  }
0x3a0: {  	s4 =	sadd.s32 $0x1, s4;
	[tilespmem:v13+s21+$0x0] =	vst.idx.add.s32.msk $0xffff, v9  }
0x3a1: {  	v14 =	vor.u32 s3, v0;
	_ =	sdelay $0x4  }
0x3a2: {  	v15 =	vld.idx.msk [tilespmem:v14+s21+$0x0], $0xffff;
	_ =	sdelay $0x4  }
0x3a3: {  	(xrf0) =	vadd.scan.msk.s32 $0xffff, v15;
	_ =	sdelay $0x2  }
0x3a4: {  	v13 =	vimm.s32 $0x0;
	s30 =	simm.s32 $0x10  }
0x3a5: {  	s3 =	simm.s32 $0x20;
	v16 =	vsub.s32 v13, v15;
	v15 =	vor.u32 s30, v0  }
.LBB2_67:
0x3a6: {  	p2 =	sne.s32 s3, $0x3F0  }
0x3a7: {  	v17, _, _ =	vpop (xrf0)  }
0x3a8: {  	v16 =	vadd.s32 v17, v16;
	v17 =	vbroadcast v17, $0xF  }
0x3a9: {  	[tilespmem:v14+s8+$0x0] =	vst.idx.msk $0xffff, v16;
	v14 =	vmov v15  }
0x3aa: {  	v15 =	vld.idx.msk [tilespmem:v15+s21+$0x0], $0xffff;
	v13 =	vadd.s32 v13, v17;
	_ =	sdelay $0x5  }
.Ltmp35:
0x3ab: {  	v16 =	vsub.s32 v13, v15;
	(xrf0) =	vadd.scan.msk.s32 $0xffff, v15;
	(pc) =	sbr.rel @p2 .LBB2_67-.Ltmp35, $2  }
0x3ac: {  	_ =	sdelay $0x2  }
0x3ad: {  	v15 =	vor.u32 s3, v0;
	s3 =	sadd.s32 $0x10, s3  }
0x3ae: {  	_ =	sdelay $0x1  }
0x3af: {  	v17, _, _ =	vpop (xrf0)  }
0x3b0: {  	v16 =	vadd.s32 v17, v16  }
0x3b1: {  	[tilespmem:v14+s8+$0x0] =	vst.idx.msk $0xffff, v16  }
0x3b2: {  	v14 =	vld.idx.msk [tilespmem:v15+s21+$0x0], $0xffff;
	_ =	sdelay $0x4  }
0x3b3: {  	(xrf0) =	vadd.scan.msk.s32 $0xffff, v14;
	_ =	sdelay $0x2  }
0x3b4: {  	s6 =	simm.s32 $0x0;
	v16 =	vbroadcast v17, $0xF  }
0x3b5: {  	v17 =	vadd.s32 s6, v10  }
0x3b6: {  	v13 =	vadd.s32 v13, v16  }
0x3b7: {  	v13 =	vsub.s32 v13, v14;
	v14, _, _ =	vpop (xrf0)  }
0x3b8: {  	v13 =	vadd.s32 v14, v13  }
0x3b9: {  	[tilespmem:v15+s8+$0x0] =	vst.idx.msk $0xffff, v13  }
0x3ba: {  	v18 =	vld.idx.msk [tilespmem:v17+s26+$0x0], $0xffff;
	_ =	sdelay $0x4  }
0x3bb: {  	v13 =	vshrl.u32 v18, $0xE  }
0x3bc: {  	v13 =	vand.u32 $0x3F0, v13  }
0x3bd: {  	v14 =	vxor.u32 v11, v13;
	_ =	sdelay $0x4  }
0x3be: {  	v16 =	vld.idx.msk [tilespmem:v14+s8+$0x0], $0xffff;
	_ =	sdelay $0x3  }
0x3bf: {  	v13 =	vld.idx.msk [tilespmem:v17+s28+$0x0], $0xffff  }
0x3c0: {  	s3 =	simm.s32 $0x1  }
0x3c1: {  	v15 =	vadd.s32 s3, v10;
	_ =	sdelay $0x1  }
0x3c2: {  	s3 =	simm.s32 $0x2;
	[tilespmem:v16+s0+$0x0] =	vst.idx.msk $0xffff, v18  }
.LBB2_69:
0x3c3: {  	p2 =	sne.s32 s3, $0x138;
	[tilespmem:v16+s1+$0x0] =	vst.idx.msk $0xffff, v13  }
0x3c4: {  	[tilespmem:v14+s8+$0x0] =	vst.idx.add.s32.msk $0xffff, v9  }
0x3c5: {  	v17 =	vld.idx.msk [tilespmem:v15+s26+$0x0], $0xffff  }
0x3c6: {  	v13 =	vld.idx.msk [tilespmem:v15+s28+$0x0], $0xffff;
	_ =	sdelay $0x4  }
0x3c7: {  	v14 =	vshrl.u32 v17, $0xE  }
0x3c8: {  	v14 =	vand.u32 $0x3F0, v14  }
0x3c9: {  	v14 =	vxor.u32 v11, v14;
	_ =	sdelay $0x4  }
0x3ca: {  	v16 =	vld.idx.msk [tilespmem:v14+s8+$0x0], $0xffff;
	_ =	sdelay $0x3  }
.Ltmp36:
0x3cb: {  	(pc) =	sbr.rel @p2 .LBB2_69-.Ltmp36, $3  }
0x3cc: {  	_ = 	snop  }
0x3cd: {  	v15 =	vadd.s32 s3, v10;
	_ =	sdelay $0x1  }
0x3ce: {  	s3 =	sadd.s32 $0x1, s3;
	[tilespmem:v16+s0+$0x0] =	vst.idx.msk $0xffff, v17  }
0x3cf: {  	_ =	sdelay $0x3  }
0x3d0: {  	[tilespmem:v16+s1+$0x0] =	vst.idx.msk $0xffff, v13  }
0x3d1: {  	[tilespmem:v14+s8+$0x0] =	vst.idx.add.s32.msk $0xffff, v9  }
0x3d2: {  	v13 =	vld.idx.msk [tilespmem:v15+s26+$0x0], $0xffff;
	_ =	sdelay $0x4  }
0x3d3: {  	v14 =	vshrl.u32 v13, $0xE  }
0x3d4: {  	v14 =	vand.u32 $0x3F0, v14  }
0x3d5: {  	v14 =	vxor.u32 v11, v14;
	_ =	sdelay $0x4  }
0x3d6: {  	v16 =	vld.idx.msk [tilespmem:v14+s8+$0x0], $0xffff;
	_ =	sdelay $0x3  }
0x3d7: {  	v15 =	vld.idx.msk [tilespmem:v15+s28+$0x0], $0xffff;
	_ =	sdelay $0x3  }
0x3d8: {  	[tilespmem:v16+s0+$0x0] =	vst.idx.msk $0xffff, v13  }
0x3d9: {  	[tilespmem:v16+s1+$0x0] =	vst.idx.msk $0xffff, v15  }
0x3da: {  	s3 =	simm.s32 $0x10;
	v13 =	vor.u32 s6, v0;
	[tilespmem:v14+s8+$0x0] =	vst.idx.add.s32.msk $0xffff, v9  }
.LBB2_71:
0x3db: {  	p2 =	sne.s32 s3, $0x3F0  }
.Ltmp37:
0x3dc: {  	_ = 	snop;
	(pc) =	sbr.rel @p2 .LBB2_71-.Ltmp37, $3  }
0x3dd: {  	_ =	sdelay $0x1  }
0x3de: {  	[tilespmem:v13+s21+$0x0] =	vst.idx.msk $0xffff, v1;
	s4 =	smov.u32 s3;
	s3 =	sadd.s32 $0x10, s3  }
0x3df: {  	v13 =	vor.u32 s4, v0  }
0x3e0: {  	_ =	sdelay $0x3  }
0x3e1: {  	[tilespmem:v13+s21+$0x0] =	vst.idx.msk $0xffff, v1;
	s3 =	simm.s32 $0x0;
	s4 =	simm.s32 $0x0  }
.LBB2_73:
0x3e2: {  	v13 =	vadd.s32 s4, v10;
	_ =	sdelay $0x4  }
0x3e3: {  	v13 =	vld.idx.msk [tilespmem:v13+s0+$0x0], $0xffff;
	_ =	sdelay $0x4  }
0x3e4: {  	v13 =	vshrl.u32 v13, $0x14  }
0x3e5: {  	v13 =	vand.u32 $0x3F0, v13  }
0x3e6: {  	p2 =	sne.s32 s4, $0x138;
	v13 =	vxor.u32 v11, v13  }
.Ltmp38:
0x3e7: {  	_ = 	snop;
	(pc) =	sbr.rel @p2 .LBB2_73-.Ltmp38, $2  }
0x3e8: {  	_ =	sdelay $0x2  }
0x3e9: {  	s4 =	sadd.s32 $0x1, s4;
	[tilespmem:v13+s21+$0x0] =	vst.idx.add.s32.msk $0xffff, v9  }
0x3ea: {  	v14 =	vor.u32 s3, v0;
	_ =	sdelay $0x4  }
0x3eb: {  	v15 =	vld.idx.msk [tilespmem:v14+s21+$0x0], $0xffff;
	_ =	sdelay $0x4  }
0x3ec: {  	(xrf0) =	vadd.scan.msk.s32 $0xffff, v15;
	_ =	sdelay $0x2  }
0x3ed: {  	v13 =	vimm.s32 $0x0;
	s30 =	simm.s32 $0x10  }
0x3ee: {  	s3 =	simm.s32 $0x20;
	v16 =	vsub.s32 v13, v15;
	v15 =	vor.u32 s30, v0  }
.LBB2_75:
0x3ef: {  	p2 =	sne.s32 s3, $0x3F0  }
0x3f0: {  	v17, _, _ =	vpop (xrf0)  }
0x3f1: {  	v16 =	vadd.s32 v17, v16;
	v17 =	vbroadcast v17, $0xF  }
0x3f2: {  	[tilespmem:v14+s8+$0x0] =	vst.idx.msk $0xffff, v16;
	v14 =	vmov v15  }
0x3f3: {  	v15 =	vld.idx.msk [tilespmem:v15+s21+$0x0], $0xffff;
	v13 =	vadd.s32 v13, v17;
	_ =	sdelay $0x5  }
.Ltmp39:
0x3f4: {  	v16 =	vsub.s32 v13, v15;
	(xrf0) =	vadd.scan.msk.s32 $0xffff, v15;
	(pc) =	sbr.rel @p2 .LBB2_75-.Ltmp39, $2  }
0x3f5: {  	_ =	sdelay $0x2  }
0x3f6: {  	v15 =	vor.u32 s3, v0;
	s3 =	sadd.s32 $0x10, s3  }
0x3f7: {  	_ =	sdelay $0x1  }
0x3f8: {  	v17, _, _ =	vpop (xrf0)  }
0x3f9: {  	v16 =	vadd.s32 v17, v16  }
0x3fa: {  	[tilespmem:v14+s8+$0x0] =	vst.idx.msk $0xffff, v16  }
0x3fb: {  	v14 =	vld.idx.msk [tilespmem:v15+s21+$0x0], $0xffff;
	_ =	sdelay $0x4  }
0x3fc: {  	(xrf0) =	vadd.scan.msk.s32 $0xffff, v14;
	_ =	sdelay $0x2  }
0x3fd: {  	s4 =	simm.s32 $0x0;
	v16 =	vbroadcast v17, $0xF  }
0x3fe: {  	v17 =	vadd.s32 s4, v10  }
0x3ff: {  	v13 =	vadd.s32 v13, v16  }
0x400: {  	v13 =	vsub.s32 v13, v14;
	v14, _, _ =	vpop (xrf0)  }
0x401: {  	v13 =	vadd.s32 v14, v13  }
0x402: {  	[tilespmem:v15+s8+$0x0] =	vst.idx.msk $0xffff, v13  }
0x403: {  	v18 =	vld.idx.msk [tilespmem:v17+s0+$0x0], $0xffff;
	_ =	sdelay $0x4  }
0x404: {  	v13 =	vshrl.u32 v18, $0x14  }
0x405: {  	v13 =	vand.u32 $0x3F0, v13  }
0x406: {  	v14 =	vxor.u32 v11, v13;
	_ =	sdelay $0x4  }
0x407: {  	v16 =	vld.idx.msk [tilespmem:v14+s8+$0x0], $0xffff;
	_ =	sdelay $0x3  }
0x408: {  	v13 =	vld.idx.msk [tilespmem:v17+s1+$0x0], $0xffff  }
0x409: {  	s3 =	simm.s32 $0x1  }
0x40a: {  	v15 =	vadd.s32 s3, v10;
	_ =	sdelay $0x1  }
0x40b: {  	s5 =	simm.s32 $0x18280;
	s3 =	simm.s32 $0x2;
	[tilespmem:v16+s26+$0x0] =	vst.idx.msk $0xffff, v18  }
.LBB2_77:
0x40c: {  	p2 =	sne.s32 s3, $0x138;
	[tilespmem:v16+s28+$0x0] =	vst.idx.msk $0xffff, v13  }
0x40d: {  	[tilespmem:v14+s8+$0x0] =	vst.idx.add.s32.msk $0xffff, v9  }
0x40e: {  	v17 =	vld.idx.msk [tilespmem:v15+s0+$0x0], $0xffff  }
0x40f: {  	v13 =	vld.idx.msk [tilespmem:v15+s1+$0x0], $0xffff;
	_ =	sdelay $0x4  }
0x410: {  	v14 =	vshrl.u32 v17, $0x14  }
0x411: {  	v14 =	vand.u32 $0x3F0, v14  }
0x412: {  	v14 =	vxor.u32 v11, v14;
	_ =	sdelay $0x4  }
0x413: {  	v16 =	vld.idx.msk [tilespmem:v14+s8+$0x0], $0xffff;
	_ =	sdelay $0x3  }
.Ltmp40:
0x414: {  	(pc) =	sbr.rel @p2 .LBB2_77-.Ltmp40, $3  }
0x415: {  	_ = 	snop  }
0x416: {  	v15 =	vadd.s32 s3, v10;
	_ =	sdelay $0x1  }
0x417: {  	s3 =	sadd.s32 $0x1, s3;
	[tilespmem:v16+s26+$0x0] =	vst.idx.msk $0xffff, v17  }
0x418: {  	_ =	sdelay $0x3  }
0x419: {  	[tilespmem:v16+s28+$0x0] =	vst.idx.msk $0xffff, v13  }
0x41a: {  	[tilespmem:v14+s8+$0x0] =	vst.idx.add.s32.msk $0xffff, v9  }
0x41b: {  	v14 =	vld.idx.msk [tilespmem:v15+s0+$0x0], $0xffff;
	_ =	sdelay $0x4  }
0x41c: {  	v13 =	vshrl.u32 v14, $0x14  }
0x41d: {  	v13 =	vand.u32 $0x3F0, v13  }
0x41e: {  	v16 =	vxor.u32 v11, v13;
	_ =	sdelay $0x4  }
0x41f: {  	v17 =	vld.idx.msk [tilespmem:v16+s8+$0x0], $0xffff;
	_ =	sdelay $0x3  }
0x420: {  	v15 =	vld.idx.msk [tilespmem:v15+s1+$0x0], $0xffff;
	_ =	sdelay $0x1  }
0x421: {  	v13 =	vor.u32 s4, v0;
	_ =	sdelay $0x1  }
0x422: {  	[tilespmem:v17+s26+$0x0] =	vst.idx.msk $0xffff, v14  }
0x423: {  	[tilespmem:v17+s28+$0x0] =	vst.idx.msk $0xffff, v15  }
0x424: {  	[tilespmem:v16+s8+$0x0] =	vst.idx.add.s32.msk $0xffff, v9  }
0x425: {  	v14 =	vld.idx.msk [tilespmem:v13+s28+$0x0], $0xffff;
	_ =	sdelay $0x4  }
0x426: {  	(v2sf) =	vpush v14, $0x0  }
0x427: {  	(v2sf) =	vpush v14, $0x7;
	_ =	sdelay $0x1  }
0x428: {  	(v2sf) =	vpush v14, $0x1  }
0x429: {  	(v2sf) =	vpush v14, $0x2;
	_ =	sdelay $0x1  }
0x42a: {  	(v2sf) =	vpush v14, $0xA  }
0x42b: {  	(v2sf) =	vpush v14, $0x3  }
0x42c: {  	(v2sf) =	vpush v14, $0x4;
	_ =	sdelay $0x1  }
0x42d: {  	(v2sf) =	vpush v14, $0xC;
	_ =	sdelay $0x1  }
0x42e: {  	(v2sf) =	vpush v14, $0x8  }
0x42f: {  	(v2sf) =	vpush v14, $0xE;
	_ =	sdelay $0x1  }
0x430: {  	(v2sf) =	vpush v14, $0x9;
	s3 =	spop (v2sf)  }
0x431: {  	s30 =	spop (v2sf);
	s16 =	smulhi.u32 $0x66666667, s3  }
0x432: {  	s0 =	sshra.s32 s30, $0x1F;
	s1 =	smulhi.u32 $0x66666667, s30  }
0x433: {  	s7 =	spop (v2sf);
	s25 =	smul.u32 $0x66666667, s0  }
0x434: {  	s9 =	spop (v2sf);
	s8 =	smulhi.u32 $0x66666667, s7  }
0x435: {  	s7 =	sshra.s32 s7, $0x1F;
	s22 =	smulhi.u32 $0x66666667, s9  }
0x436: {  	(v2sf) =	vpush v14, $0xD;
	s10 =	spop (v2sf);
	s11 =	smul.u32 $0x66666667, s7  }
0x437: {  	(v2sf) =	vpush v14, $0x6;
	s18 =	sshra.s32 s3, $0x1F;
	s15 =	smulhi.u32 $0x66666667, s10;
	s24 =	spop (v2sf)  }
0x438: {  	(v2sf) =	vpush v14, $0x5;
	s10 =	sshra.s32 s10, $0x1F;
	s1 =	sadd.s32 s25, s1;
	s19 =	spop (v2sf)  }
0x439: {  	(v2sf) =	vpush v14, $0xF;
	s20 =	smul.u32 $0x66666667, s10;
	s17 =	sshra.s32 s24, $0x1F;
	s25 =	sshra.s32 s1, $0x1F  }
0x43a: {  	s24 =	smulhi.u32 $0x66666667, s24;
	s4 =	spop (v2sf);
	s6 =	sshra.s32 s19, $0x1F  }
0x43b: {  	[smem:$0x7F6] =	sst s25;
	s15 =	sadd.s32 s20, s15;
	s20 =	smul.u32 $0x66666667, s17  }
0x43c: {  	s11 =	sadd.s32 s11, s8;
	s10 =	spop (v2sf);
	s29 =	smul.u32 $0x66666667, s6  }
0x43d: {  	s0 =	sshra.s32 s11, $0x1F;
	s6 =	smul.u32 $0x66666667, s18;
	s7 =	spop (v2sf)  }
0x43e: {  	s9 =	sshra.s32 s9, $0x1F;
	[dreg:$0x1f] =	wrdreg s0;
	s23 =	smulhi.u32 $0x66666667, s7  }
0x43f: {  	s25 =	sshra.s32 s4, $0x1F;
	[smem:$0x7F4] =	sst s29;
	s30 =	spop (v2sf)  }
0x440: {  	s20 =	sadd.s32 s20, s24;
	s18 =	smulhi.u32 $0x66666667, s30;
	s24 =	sld [smem:$0x7F4]  }
0x441: {  	[smem:$0x7FD] =	sst s23;
	s23 =	smulhi.u32 $0x66666667, s4;
	s4 =	sshra.s32 s30, $0x1F  }
0x442: {  	s9 =	smul.u32 $0x66666667, s9;
	[smem:$0x7F3] =	sst s4  }
0x443: {  	(v2sf) =	vpush v14, $0xB;
	s25 =	smul.u32 $0x66666667, s25;
	s30 =	sshra.s32 s11, $0x5;
	[smem:$0x7F5] =	sst s18  }
0x444: {  	[smem:$0x7F7] =	sst s30;
	s4 =	sshrl.u32 s11, $0x1F;
	s11 =	smulhi.u32 $0x66666667, s19  }
0x445: {  	s6 =	sadd.s32 s6, s16;
	[smem:$0x7FA] =	sst s4;
	s8 =	spop (v2sf)  }
0x446: {  	s0 =	spop (v2sf);
	s30 =	sshra.s32 s8, $0x1F;
	s8 =	smulhi.u32 $0x66666667, s8  }
0x447: {  	s19 =	sadd.s32 s25, s23;
	s16 =	sld [smem:$0x7F3];
	s4 =	spop (v2sf)  }
0x448: {  	[smem:$0x7FB] =	sst s8;
	s8 =	sadd.s32 s24, s11;
	s25 =	spop (v2sf)  }
0x449: {  	s11 =	smulhi.u32 $0x66666667, s25;
	s3 =	sshra.s32 s25, $0x1F;
	s25 =	sld [smem:$0x7F6]  }
0x44a: {  	s17 =	sshra.s32 s10, $0x1F;
	s10 =	smulhi.u32 $0x66666667, s10;
	s24 =	sld [smem:$0x7F5]  }
0x44b: {  	s23 =	sshra.s32 s7, $0x1F;
	s7 =	smul.u32 $0x66666667, s16  }
0x44c: {  	[smem:$0x7F9] =	sst s10;
	s10 =	smul.u32 $0x66666667, s3;
	s3 =	sshra.s32 s6, $0x5;
	v15 =	vmov s25  }
0x44d: {  	s16 =	sadd.s32 s7, s24;
	s7 =	sshra.s32 s6, $0x1F;
	v15 =	vsel vm6, s3, v15  }
0x44e: {  	s9 =	sadd.s32 s9, s22;
	s18 =	smulhi.u32 $0x66666667, s0;
	v15 =	vsel vm13, s7, v15;
	s7 =	sld [smem:$0x7F7]  }
0x44f: {  	s22 =	sshra.s32 s9, $0x1F;
	s29 =	sshra.s32 s9, $0x5;
	s30 =	smul.u32 $0x66666667, s30  }
0x450: {  	[smem:$0x7F8] =	sst s29;
	s29 =	sshra.s32 s4, $0x1F;
	s4 =	smulhi.u32 $0x66666667, s4  }
0x451: {  	s25 =	sshrl.u32 s9, $0x1F;
	s9 =	sshra.s32 s0, $0x1F;
	s0 =	rddreg [dreg:$0x1f];
	v15 =	vsel vm3, s7, v15  }
0x452: {  	s24 =	spop (v2sf);
	v15 =	vsel vm12, s0, v15;
	s0 =	sld [smem:$0x7F8]  }
0x453: {  	[smem:$0x7FC] =	sst s4;
	s4 =	smulhi.u32 $0x66666667, s24;
	s24 =	sshra.s32 s24, $0x1F  }
0x454: {  	s3 =	smul.u32 $0x66666667, s17;
	s17 =	sadd.s32 s10, s11;
	s10 =	sld [smem:$0x7F9]  }
0x455: {  	s6 =	sshrl.u32 s6, $0x1F;
	s24 =	smul.u32 $0x66666667, s24;
	v15 =	vsel vm4, s0, v15;
	s0 =	sld [smem:$0x7FA]  }
0x456: {  	v16 =	vmov s6;
	s11 =	sshrl.u32 s20, $0x1F;
	s9 =	smul.u32 $0x66666667, s9  }
0x457: {  	v16 =	vnsel vm6, $0x0, v16;
	s4 =	sadd.s32 s24, s4;
	s24 =	sshra.s32 s8, $0x5;
	s6 =	sadd.s32 s3, s10  }
0x458: {  	s7 =	sshra.s32 s20, $0x5;
	v15 =	vsel vm15, s22, v15;
	v16 =	vsel vm3, s0, v16;
	s0 =	smul.u32 $0x66666667, s23;
	s23 =	sld [smem:$0x7FD]  }
0x459: {  	s10 =	sshra.s32 s19, $0x5;
	s20 =	sshra.s32 s20, $0x1F;
	v15 =	vsel vm5, s7, v15;
	v16 =	vsel vm4, s25, v16;
	s25 =	sld [smem:$0x7FB]  }
0x45a: {  	v15 =	vsel vm0, s20, v15;
	v16 =	vsel vm5, s11, v16;
	s11 =	sadd.s32 s9, s18;
	s18 =	sshrl.u32 s19, $0x1F;
	s19 =	sld [smem:$0x7FC]  }
0x45b: {  	s29 =	smul.u32 $0x66666667, s29;
	s22 =	sshra.s32 s8, $0x1F;
	s8 =	sshrl.u32 s8, $0x1F;
	v15 =	vsel vm7, s24, v15  }
0x45c: {  	vm13 =	vmmov vm14;
	s20 =	sshrl.u32 s16, $0x1F;
	v15 =	vsel vm1, s22, v15;
	s3 =	sadd.s32 s30, s25;
	s30 =	sshrl.u32 s6, $0x1F  }
0x45d: {  	v16 =	vsel vm7, s8, v16;
	v18 =	vmov s18;
	s24 =	sadd.s32 s0, s23;
	v17 =	vmov s30;
	s8 =	sadd.s32 s29, s19;
	s22 =	sshrl.u32 s3, $0x1F  }
0x45e: {  	v19 =	vmov s10;
	s25 =	sshrl.u32 s15, $0x1F;
	s3 =	sshra.s32 s3, $0x5;
	v17 =	vsel vm3, s20, v17;
	v18 =	vsel vm3, s22, v18;
	s0 =	sshra.s32 s8, $0x5  }
0x45f: {  	s6 =	sshra.s32 s6, $0x5;
	s29 =	sshrl.u32 s4, $0x1F;
	s30 =	sshrl.u32 s24, $0x1F;
	v19 =	vsel vm3, s3, v19;
	v17 =	vsel vm4, s25, v17;
	v15 =	vsel vm8, s0, v15  }
0x460: {  	s19 =	sshrl.u32 s17, $0x1F;
	s18 =	sshra.s32 s8, $0x1F;
	s20 =	sshra.s32 s16, $0x5;
	v20 =	vsel vm5, s29, v17;
	v17 =	vsel vm4, s30, v18;
	v18 =	vmov s6  }
0x461: {  	s7 =	sshra.s32 s24, $0x5;
	s22 =	sshra.s32 s11, $0x5;
	v15 =	vsel vm2, s18, v15;
	s30 =	sshrl.u32 s8, $0x1F;
	v21 =	vsel vm5, s19, v17;
	v17 =	vsel vm3, s20, v18  }
0x462: {  	s23 =	sshra.s32 s15, $0x5;
	s24 =	sshra.s32 s11, $0x1F;
	s25 =	sshra.s32 s17, $0x5;
	v18 =	vsel vm4, s7, v19;
	v15 =	vsel vm9, s22, v15;
	v19 =	vsel vm8, s30, v16  }
0x463: {  	v17 =	vsel vm4, s23, v17;
	v22 =	vsel vm5, s25, v18;
	v15 =	vsel vm14, s24, v15  }
0x464: {  	s4 =	sshra.s32 s4, $0x5;
	v18 =	vcombine.low v20, v21;
	vm14 =	vmmov vm2;
	vm2 =	vmmov vm1  }
0x465: {  	s29 =	sshra.s32 s1, $0x5;
	vm1 =	vmmov vm15;
	vm15 =	vmmov vm0;
	v23 =	vsel vm5, s4, v17  }
0x466: {  	s3 =	sshrl.u32 s11, $0x1F;
	s0 =	simm.s32 $0x10;
	s6 =	sshrl.u32 s1, $0x1F;
	v17 =	vsel vm10, s29, v15;
	v15 =	vmul.u32 $0x2, v0;
	v16 =	vcombine.low v23, v22  }
.LBB2_79:
0x467: {  	v19 =	vsel vm9, s3, v19  }
0x468: {  	v17 =	vperm.xlane v17, v15;
	v16 =	vperm.xlane v16, v12;
	v19 =	vsel vm10, s6, v19  }
0x469: {  	v18 =	vperm.xlane v18, v12;
	v19 =	vperm.xlane v19, v15  }
0x46a: {  	vm0 =	vmmov $0xff  }
0x46b: {  	v16 =	vsel vm0, v17, v16;
	v18 =	vsel vm0, v19, v18  }
0x46c: {  	v16 =	vadd.s32 v18, v16  }
0x46d: {  	v17 =	vmul.u32 $0xFFFFFFB0, v16  }
0x46e: {  	v18 =	vsub.s32 $0x0, v14  }
0x46f: {  	vm11 =	vlt.s32 v14, $0x1;
	vm12 =	vne.s32 v17, v18  }
0x470: {  	vm11 =	vmand vm11, vm12  }
0x471: {  	v17 =	vsel vm11, $0xFFFFFFFF, v1  }
0x472: {  	v16 =	vadd.s32 v17, v16  }
0x473: {  	v17 =	vmul.u32 $0xFFFFFFB0, v16;
	vm11 =	vlt.s32 v16, $0x1387  }
0x474: {  	v18 =	vnsel vm11, $0x1387, v16  }
0x475: {  	v19 =	vld.idx.msk [tilespmem:v13+s26+$0x0], $0xffff;
	v14 =	vadd.s32 v14, v17;
	v17 =	vadd.s32 $0x1388, v18;
	_ =	sdelay $0x3  }
0x476: {  	v20 =	vshll.u32 v13, $0x1;
	v18 =	vld.idx.msk [tilespmem:v18+s31+$0x0], $0xffff  }
0x477: {  	s10 =	smov.u32 s0;
	v17 =	vld.idx.msk [tilespmem:v17+s31+$0x0], $0xffff;
	[tilespmem:v13+s5+$0x0] =	vst.idx.msk $0xffff, v19;
	v19 =	vor.u32 $0x1, v20  }
0x478: {  	v21 =	vor.u32 s10, v0  }
0x479: {  	[tilespmem:v13+s12+$0x0] =	vst.idx.msk $0xffff, v14  }
0x47a: {  	[tilespmem:v13+s13+$0x0] =	vst.idx.msk $0xffff, v16  }
0x47b: {  	[tilespmem:v20+s14+$0x0] =	vst.idx.msk $0xffff, v18  }
0x47c: {  	[tilespmem:v19+s14+$0x0] =	vst.idx.msk $0xffff, v17  }
0x47d: {  	v14 =	vld.idx.msk [tilespmem:v21+s28+$0x0], $0xffff;
	_ =	sdelay $0x4  }
0x47e: {  	(v2sf) =	vpush v14, $0x0  }
0x47f: {  	(v2sf) =	vpush v14, $0x7;
	_ =	sdelay $0x2  }
0x480: {  	(v2sf) =	vpush v14, $0x1  }
0x481: {  	(v2sf) =	vpush v14, $0x2;
	_ =	sdelay $0x1  }
0x482: {  	(v2sf) =	vpush v14, $0xA;
	_ =	sdelay $0x1  }
0x483: {  	(v2sf) =	vpush v14, $0x3;
	_ =	sdelay $0x1  }
0x484: {  	(v2sf) =	vpush v14, $0x4;
	_ =	sdelay $0x1  }
0x485: {  	(v2sf) =	vpush v14, $0xC;
	_ =	sdelay $0x1  }
0x486: {  	s13 =	spop (v2sf)  }
0x487: {  	s11 =	sadd.s32 $0x10, s0;
	(v2sf) =	vpush v14, $0x8;
	s9 =	smulhi.u32 $0x66666667, s13;
	s4 =	spop (v2sf)  }
0x488: {  	s3 =	sshra.s32 s13, $0x1F;
	s7 =	sshra.s32 s4, $0x1F;
	s4 =	smulhi.u32 $0x66666667, s4  }
0x489: {  	[dreg:$0x9] =	wrdreg s11;
	(v2sf) =	vpush v14, $0xE;
	s3 =	smul.u32 $0x66666667, s3  }
0x48a: {  	s8 =	spop (v2sf);
	s7 =	smul.u32 $0x66666667, s7  }
0x48b: {  	(v2sf) =	vpush v14, $0x9;
	s11 =	sshra.s32 s8, $0x1F;
	s10 =	spop (v2sf);
	s8 =	smulhi.u32 $0x66666667, s8  }
0x48c: {  	p2 =	sne.s32 s0, $0x1380;
	s15 =	smulhi.u32 $0x66666667, s10  }
0x48d: {  	(v2sf) =	vpush v14, $0xD;
	s24 =	sshra.s32 s10, $0x1F;
	s20 =	spop (v2sf);
	s23 =	smul.u32 $0x66666667, s11  }
0x48e: {  	s28 =	sadd.s32 s3, s9;
	s25 =	smulhi.u32 $0x66666667, s20;
	s20 =	sshra.s32 s20, $0x1F  }
0x48f: {  	s5 =	spop (v2sf);
	s24 =	smul.u32 $0x66666667, s24;
	s9 =	sshra.s32 s28, $0x1F  }
0x490: {  	s3 =	sshra.s32 s28, $0x5;
	s28 =	sshrl.u32 s28, $0x1F;
	s22 =	sshra.s32 s5, $0x1F  }
0x491: {  	s1 =	spop (v2sf);
	s14 =	smul.u32 $0x66666667, s20;
	s20 =	sadd.s32 s7, s4  }
0x492: {  	s0 =	sadd.s32 s23, s8;
	s5 =	smulhi.u32 $0x66666667, s5;
	v17 =	vmov s28;
	s28 =	simm.s32 $0xCB80  }
0x493: {  	s16 =	sshra.s32 s1, $0x1F;
	s17 =	sshra.s32 s20, $0x1F;
	s18 =	spop (v2sf)  }
0x494: {  	(v2sf) =	vpush v14, $0x6;
	s22 =	smul.u32 $0x66666667, s22;
	s13 =	sshra.s32 s0, $0x1F;
	s23 =	sshra.s32 s0, $0x5  }
0x495: {  	s6 =	sshrl.u32 s0, $0x1F;
	s1 =	smulhi.u32 $0x66666667, s1;
	s10 =	sadd.s32 s14, s25  }
0x496: {  	s25 =	spop (v2sf);
	s19 =	sshra.s32 s18, $0x1F;
	s16 =	smul.u32 $0x66666667, s16  }
0x497: {  	(v2sf) =	vpush v14, $0x5;
	s14 =	sadd.s32 s24, s15;
	s18 =	smulhi.u32 $0x66666667, s18;
	s11 =	sshra.s32 s25, $0x1F  }
0x498: {  	(v2sf) =	vpush v14, $0xF;
	s12 =	spop (v2sf);
	s7 =	sshra.s32 s14, $0x1F;
	s24 =	smulhi.u32 $0x66666667, s25  }
0x499: {  	s30 =	sshra.s32 s14, $0x5;
	s5 =	sadd.s32 s22, s5;
	s19 =	smul.u32 $0x66666667, s19  }
0x49a: {  	(v2sf) =	vpush v14, $0xB;
	v16 =	vmov s17;
	s14 =	sshrl.u32 s14, $0x1F;
	s26 =	smulhi.u32 $0x66666667, s12;
	s29 =	spop (v2sf)  }
0x49b: {  	vm11 =	vcmask $0x704;
	v16 =	vsel vm6, s3, v16;
	s4 =	sshra.s32 s5, $0x5;
	s12 =	sshra.s32 s12, $0x1F;
	s11 =	smul.u32 $0x66666667, s11  }
0x49c: {  	v17 =	vnsel vm6, $0x0, v17;
	v16 =	vsel vm11, s9, v16;
	s16 =	sadd.s32 s16, s1;
	s15 =	spop (v2sf);
	s12 =	smul.u32 $0x66666667, s12  }
0x49d: {  	vm12 =	vcmask $0xF0C;
	v17 =	vsel vm3, s6, v17;
	s31 =	sshra.s32 s29, $0x1F;
	v16 =	vsel vm3, s23, v16;
	[dreg:$0xa] =	wrdreg s26;
	s26 =	smulhi.u32 $0x66666667, s29  }
0x49e: {  	v17 =	vsel vm4, s14, v17;
	s14 =	sshra.s32 s10, $0x5;
	s8 =	sshra.s32 s15, $0x1F;
	s17 =	smul.u32 $0x66666667, s31;
	v16 =	vsel vm12, s13, v16  }
0x49f: {  	s15 =	smulhi.u32 $0x66666667, s15;
	s13 =	sadd.s32 s19, s18;
	s19 =	sshra.s32 s5, $0x1F;
	v16 =	vsel vm4, s30, v16  }
0x4a0: {  	s18 =	sshra.s32 s13, $0x5;
	s30 =	smul.u32 $0x66666667, s8;
	s17 =	sadd.s32 s17, s26;
	v16 =	vsel vm1, s7, v16  }
0x4a1: {  	s8 =	sadd.s32 s11, s24;
	s26 =	simm.s32 $0xB780;
	s1 =	sshra.s32 s17, $0x5;
	v16 =	vsel vm5, s4, v16  }
0x4a2: {  	s4 =	sshra.s32 s16, $0x1F;
	v16 =	vsel vm15, s19, v16;
	s19 =	sshrl.u32 s8, $0x1F;
	s8 =	sshra.s32 s8, $0x5  }
0x4a3: {  	s17 =	sshrl.u32 s17, $0x1F;
	s22 =	spop (v2sf);
	v18 =	vmov s19;
	s19 =	rddreg [dreg:$0xa];
	v63 =	vmov s8  }
0x4a4: {  	v13 =	vmov v21;
	s29 =	smulhi.u32 $0x66666667, s22;
	s22 =	sshra.s32 s22, $0x1F;
	v18 =	vsel vm3, s17, v18;
	s17 =	sshrl.u32 s10, $0x1F;
	v21 =	vsel vm3, s1, v63  }
0x4a5: {  	s11 =	smul.u32 $0x66666667, s22;
	s22 =	sadd.s32 s30, s15;
	v21 =	vsel vm4, s14, v21;
	s14 =	simm.s32 $0x13300  }
0x4a6: {  	[dreg:$0xb] =	wrdreg s29;
	s29 =	spop (v2sf);
	s24 =	sshrl.u32 s22, $0x1F  }
0x4a7: {  	s25 =	sshra.s32 s29, $0x1F;
	s3 =	spop (v2sf);
	s6 =	smulhi.u32 $0x66666667, s29  }
0x4a8: {  	s29 =	sshra.s32 s16, $0x5;
	s16 =	sshrl.u32 s16, $0x1F;
	s30 =	rddreg [dreg:$0xb]  }
0x4a9: {  	s31 =	smulhi.u32 $0x66666667, s3;
	s0 =	sshra.s32 s3, $0x1F;
	s9 =	spop (v2sf)  }
0x4aa: {  	s3 =	sshrl.u32 s5, $0x1F;
	v16 =	vsel vm7, s29, v16;
	s29 =	smul.u32 $0x66666667, s25;
	s11 =	sadd.s32 s11, s30  }
0x4ab: {  	s5 =	sadd.s32 s12, s19;
	s12 =	simm.s32 $0x15A80;
	s23 =	smul.u32 $0x66666667, s0  }
0x4ac: {  	s0 =	sshra.s32 s9, $0x1F;
	s9 =	smulhi.u32 $0x66666667, s9;
	v16 =	vsel vm2, s4, v16;
	s4 =	sshra.s32 s22, $0x5  }
0x4ad: {  	v20 =	vmov s18;
	v17 =	vsel vm5, s3, v17;
	s3 =	sshrl.u32 s11, $0x1F;
	s0 =	smul.u32 $0x66666667, s0;
	s18 =	sadd.s32 s29, s6  }
0x4ae: {  	v18 =	vsel vm4, s17, v18;
	s7 =	sadd.s32 s23, s31;
	s23 =	sshrl.u32 s13, $0x1F;
	s29 =	sshra.s32 s18, $0x5  }
0x4af: {  	v17 =	vsel vm7, s16, v17;
	v20 =	vsel vm3, s4, v20;
	s0 =	sadd.s32 s0, s9;
	v19 =	vmov s23;
	s23 =	sshrl.u32 s5, $0x1F;
	s5 =	sshra.s32 s5, $0x5  }
.Ltmp41:
0x4b0: {  	s22 =	sshra.s32 s18, $0x1F;
	v16 =	vsel vm8, s29, v16;
	s9 =	sshrl.u32 s0, $0x1F;
	v19 =	vsel vm3, s24, v19;
	v20 =	vsel vm4, s5, v20;
	(pc) =	sbr.rel @p2 .LBB2_79-.Ltmp41, $4  }
0x4b1: {  	s30 =	sshra.s32 s7, $0x5;
	s24 =	sshra.s32 s11, $0x5;
	s0 =	sshra.s32 s0, $0x5;
	v16 =	vsel vm14, s22, v16;
	v18 =	vsel vm5, s9, v18;
	v19 =	vsel vm4, s23, v19  }
0x4b2: {  	s16 =	sshra.s32 s20, $0x5;
	s25 =	sshrl.u32 s7, $0x1F;
	s11 =	sshra.s32 s11, $0x1F;
	v20 =	vsel vm5, s30, v20;
	v21 =	vsel vm5, s0, v21;
	v22 =	vsel vm9, s24, v16  }
0x4b3: {  	s6 =	sshrl.u32 s20, $0x1F;
	s31 =	simm.s32 $0x10B80;
	s10 =	sshrl.u32 s18, $0x1F;
	v19 =	vsel vm5, s25, v19;
	v16 =	vcombine.low v21, v20;
	v20 =	vsel vm13, s11, v22  }
0x4b4: {  	s13 =	simm.s32 $0x16E80;
	s5 =	simm.s32 $0x18280;
	s0 =	rddreg [dreg:$0x9];
	v18 =	vcombine.low v18, v19;
	v19 =	vsel vm8, s10, v17;
	v17 =	vsel vm10, s16, v20  }
0x4b5: {  	v19 =	vsel vm9, s3, v19  }
0x4b6: {  	v17 =	vperm.xlane v17, v15;
	v16 =	vperm.xlane v16, v12;
	v19 =	vsel vm10, s6, v19  }
0x4b7: {  	v18 =	vperm.xlane v18, v12;
	v15 =	vperm.xlane v19, v15;
	_ =	sdelay $0x1  }
0x4b8: {  	v16 =	vsel vm0, v17, v16;
	v15 =	vsel vm0, v15, v18  }
0x4b9: {  	v15 =	vadd.s32 v15, v16  }
0x4ba: {  	v16 =	vmul.u32 $0xFFFFFFB0, v15  }
0x4bb: {  	v59 =	vsub.s32 $0x0, v14  }
0x4bc: {  	vm0 =	vlt.s32 v14, $0x1;
	vm11 =	vne.s32 v16, v59  }
0x4bd: {  	vm0 =	vmand vm0, vm11  }
0x4be: {  	v60 =	vsel vm0, $0xFFFFFFFF, v1  }
0x4bf: {  	v15 =	vadd.s32 v60, v15  }
0x4c0: {  	vm0 =	vlt.s32 v15, $0x1387  }
0x4c1: {  	v16 =	vnsel vm0, $0x1387, v15  }
0x4c2: {  	v61 =	vadd.s32 $0x1388, v16  }
0x4c3: {  	v62 =	vld.idx.msk [tilespmem:v13+s26+$0x0], $0xffff;
	_ =	sdelay $0x2  }
0x4c4: {  	v20 =	vshll.u32 v13, $0x1;
	v63 =	vmul.u32 $0xFFFFFFB0, v15;
	v16 =	vld.idx.msk [tilespmem:v16+s31+$0x0], $0xffff  }
0x4c5: {  	v21 =	vor.u32 $0x1, v20;
	v17 =	vld.idx.msk [tilespmem:v61+s31+$0x0], $0xffff  }
0x4c6: {  	v14 =	vadd.s32 v14, v63;
	[tilespmem:v13+s5+$0x0] =	vst.idx.msk $0xffff, v62  }
0x4c7: {  	[tilespmem:v13+s12+$0x0] =	vst.idx.msk $0xffff, v14  }
0x4c8: {  	[tilespmem:v13+s13+$0x0] =	vst.idx.msk $0xffff, v15  }
0x4c9: {  	[tilespmem:v20+s14+$0x0] =	vst.idx.msk $0xffff, v16  }
0x4ca: {  	s0 =	rddreg [dreg:$0x18];
	s1 =	simm.s32 $0x1;
	[tilespmem:v21+s14+$0x0] =	vst.idx.msk $0xffff, v17  }
0x4cb: {  	[hbm4b:s0+s2] =	stream.linear.scatter [tilespmem:s5], [sflag:$0x1], $0x1388, $0x38;
	[tilespmem:$0x1C1D0] =	vst v63  }
0x4cc: {  	_ =	swait.ge [sflag:s1], $0x1388  }
0x4cd: {  	[sflag:s1] =	ssyncset.done $0x0  }
0x4ce: {  	s22 =	rddreg [dreg:$0x19];
	[sflag:s1] =	ssyncadd.s32 $0xFFFFEC78  }
0x4cf: {  	[hbm4b:s22+s2] =	stream.linear.scatter [tilespmem:s12], [sflag:$0x1], $0x1388, $0x38;
	[tilespmem:$0x1C1D0] =	vst v63  }
0x4d0: {  	_ =	swait.ge [sflag:s1], $0x1388  }
0x4d1: {  	[sflag:s1] =	ssyncset.done $0x0  }
0x4d2: {  	s23 =	rddreg [dreg:$0x1a];
	[sflag:s1] =	ssyncadd.s32 $0xFFFFEC78  }
0x4d3: {  	[hbm4b:s23+s2] =	stream.linear.scatter [tilespmem:s13], [sflag:$0x1], $0x1388, $0x38;
	[tilespmem:$0x1C1D0] =	vst v63  }
0x4d4: {  	_ =	swait.ge [sflag:s1], $0x1388  }
0x4d5: {  	[sflag:s1] =	ssyncset.done $0x0  }
0x4d6: {  	s24 =	rddreg [dreg:$0x1b];
	[sflag:s1] =	ssyncadd.s32 $0xFFFFEC78  }
0x4d7: {  	[hbm4b:s24+s2] =	stream.linear.scatter [tilespmem:s28], [sflag:$0x1], $0x1388, $0x38;
	[tilespmem:$0x1C1D0] =	vst v63  }
0x4d8: {  	_ =	swait.ge [sflag:s1], $0x1388  }
0x4d9: {  	[sflag:s1] =	ssyncset.done $0x0  }
0x4da: {  	s25 =	rddreg [dreg:$0x1c];
	[sflag:s1] =	ssyncadd.s32 $0xFFFFEC78  }
0x4db: {  	[hbm4b:s25+s2] =	stream.linear.scatter [tilespmem:s14], [sflag:$0x1], $0x2710, $0x38;
	[tilespmem:$0x1C1D0] =	vst v63  }
0x4dc: {  	_ =	swait.ge [sflag:s1], $0x2710  }
0x4dd: {  	s23 =	rddreg [dreg:$0xc]  }
0x4de: {  	s24 =	rddreg [dreg:$0xd]  }
0x4df: {  	s5 =	rddreg [dreg:$0xe]  }
0x4e0: {  	s19 =	rddreg [dreg:$0xf]  }
0x4e1: {  	s25 =	rddreg [dreg:$0x10]  }
0x4e2: {  	s8 =	simm.s32 $0x5F80;
	s18 =	rddreg [dreg:$0x11]  }
.Ltmp42:
0x4e3: {  	s11 =	simm.s32 $0x80;
	s16 =	rddreg [dreg:$0x12];
	(pc) =	sbr.rel .LBB2_81-.Ltmp42, $4  }
0x4e4: {  	s17 =	simm.s32 $0x7B80;
	s29 =	simm.s32 $0xDF80;
	s22 =	rddreg [dreg:$0x13]  }
0x4e5: {  	s30 =	simm.s32 $0xF380;
	s12 =	simm.s32 $0x400;
	s15 =	rddreg [dreg:$0x14]  }
0x4e6: {  	vm15 =	vmmov vm1;
	s13 =	simm.s32 $0x6380;
	[sflag:s1] =	ssyncset.done $0x0;
	s0 =	rddreg [dreg:$0x1d]  }
0x4e7: {  	vm1 =	vmmov vm2;
	vm2 =	vmmov vm14;
	vm14 =	vmmov vm13;
	s14 =	simm.s32 $0x6780;
	s3 =	rddreg [dreg:$0x1e];
	[sflag:s1] =	ssyncadd.s32 $0xFFFFD8F0  }
.LBB2_82:
0x4e8: {  	_ =	sfence.sel $0x180000  }
0x4e9: {  	[bflag:$0x0] =	sbarrier.arrive $0xFFFF  }
0x4ea: {  	_ =	strace $0x90000047  }
0x4eb: {  	s0 =	stileid.u32;
	[bflag:$0x2] =	sbarrier.arrive $0xFFFF  }
0x4ec: {  	p0 =	sne.s32 s0, $0x0;
	s0 =	rddreg [dreg:$0x8]  }
0x4ed: {  	s0 =	sadd.s32 @!p0 $0x100000, s0  }
0x4ee: {  	[sflag:s0] =	ssyncadd.tile.s32 @!p0 $0x1;
	_ =	shalt  }
.Lfunc_end2:
_tile_overlayer_lowered:
.L_overlay_start_2:
0x4ef: {  	(tag) =	ssettag $0x2  }
0x4f0: {  	s0 =	rddreg [dreg:$0x0];
	s2 =	stileid.u32  }
0x4f1: {  	s1 =	rddreg [dreg:$0x1];
	p0 =	sne.s32 s2, $0x0  }
0x4f2: {  	s3 =	rddreg [dreg:$0x2];
	[bflag:$0x3] =	sbarrier.arrive $0xFFFF;
	s2 =	simm.s32 @!p0 $0x1C01  }
0x4f3: {  	[timem:s3], [sflag:s2] =	dma.local @!p0 [hbm:s0], s1  }
0x4f4: {  	s0 =	simm.s32 @!p0 $0x1  }
0x4f5: {  	_ =	swait.ge @!p0 [sflag:s0], s1  }
0x4f6: {  	s1 =	ssub.s32 @!p0 $0x0, s1;
	[sflag:s0] =	ssyncset.done @!p0 $0x0  }
0x4f7: {  	[sflag:s0] =	ssyncadd.s32 @!p0 s1  }
0x4f8: {  	[bflag:$0x3] =	sbarrier.arrive $0xFFFF  }
0x4f9: {  	_ =	shalt  }

</sc_bundles>
